<compile_context>
chip_gen: v7x
topology: tpu7x:2x2x1
jax: 0.10.2.dev20260603
libtpu: 0.0.44.dev20260713+nightly
codegen_flags: <defaults>
</compile_context>

<pallas_src>
import functools

import jax
import jax.numpy as jnp
from jax import lax
from jax.experimental import pallas as pl
from jax.experimental.pallas import tpu as pltpu
from jax.experimental.pallas import tpu_sc as plsc

BATCH = 16384
DIM = 64
W = 2 * DIM
NROW = 262144
QUADS = NROW // 4
BITS = 18
SHIFT = 32 - BITS
HASH_A_USER = 2654435761
HASH_A_ITEM = 2246822519

NC = 2
NS = 16
NW = NC * NS
B_PER_W = BATCH // NW
N_CHUNK = 8
CHUNK = B_PER_W // N_CHUNK
NBUF = 2
L = 16

PB = 8192


def _tp(ref):
    eye = jnp.eye(DIM, dtype=jnp.float32)
    return lax.dot_general(ref[...], eye, (((0,), (0,)), ((), ())),
                           preferred_element_type=jnp.float32)


def _bf16_bits(x):
    return (lax.bitcast_convert_type(x.astype(jnp.bfloat16), jnp.uint16)
            .astype(jnp.uint32))


def _pack_body(a_ref, b_ref, c_ref, d_ref, o_ref):
    lo = (_bf16_bits(_tp(a_ref)) << jnp.uint32(16)) | _bf16_bits(_tp(b_ref))
    hi = (_bf16_bits(_tp(c_ref)) << jnp.uint32(16)) | _bf16_bits(_tp(d_ref))
    o_ref[...] = jnp.concatenate([lo, hi], axis=1).astype(jnp.int32)


def _pack(tab_t):
    grid = (QUADS // PB,)
    return pl.pallas_call(
        _pack_body,
        grid=grid,
        in_specs=[
            pl.BlockSpec((DIM, PB), lambda i, n=n: (0, i + n * (QUADS // PB)))
            for n in range(4)
        ],
        out_specs=pl.BlockSpec((PB, W), lambda i: (i, 0)),
        out_shape=jax.ShapeDtypeStruct((QUADS, W), jnp.int32),
    )(tab_t, tab_t, tab_t, tab_t)


def _sc_gather_body(hash_a, ids_hbm, tab_hbm, out_hbm, par_hbm,
                    raw, idx, par, rows, sem):
    wid = lax.axis_index("s") * NC + lax.axis_index("c")
    base = wid * B_PER_W

    pltpu.sync_copy(ids_hbm.at[pl.ds(base, B_PER_W)], raw)

    a = jnp.uint32(hash_a)
    sh = jnp.uint32(SHIFT)
    m = jnp.uint32(QUADS - 1)
    for k in range(B_PER_W // L):
        r = k // (CHUNK // L)
        c = (k % (CHUNK // L)) * L
        v = raw[pl.ds(k * L, L)].astype(jnp.uint32)
        full = (v * a) >> sh
        idx[r, pl.ds(c, L)] = (full & m).astype(jnp.int32)
        par[0, pl.ds(k * L, L)] = (full >> jnp.uint32(BITS - 2)).astype(
            jnp.float32)
    pltpu.sync_copy(par, par_hbm.at[:, pl.ds(base, B_PER_W)])

    h = {}
    for j in range(N_CHUNK + NBUF):
        if j >= NBUF:
            k = j - NBUF
            h[k].wait()
            pltpu.sync_copy(rows.at[k % NBUF],
                            out_hbm.at[pl.ds(base + k * CHUNK, CHUNK)])
        if j < N_CHUNK:
            h[j] = pltpu.async_copy(tab_hbm.at[idx.at[j]],
                                    rows.at[j % NBUF], sem.at[j % NBUF])


def _make_sc_gather(hash_a):
    return functools.partial(
        pl.kernel,
        out_type=(
            jax.ShapeDtypeStruct((BATCH, W), jnp.int32),
            jax.ShapeDtypeStruct((1, BATCH), jnp.float32),
        ),
        mesh=plsc.VectorSubcoreMesh(core_axis_name="c", subcore_axis_name="s"),
        scratch_types=[
            pltpu.VMEM((B_PER_W,), jnp.int32),
            pltpu.VMEM((N_CHUNK, CHUNK), jnp.int32),
            pltpu.VMEM((1, B_PER_W), jnp.float32),
            pltpu.VMEM((NBUF, CHUNK, W), jnp.int32),
            pltpu.SemaphoreType.DMA((NBUF,)),
        ],
        compiler_params=pltpu.CompilerParams(use_tc_tiling_on_sc=True),
    )(functools.partial(_sc_gather_body, hash_a))


_sc_gather_user = _make_sc_gather(HASH_A_USER)
_sc_gather_item = _make_sc_gather(HASH_A_ITEM)


BLK = 4096


def _mlp_body(u_ref, v_ref, up_ref, vp_ref, w1t_ref, b1_ref, w2t_ref,
              b2_ref, o_ref):
    one = jnp.ones((1, 1), dtype=jnp.float32)
    upc = lax.dot_general(up_ref[...], one, (((0,), (0,)), ((), ())),
                          preferred_element_type=jnp.float32)
    vpc = lax.dot_general(vp_ref[...], one, (((0,), (0,)), ((), ())),
                          preferred_element_type=jnp.float32)
    def unpack(w2_i32, sel):
        w = lax.bitcast_convert_type(w2_i32, jnp.uint32)
        half = jnp.where(sel >= 1.5, w[:, DIM:], w[:, :DIM])
        odd = (sel >= 0.5) & (sel < 1.5) | (sel >= 2.5)
        bits = jnp.where(odd, half << jnp.uint32(16),
                         half & jnp.uint32(0xFFFF0000))
        return lax.bitcast_convert_type(bits, jnp.float32)

    u = unpack(u_ref[...], upc)
    v = unpack(v_ref[...], vpc)
    x = u * v
    h = lax.dot_general(x, w1t_ref[...], (((1,), (1,)), ((), ())),
                        preferred_element_type=jnp.float32) + b1_ref[...]
    h = jnp.maximum(h, 0.0)
    z = jnp.sum(h * w2t_ref[...], axis=1, keepdims=True)
    z = z + b2_ref[0, 0]
    o_ref[...] = 1.0 / (1.0 + jnp.exp(-z))


def _mlp(u_emb, i_emb, u_par, i_par, W1, b1, W2, b2):
    grid = (BATCH // BLK,)
    return pl.pallas_call(
        _mlp_body,
        grid=grid,
        in_specs=[
            pl.BlockSpec((BLK, W), lambda i: (i, 0)),
            pl.BlockSpec((BLK, W), lambda i: (i, 0)),
            pl.BlockSpec((1, BLK), lambda i: (0, i)),
            pl.BlockSpec((1, BLK), lambda i: (0, i)),
            pl.BlockSpec((20, DIM), lambda i: (0, 0)),
            pl.BlockSpec((1, 20), lambda i: (0, 0)),
            pl.BlockSpec((1, 20), lambda i: (0, 0)),
            pl.BlockSpec((1, 1), lambda i: (0, 0)),
        ],
        out_specs=pl.BlockSpec((BLK, 1), lambda i: (i, 0)),
        out_shape=jax.ShapeDtypeStruct((BATCH, 1), jnp.float32),
    )(u_emb, i_emb, u_par, i_par,
      W1.T, b1.reshape(1, 20), W2.T, b2.reshape(1, 1))


def kernel(user, item, user_table, item_table, W1, b1, W2, b2):
    u_packed = _pack(user_table.T)
    i_packed = _pack(item_table.T)
    u_emb, u_par = _sc_gather_user(user, u_packed)
    i_emb, i_par = _sc_gather_item(item, i_packed)
    out = _mlp(u_emb, i_emb, u_par, i_par, W1, b1, W2, b2)
    return out.reshape(-1)

# --- scband reference (transcript-rebuilt; emitter-appended) ---
"""Pipeline reference for scband-recommender-net-14328010900011 (READ-ONLY COPY).

The authoritative reference and input builder live on the scoring server;
editing this copy changes nothing except your own understanding.
"""

import jax, jax.numpy as jnp
import numpy as np

BATCH = 16384
VOCAB = 1000000
DIM = 64
NUM_EMB = 262144  # num_params // dim = 16777216 // 64 = 2**18
BITS = 18
HASH_A_USER = 2654435761
HASH_A_ITEM = 2246822519


def _single_hash(x, a):
    # SingleHash(output_bits=18): multiplicative universal hash into [0, 2**18)
    return ((x.astype(jnp.uint32) * jnp.uint32(a)) >> jnp.uint32(32 - BITS)).astype(jnp.int32)


def setup_inputs(seed: int = 0) -> dict:
    key = jax.random.key(seed)
    k1, k2, k3, k4, k5, k6, k7, k8 = jax.random.split(key, 8)
    user = jax.random.randint(k1, (BATCH,), 0, VOCAB, dtype=jnp.int32)
    item = jax.random.randint(k2, (BATCH,), 0, VOCAB, dtype=jnp.int32)
    user_table = jax.random.normal(k3, (NUM_EMB, DIM), dtype=jnp.float32) * 0.05
    item_table = jax.random.normal(k4, (NUM_EMB, DIM), dtype=jnp.float32) * 0.05
    W1 = jax.random.normal(k5, (DIM, 20), dtype=jnp.float32) * (1.0 / np.sqrt(DIM))
    b1 = jnp.zeros((20,), dtype=jnp.float32)
    W2 = jax.random.normal(k6, (20, 1), dtype=jnp.float32) * (1.0 / np.sqrt(20))
    b2 = jnp.zeros((1,), dtype=jnp.float32)
    return {
        "user": user,
        "item": item,
        "user_table": user_table,
        "item_table": item_table,
        "W1": W1,
        "b1": b1,
        "W2": W2,
        "b2": b2,
    }


def reference(user, item, user_table, item_table, W1, b1, W2, b2):
    # SimpleEmbedding: hash index into table rows, then gather
    u_idx = _single_hash(user, HASH_A_USER)
    i_idx = _single_hash(item, HASH_A_ITEM)
    user_emb = jnp.take(user_table, u_idx, axis=0)  # [B, DIM]
    item_emb = jnp.take(item_table, i_idx, axis=0)  # [B, DIM]
    x = user_emb * item_emb
    h = jax.nn.relu(x @ W1 + b1)
    out = jax.nn.sigmoid(h @ W2 + b2)
    return out.reshape(-1)

if __name__ == "__main__":
    import jax
    _d = setup_inputs()
    print(jax.jit(kernel)(*tuple(_d.values())))

</pallas_src>

<mosaic_0001>
#map = affine_map<(d0, d1) -> (0)>
#map1 = affine_map<(d0, d1) -> (0, 0)>
module attributes {stable_mosaic.version = 14 : i64} {
  func.func @_sc_gather_body(%arg0: i32, %arg1: i32, %arg2: memref<16384xi32, #tpu.memory_space<hbm>>, %arg3: memref<65536x128xi32, #tpu.memory_space<hbm>>, %arg4: memref<16384x128xi32, #tpu.memory_space<hbm>>, %arg5: memref<1x16384xf32, #tpu.memory_space<hbm>>, %arg6: memref<512xi32, #tpu.memory_space<vmem>>, %arg7: memref<8x64xi32, #tpu.memory_space<vmem>>, %arg8: memref<1x512xf32, #tpu.memory_space<vmem>>, %arg9: memref<2x64x128xi32, #tpu.memory_space<vmem>>, %arg10: memref<2x!tpu.dma_semaphore, #tpu.memory_space<semaphore_mem>>) attributes {dimension_semantics = [#tpu.dimension_semantics<core_parallel>, #tpu.dimension_semantics<subcore_parallel>], iteration_bounds = array<i64: 2, 16>, scalar_prefetch = 0 : i64, scratch_operands = 5 : i64, tpu.core_type = #tpu.core_type<sc_vector_subcore>, window_params = [{transform_indices = #map}, {transform_indices = #map1}, {transform_indices = #map1}, {transform_indices = #map1}]} {
    %mul3A = arith.constant 2 : i32
    %mul3A_0 = arith.muli %arg1, %mul3A : i32
    %add3A = arith.addi %mul3A_0, %arg0 : i32
    %mul3A_1 = arith.constant 512 : i32
    %mul3A_2 = arith.muli %add3A, %mul3A_1 : i32
    "tpu.region"() ({
      %run_scoped3A_1155 = tpu.sem_alloc : memref<!tpu.dma_semaphore, #tpu.memory_space<semaphore_mem>>
      %dma_start3A_1156 = tpu.memref_slice %arg2[%mul3A_2] : memref<16384xi32, #tpu.memory_space<hbm>> -> memref<512xi32, #tpu.memory_space<hbm>>
      %dma_start3A_1157 = tpu.memref_slice %arg2[%mul3A_2] : memref<16384xi32, #tpu.memory_space<hbm>> -> memref<512xi32, #tpu.memory_space<hbm>>
      tpu.enqueue_dma source(%dma_start3A_1157 : memref<512xi32, #tpu.memory_space<hbm>>) target(%arg6 : memref<512xi32, #tpu.memory_space<vmem>>) target_semaphore(%run_scoped3A_1155 : memref<!tpu.dma_semaphore, #tpu.memory_space<semaphore_mem>>)
      %dma_wait3A_1158 = tpu.memref_slice %arg2[%mul3A_2] : memref<16384xi32, #tpu.memory_space<hbm>> -> memref<512xi32, #tpu.memory_space<hbm>>
      %dma_wait3A_1159 = tpu.memref_slice %arg2[%mul3A_2] : memref<16384xi32, #tpu.memory_space<hbm>> -> memref<512xi32, #tpu.memory_space<hbm>>
      tpu.wait_dma2 semaphore(%run_scoped3A_1155 : memref<!tpu.dma_semaphore, #tpu.memory_space<semaphore_mem>>) src(%dma_wait3A_1159 : memref<512xi32, #tpu.memory_space<hbm>>) dst(%arg6 : memref<512xi32, #tpu.memory_space<vmem>>)
      tpu.yield
    }) : () -> ()
    %get3A = arith.constant 0 : index
    %get3A_3 = tpu.vector_load %arg6[%get3A] {strides = array<i32>} : memref<512xi32, #tpu.memory_space<vmem>>, vector<16xi32>,
    %get3A_4 = vector.shape_cast %get3A_3 : vector<16xi32> to vector<16xi32>
    %mul3A_5 = arith.constant -2048144777 : i32
    %mul3A_6 = vector.broadcast %mul3A_5 : i32 to vector<16xi32>
    %mul3A_7 = arith.muli %get3A_4, %mul3A_6 : vector<16xi32>
    %shift_right_logical3A = arith.constant 14 : i32
    %shift_right_logical3A_8 = vector.broadcast %shift_right_logical3A : i32 to vector<16xi32>
    %shift_right_logical3A_9 = arith.shrui %mul3A_7, %shift_right_logical3A_8 : vector<16xi32>
    %and3A = arith.constant 65535 : i32
    %and3A_10 = vector.broadcast %and3A : i32 to vector<16xi32>
    %and3A_11 = arith.andi %shift_right_logical3A_9, %and3A_10 : vector<16xi32>
    %swap3A = arith.constant 0 : i32
    %swap3A_12 = arith.index_cast %swap3A : i32 to index
    %swap3A_13 = arith.constant 0 : index
    %swap3A_14 = tpu.vector_load %arg7[%swap3A_12, %swap3A_13] {strides = array<i32>} : memref<8x64xi32, #tpu.memory_space<vmem>>, vector<1x16xi32>,
    %swap3A_15 = vector.shape_cast %swap3A_14 : vector<1x16xi32> to vector<16xi32>
    %swap3A_16 = vector.shape_cast %and3A_11 : vector<16xi32> to vector<1x16xi32>
    tpu.vector_store %arg7[%swap3A_12, %swap3A_13], %swap3A_16 {strides = array<i32>} : memref<8x64xi32, #tpu.memory_space<vmem>>, vector<1x16xi32>,
    %shift_right_logical3A_17 = arith.constant 16 : i32
    %shift_right_logical3A_18 = vector.broadcast %shift_right_logical3A_17 : i32 to vector<16xi32>
    %shift_right_logical3A_19 = arith.shrui %shift_right_logical3A_9, %shift_right_logical3A_18 : vector<16xi32>
    %convert_element_type3A = arith.uitofp %shift_right_logical3A_19 : vector<16xi32> to vector<16xf32>
    %swap3A_20 = arith.constant 0 : i32
    %swap3A_21 = arith.index_cast %swap3A_20 : i32 to index
    %swap3A_22 = arith.constant 0 : index
    %swap3A_23 = tpu.vector_load %arg8[%swap3A_21, %swap3A_22] {strides = array<i32>} : memref<1x512xf32, #tpu.memory_space<vmem>>, vector<1x16xf32>,
    %swap3A_24 = vector.shape_cast %swap3A_23 : vector<1x16xf32> to vector<16xf32>
    %swap3A_25 = vector.shape_cast %convert_element_type3A : vector<16xf32> to vector<1x16xf32>
    tpu.vector_store %arg8[%swap3A_21, %swap3A_22], %swap3A_25 {strides = array<i32>} : memref<1x512xf32, #tpu.memory_space<vmem>>, vector<1x16xf32>,
    %get3A_26 = arith.constant 16 : index
    %get3A_27 = tpu.vector_load %arg6[%get3A_26] {strides = array<i32>} : memref<512xi32, #tpu.memory_space<vmem>>, vector<16xi32>,
    %get3A_28 = vector.shape_cast %get3A_27 : vector<16xi32> to vector<16xi32>
    %mul3A_29 = arith.constant -2048144777 : i32
    %mul3A_30 = vector.broadcast %mul3A_29 : i32 to vector<16xi32>
    %mul3A_31 = arith.muli %get3A_28, %mul3A_30 : vector<16xi32>
    %shift_right_logical3A_32 = arith.constant 14 : i32
    %shift_right_logical3A_33 = vector.broadcast %shift_right_logical3A_32 : i32 to vector<16xi32>
    %shift_right_logical3A_34 = arith.shrui %mul3A_31, %shift_right_logical3A_33 : vector<16xi32>
    %and3A_35 = arith.constant 65535 : i32
    %and3A_36 = vector.broadcast %and3A_35 : i32 to vector<16xi32>
    %and3A_37 = arith.andi %shift_right_logical3A_34, %and3A_36 : vector<16xi32>
    %swap3A_38 = arith.constant 0 : i32
    %swap3A_39 = arith.index_cast %swap3A_38 : i32 to index
    %swap3A_40 = arith.constant 16 : index
    %swap3A_41 = tpu.vector_load %arg7[%swap3A_39, %swap3A_40] {strides = array<i32>} : memref<8x64xi32, #tpu.memory_space<vmem>>, vector<1x16xi32>,
    %swap3A_42 = vector.shape_cast %swap3A_41 : vector<1x16xi32> to vector<16xi32>
    %swap3A_43 = vector.shape_cast %and3A_37 : vector<16xi32> to vector<1x16xi32>
    tpu.vector_store %arg7[%swap3A_39, %swap3A_40], %swap3A_43 {strides = array<i32>} : memref<8x64xi32, #tpu.memory_space<vmem>>, vector<1x16xi32>,
    %shift_right_logical3A_44 = arith.constant 16 : i32
    %shift_right_logical3A_45 = vector.broadcast %shift_right_logical3A_44 : i32 to vector<16xi32>
    %shift_right_logical3A_46 = arith.shrui %shift_right_logical3A_34, %shift_right_logical3A_45 : vector<16xi32>
    %convert_element_type3A_47 = arith.uitofp %shift_right_logical3A_46 : vector<16xi32> to vector<16xf32>
    %swap3A_48 = arith.constant 0 : i32
    %swap3A_49 = arith.index_cast %swap3A_48 : i32 to index
    %swap3A_50 = arith.constant 16 : index
    %swap3A_51 = tpu.vector_load %arg8[%swap3A_49, %swap3A_50] {strides = array<i32>} : memref<1x512xf32, #tpu.memory_space<vmem>>, vector<1x16xf32>,
    %swap3A_52 = vector.shape_cast %swap3A_51 : vector<1x16xf32> to vector<16xf32>
    %swap3A_53 = vector.shape_cast %convert_element_type3A_47 : vector<16xf32> to vector<1x16xf32>
    tpu.vector_store %arg8[%swap3A_49, %swap3A_50], %swap3A_53 {strides = array<i32>} : memref<1x512xf32, #tpu.memory_space<vmem>>, vector<1x16xf32>,
    %get3A_54 = arith.constant 32 : index
    %get3A_55 = tpu.vector_load %arg6[%get3A_54] {strides = array<i32>} : memref<512xi32, #tpu.memory_space<vmem>>, vector<16xi32>,
    %get3A_56 = vector.shape_cast %get3A_55 : vector<16xi32> to vector<16xi32>
    %mul3A_57 = arith.constant -2048144777 : i32
    %mul3A_58 = vector.broadcast %mul3A_57 : i32 to vector<16xi32>
    %mul3A_59 = arith.muli %get3A_56, %mul3A_58 : vector<16xi32>
    %shift_right_logical3A_60 = arith.constant 14 : i32
    %shift_right_logical3A_61 = vector.broadcast %shift_right_logical3A_60 : i32 to vector<16xi32>
    %shift_right_logical3A_62 = arith.shrui %mul3A_59, %shift_right_logical3A_61 : vector<16xi32>
    %and3A_63 = arith.constant 65535 : i32
    %and3A_64 = vector.broadcast %and3A_63 : i32 to vector<16xi32>
    %and3A_65 = arith.andi %shift_right_logical3A_62, %and3A_64 : vector<16xi32>
    %swap3A_66 = arith.constant 0 : i32
    %swap3A_67 = arith.index_cast %swap3A_66 : i32 to index
    %swap3A_68 = arith.constant 32 : index
    %swap3A_69 = tpu.vector_load %arg7[%swap3A_67, %swap3A_68] {strides = array<i32>} : memref<8x64xi32, #tpu.memory_space<vmem>>, vector<1x16xi32>,
    %swap3A_70 = vector.shape_cast %swap3A_69 : vector<1x16xi32> to vector<16xi32>
    %swap3A_71 = vector.shape_cast %and3A_65 : vector<16xi32> to vector<1x16xi32>
    tpu.vector_store %arg7[%swap3A_67, %swap3A_68], %swap3A_71 {strides = array<i32>} : memref<8x64xi32, #tpu.memory_space<vmem>>, vector<1x16xi32>,
    %shift_right_logical3A_72 = arith.constant 16 : i32
    %shift_right_logical3A_73 = vector.broadcast %shift_right_logical3A_72 : i32 to vector<16xi32>
    %shift_right_logical3A_74 = arith.shrui %shift_right_logical3A_62, %shift_right_logical3A_73 : vector<16xi32>
    %convert_element_type3A_75 = arith.uitofp %shift_right_logical3A_74 : vector<16xi32> to vector<16xf32>
    %swap3A_76 = arith.constant 0 : i32
    %swap3A_77 = arith.index_cast %swap3A_76 : i32 to index
    %swap3A_78 = arith.constant 32 : index
    %swap3A_79 = tpu.vector_load %arg8[%swap3A_77, %swap3A_78] {strides = array<i32>} : memref<1x512xf32, #tpu.memory_space<vmem>>, vector<1x16xf32>,
    %swap3A_80 = vector.shape_cast %swap3A_79 : vector<1x16xf32> to vector<16xf32>
    %swap3A_81 = vector.shape_cast %convert_element_type3A_75 : vector<16xf32> to vector<1x16xf32>
    tpu.vector_store %arg8[%swap3A_77, %swap3A_78], %swap3A_81 {strides = array<i32>} : memref<1x512xf32, #tpu.memory_space<vmem>>, vector<1x16xf32>,
    %get3A_82 = arith.constant 48 : index
    %get3A_83 = tpu.vector_load %arg6[%get3A_82] {strides = array<i32>} : memref<512xi32, #tpu.memory_space<vmem>>, vector<16xi32>,
    %get3A_84 = vector.shape_cast %get3A_83 : vector<16xi32> to vector<16xi32>
    %mul3A_85 = arith.constant -2048144777 : i32
    %mul3A_86 = vector.broadcast %mul3A_85 : i32 to vector<16xi32>
    %mul3A_87 = arith.muli %get3A_84, %mul3A_86 : vector<16xi32>
    %shift_right_logical3A_88 = arith.constant 14 : i32
    %shift_right_logical3A_89 = vector.broadcast %shift_right_logical3A_88 : i32 to vector<16xi32>
    %shift_right_logical3A_90 = arith.shrui %mul3A_87, %shift_right_logical3A_89 : vector<16xi32>
    %and3A_91 = arith.constant 65535 : i32
    %and3A_92 = vector.broadcast %and3A_91 : i32 to vector<16xi32>
    %and3A_93 = arith.andi %shift_right_logical3A_90, %and3A_92 : vector<16xi32>
    %swap3A_94 = arith.constant 0 : i32
    %swap3A_95 = arith.index_cast %swap3A_94 : i32 to index
    %swap3A_96 = arith.constant 48 : index
    %swap3A_97 = tpu.vector_load %arg7[%swap3A_95, %swap3A_96] {strides = array<i32>} : memref<8x64xi32, #tpu.memory_space<vmem>>, vector<1x16xi32>,
    %swap3A_98 = vector.shape_cast %swap3A_97 : vector<1x16xi32> to vector<16xi32>
    %swap3A_99 = vector.shape_cast %and3A_93 : vector<16xi32> to vector<1x16xi32>
    tpu.vector_store %arg7[%swap3A_95, %swap3A_96], %swap3A_99 {strides = array<i32>} : memref<8x64xi32, #tpu.memory_space<vmem>>, vector<1x16xi32>,
    %shift_right_logical3A_100 = arith.constant 16 : i32
    %shift_right_logical3A_101 = vector.broadcast %shift_right_logical3A_100 : i32 to vector<16xi32>
    %shift_right_logical3A_102 = arith.shrui %shift_right_logical3A_90, %shift_right_logical3A_101 : vector<16xi32>
    %convert_element_type3A_103 = arith.uitofp %shift_right_logical3A_102 : vector<16xi32> to vector<16xf32>
    %swap3A_104 = arith.constant 0 : i32
    %swap3A_105 = arith.index_cast %swap3A_104 : i32 to index
    %swap3A_106 = arith.constant 48 : index
    %swap3A_107 = tpu.vector_load %arg8[%swap3A_105, %swap3A_106] {strides = array<i32>} : memref<1x512xf32, #tpu.memory_space<vmem>>, vector<1x16xf32>,
    %swap3A_108 = vector.shape_cast %swap3A_107 : vector<1x16xf32> to vector<16xf32>
    %swap3A_109 = vector.shape_cast %convert_element_type3A_103 : vector<16xf32> to vector<1x16xf32>
    tpu.vector_store %arg8[%swap3A_105, %swap3A_106], %swap3A_109 {strides = array<i32>} : memref<1x512xf32, #tpu.memory_space<vmem>>, vector<1x16xf32>,
    %get3A_110 = arith.constant 64 : index
    %get3A_111 = tpu.vector_load %arg6[%get3A_110] {strides = array<i32>} : memref<512xi32, #tpu.memory_space<vmem>>, vector<16xi32>,
    %get3A_112 = vector.shape_cast %get3A_111 : vector<16xi32> to vector<16xi32>
    %mul3A_113 = arith.constant -2048144777 : i32
    %mul3A_114 = vector.broadcast %mul3A_113 : i32 to vector<16xi32>
    %mul3A_115 = arith.muli %get3A_112, %mul3A_114 : vector<16xi32>
    %shift_right_logical3A_116 = arith.constant 14 : i32
    %shift_right_logical3A_117 = vector.broadcast %shift_right_logical3A_116 : i32 to vector<16xi32>
    %shift_right_logical3A_118 = arith.shrui %mul3A_115, %shift_right_logical3A_117 : vector<16xi32>
    %and3A_119 = arith.constant 65535 : i32
    %and3A_120 = vector.broadcast %and3A_119 : i32 to vector<16xi32>
    %and3A_121 = arith.andi %shift_right_logical3A_118, %and3A_120 : vector<16xi32>
    %swap3A_122 = arith.constant 1 : i32
    %swap3A_123 = arith.index_cast %swap3A_122 : i32 to index
    %swap3A_124 = arith.constant 0 : index
    %swap3A_125 = tpu.vector_load %arg7[%swap3A_123, %swap3A_124] {strides = array<i32>} : memref<8x64xi32, #tpu.memory_space<vmem>>, vector<1x16xi32>,
    %swap3A_126 = vector.shape_cast %swap3A_125 : vector<1x16xi32> to vector<16xi32>
    %swap3A_127 = vector.shape_cast %and3A_121 : vector<16xi32> to vector<1x16xi32>
    tpu.vector_store %arg7[%swap3A_123, %swap3A_124], %swap3A_127 {strides = array<i32>} : memref<8x64xi32, #tpu.memory_space<vmem>>, vector<1x16xi32>,
    %shift_right_logical3A_128 = arith.constant 16 : i32
    %shift_right_logical3A_129 = vector.broadcast %shift_right_logical3A_128 : i32 to vector<16xi32>
    %shift_right_logical3A_130 = arith.shrui %shift_right_logical3A_118, %shift_right_logical3A_129 : vector<16xi32>
    %convert_element_type3A_131 = arith.uitofp %shift_right_logical3A_130 : vector<16xi32> to vector<16xf32>
    %swap3A_132 = arith.constant 0 : i32
    %swap3A_133 = arith.index_cast %swap3A_132 : i32 to index
    %swap3A_134 = arith.constant 64 : index
    %swap3A_135 = tpu.vector_load %arg8[%swap3A_133, %swap3A_134] {strides = array<i32>} : memref<1x512xf32, #tpu.memory_space<vmem>>, vector<1x16xf32>,
    %swap3A_136 = vector.shape_cast %swap3A_135 : vector<1x16xf32> to vector<16xf32>
    %swap3A_137 = vector.shape_cast %convert_element_type3A_131 : vector<16xf32> to vector<1x16xf32>
    tpu.vector_store %arg8[%swap3A_133, %swap3A_134], %swap3A_137 {strides = array<i32>} : memref<1x512xf32, #tpu.memory_space<vmem>>, vector<1x16xf32>,
    %get3A_138 = arith.constant 80 : index
    %get3A_139 = tpu.vector_load %arg6[%get3A_138] {strides = array<i32>} : memref<512xi32, #tpu.memory_space<vmem>>, vector<16xi32>,
    %get3A_140 = vector.shape_cast %get3A_139 : vector<16xi32> to vector<16xi32>
    %mul3A_141 = arith.constant -2048144777 : i32
    %mul3A_142 = vector.broadcast %mul3A_141 : i32 to vector<16xi32>
    %mul3A_143 = arith.muli %get3A_140, %mul3A_142 : vector<16xi32>
    %shift_right_logical3A_144 = arith.constant 14 : i32
    %shift_right_logical3A_145 = vector.broadcast %shift_right_logical3A_144 : i32 to vector<16xi32>
    %shift_right_logical3A_146 = arith.shrui %mul3A_143, %shift_right_logical3A_145 : vector<16xi32>
    %and3A_147 = arith.constant 65535 : i32
    %and3A_148 = vector.broadcast %and3A_147 : i32 to vector<16xi32>
    %and3A_149 = arith.andi %shift_right_logical3A_146, %and3A_148 : vector<16xi32>
    %swap3A_150 = arith.constant 1 : i32
    %swap3A_151 = arith.index_cast %swap3A_150 : i32 to index
    %swap3A_152 = arith.constant 16 : index
    %swap3A_153 = tpu.vector_load %arg7[%swap3A_151, %swap3A_152] {strides = array<i32>} : memref<8x64xi32, #tpu.memory_space<vmem>>, vector<1x16xi32>,
    %swap3A_154 = vector.shape_cast %swap3A_153 : vector<1x16xi32> to vector<16xi32>
    %swap3A_155 = vector.shape_cast %and3A_149 : vector<16xi32> to vector<1x16xi32>
    tpu.vector_store %arg7[%swap3A_151, %swap3A_152], %swap3A_155 {strides = array<i32>} : memref<8x64xi32, #tpu.memory_space<vmem>>, vector<1x16xi32>,
    %shift_right_logical3A_156 = arith.constant 16 : i32
    %shift_right_logical3A_157 = vector.broadcast %shift_right_logical3A_156 : i32 to vector<16xi32>
    %shift_right_logical3A_158 = arith.shrui %shift_right_logical3A_146, %shift_right_logical3A_157 : vector<16xi32>
    %convert_element_type3A_159 = arith.uitofp %shift_right_logical3A_158 : vector<16xi32> to vector<16xf32>
    %swap3A_160 = arith.constant 0 : i32
    %swap3A_161 = arith.index_cast %swap3A_160 : i32 to index
    %swap3A_162 = arith.constant 80 : index
    %swap3A_163 = tpu.vector_load %arg8[%swap3A_161, %swap3A_162] {strides = array<i32>} : memref<1x512xf32, #tpu.memory_space<vmem>>, vector<1x16xf32>,
    %swap3A_164 = vector.shape_cast %swap3A_163 : vector<1x16xf32> to vector<16xf32>
    %swap3A_165 = vector.shape_cast %convert_element_type3A_159 : vector<16xf32> to vector<1x16xf32>
    tpu.vector_store %arg8[%swap3A_161, %swap3A_162], %swap3A_165 {strides = array<i32>} : memref<1x512xf32, #tpu.memory_space<vmem>>, vector<1x16xf32>,
    %get3A_166 = arith.constant 96 : index
    %get3A_167 = tpu.vector_load %arg6[%get3A_166] {strides = array<i32>} : memref<512xi32, #tpu.memory_space<vmem>>, vector<16xi32>,
    %get3A_168 = vector.shape_cast %get3A_167 : vector<16xi32> to vector<16xi32>
    %mul3A_169 = arith.constant -2048144777 : i32
    %mul3A_170 = vector.broadcast %mul3A_169 : i32 to vector<16xi32>
    %mul3A_171 = arith.muli %get3A_168, %mul3A_170 : vector<16xi32>
    %shift_right_logical3A_172 = arith.constant 14 : i32
    %shift_right_logical3A_173 = vector.broadcast %shift_right_logical3A_172 : i32 to vector<16xi32>
    %shift_right_logical3A_174 = arith.shrui %mul3A_171, %shift_right_logical3A_173 : vector<16xi32>
    %and3A_175 = arith.constant 65535 : i32
    %and3A_176 = vector.broadcast %and3A_175 : i32 to vector<16xi32>
    %and3A_177 = arith.andi %shift_right_logical3A_174, %and3A_176 : vector<16xi32>
    %swap3A_178 = arith.constant 1 : i32
    %swap3A_179 = arith.index_cast %swap3A_178 : i32 to index
    %swap3A_180 = arith.constant 32 : index
    %swap3A_181 = tpu.vector_load %arg7[%swap3A_179, %swap3A_180] {strides = array<i32>} : memref<8x64xi32, #tpu.memory_space<vmem>>, vector<1x16xi32>,
    %swap3A_182 = vector.shape_cast %swap3A_181 : vector<1x16xi32> to vector<16xi32>
    %swap3A_183 = vector.shape_cast %and3A_177 : vector<16xi32> to vector<1x16xi32>
    tpu.vector_store %arg7[%swap3A_179, %swap3A_180], %swap3A_183 {strides = array<i32>} : memref<8x64xi32, #tpu.memory_space<vmem>>, vector<1x16xi32>,
    %shift_right_logical3A_184 = arith.constant 16 : i32
    %shift_right_logical3A_185 = vector.broadcast %shift_right_logical3A_184 : i32 to vector<16xi32>
    %shift_right_logical3A_186 = arith.shrui %shift_right_logical3A_174, %shift_right_logical3A_185 : vector<16xi32>
    %convert_element_type3A_187 = arith.uitofp %shift_right_logical3A_186 : vector<16xi32> to vector<16xf32>
    %swap3A_188 = arith.constant 0 : i32
    %swap3A_189 = arith.index_cast %swap3A_188 : i32 to index
    %swap3A_190 = arith.constant 96 : index
    %swap3A_191 = tpu.vector_load %arg8[%swap3A_189, %swap3A_190] {strides = array<i32>} : memref<1x512xf32, #tpu.memory_space<vmem>>, vector<1x16xf32>,
    %swap3A_192 = vector.shape_cast %swap3A_191 : vector<1x16xf32> to vector<16xf32>
    %swap3A_193 = vector.shape_cast %convert_element_type3A_187 : vector<16xf32> to vector<1x16xf32>
    tpu.vector_store %arg8[%swap3A_189, %swap3A_190], %swap3A_193 {strides = array<i32>} : memref<1x512xf32, #tpu.memory_space<vmem>>, vector<1x16xf32>,
    %get3A_194 = arith.constant 112 : index
    %get3A_195 = tpu.vector_load %arg6[%get3A_194] {strides = array<i32>} : memref<512xi32, #tpu.memory_space<vmem>>, vector<16xi32>,
    %get3A_196 = vector.shape_cast %get3A_195 : vector<16xi32> to vector<16xi32>
    %mul3A_197 = arith.constant -2048144777 : i32
    %mul3A_198 = vector.broadcast %mul3A_197 : i32 to vector<16xi32>
    %mul3A_199 = arith.muli %get3A_196, %mul3A_198 : vector<16xi32>
    %shift_right_logical3A_200 = arith.constant 14 : i32
    %shift_right_logical3A_201 = vector.broadcast %shift_right_logical3A_200 : i32 to vector<16xi32>
    %shift_right_logical3A_202 = arith.shrui %mul3A_199, %shift_right_logical3A_201 : vector<16xi32>
    %and3A_203 = arith.constant 65535 : i32
    %and3A_204 = vector.broadcast %and3A_203 : i32 to vector<16xi32>
    %and3A_205 = arith.andi %shift_right_logical3A_202, %and3A_204 : vector<16xi32>
    %swap3A_206 = arith.constant 1 : i32
    %swap3A_207 = arith.index_cast %swap3A_206 : i32 to index
    %swap3A_208 = arith.constant 48 : index
    %swap3A_209 = tpu.vector_load %arg7[%swap3A_207, %swap3A_208] {strides = array<i32>} : memref<8x64xi32, #tpu.memory_space<vmem>>, vector<1x16xi32>,
    %swap3A_210 = vector.shape_cast %swap3A_209 : vector<1x16xi32> to vector<16xi32>
    %swap3A_211 = vector.shape_cast %and3A_205 : vector<16xi32> to vector<1x16xi32>
    tpu.vector_store %arg7[%swap3A_207, %swap3A_208], %swap3A_211 {strides = array<i32>} : memref<8x64xi32, #tpu.memory_space<vmem>>, vector<1x16xi32>,
    %shift_right_logical3A_212 = arith.constant 16 : i32
    %shift_right_logical3A_213 = vector.broadcast %shift_right_logical3A_212 : i32 to vector<16xi32>
    %shift_right_logical3A_214 = arith.shrui %shift_right_logical3A_202, %shift_right_logical3A_213 : vector<16xi32>
    %convert_element_type3A_215 = arith.uitofp %shift_right_logical3A_214 : vector<16xi32> to vector<16xf32>
    %swap3A_216 = arith.constant 0 : i32
    %swap3A_217 = arith.index_cast %swap3A_216 : i32 to index
    %swap3A_218 = arith.constant 112 : index
    %swap3A_219 = tpu.vector_load %arg8[%swap3A_217, %swap3A_218] {strides = array<i32>} : memref<1x512xf32, #tpu.memory_space<vmem>>, vector<1x16xf32>,
    %swap3A_220 = vector.shape_cast %swap3A_219 : vector<1x16xf32> to vector<16xf32>
    %swap3A_221 = vector.shape_cast %convert_element_type3A_215 : vector<16xf32> to vector<1x16xf32>
    tpu.vector_store %arg8[%swap3A_217, %swap3A_218], %swap3A_221 {strides = array<i32>} : memref<1x512xf32, #tpu.memory_space<vmem>>, vector<1x16xf32>,
    %get3A_222 = arith.constant 128 : index
    %get3A_223 = tpu.vector_load %arg6[%get3A_222] {strides = array<i32>} : memref<512xi32, #tpu.memory_space<vmem>>, vector<16xi32>,
    %get3A_224 = vector.shape_cast %get3A_223 : vector<16xi32> to vector<16xi32>
    %mul3A_225 = arith.constant -2048144777 : i32
    %mul3A_226 = vector.broadcast %mul3A_225 : i32 to vector<16xi32>
    %mul3A_227 = arith.muli %get3A_224, %mul3A_226 : vector<16xi32>
    %shift_right_logical3A_228 = arith.constant 14 : i32
    %shift_right_logical3A_229 = vector.broadcast %shift_right_logical3A_228 : i32 to vector<16xi32>
    %shift_right_logical3A_230 = arith.shrui %mul3A_227, %shift_right_logical3A_229 : vector<16xi32>
    %and3A_231 = arith.constant 65535 : i32
    %and3A_232 = vector.broadcast %and3A_231 : i32 to vector<16xi32>
    %and3A_233 = arith.andi %shift_right_logical3A_230, %and3A_232 : vector<16xi32>
    %swap3A_234 = arith.constant 2 : i32
    %swap3A_235 = arith.index_cast %swap3A_234 : i32 to index
    %swap3A_236 = arith.constant 0 : index
    %swap3A_237 = tpu.vector_load %arg7[%swap3A_235, %swap3A_236] {strides = array<i32>} : memref<8x64xi32, #tpu.memory_space<vmem>>, vector<1x16xi32>,
    %swap3A_238 = vector.shape_cast %swap3A_237 : vector<1x16xi32> to vector<16xi32>
    %swap3A_239 = vector.shape_cast %and3A_233 : vector<16xi32> to vector<1x16xi32>
    tpu.vector_store %arg7[%swap3A_235, %swap3A_236], %swap3A_239 {strides = array<i32>} : memref<8x64xi32, #tpu.memory_space<vmem>>, vector<1x16xi32>,
    %shift_right_logical3A_240 = arith.constant 16 : i32
    %shift_right_logical3A_241 = vector.broadcast %shift_right_logical3A_240 : i32 to vector<16xi32>
    %shift_right_logical3A_242 = arith.shrui %shift_right_logical3A_230, %shift_right_logical3A_241 : vector<16xi32>
    %convert_element_type3A_243 = arith.uitofp %shift_right_logical3A_242 : vector<16xi32> to vector<16xf32>
    %swap3A_244 = arith.constant 0 : i32
    %swap3A_245 = arith.index_cast %swap3A_244 : i32 to index
    %swap3A_246 = arith.constant 128 : index
    %swap3A_247 = tpu.vector_load %arg8[%swap3A_245, %swap3A_246] {strides = array<i32>} : memref<1x512xf32, #tpu.memory_space<vmem>>, vector<1x16xf32>,
    %swap3A_248 = vector.shape_cast %swap3A_247 : vector<1x16xf32> to vector<16xf32>
    %swap3A_249 = vector.shape_cast %convert_element_type3A_243 : vector<16xf32> to vector<1x16xf32>
    tpu.vector_store %arg8[%swap3A_245, %swap3A_246], %swap3A_249 {strides = array<i32>} : memref<1x512xf32, #tpu.memory_space<vmem>>, vector<1x16xf32>,
    %get3A_250 = arith.constant 144 : index
    %get3A_251 = tpu.vector_load %arg6[%get3A_250] {strides = array<i32>} : memref<512xi32, #tpu.memory_space<vmem>>, vector<16xi32>,
    %get3A_252 = vector.shape_cast %get3A_251 : vector<16xi32> to vector<16xi32>
    %mul3A_253 = arith.constant -2048144777 : i32
    %mul3A_254 = vector.broadcast %mul3A_253 : i32 to vector<16xi32>
    %mul3A_255 = arith.muli %get3A_252, %mul3A_254 : vector<16xi32>
    %shift_right_logical3A_256 = arith.constant 14 : i32
    %shift_right_logical3A_257 = vector.broadcast %shift_right_logical3A_256 : i32 to vector<16xi32>
    %shift_right_logical3A_258 = arith.shrui %mul3A_255, %shift_right_logical3A_257 : vector<16xi32>
    %and3A_259 = arith.constant 65535 : i32
    %and3A_260 = vector.broadcast %and3A_259 : i32 to vector<16xi32>
    %and3A_261 = arith.andi %shift_right_logical3A_258, %and3A_260 : vector<16xi32>
    %swap3A_262 = arith.constant 2 : i32
    %swap3A_263 = arith.index_cast %swap3A_262 : i32 to index
    %swap3A_264 = arith.constant 16 : index
    %swap3A_265 = tpu.vector_load %arg7[%swap3A_263, %swap3A_264] {strides = array<i32>} : memref<8x64xi32, #tpu.memory_space<vmem>>, vector<1x16xi32>,
    %swap3A_266 = vector.shape_cast %swap3A_265 : vector<1x16xi32> to vector<16xi32>
    %swap3A_267 = vector.shape_cast %and3A_261 : vector<16xi32> to vector<1x16xi32>
    tpu.vector_store %arg7[%swap3A_263, %swap3A_264], %swap3A_267 {strides = array<i32>} : memref<8x64xi32, #tpu.memory_space<vmem>>, vector<1x16xi32>,
    %shift_right_logical3A_268 = arith.constant 16 : i32
    %shift_right_logical3A_269 = vector.broadcast %shift_right_logical3A_268 : i32 to vector<16xi32>
    %shift_right_logical3A_270 = arith.shrui %shift_right_logical3A_258, %shift_right_logical3A_269 : vector<16xi32>
    %convert_element_type3A_271 = arith.uitofp %shift_right_logical3A_270 : vector<16xi32> to vector<16xf32>
    %swap3A_272 = arith.constant 0 : i32
    %swap3A_273 = arith.index_cast %swap3A_272 : i32 to index
    %swap3A_274 = arith.constant 144 : index
    %swap3A_275 = tpu.vector_load %arg8[%swap3A_273, %swap3A_274] {strides = array<i32>} : memref<1x512xf32, #tpu.memory_space<vmem>>, vector<1x16xf32>,
    %swap3A_276 = vector.shape_cast %swap3A_275 : vector<1x16xf32> to vector<16xf32>
    %swap3A_277 = vector.shape_cast %convert_element_type3A_271 : vector<16xf32> to vector<1x16xf32>
    tpu.vector_store %arg8[%swap3A_273, %swap3A_274], %swap3A_277 {strides = array<i32>} : memref<1x512xf32, #tpu.memory_space<vmem>>, vector<1x16xf32>,
    %get3A_278 = arith.constant 160 : index
    %get3A_279 = tpu.vector_load %arg6[%get3A_278] {strides = array<i32>} : memref<512xi32, #tpu.memory_space<vmem>>, vector<16xi32>,
    %get3A_280 = vector.shape_cast %get3A_279 : vector<16xi32> to vector<16xi32>
    %mul3A_281 = arith.constant -2048144777 : i32
    %mul3A_282 = vector.broadcast %mul3A_281 : i32 to vector<16xi32>
    %mul3A_283 = arith.muli %get3A_280, %mul3A_282 : vector<16xi32>
    %shift_right_logical3A_284 = arith.constant 14 : i32
    %shift_right_logical3A_285 = vector.broadcast %shift_right_logical3A_284 : i32 to vector<16xi32>
    %shift_right_logical3A_286 = arith.shrui %mul3A_283, %shift_right_logical3A_285 : vector<16xi32>
    %and3A_287 = arith.constant 65535 : i32
    %and3A_288 = vector.broadcast %and3A_287 : i32 to vector<16xi32>
    %and3A_289 = arith.andi %shift_right_logical3A_286, %and3A_288 : vector<16xi32>
    %swap3A_290 = arith.constant 2 : i32
    %swap3A_291 = arith.index_cast %swap3A_290 : i32 to index
    %swap3A_292 = arith.constant 32 : index
    %swap3A_293 = tpu.vector_load %arg7[%swap3A_291, %swap3A_292] {strides = array<i32>} : memref<8x64xi32, #tpu.memory_space<vmem>>, vector<1x16xi32>,
    %swap3A_294 = vector.shape_cast %swap3A_293 : vector<1x16xi32> to vector<16xi32>
    %swap3A_295 = vector.shape_cast %and3A_289 : vector<16xi32> to vector<1x16xi32>
    tpu.vector_store %arg7[%swap3A_291, %swap3A_292], %swap3A_295 {strides = array<i32>} : memref<8x64xi32, #tpu.memory_space<vmem>>, vector<1x16xi32>,
    %shift_right_logical3A_296 = arith.constant 16 : i32
    %shift_right_logical3A_297 = vector.broadcast %shift_right_logical3A_296 : i32 to vector<16xi32>
    %shift_right_logical3A_298 = arith.shrui %shift_right_logical3A_286, %shift_right_logical3A_297 : vector<16xi32>
    %convert_element_type3A_299 = arith.uitofp %shift_right_logical3A_298 : vector<16xi32> to vector<16xf32>
    %swap3A_300 = arith.constant 0 : i32
    %swap3A_301 = arith.index_cast %swap3A_300 : i32 to index
    %swap3A_302 = arith.constant 160 : index
    %swap3A_303 = tpu.vector_load %arg8[%swap3A_301, %swap3A_302] {strides = array<i32>} : memref<1x512xf32, #tpu.memory_space<vmem>>, vector<1x16xf32>,
    %swap3A_304 = vector.shape_cast %swap3A_303 : vector<1x16xf32> to vector<16xf32>
    %swap3A_305 = vector.shape_cast %convert_element_type3A_299 : vector<16xf32> to vector<1x16xf32>
    tpu.vector_store %arg8[%swap3A_301, %swap3A_302], %swap3A_305 {strides = array<i32>} : memref<1x512xf32, #tpu.memory_space<vmem>>, vector<1x16xf32>,
    %get3A_306 = arith.constant 176 : index
    %get3A_307 = tpu.vector_load %arg6[%get3A_306] {strides = array<i32>} : memref<512xi32, #tpu.memory_space<vmem>>, vector<16xi32>,
    %get3A_308 = vector.shape_cast %get3A_307 : vector<16xi32> to vector<16xi32>
    %mul3A_309 = arith.constant -2048144777 : i32
    %mul3A_310 = vector.broadcast %mul3A_309 : i32 to vector<16xi32>
    %mul3A_311 = arith.muli %get3A_308, %mul3A_310 : vector<16xi32>
    %shift_right_logical3A_312 = arith.constant 14 : i32
    %shift_right_logical3A_313 = vector.broadcast %shift_right_logical3A_312 : i32 to vector<16xi32>
    %shift_right_logical3A_314 = arith.shrui %mul3A_311, %shift_right_logical3A_313 : vector<16xi32>
    %and3A_315 = arith.constant 65535 : i32
    %and3A_316 = vector.broadcast %and3A_315 : i32 to vector<16xi32>
    %and3A_317 = arith.andi %shift_right_logical3A_314, %and3A_316 : vector<16xi32>
    %swap3A_318 = arith.constant 2 : i32
    %swap3A_319 = arith.index_cast %swap3A_318 : i32 to index
    %swap3A_320 = arith.constant 48 : index
    %swap3A_321 = tpu.vector_load %arg7[%swap3A_319, %swap3A_320] {strides = array<i32>} : memref<8x64xi32, #tpu.memory_space<vmem>>, vector<1x16xi32>,
    %swap3A_322 = vector.shape_cast %swap3A_321 : vector<1x16xi32> to vector<16xi32>
    %swap3A_323 = vector.shape_cast %and3A_317 : vector<16xi32> to vector<1x16xi32>
    tpu.vector_store %arg7[%swap3A_319, %swap3A_320], %swap3A_323 {strides = array<i32>} : memref<8x64xi32, #tpu.memory_space<vmem>>, vector<1x16xi32>,
    %shift_right_logical3A_324 = arith.constant 16 : i32
    %shift_right_logical3A_325 = vector.broadcast %shift_right_logical3A_324 : i32 to vector<16xi32>
    %shift_right_logical3A_326 = arith.shrui %shift_right_logical3A_314, %shift_right_logical3A_325 : vector<16xi32>
    %convert_element_type3A_327 = arith.uitofp %shift_right_logical3A_326 : vector<16xi32> to vector<16xf32>
    %swap3A_328 = arith.constant 0 : i32
    %swap3A_329 = arith.index_cast %swap3A_328 : i32 to index
    %swap3A_330 = arith.constant 176 : index
    %swap3A_331 = tpu.vector_load %arg8[%swap3A_329, %swap3A_330] {strides = array<i32>} : memref<1x512xf32, #tpu.memory_space<vmem>>, vector<1x16xf32>,
    %swap3A_332 = vector.shape_cast %swap3A_331 : vector<1x16xf32> to vector<16xf32>
    %swap3A_333 = vector.shape_cast %convert_element_type3A_327 : vector<16xf32> to vector<1x16xf32>
    tpu.vector_store %arg8[%swap3A_329, %swap3A_330], %swap3A_333 {strides = array<i32>} : memref<1x512xf32, #tpu.memory_space<vmem>>, vector<1x16xf32>,
    %get3A_334 = arith.constant 192 : index
    %get3A_335 = tpu.vector_load %arg6[%get3A_334] {strides = array<i32>} : memref<512xi32, #tpu.memory_space<vmem>>, vector<16xi32>,
    %get3A_336 = vector.shape_cast %get3A_335 : vector<16xi32> to vector<16xi32>
    %mul3A_337 = arith.constant -2048144777 : i32
    %mul3A_338 = vector.broadcast %mul3A_337 : i32 to vector<16xi32>
    %mul3A_339 = arith.muli %get3A_336, %mul3A_338 : vector<16xi32>
    %shift_right_logical3A_340 = arith.constant 14 : i32
    %shift_right_logical3A_341 = vector.broadcast %shift_right_logical3A_340 : i32 to vector<16xi32>
    %shift_right_logical3A_342 = arith.shrui %mul3A_339, %shift_right_logical3A_341 : vector<16xi32>
    %and3A_343 = arith.constant 65535 : i32
    %and3A_344 = vector.broadcast %and3A_343 : i32 to vector<16xi32>
    %and3A_345 = arith.andi %shift_right_logical3A_342, %and3A_344 : vector<16xi32>
    %swap3A_346 = arith.constant 3 : i32
    %swap3A_347 = arith.index_cast %swap3A_346 : i32 to index
    %swap3A_348 = arith.constant 0 : index
    %swap3A_349 = tpu.vector_load %arg7[%swap3A_347, %swap3A_348] {strides = array<i32>} : memref<8x64xi32, #tpu.memory_space<vmem>>, vector<1x16xi32>,
    %swap3A_350 = vector.shape_cast %swap3A_349 : vector<1x16xi32> to vector<16xi32>
    %swap3A_351 = vector.shape_cast %and3A_345 : vector<16xi32> to vector<1x16xi32>
    tpu.vector_store %arg7[%swap3A_347, %swap3A_348], %swap3A_351 {strides = array<i32>} : memref<8x64xi32, #tpu.memory_space<vmem>>, vector<1x16xi32>,
    %shift_right_logical3A_352 = arith.constant 16 : i32
    %shift_right_logical3A_353 = vector.broadcast %shift_right_logical3A_352 : i32 to vector<16xi32>
    %shift_right_logical3A_354 = arith.shrui %shift_right_logical3A_342, %shift_right_logical3A_353 : vector<16xi32>
    %convert_element_type3A_355 = arith.uitofp %shift_right_logical3A_354 : vector<16xi32> to vector<16xf32>
    %swap3A_356 = arith.constant 0 : i32
    %swap3A_357 = arith.index_cast %swap3A_356 : i32 to index
    %swap3A_358 = arith.constant 192 : index
    %swap3A_359 = tpu.vector_load %arg8[%swap3A_357, %swap3A_358] {strides = array<i32>} : memref<1x512xf32, #tpu.memory_space<vmem>>, vector<1x16xf32>,
    %swap3A_360 = vector.shape_cast %swap3A_359 : vector<1x16xf32> to vector<16xf32>
    %swap3A_361 = vector.shape_cast %convert_element_type3A_355 : vector<16xf32> to vector<1x16xf32>
    tpu.vector_store %arg8[%swap3A_357, %swap3A_358], %swap3A_361 {strides = array<i32>} : memref<1x512xf32, #tpu.memory_space<vmem>>, vector<1x16xf32>,
    %get3A_362 = arith.constant 208 : index
    %get3A_363 = tpu.vector_load %arg6[%get3A_362] {strides = array<i32>} : memref<512xi32, #tpu.memory_space<vmem>>, vector<16xi32>,
    %get3A_364 = vector.shape_cast %get3A_363 : vector<16xi32> to vector<16xi32>
    %mul3A_365 = arith.constant -2048144777 : i32
    %mul3A_366 = vector.broadcast %mul3A_365 : i32 to vector<16xi32>
    %mul3A_367 = arith.muli %get3A_364, %mul3A_366 : vector<16xi32>
    %shift_right_logical3A_368 = arith.constant 14 : i32
    %shift_right_logical3A_369 = vector.broadcast %shift_right_logical3A_368 : i32 to vector<16xi32>
    %shift_right_logical3A_370 = arith.shrui %mul3A_367, %shift_right_logical3A_369 : vector<16xi32>
    %and3A_371 = arith.constant 65535 : i32
    %and3A_372 = vector.broadcast %and3A_371 : i32 to vector<16xi32>
    %and3A_373 = arith.andi %shift_right_logical3A_370, %and3A_372 : vector<16xi32>
    %swap3A_374 = arith.constant 3 : i32
    %swap3A_375 = arith.index_cast %swap3A_374 : i32 to index
    %swap3A_376 = arith.constant 16 : index
    %swap3A_377 = tpu.vector_load %arg7[%swap3A_375, %swap3A_376] {strides = array<i32>} : memref<8x64xi32, #tpu.memory_space<vmem>>, vector<1x16xi32>,
    %swap3A_378 = vector.shape_cast %swap3A_377 : vector<1x16xi32> to vector<16xi32>
    %swap3A_379 = vector.shape_cast %and3A_373 : vector<16xi32> to vector<1x16xi32>
    tpu.vector_store %arg7[%swap3A_375, %swap3A_376], %swap3A_379 {strides = array<i32>} : memref<8x64xi32, #tpu.memory_space<vmem>>, vector<1x16xi32>,
    %shift_right_logical3A_380 = arith.constant 16 : i32
    %shift_right_logical3A_381 = vector.broadcast %shift_right_logical3A_380 : i32 to vector<16xi32>
    %shift_right_logical3A_382 = arith.shrui %shift_right_logical3A_370, %shift_right_logical3A_381 : vector<16xi32>
    %convert_element_type3A_383 = arith.uitofp %shift_right_logical3A_382 : vector<16xi32> to vector<16xf32>
    %swap3A_384 = arith.constant 0 : i32
    %swap3A_385 = arith.index_cast %swap3A_384 : i32 to index
    %swap3A_386 = arith.constant 208 : index
    %swap3A_387 = tpu.vector_load %arg8[%swap3A_385, %swap3A_386] {strides = array<i32>} : memref<1x512xf32, #tpu.memory_space<vmem>>, vector<1x16xf32>,
    %swap3A_388 = vector.shape_cast %swap3A_387 : vector<1x16xf32> to vector<16xf32>
    %swap3A_389 = vector.shape_cast %convert_element_type3A_383 : vector<16xf32> to vector<1x16xf32>
    tpu.vector_store %arg8[%swap3A_385, %swap3A_386], %swap3A_389 {strides = array<i32>} : memref<1x512xf32, #tpu.memory_space<vmem>>, vector<1x16xf32>,
    %get3A_390 = arith.constant 224 : index
    %get3A_391 = tpu.vector_load %arg6[%get3A_390] {strides = array<i32>} : memref<512xi32, #tpu.memory_space<vmem>>, vector<16xi32>,
    %get3A_392 = vector.shape_cast %get3A_391 : vector<16xi32> to vector<16xi32>
    %mul3A_393 = arith.constant -2048144777 : i32
    %mul3A_394 = vector.broadcast %mul3A_393 : i32 to vector<16xi32>
    %mul3A_395 = arith.muli %get3A_392, %mul3A_394 : vector<16xi32>
    %shift_right_logical3A_396 = arith.constant 14 : i32
    %shift_right_logical3A_397 = vector.broadcast %shift_right_logical3A_396 : i32 to vector<16xi32>
    %shift_right_logical3A_398 = arith.shrui %mul3A_395, %shift_right_logical3A_397 : vector<16xi32>
    %and3A_399 = arith.constant 65535 : i32
    %and3A_400 = vector.broadcast %and3A_399 : i32 to vector<16xi32>
    %and3A_401 = arith.andi %shift_right_logical3A_398, %and3A_400 : vector<16xi32>
    %swap3A_402 = arith.constant 3 : i32
    %swap3A_403 = arith.index_cast %swap3A_402 : i32 to index
    %swap3A_404 = arith.constant 32 : index
    %swap3A_405 = tpu.vector_load %arg7[%swap3A_403, %swap3A_404] {strides = array<i32>} : memref<8x64xi32, #tpu.memory_space<vmem>>, vector<1x16xi32>,
    %swap3A_406 = vector.shape_cast %swap3A_405 : vector<1x16xi32> to vector<16xi32>
    %swap3A_407 = vector.shape_cast %and3A_401 : vector<16xi32> to vector<1x16xi32>
    tpu.vector_store %arg7[%swap3A_403, %swap3A_404], %swap3A_407 {strides = array<i32>} : memref<8x64xi32, #tpu.memory_space<vmem>>, vector<1x16xi32>,
    %shift_right_logical3A_408 = arith.constant 16 : i32
    %shift_right_logical3A_409 = vector.broadcast %shift_right_logical3A_408 : i32 to vector<16xi32>
    %shift_right_logical3A_410 = arith.shrui %shift_right_logical3A_398, %shift_right_logical3A_409 : vector<16xi32>
    %convert_element_type3A_411 = arith.uitofp %shift_right_logical3A_410 : vector<16xi32> to vector<16xf32>
    %swap3A_412 = arith.constant 0 : i32
    %swap3A_413 = arith.index_cast %swap3A_412 : i32 to index
    %swap3A_414 = arith.constant 224 : index
    %swap3A_415 = tpu.vector_load %arg8[%swap3A_413, %swap3A_414] {strides = array<i32>} : memref<1x512xf32, #tpu.memory_space<vmem>>, vector<1x16xf32>,
    %swap3A_416 = vector.shape_cast %swap3A_415 : vector<1x16xf32> to vector<16xf32>
    %swap3A_417 = vector.shape_cast %convert_element_type3A_411 : vector<16xf32> to vector<1x16xf32>
    tpu.vector_store %arg8[%swap3A_413, %swap3A_414], %swap3A_417 {strides = array<i32>} : memref<1x512xf32, #tpu.memory_space<vmem>>, vector<1x16xf32>,
    %get3A_418 = arith.constant 240 : index
    %get3A_419 = tpu.vector_load %arg6[%get3A_418] {strides = array<i32>} : memref<512xi32, #tpu.memory_space<vmem>>, vector<16xi32>,
    %get3A_420 = vector.shape_cast %get3A_419 : vector<16xi32> to vector<16xi32>
    %mul3A_421 = arith.constant -2048144777 : i32
    %mul3A_422 = vector.broadcast %mul3A_421 : i32 to vector<16xi32>
    %mul3A_423 = arith.muli %get3A_420, %mul3A_422 : vector<16xi32>
    %shift_right_logical3A_424 = arith.constant 14 : i32
    %shift_right_logical3A_425 = vector.broadcast %shift_right_logical3A_424 : i32 to vector<16xi32>
    %shift_right_logical3A_426 = arith.shrui %mul3A_423, %shift_right_logical3A_425 : vector<16xi32>
    %and3A_427 = arith.constant 65535 : i32
    %and3A_428 = vector.broadcast %and3A_427 : i32 to vector<16xi32>
    %and3A_429 = arith.andi %shift_right_logical3A_426, %and3A_428 : vector<16xi32>
    %swap3A_430 = arith.constant 3 : i32
    %swap3A_431 = arith.index_cast %swap3A_430 : i32 to index
    %swap3A_432 = arith.constant 48 : index
    %swap3A_433 = tpu.vector_load %arg7[%swap3A_431, %swap3A_432] {strides = array<i32>} : memref<8x64xi32, #tpu.memory_space<vmem>>, vector<1x16xi32>,
    %swap3A_434 = vector.shape_cast %swap3A_433 : vector<1x16xi32> to vector<16xi32>
    %swap3A_435 = vector.shape_cast %and3A_429 : vector<16xi32> to vector<1x16xi32>
    tpu.vector_store %arg7[%swap3A_431, %swap3A_432], %swap3A_435 {strides = array<i32>} : memref<8x64xi32, #tpu.memory_space<vmem>>, vector<1x16xi32>,
    %shift_right_logical3A_436 = arith.constant 16 : i32
    %shift_right_logical3A_437 = vector.broadcast %shift_right_logical3A_436 : i32 to vector<16xi32>
    %shift_right_logical3A_438 = arith.shrui %shift_right_logical3A_426, %shift_right_logical3A_437 : vector<16xi32>
    %convert_element_type3A_439 = arith.uitofp %shift_right_logical3A_438 : vector<16xi32> to vector<16xf32>
    %swap3A_440 = arith.constant 0 : i32
    %swap3A_441 = arith.index_cast %swap3A_440 : i32 to index
    %swap3A_442 = arith.constant 240 : index
    %swap3A_443 = tpu.vector_load %arg8[%swap3A_441, %swap3A_442] {strides = array<i32>} : memref<1x512xf32, #tpu.memory_space<vmem>>, vector<1x16xf32>,
    %swap3A_444 = vector.shape_cast %swap3A_443 : vector<1x16xf32> to vector<16xf32>
    %swap3A_445 = vector.shape_cast %convert_element_type3A_439 : vector<16xf32> to vector<1x16xf32>
    tpu.vector_store %arg8[%swap3A_441, %swap3A_442], %swap3A_445 {strides = array<i32>} : memref<1x512xf32, #tpu.memory_space<vmem>>, vector<1x16xf32>,
    %get3A_446 = arith.constant 256 : index
    %get3A_447 = tpu.vector_load %arg6[%get3A_446] {strides = array<i32>} : memref<512xi32, #tpu.memory_space<vmem>>, vector<16xi32>,
    %get3A_448 = vector.shape_cast %get3A_447 : vector<16xi32> to vector<16xi32>
    %mul3A_449 = arith.constant -2048144777 : i32
    %mul3A_450 = vector.broadcast %mul3A_449 : i32 to vector<16xi32>
    %mul3A_451 = arith.muli %get3A_448, %mul3A_450 : vector<16xi32>
    %shift_right_logical3A_452 = arith.constant 14 : i32
    %shift_right_logical3A_453 = vector.broadcast %shift_right_logical3A_452 : i32 to vector<16xi32>
    %shift_right_logical3A_454 = arith.shrui %mul3A_451, %shift_right_logical3A_453 : vector<16xi32>
    %and3A_455 = arith.constant 65535 : i32
    %and3A_456 = vector.broadcast %and3A_455 : i32 to vector<16xi32>
    %and3A_457 = arith.andi %shift_right_logical3A_454, %and3A_456 : vector<16xi32>
    %swap3A_458 = arith.constant 4 : i32
    %swap3A_459 = arith.index_cast %swap3A_458 : i32 to index
    %swap3A_460 = arith.constant 0 : index
    %swap3A_461 = tpu.vector_load %arg7[%swap3A_459, %swap3A_460] {strides = array<i32>} : memref<8x64xi32, #tpu.memory_space<vmem>>, vector<1x16xi32>,
    %swap3A_462 = vector.shape_cast %swap3A_461 : vector<1x16xi32> to vector<16xi32>
    %swap3A_463 = vector.shape_cast %and3A_457 : vector<16xi32> to vector<1x16xi32>
    tpu.vector_store %arg7[%swap3A_459, %swap3A_460], %swap3A_463 {strides = array<i32>} : memref<8x64xi32, #tpu.memory_space<vmem>>, vector<1x16xi32>,
    %shift_right_logical3A_464 = arith.constant 16 : i32
    %shift_right_logical3A_465 = vector.broadcast %shift_right_logical3A_464 : i32 to vector<16xi32>
    %shift_right_logical3A_466 = arith.shrui %shift_right_logical3A_454, %shift_right_logical3A_465 : vector<16xi32>
    %convert_element_type3A_467 = arith.uitofp %shift_right_logical3A_466 : vector<16xi32> to vector<16xf32>
    %swap3A_468 = arith.constant 0 : i32
    %swap3A_469 = arith.index_cast %swap3A_468 : i32 to index
    %swap3A_470 = arith.constant 256 : index
    %swap3A_471 = tpu.vector_load %arg8[%swap3A_469, %swap3A_470] {strides = array<i32>} : memref<1x512xf32, #tpu.memory_space<vmem>>, vector<1x16xf32>,
    %swap3A_472 = vector.shape_cast %swap3A_471 : vector<1x16xf32> to vector<16xf32>
    %swap3A_473 = vector.shape_cast %convert_element_type3A_467 : vector<16xf32> to vector<1x16xf32>
    tpu.vector_store %arg8[%swap3A_469, %swap3A_470], %swap3A_473 {strides = array<i32>} : memref<1x512xf32, #tpu.memory_space<vmem>>, vector<1x16xf32>,
    %get3A_474 = arith.constant 272 : index
    %get3A_475 = tpu.vector_load %arg6[%get3A_474] {strides = array<i32>} : memref<512xi32, #tpu.memory_space<vmem>>, vector<16xi32>,
    %get3A_476 = vector.shape_cast %get3A_475 : vector<16xi32> to vector<16xi32>
    %mul3A_477 = arith.constant -2048144777 : i32
    %mul3A_478 = vector.broadcast %mul3A_477 : i32 to vector<16xi32>
    %mul3A_479 = arith.muli %get3A_476, %mul3A_478 : vector<16xi32>
    %shift_right_logical3A_480 = arith.constant 14 : i32
    %shift_right_logical3A_481 = vector.broadcast %shift_right_logical3A_480 : i32 to vector<16xi32>
    %shift_right_logical3A_482 = arith.shrui %mul3A_479, %shift_right_logical3A_481 : vector<16xi32>
    %and3A_483 = arith.constant 65535 : i32
    %and3A_484 = vector.broadcast %and3A_483 : i32 to vector<16xi32>
    %and3A_485 = arith.andi %shift_right_logical3A_482, %and3A_484 : vector<16xi32>
    %swap3A_486 = arith.constant 4 : i32
    %swap3A_487 = arith.index_cast %swap3A_486 : i32 to index
    %swap3A_488 = arith.constant 16 : index
    %swap3A_489 = tpu.vector_load %arg7[%swap3A_487, %swap3A_488] {strides = array<i32>} : memref<8x64xi32, #tpu.memory_space<vmem>>, vector<1x16xi32>,
    %swap3A_490 = vector.shape_cast %swap3A_489 : vector<1x16xi32> to vector<16xi32>
    %swap3A_491 = vector.shape_cast %and3A_485 : vector<16xi32> to vector<1x16xi32>
    tpu.vector_store %arg7[%swap3A_487, %swap3A_488], %swap3A_491 {strides = array<i32>} : memref<8x64xi32, #tpu.memory_space<vmem>>, vector<1x16xi32>,
    %shift_right_logical3A_492 = arith.constant 16 : i32
    %shift_right_logical3A_493 = vector.broadcast %shift_right_logical3A_492 : i32 to vector<16xi32>
    %shift_right_logical3A_494 = arith.shrui %shift_right_logical3A_482, %shift_right_logical3A_493 : vector<16xi32>
    %convert_element_type3A_495 = arith.uitofp %shift_right_logical3A_494 : vector<16xi32> to vector<16xf32>
    %swap3A_496 = arith.constant 0 : i32
    %swap3A_497 = arith.index_cast %swap3A_496 : i32 to index
    %swap3A_498 = arith.constant 272 : index
    %swap3A_499 = tpu.vector_load %arg8[%swap3A_497, %swap3A_498] {strides = array<i32>} : memref<1x512xf32, #tpu.memory_space<vmem>>, vector<1x16xf32>,
    %swap3A_500 = vector.shape_cast %swap3A_499 : vector<1x16xf32> to vector<16xf32>
    %swap3A_501 = vector.shape_cast %convert_element_type3A_495 : vector<16xf32> to vector<1x16xf32>
    tpu.vector_store %arg8[%swap3A_497, %swap3A_498], %swap3A_501 {strides = array<i32>} : memref<1x512xf32, #tpu.memory_space<vmem>>, vector<1x16xf32>,
    %get3A_502 = arith.constant 288 : index
    %get3A_503 = tpu.vector_load %arg6[%get3A_502] {strides = array<i32>} : memref<512xi32, #tpu.memory_space<vmem>>, vector<16xi32>,
    %get3A_504 = vector.shape_cast %get3A_503 : vector<16xi32> to vector<16xi32>
    %mul3A_505 = arith.constant -2048144777 : i32
    %mul3A_506 = vector.broadcast %mul3A_505 : i32 to vector<16xi32>
    %mul3A_507 = arith.muli %get3A_504, %mul3A_506 : vector<16xi32>
    %shift_right_logical3A_508 = arith.constant 14 : i32
    %shift_right_logical3A_509 = vector.broadcast %shift_right_logical3A_508 : i32 to vector<16xi32>
    %shift_right_logical3A_510 = arith.shrui %mul3A_507, %shift_right_logical3A_509 : vector<16xi32>
    %and3A_511 = arith.constant 65535 : i32
    %and3A_512 = vector.broadcast %and3A_511 : i32 to vector<16xi32>
    %and3A_513 = arith.andi %shift_right_logical3A_510, %and3A_512 : vector<16xi32>
    %swap3A_514 = arith.constant 4 : i32
    %swap3A_515 = arith.index_cast %swap3A_514 : i32 to index
    %swap3A_516 = arith.constant 32 : index
    %swap3A_517 = tpu.vector_load %arg7[%swap3A_515, %swap3A_516] {strides = array<i32>} : memref<8x64xi32, #tpu.memory_space<vmem>>, vector<1x16xi32>,
    %swap3A_518 = vector.shape_cast %swap3A_517 : vector<1x16xi32> to vector<16xi32>
    %swap3A_519 = vector.shape_cast %and3A_513 : vector<16xi32> to vector<1x16xi32>
    tpu.vector_store %arg7[%swap3A_515, %swap3A_516], %swap3A_519 {strides = array<i32>} : memref<8x64xi32, #tpu.memory_space<vmem>>, vector<1x16xi32>,
    %shift_right_logical3A_520 = arith.constant 16 : i32
    %shift_right_logical3A_521 = vector.broadcast %shift_right_logical3A_520 : i32 to vector<16xi32>
    %shift_right_logical3A_522 = arith.shrui %shift_right_logical3A_510, %shift_right_logical3A_521 : vector<16xi32>
    %convert_element_type3A_523 = arith.uitofp %shift_right_logical3A_522 : vector<16xi32> to vector<16xf32>
    %swap3A_524 = arith.constant 0 : i32
    %swap3A_525 = arith.index_cast %swap3A_524 : i32 to index
    %swap3A_526 = arith.constant 288 : index
    %swap3A_527 = tpu.vector_load %arg8[%swap3A_525, %swap3A_526] {strides = array<i32>} : memref<1x512xf32, #tpu.memory_space<vmem>>, vector<1x16xf32>,
    %swap3A_528 = vector.shape_cast %swap3A_527 : vector<1x16xf32> to vector<16xf32>
    %swap3A_529 = vector.shape_cast %convert_element_type3A_523 : vector<16xf32> to vector<1x16xf32>
    tpu.vector_store %arg8[%swap3A_525, %swap3A_526], %swap3A_529 {strides = array<i32>} : memref<1x512xf32, #tpu.memory_space<vmem>>, vector<1x16xf32>,
    %get3A_530 = arith.constant 304 : index
    %get3A_531 = tpu.vector_load %arg6[%get3A_530] {strides = array<i32>} : memref<512xi32, #tpu.memory_space<vmem>>, vector<16xi32>,
    %get3A_532 = vector.shape_cast %get3A_531 : vector<16xi32> to vector<16xi32>
    %mul3A_533 = arith.constant -2048144777 : i32
    %mul3A_534 = vector.broadcast %mul3A_533 : i32 to vector<16xi32>
    %mul3A_535 = arith.muli %get3A_532, %mul3A_534 : vector<16xi32>
    %shift_right_logical3A_536 = arith.constant 14 : i32
    %shift_right_logical3A_537 = vector.broadcast %shift_right_logical3A_536 : i32 to vector<16xi32>
    %shift_right_logical3A_538 = arith.shrui %mul3A_535, %shift_right_logical3A_537 : vector<16xi32>
    %and3A_539 = arith.constant 65535 : i32
    %and3A_540 = vector.broadcast %and3A_539 : i32 to vector<16xi32>
    %and3A_541 = arith.andi %shift_right_logical3A_538, %and3A_540 : vector<16xi32>
    %swap3A_542 = arith.constant 4 : i32
    %swap3A_543 = arith.index_cast %swap3A_542 : i32 to index
    %swap3A_544 = arith.constant 48 : index
    %swap3A_545 = tpu.vector_load %arg7[%swap3A_543, %swap3A_544] {strides = array<i32>} : memref<8x64xi32, #tpu.memory_space<vmem>>, vector<1x16xi32>,
    %swap3A_546 = vector.shape_cast %swap3A_545 : vector<1x16xi32> to vector<16xi32>
    %swap3A_547 = vector.shape_cast %and3A_541 : vector<16xi32> to vector<1x16xi32>
    tpu.vector_store %arg7[%swap3A_543, %swap3A_544], %swap3A_547 {strides = array<i32>} : memref<8x64xi32, #tpu.memory_space<vmem>>, vector<1x16xi32>,
    %shift_right_logical3A_548 = arith.constant 16 : i32
    %shift_right_logical3A_549 = vector.broadcast %shift_right_logical3A_548 : i32 to vector<16xi32>
    %shift_right_logical3A_550 = arith.shrui %shift_right_logical3A_538, %shift_right_logical3A_549 : vector<16xi32>
    %convert_element_type3A_551 = arith.uitofp %shift_right_logical3A_550 : vector<16xi32> to vector<16xf32>
    %swap3A_552 = arith.constant 0 : i32
    %swap3A_553 = arith.index_cast %swap3A_552 : i32 to index
    %swap3A_554 = arith.constant 304 : index
    %swap3A_555 = tpu.vector_load %arg8[%swap3A_553, %swap3A_554] {strides = array<i32>} : memref<1x512xf32, #tpu.memory_space<vmem>>, vector<1x16xf32>,
    %swap3A_556 = vector.shape_cast %swap3A_555 : vector<1x16xf32> to vector<16xf32>
    %swap3A_557 = vector.shape_cast %convert_element_type3A_551 : vector<16xf32> to vector<1x16xf32>
    tpu.vector_store %arg8[%swap3A_553, %swap3A_554], %swap3A_557 {strides = array<i32>} : memref<1x512xf32, #tpu.memory_space<vmem>>, vector<1x16xf32>,
    %get3A_558 = arith.constant 320 : index
    %get3A_559 = tpu.vector_load %arg6[%get3A_558] {strides = array<i32>} : memref<512xi32, #tpu.memory_space<vmem>>, vector<16xi32>,
    %get3A_560 = vector.shape_cast %get3A_559 : vector<16xi32> to vector<16xi32>
    %mul3A_561 = arith.constant -2048144777 : i32
    %mul3A_562 = vector.broadcast %mul3A_561 : i32 to vector<16xi32>
    %mul3A_563 = arith.muli %get3A_560, %mul3A_562 : vector<16xi32>
    %shift_right_logical3A_564 = arith.constant 14 : i32
    %shift_right_logical3A_565 = vector.broadcast %shift_right_logical3A_564 : i32 to vector<16xi32>
    %shift_right_logical3A_566 = arith.shrui %mul3A_563, %shift_right_logical3A_565 : vector<16xi32>
    %and3A_567 = arith.constant 65535 : i32
    %and3A_568 = vector.broadcast %and3A_567 : i32 to vector<16xi32>
    %and3A_569 = arith.andi %shift_right_logical3A_566, %and3A_568 : vector<16xi32>
    %swap3A_570 = arith.constant 5 : i32
    %swap3A_571 = arith.index_cast %swap3A_570 : i32 to index
    %swap3A_572 = arith.constant 0 : index
    %swap3A_573 = tpu.vector_load %arg7[%swap3A_571, %swap3A_572] {strides = array<i32>} : memref<8x64xi32, #tpu.memory_space<vmem>>, vector<1x16xi32>,
    %swap3A_574 = vector.shape_cast %swap3A_573 : vector<1x16xi32> to vector<16xi32>
    %swap3A_575 = vector.shape_cast %and3A_569 : vector<16xi32> to vector<1x16xi32>
    tpu.vector_store %arg7[%swap3A_571, %swap3A_572], %swap3A_575 {strides = array<i32>} : memref<8x64xi32, #tpu.memory_space<vmem>>, vector<1x16xi32>,
    %shift_right_logical3A_576 = arith.constant 16 : i32
    %shift_right_logical3A_577 = vector.broadcast %shift_right_logical3A_576 : i32 to vector<16xi32>
    %shift_right_logical3A_578 = arith.shrui %shift_right_logical3A_566, %shift_right_logical3A_577 : vector<16xi32>
    %convert_element_type3A_579 = arith.uitofp %shift_right_logical3A_578 : vector<16xi32> to vector<16xf32>
    %swap3A_580 = arith.constant 0 : i32
    %swap3A_581 = arith.index_cast %swap3A_580 : i32 to index
    %swap3A_582 = arith.constant 320 : index
    %swap3A_583 = tpu.vector_load %arg8[%swap3A_581, %swap3A_582] {strides = array<i32>} : memref<1x512xf32, #tpu.memory_space<vmem>>, vector<1x16xf32>,
    %swap3A_584 = vector.shape_cast %swap3A_583 : vector<1x16xf32> to vector<16xf32>
    %swap3A_585 = vector.shape_cast %convert_element_type3A_579 : vector<16xf32> to vector<1x16xf32>
    tpu.vector_store %arg8[%swap3A_581, %swap3A_582], %swap3A_585 {strides = array<i32>} : memref<1x512xf32, #tpu.memory_space<vmem>>, vector<1x16xf32>,
    %get3A_586 = arith.constant 336 : index
    %get3A_587 = tpu.vector_load %arg6[%get3A_586] {strides = array<i32>} : memref<512xi32, #tpu.memory_space<vmem>>, vector<16xi32>,
    %get3A_588 = vector.shape_cast %get3A_587 : vector<16xi32> to vector<16xi32>
    %mul3A_589 = arith.constant -2048144777 : i32
    %mul3A_590 = vector.broadcast %mul3A_589 : i32 to vector<16xi32>
    %mul3A_591 = arith.muli %get3A_588, %mul3A_590 : vector<16xi32>
    %shift_right_logical3A_592 = arith.constant 14 : i32
    %shift_right_logical3A_593 = vector.broadcast %shift_right_logical3A_592 : i32 to vector<16xi32>
    %shift_right_logical3A_594 = arith.shrui %mul3A_591, %shift_right_logical3A_593 : vector<16xi32>
    %and3A_595 = arith.constant 65535 : i32
    %and3A_596 = vector.broadcast %and3A_595 : i32 to vector<16xi32>
    %and3A_597 = arith.andi %shift_right_logical3A_594, %and3A_596 : vector<16xi32>
    %swap3A_598 = arith.constant 5 : i32
    %swap3A_599 = arith.index_cast %swap3A_598 : i32 to index
    %swap3A_600 = arith.constant 16 : index
    %swap3A_601 = tpu.vector_load %arg7[%swap3A_599, %swap3A_600] {strides = array<i32>} : memref<8x64xi32, #tpu.memory_space<vmem>>, vector<1x16xi32>,
    %swap3A_602 = vector.shape_cast %swap3A_601 : vector<1x16xi32> to vector<16xi32>
    %swap3A_603 = vector.shape_cast %and3A_597 : vector<16xi32> to vector<1x16xi32>
    tpu.vector_store %arg7[%swap3A_599, %swap3A_600], %swap3A_603 {strides = array<i32>} : memref<8x64xi32, #tpu.memory_space<vmem>>, vector<1x16xi32>,
    %shift_right_logical3A_604 = arith.constant 16 : i32
    %shift_right_logical3A_605 = vector.broadcast %shift_right_logical3A_604 : i32 to vector<16xi32>
    %shift_right_logical3A_606 = arith.shrui %shift_right_logical3A_594, %shift_right_logical3A_605 : vector<16xi32>
    %convert_element_type3A_607 = arith.uitofp %shift_right_logical3A_606 : vector<16xi32> to vector<16xf32>
    %swap3A_608 = arith.constant 0 : i32
    %swap3A_609 = arith.index_cast %swap3A_608 : i32 to index
    %swap3A_610 = arith.constant 336 : index
    %swap3A_611 = tpu.vector_load %arg8[%swap3A_609, %swap3A_610] {strides = array<i32>} : memref<1x512xf32, #tpu.memory_space<vmem>>, vector<1x16xf32>,
    %swap3A_612 = vector.shape_cast %swap3A_611 : vector<1x16xf32> to vector<16xf32>
    %swap3A_613 = vector.shape_cast %convert_element_type3A_607 : vector<16xf32> to vector<1x16xf32>
    tpu.vector_store %arg8[%swap3A_609, %swap3A_610], %swap3A_613 {strides = array<i32>} : memref<1x512xf32, #tpu.memory_space<vmem>>, vector<1x16xf32>,
    %get3A_614 = arith.constant 352 : index
    %get3A_615 = tpu.vector_load %arg6[%get3A_614] {strides = array<i32>} : memref<512xi32, #tpu.memory_space<vmem>>, vector<16xi32>,
    %get3A_616 = vector.shape_cast %get3A_615 : vector<16xi32> to vector<16xi32>
    %mul3A_617 = arith.constant -2048144777 : i32
    %mul3A_618 = vector.broadcast %mul3A_617 : i32 to vector<16xi32>
    %mul3A_619 = arith.muli %get3A_616, %mul3A_618 : vector<16xi32>
    %shift_right_logical3A_620 = arith.constant 14 : i32
    %shift_right_logical3A_621 = vector.broadcast %shift_right_logical3A_620 : i32 to vector<16xi32>
    %shift_right_logical3A_622 = arith.shrui %mul3A_619, %shift_right_logical3A_621 : vector<16xi32>
    %and3A_623 = arith.constant 65535 : i32
    %and3A_624 = vector.broadcast %and3A_623 : i32 to vector<16xi32>
    %and3A_625 = arith.andi %shift_right_logical3A_622, %and3A_624 : vector<16xi32>
    %swap3A_626 = arith.constant 5 : i32
    %swap3A_627 = arith.index_cast %swap3A_626 : i32 to index
    %swap3A_628 = arith.constant 32 : index
    %swap3A_629 = tpu.vector_load %arg7[%swap3A_627, %swap3A_628] {strides = array<i32>} : memref<8x64xi32, #tpu.memory_space<vmem>>, vector<1x16xi32>,
    %swap3A_630 = vector.shape_cast %swap3A_629 : vector<1x16xi32> to vector<16xi32>
    %swap3A_631 = vector.shape_cast %and3A_625 : vector<16xi32> to vector<1x16xi32>
    tpu.vector_store %arg7[%swap3A_627, %swap3A_628], %swap3A_631 {strides = array<i32>} : memref<8x64xi32, #tpu.memory_space<vmem>>, vector<1x16xi32>,
    %shift_right_logical3A_632 = arith.constant 16 : i32
    %shift_right_logical3A_633 = vector.broadcast %shift_right_logical3A_632 : i32 to vector<16xi32>
    %shift_right_logical3A_634 = arith.shrui %shift_right_logical3A_622, %shift_right_logical3A_633 : vector<16xi32>
    %convert_element_type3A_635 = arith.uitofp %shift_right_logical3A_634 : vector<16xi32> to vector<16xf32>
    %swap3A_636 = arith.constant 0 : i32
    %swap3A_637 = arith.index_cast %swap3A_636 : i32 to index
    %swap3A_638 = arith.constant 352 : index
    %swap3A_639 = tpu.vector_load %arg8[%swap3A_637, %swap3A_638] {strides = array<i32>} : memref<1x512xf32, #tpu.memory_space<vmem>>, vector<1x16xf32>,
    %swap3A_640 = vector.shape_cast %swap3A_639 : vector<1x16xf32> to vector<16xf32>
    %swap3A_641 = vector.shape_cast %convert_element_type3A_635 : vector<16xf32> to vector<1x16xf32>
    tpu.vector_store %arg8[%swap3A_637, %swap3A_638], %swap3A_641 {strides = array<i32>} : memref<1x512xf32, #tpu.memory_space<vmem>>, vector<1x16xf32>,
    %get3A_642 = arith.constant 368 : index
    %get3A_643 = tpu.vector_load %arg6[%get3A_642] {strides = array<i32>} : memref<512xi32, #tpu.memory_space<vmem>>, vector<16xi32>,
    %get3A_644 = vector.shape_cast %get3A_643 : vector<16xi32> to vector<16xi32>
    %mul3A_645 = arith.constant -2048144777 : i32
    %mul3A_646 = vector.broadcast %mul3A_645 : i32 to vector<16xi32>
    %mul3A_647 = arith.muli %get3A_644, %mul3A_646 : vector<16xi32>
    %shift_right_logical3A_648 = arith.constant 14 : i32
    %shift_right_logical3A_649 = vector.broadcast %shift_right_logical3A_648 : i32 to vector<16xi32>
    %shift_right_logical3A_650 = arith.shrui %mul3A_647, %shift_right_logical3A_649 : vector<16xi32>
    %and3A_651 = arith.constant 65535 : i32
    %and3A_652 = vector.broadcast %and3A_651 : i32 to vector<16xi32>
    %and3A_653 = arith.andi %shift_right_logical3A_650, %and3A_652 : vector<16xi32>
    %swap3A_654 = arith.constant 5 : i32
    %swap3A_655 = arith.index_cast %swap3A_654 : i32 to index
    %swap3A_656 = arith.constant 48 : index
    %swap3A_657 = tpu.vector_load %arg7[%swap3A_655, %swap3A_656] {strides = array<i32>} : memref<8x64xi32, #tpu.memory_space<vmem>>, vector<1x16xi32>,
    %swap3A_658 = vector.shape_cast %swap3A_657 : vector<1x16xi32> to vector<16xi32>
    %swap3A_659 = vector.shape_cast %and3A_653 : vector<16xi32> to vector<1x16xi32>
    tpu.vector_store %arg7[%swap3A_655, %swap3A_656], %swap3A_659 {strides = array<i32>} : memref<8x64xi32, #tpu.memory_space<vmem>>, vector<1x16xi32>,
    %shift_right_logical3A_660 = arith.constant 16 : i32
    %shift_right_logical3A_661 = vector.broadcast %shift_right_logical3A_660 : i32 to vector<16xi32>
    %shift_right_logical3A_662 = arith.shrui %shift_right_logical3A_650, %shift_right_logical3A_661 : vector<16xi32>
    %convert_element_type3A_663 = arith.uitofp %shift_right_logical3A_662 : vector<16xi32> to vector<16xf32>
    %swap3A_664 = arith.constant 0 : i32
    %swap3A_665 = arith.index_cast %swap3A_664 : i32 to index
    %swap3A_666 = arith.constant 368 : index
    %swap3A_667 = tpu.vector_load %arg8[%swap3A_665, %swap3A_666] {strides = array<i32>} : memref<1x512xf32, #tpu.memory_space<vmem>>, vector<1x16xf32>,
    %swap3A_668 = vector.shape_cast %swap3A_667 : vector<1x16xf32> to vector<16xf32>
    %swap3A_669 = vector.shape_cast %convert_element_type3A_663 : vector<16xf32> to vector<1x16xf32>
    tpu.vector_store %arg8[%swap3A_665, %swap3A_666], %swap3A_669 {strides = array<i32>} : memref<1x512xf32, #tpu.memory_space<vmem>>, vector<1x16xf32>,
    %get3A_670 = arith.constant 384 : index
    %get3A_671 = tpu.vector_load %arg6[%get3A_670] {strides = array<i32>} : memref<512xi32, #tpu.memory_space<vmem>>, vector<16xi32>,
    %get3A_672 = vector.shape_cast %get3A_671 : vector<16xi32> to vector<16xi32>
    %mul3A_673 = arith.constant -2048144777 : i32
    %mul3A_674 = vector.broadcast %mul3A_673 : i32 to vector<16xi32>
    %mul3A_675 = arith.muli %get3A_672, %mul3A_674 : vector<16xi32>
    %shift_right_logical3A_676 = arith.constant 14 : i32
    %shift_right_logical3A_677 = vector.broadcast %shift_right_logical3A_676 : i32 to vector<16xi32>
    %shift_right_logical3A_678 = arith.shrui %mul3A_675, %shift_right_logical3A_677 : vector<16xi32>
    %and3A_679 = arith.constant 65535 : i32
    %and3A_680 = vector.broadcast %and3A_679 : i32 to vector<16xi32>
    %and3A_681 = arith.andi %shift_right_logical3A_678, %and3A_680 : vector<16xi32>
    %swap3A_682 = arith.constant 6 : i32
    %swap3A_683 = arith.index_cast %swap3A_682 : i32 to index
    %swap3A_684 = arith.constant 0 : index
    %swap3A_685 = tpu.vector_load %arg7[%swap3A_683, %swap3A_684] {strides = array<i32>} : memref<8x64xi32, #tpu.memory_space<vmem>>, vector<1x16xi32>,
    %swap3A_686 = vector.shape_cast %swap3A_685 : vector<1x16xi32> to vector<16xi32>
    %swap3A_687 = vector.shape_cast %and3A_681 : vector<16xi32> to vector<1x16xi32>
    tpu.vector_store %arg7[%swap3A_683, %swap3A_684], %swap3A_687 {strides = array<i32>} : memref<8x64xi32, #tpu.memory_space<vmem>>, vector<1x16xi32>,
    %shift_right_logical3A_688 = arith.constant 16 : i32
    %shift_right_logical3A_689 = vector.broadcast %shift_right_logical3A_688 : i32 to vector<16xi32>
    %shift_right_logical3A_690 = arith.shrui %shift_right_logical3A_678, %shift_right_logical3A_689 : vector<16xi32>
    %convert_element_type3A_691 = arith.uitofp %shift_right_logical3A_690 : vector<16xi32> to vector<16xf32>
    %swap3A_692 = arith.constant 0 : i32
    %swap3A_693 = arith.index_cast %swap3A_692 : i32 to index
    %swap3A_694 = arith.constant 384 : index
    %swap3A_695 = tpu.vector_load %arg8[%swap3A_693, %swap3A_694] {strides = array<i32>} : memref<1x512xf32, #tpu.memory_space<vmem>>, vector<1x16xf32>,
    %swap3A_696 = vector.shape_cast %swap3A_695 : vector<1x16xf32> to vector<16xf32>
    %swap3A_697 = vector.shape_cast %convert_element_type3A_691 : vector<16xf32> to vector<1x16xf32>
    tpu.vector_store %arg8[%swap3A_693, %swap3A_694], %swap3A_697 {strides = array<i32>} : memref<1x512xf32, #tpu.memory_space<vmem>>, vector<1x16xf32>,
    %get3A_698 = arith.constant 400 : index
    %get3A_699 = tpu.vector_load %arg6[%get3A_698] {strides = array<i32>} : memref<512xi32, #tpu.memory_space<vmem>>, vector<16xi32>,
    %get3A_700 = vector.shape_cast %get3A_699 : vector<16xi32> to vector<16xi32>
    %mul3A_701 = arith.constant -2048144777 : i32
    %mul3A_702 = vector.broadcast %mul3A_701 : i32 to vector<16xi32>
    %mul3A_703 = arith.muli %get3A_700, %mul3A_702 : vector<16xi32>
    %shift_right_logical3A_704 = arith.constant 14 : i32
    %shift_right_logical3A_705 = vector.broadcast %shift_right_logical3A_704 : i32 to vector<16xi32>
    %shift_right_logical3A_706 = arith.shrui %mul3A_703, %shift_right_logical3A_705 : vector<16xi32>
    %and3A_707 = arith.constant 65535 : i32
    %and3A_708 = vector.broadcast %and3A_707 : i32 to vector<16xi32>
    %and3A_709 = arith.andi %shift_right_logical3A_706, %and3A_708 : vector<16xi32>
    %swap3A_710 = arith.constant 6 : i32
    %swap3A_711 = arith.index_cast %swap3A_710 : i32 to index
    %swap3A_712 = arith.constant 16 : index
    %swap3A_713 = tpu.vector_load %arg7[%swap3A_711, %swap3A_712] {strides = array<i32>} : memref<8x64xi32, #tpu.memory_space<vmem>>, vector<1x16xi32>,
    %swap3A_714 = vector.shape_cast %swap3A_713 : vector<1x16xi32> to vector<16xi32>
    %swap3A_715 = vector.shape_cast %and3A_709 : vector<16xi32> to vector<1x16xi32>
    tpu.vector_store %arg7[%swap3A_711, %swap3A_712], %swap3A_715 {strides = array<i32>} : memref<8x64xi32, #tpu.memory_space<vmem>>, vector<1x16xi32>,
    %shift_right_logical3A_716 = arith.constant 16 : i32
    %shift_right_logical3A_717 = vector.broadcast %shift_right_logical3A_716 : i32 to vector<16xi32>
    %shift_right_logical3A_718 = arith.shrui %shift_right_logical3A_706, %shift_right_logical3A_717 : vector<16xi32>
    %convert_element_type3A_719 = arith.uitofp %shift_right_logical3A_718 : vector<16xi32> to vector<16xf32>
    %swap3A_720 = arith.constant 0 : i32
    %swap3A_721 = arith.index_cast %swap3A_720 : i32 to index
    %swap3A_722 = arith.constant 400 : index
    %swap3A_723 = tpu.vector_load %arg8[%swap3A_721, %swap3A_722] {strides = array<i32>} : memref<1x512xf32, #tpu.memory_space<vmem>>, vector<1x16xf32>,
    %swap3A_724 = vector.shape_cast %swap3A_723 : vector<1x16xf32> to vector<16xf32>
    %swap3A_725 = vector.shape_cast %convert_element_type3A_719 : vector<16xf32> to vector<1x16xf32>
    tpu.vector_store %arg8[%swap3A_721, %swap3A_722], %swap3A_725 {strides = array<i32>} : memref<1x512xf32, #tpu.memory_space<vmem>>, vector<1x16xf32>,
    %get3A_726 = arith.constant 416 : index
    %get3A_727 = tpu.vector_load %arg6[%get3A_726] {strides = array<i32>} : memref<512xi32, #tpu.memory_space<vmem>>, vector<16xi32>,
    %get3A_728 = vector.shape_cast %get3A_727 : vector<16xi32> to vector<16xi32>
    %mul3A_729 = arith.constant -2048144777 : i32
    %mul3A_730 = vector.broadcast %mul3A_729 : i32 to vector<16xi32>
    %mul3A_731 = arith.muli %get3A_728, %mul3A_730 : vector<16xi32>
    %shift_right_logical3A_732 = arith.constant 14 : i32
    %shift_right_logical3A_733 = vector.broadcast %shift_right_logical3A_732 : i32 to vector<16xi32>
    %shift_right_logical3A_734 = arith.shrui %mul3A_731, %shift_right_logical3A_733 : vector<16xi32>
    %and3A_735 = arith.constant 65535 : i32
    %and3A_736 = vector.broadcast %and3A_735 : i32 to vector<16xi32>
    %and3A_737 = arith.andi %shift_right_logical3A_734, %and3A_736 : vector<16xi32>
    %swap3A_738 = arith.constant 6 : i32
    %swap3A_739 = arith.index_cast %swap3A_738 : i32 to index
    %swap3A_740 = arith.constant 32 : index
    %swap3A_741 = tpu.vector_load %arg7[%swap3A_739, %swap3A_740] {strides = array<i32>} : memref<8x64xi32, #tpu.memory_space<vmem>>, vector<1x16xi32>,
    %swap3A_742 = vector.shape_cast %swap3A_741 : vector<1x16xi32> to vector<16xi32>
    %swap3A_743 = vector.shape_cast %and3A_737 : vector<16xi32> to vector<1x16xi32>
    tpu.vector_store %arg7[%swap3A_739, %swap3A_740], %swap3A_743 {strides = array<i32>} : memref<8x64xi32, #tpu.memory_space<vmem>>, vector<1x16xi32>,
    %shift_right_logical3A_744 = arith.constant 16 : i32
    %shift_right_logical3A_745 = vector.broadcast %shift_right_logical3A_744 : i32 to vector<16xi32>
    %shift_right_logical3A_746 = arith.shrui %shift_right_logical3A_734, %shift_right_logical3A_745 : vector<16xi32>
    %convert_element_type3A_747 = arith.uitofp %shift_right_logical3A_746 : vector<16xi32> to vector<16xf32>
    %swap3A_748 = arith.constant 0 : i32
    %swap3A_749 = arith.index_cast %swap3A_748 : i32 to index
    %swap3A_750 = arith.constant 416 : index
    %swap3A_751 = tpu.vector_load %arg8[%swap3A_749, %swap3A_750] {strides = array<i32>} : memref<1x512xf32, #tpu.memory_space<vmem>>, vector<1x16xf32>,
    %swap3A_752 = vector.shape_cast %swap3A_751 : vector<1x16xf32> to vector<16xf32>
    %swap3A_753 = vector.shape_cast %convert_element_type3A_747 : vector<16xf32> to vector<1x16xf32>
    tpu.vector_store %arg8[%swap3A_749, %swap3A_750], %swap3A_753 {strides = array<i32>} : memref<1x512xf32, #tpu.memory_space<vmem>>, vector<1x16xf32>,
    %get3A_754 = arith.constant 432 : index
    %get3A_755 = tpu.vector_load %arg6[%get3A_754] {strides = array<i32>} : memref<512xi32, #tpu.memory_space<vmem>>, vector<16xi32>,
    %get3A_756 = vector.shape_cast %get3A_755 : vector<16xi32> to vector<16xi32>
    %mul3A_757 = arith.constant -2048144777 : i32
    %mul3A_758 = vector.broadcast %mul3A_757 : i32 to vector<16xi32>
    %mul3A_759 = arith.muli %get3A_756, %mul3A_758 : vector<16xi32>
    %shift_right_logical3A_760 = arith.constant 14 : i32
    %shift_right_logical3A_761 = vector.broadcast %shift_right_logical3A_760 : i32 to vector<16xi32>
    %shift_right_logical3A_762 = arith.shrui %mul3A_759, %shift_right_logical3A_761 : vector<16xi32>
    %and3A_763 = arith.constant 65535 : i32
    %and3A_764 = vector.broadcast %and3A_763 : i32 to vector<16xi32>
    %and3A_765 = arith.andi %shift_right_logical3A_762, %and3A_764 : vector<16xi32>
    %swap3A_766 = arith.constant 6 : i32
    %swap3A_767 = arith.index_cast %swap3A_766 : i32 to index
    %swap3A_768 = arith.constant 48 : index
    %swap3A_769 = tpu.vector_load %arg7[%swap3A_767, %swap3A_768] {strides = array<i32>} : memref<8x64xi32, #tpu.memory_space<vmem>>, vector<1x16xi32>,
    %swap3A_770 = vector.shape_cast %swap3A_769 : vector<1x16xi32> to vector<16xi32>
    %swap3A_771 = vector.shape_cast %and3A_765 : vector<16xi32> to vector<1x16xi32>
    tpu.vector_store %arg7[%swap3A_767, %swap3A_768], %swap3A_771 {strides = array<i32>} : memref<8x64xi32, #tpu.memory_space<vmem>>, vector<1x16xi32>,
    %shift_right_logical3A_772 = arith.constant 16 : i32
    %shift_right_logical3A_773 = vector.broadcast %shift_right_logical3A_772 : i32 to vector<16xi32>
    %shift_right_logical3A_774 = arith.shrui %shift_right_logical3A_762, %shift_right_logical3A_773 : vector<16xi32>
    %convert_element_type3A_775 = arith.uitofp %shift_right_logical3A_774 : vector<16xi32> to vector<16xf32>
    %swap3A_776 = arith.constant 0 : i32
    %swap3A_777 = arith.index_cast %swap3A_776 : i32 to index
    %swap3A_778 = arith.constant 432 : index
    %swap3A_779 = tpu.vector_load %arg8[%swap3A_777, %swap3A_778] {strides = array<i32>} : memref<1x512xf32, #tpu.memory_space<vmem>>, vector<1x16xf32>,
    %swap3A_780 = vector.shape_cast %swap3A_779 : vector<1x16xf32> to vector<16xf32>
    %swap3A_781 = vector.shape_cast %convert_element_type3A_775 : vector<16xf32> to vector<1x16xf32>
    tpu.vector_store %arg8[%swap3A_777, %swap3A_778], %swap3A_781 {strides = array<i32>} : memref<1x512xf32, #tpu.memory_space<vmem>>, vector<1x16xf32>,
    %get3A_782 = arith.constant 448 : index
    %get3A_783 = tpu.vector_load %arg6[%get3A_782] {strides = array<i32>} : memref<512xi32, #tpu.memory_space<vmem>>, vector<16xi32>,
    %get3A_784 = vector.shape_cast %get3A_783 : vector<16xi32> to vector<16xi32>
    %mul3A_785 = arith.constant -2048144777 : i32
    %mul3A_786 = vector.broadcast %mul3A_785 : i32 to vector<16xi32>
    %mul3A_787 = arith.muli %get3A_784, %mul3A_786 : vector<16xi32>
    %shift_right_logical3A_788 = arith.constant 14 : i32
    %shift_right_logical3A_789 = vector.broadcast %shift_right_logical3A_788 : i32 to vector<16xi32>
    %shift_right_logical3A_790 = arith.shrui %mul3A_787, %shift_right_logical3A_789 : vector<16xi32>
    %and3A_791 = arith.constant 65535 : i32
    %and3A_792 = vector.broadcast %and3A_791 : i32 to vector<16xi32>
    %and3A_793 = arith.andi %shift_right_logical3A_790, %and3A_792 : vector<16xi32>
    %swap3A_794 = arith.constant 7 : i32
    %swap3A_795 = arith.index_cast %swap3A_794 : i32 to index
    %swap3A_796 = arith.constant 0 : index
    %swap3A_797 = tpu.vector_load %arg7[%swap3A_795, %swap3A_796] {strides = array<i32>} : memref<8x64xi32, #tpu.memory_space<vmem>>, vector<1x16xi32>,
    %swap3A_798 = vector.shape_cast %swap3A_797 : vector<1x16xi32> to vector<16xi32>
    %swap3A_799 = vector.shape_cast %and3A_793 : vector<16xi32> to vector<1x16xi32>
    tpu.vector_store %arg7[%swap3A_795, %swap3A_796], %swap3A_799 {strides = array<i32>} : memref<8x64xi32, #tpu.memory_space<vmem>>, vector<1x16xi32>,
    %shift_right_logical3A_800 = arith.constant 16 : i32
    %shift_right_logical3A_801 = vector.broadcast %shift_right_logical3A_800 : i32 to vector<16xi32>
    %shift_right_logical3A_802 = arith.shrui %shift_right_logical3A_790, %shift_right_logical3A_801 : vector<16xi32>
    %convert_element_type3A_803 = arith.uitofp %shift_right_logical3A_802 : vector<16xi32> to vector<16xf32>
    %swap3A_804 = arith.constant 0 : i32
    %swap3A_805 = arith.index_cast %swap3A_804 : i32 to index
    %swap3A_806 = arith.constant 448 : index
    %swap3A_807 = tpu.vector_load %arg8[%swap3A_805, %swap3A_806] {strides = array<i32>} : memref<1x512xf32, #tpu.memory_space<vmem>>, vector<1x16xf32>,
    %swap3A_808 = vector.shape_cast %swap3A_807 : vector<1x16xf32> to vector<16xf32>
    %swap3A_809 = vector.shape_cast %convert_element_type3A_803 : vector<16xf32> to vector<1x16xf32>
    tpu.vector_store %arg8[%swap3A_805, %swap3A_806], %swap3A_809 {strides = array<i32>} : memref<1x512xf32, #tpu.memory_space<vmem>>, vector<1x16xf32>,
    %get3A_810 = arith.constant 464 : index
    %get3A_811 = tpu.vector_load %arg6[%get3A_810] {strides = array<i32>} : memref<512xi32, #tpu.memory_space<vmem>>, vector<16xi32>,
    %get3A_812 = vector.shape_cast %get3A_811 : vector<16xi32> to vector<16xi32>
    %mul3A_813 = arith.constant -2048144777 : i32
    %mul3A_814 = vector.broadcast %mul3A_813 : i32 to vector<16xi32>
    %mul3A_815 = arith.muli %get3A_812, %mul3A_814 : vector<16xi32>
    %shift_right_logical3A_816 = arith.constant 14 : i32
    %shift_right_logical3A_817 = vector.broadcast %shift_right_logical3A_816 : i32 to vector<16xi32>
    %shift_right_logical3A_818 = arith.shrui %mul3A_815, %shift_right_logical3A_817 : vector<16xi32>
    %and3A_819 = arith.constant 65535 : i32
    %and3A_820 = vector.broadcast %and3A_819 : i32 to vector<16xi32>
    %and3A_821 = arith.andi %shift_right_logical3A_818, %and3A_820 : vector<16xi32>
    %swap3A_822 = arith.constant 7 : i32
    %swap3A_823 = arith.index_cast %swap3A_822 : i32 to index
    %swap3A_824 = arith.constant 16 : index
    %swap3A_825 = tpu.vector_load %arg7[%swap3A_823, %swap3A_824] {strides = array<i32>} : memref<8x64xi32, #tpu.memory_space<vmem>>, vector<1x16xi32>,
    %swap3A_826 = vector.shape_cast %swap3A_825 : vector<1x16xi32> to vector<16xi32>
    %swap3A_827 = vector.shape_cast %and3A_821 : vector<16xi32> to vector<1x16xi32>
    tpu.vector_store %arg7[%swap3A_823, %swap3A_824], %swap3A_827 {strides = array<i32>} : memref<8x64xi32, #tpu.memory_space<vmem>>, vector<1x16xi32>,
    %shift_right_logical3A_828 = arith.constant 16 : i32
    %shift_right_logical3A_829 = vector.broadcast %shift_right_logical3A_828 : i32 to vector<16xi32>
    %shift_right_logical3A_830 = arith.shrui %shift_right_logical3A_818, %shift_right_logical3A_829 : vector<16xi32>
    %convert_element_type3A_831 = arith.uitofp %shift_right_logical3A_830 : vector<16xi32> to vector<16xf32>
    %swap3A_832 = arith.constant 0 : i32
    %swap3A_833 = arith.index_cast %swap3A_832 : i32 to index
    %swap3A_834 = arith.constant 464 : index
    %swap3A_835 = tpu.vector_load %arg8[%swap3A_833, %swap3A_834] {strides = array<i32>} : memref<1x512xf32, #tpu.memory_space<vmem>>, vector<1x16xf32>,
    %swap3A_836 = vector.shape_cast %swap3A_835 : vector<1x16xf32> to vector<16xf32>
    %swap3A_837 = vector.shape_cast %convert_element_type3A_831 : vector<16xf32> to vector<1x16xf32>
    tpu.vector_store %arg8[%swap3A_833, %swap3A_834], %swap3A_837 {strides = array<i32>} : memref<1x512xf32, #tpu.memory_space<vmem>>, vector<1x16xf32>,
    %get3A_838 = arith.constant 480 : index
    %get3A_839 = tpu.vector_load %arg6[%get3A_838] {strides = array<i32>} : memref<512xi32, #tpu.memory_space<vmem>>, vector<16xi32>,
    %get3A_840 = vector.shape_cast %get3A_839 : vector<16xi32> to vector<16xi32>
    %mul3A_841 = arith.constant -2048144777 : i32
    %mul3A_842 = vector.broadcast %mul3A_841 : i32 to vector<16xi32>
    %mul3A_843 = arith.muli %get3A_840, %mul3A_842 : vector<16xi32>
    %shift_right_logical3A_844 = arith.constant 14 : i32
    %shift_right_logical3A_845 = vector.broadcast %shift_right_logical3A_844 : i32 to vector<16xi32>
    %shift_right_logical3A_846 = arith.shrui %mul3A_843, %shift_right_logical3A_845 : vector<16xi32>
    %and3A_847 = arith.constant 65535 : i32
    %and3A_848 = vector.broadcast %and3A_847 : i32 to vector<16xi32>
    %and3A_849 = arith.andi %shift_right_logical3A_846, %and3A_848 : vector<16xi32>
    %swap3A_850 = arith.constant 7 : i32
    %swap3A_851 = arith.index_cast %swap3A_850 : i32 to index
    %swap3A_852 = arith.constant 32 : index
    %swap3A_853 = tpu.vector_load %arg7[%swap3A_851, %swap3A_852] {strides = array<i32>} : memref<8x64xi32, #tpu.memory_space<vmem>>, vector<1x16xi32>,
    %swap3A_854 = vector.shape_cast %swap3A_853 : vector<1x16xi32> to vector<16xi32>
    %swap3A_855 = vector.shape_cast %and3A_849 : vector<16xi32> to vector<1x16xi32>
    tpu.vector_store %arg7[%swap3A_851, %swap3A_852], %swap3A_855 {strides = array<i32>} : memref<8x64xi32, #tpu.memory_space<vmem>>, vector<1x16xi32>,
    %shift_right_logical3A_856 = arith.constant 16 : i32
    %shift_right_logical3A_857 = vector.broadcast %shift_right_logical3A_856 : i32 to vector<16xi32>
    %shift_right_logical3A_858 = arith.shrui %shift_right_logical3A_846, %shift_right_logical3A_857 : vector<16xi32>
    %convert_element_type3A_859 = arith.uitofp %shift_right_logical3A_858 : vector<16xi32> to vector<16xf32>
    %swap3A_860 = arith.constant 0 : i32
    %swap3A_861 = arith.index_cast %swap3A_860 : i32 to index
    %swap3A_862 = arith.constant 480 : index
    %swap3A_863 = tpu.vector_load %arg8[%swap3A_861, %swap3A_862] {strides = array<i32>} : memref<1x512xf32, #tpu.memory_space<vmem>>, vector<1x16xf32>,
    %swap3A_864 = vector.shape_cast %swap3A_863 : vector<1x16xf32> to vector<16xf32>
    %swap3A_865 = vector.shape_cast %convert_element_type3A_859 : vector<16xf32> to vector<1x16xf32>
    tpu.vector_store %arg8[%swap3A_861, %swap3A_862], %swap3A_865 {strides = array<i32>} : memref<1x512xf32, #tpu.memory_space<vmem>>, vector<1x16xf32>,
    %get3A_866 = arith.constant 496 : index
    %get3A_867 = tpu.vector_load %arg6[%get3A_866] {strides = array<i32>} : memref<512xi32, #tpu.memory_space<vmem>>, vector<16xi32>,
    %get3A_868 = vector.shape_cast %get3A_867 : vector<16xi32> to vector<16xi32>
    %mul3A_869 = arith.constant -2048144777 : i32
    %mul3A_870 = vector.broadcast %mul3A_869 : i32 to vector<16xi32>
    %mul3A_871 = arith.muli %get3A_868, %mul3A_870 : vector<16xi32>
    %shift_right_logical3A_872 = arith.constant 14 : i32
    %shift_right_logical3A_873 = vector.broadcast %shift_right_logical3A_872 : i32 to vector<16xi32>
    %shift_right_logical3A_874 = arith.shrui %mul3A_871, %shift_right_logical3A_873 : vector<16xi32>
    %and3A_875 = arith.constant 65535 : i32
    %and3A_876 = vector.broadcast %and3A_875 : i32 to vector<16xi32>
    %and3A_877 = arith.andi %shift_right_logical3A_874, %and3A_876 : vector<16xi32>
    %swap3A_878 = arith.constant 7 : i32
    %swap3A_879 = arith.index_cast %swap3A_878 : i32 to index
    %swap3A_880 = arith.constant 48 : index
    %swap3A_881 = tpu.vector_load %arg7[%swap3A_879, %swap3A_880] {strides = array<i32>} : memref<8x64xi32, #tpu.memory_space<vmem>>, vector<1x16xi32>,
    %swap3A_882 = vector.shape_cast %swap3A_881 : vector<1x16xi32> to vector<16xi32>
    %swap3A_883 = vector.shape_cast %and3A_877 : vector<16xi32> to vector<1x16xi32>
    tpu.vector_store %arg7[%swap3A_879, %swap3A_880], %swap3A_883 {strides = array<i32>} : memref<8x64xi32, #tpu.memory_space<vmem>>, vector<1x16xi32>,
    %shift_right_logical3A_884 = arith.constant 16 : i32
    %shift_right_logical3A_885 = vector.broadcast %shift_right_logical3A_884 : i32 to vector<16xi32>
    %shift_right_logical3A_886 = arith.shrui %shift_right_logical3A_874, %shift_right_logical3A_885 : vector<16xi32>
    %convert_element_type3A_887 = arith.uitofp %shift_right_logical3A_886 : vector<16xi32> to vector<16xf32>
    %swap3A_888 = arith.constant 0 : i32
    %swap3A_889 = arith.index_cast %swap3A_888 : i32 to index
    %swap3A_890 = arith.constant 496 : index
    %swap3A_891 = tpu.vector_load %arg8[%swap3A_889, %swap3A_890] {strides = array<i32>} : memref<1x512xf32, #tpu.memory_space<vmem>>, vector<1x16xf32>,
    %swap3A_892 = vector.shape_cast %swap3A_891 : vector<1x16xf32> to vector<16xf32>
    %swap3A_893 = vector.shape_cast %convert_element_type3A_887 : vector<16xf32> to vector<1x16xf32>
    tpu.vector_store %arg8[%swap3A_889, %swap3A_890], %swap3A_893 {strides = array<i32>} : memref<1x512xf32, #tpu.memory_space<vmem>>, vector<1x16xf32>,
    "tpu.region"() ({
      %run_scoped3A_1155 = tpu.sem_alloc : memref<!tpu.dma_semaphore, #tpu.memory_space<semaphore_mem>>
      %dma_start3A_1156 = arith.constant 0 : i32
      %dma_start3A_1157 = tpu.memref_slice %arg5[%dma_start3A_1156, %mul3A_2] : memref<1x16384xf32, #tpu.memory_space<hbm>> -> memref<1x512xf32, #tpu.memory_space<hbm>>
      %dma_start3A_1158 = arith.constant 0 : i32
      %dma_start3A_1159 = tpu.memref_slice %arg5[%dma_start3A_1158, %mul3A_2] : memref<1x16384xf32, #tpu.memory_space<hbm>> -> memref<1x512xf32, #tpu.memory_space<hbm>>
      tpu.enqueue_dma source(%arg8 : memref<1x512xf32, #tpu.memory_space<vmem>>) target(%dma_start3A_1159 : memref<1x512xf32, #tpu.memory_space<hbm>>) target_semaphore(%run_scoped3A_1155 : memref<!tpu.dma_semaphore, #tpu.memory_space<semaphore_mem>>)
      %dma_wait3A_1160 = arith.constant 0 : i32
      %dma_wait3A_1161 = tpu.memref_slice %arg5[%dma_wait3A_1160, %mul3A_2] : memref<1x16384xf32, #tpu.memory_space<hbm>> -> memref<1x512xf32, #tpu.memory_space<hbm>>
      %dma_wait3A_1162 = arith.constant 0 : i32
      %dma_wait3A_1163 = tpu.memref_slice %arg5[%dma_wait3A_1162, %mul3A_2] : memref<1x16384xf32, #tpu.memory_space<hbm>> -> memref<1x512xf32, #tpu.memory_space<hbm>>
      tpu.wait_dma2 semaphore(%run_scoped3A_1155 : memref<!tpu.dma_semaphore, #tpu.memory_space<semaphore_mem>>) src(%arg8 : memref<1x512xf32, #tpu.memory_space<vmem>>) dst(%dma_wait3A_1163 : memref<1x512xf32, #tpu.memory_space<hbm>>)
      tpu.yield
    }) : () -> ()
    %dma_start3A = arith.constant 0 : i32
    %dma_start3A_894 = arith.constant 0 : i32
    %dma_start3A_895 = arith.constant 0 : i32
    %dma_start3A_896 = arith.constant 0 : i32
    %dma_start3A_897 = arith.constant 0 : i32
    %dma_start3A_898 = tpu.memref_slice %arg9[%dma_start3A_894, %dma_start3A_896, %dma_start3A_897] : memref<2x64x128xi32, #tpu.memory_space<vmem>> -> memref<1x64x128xi32, #tpu.memory_space<vmem>>
    %dma_start3A_899 = tpu.memref_squeeze %dma_start3A_898 : memref<1x64x128xi32, #tpu.memory_space<vmem>> -> memref<64x128xi32, #tpu.memory_space<vmem>>
    %dma_start3A_900 = arith.constant 0 : i32
    %dma_start3A_901 = tpu.memref_slice %arg7[%dma_start3A, %dma_start3A_900] : memref<8x64xi32, #tpu.memory_space<vmem>> -> memref<1x64xi32, #tpu.memory_space<vmem>>
    %dma_start3A_902 = tpu.memref_squeeze %dma_start3A_901 : memref<1x64xi32, #tpu.memory_space<vmem>> -> memref<64xi32, #tpu.memory_space<vmem>>
    %dma_start3A_903 = arith.constant 0 : i32
    %dma_start3A_904 = arith.constant 0 : i32
    %dma_start3A_905 = tpu.memref_slice %arg3[%dma_start3A_903, %dma_start3A_904] : memref<65536x128xi32, #tpu.memory_space<hbm>> -> memref<65536x128xi32, #tpu.memory_space<hbm>>
    %dma_start3A_906 = tpu.memref_slice %arg10[%dma_start3A_895] : memref<2x!tpu.dma_semaphore, #tpu.memory_space<semaphore_mem>> -> memref<1x!tpu.dma_semaphore, #tpu.memory_space<semaphore_mem>>
    %dma_start3A_907 = tpu.memref_squeeze %dma_start3A_906 : memref<1x!tpu.dma_semaphore, #tpu.memory_space<semaphore_mem>> -> memref<!tpu.dma_semaphore, #tpu.memory_space<semaphore_mem>>
    tpu.enqueue_indirect_dma source(%dma_start3A_905 : memref<65536x128xi32, #tpu.memory_space<hbm>>) target(%dma_start3A_899 : memref<64x128xi32, #tpu.memory_space<vmem>>) offsets(%dma_start3A_902 : memref<64xi32, #tpu.memory_space<vmem>>) semaphore(%dma_start3A_907 : memref<!tpu.dma_semaphore, #tpu.memory_space<semaphore_mem>>)
    %dma_start3A_908 = arith.constant 1 : i32
    %dma_start3A_909 = arith.constant 1 : i32
    %dma_start3A_910 = arith.constant 1 : i32
    %dma_start3A_911 = arith.constant 0 : i32
    %dma_start3A_912 = arith.constant 0 : i32
    %dma_start3A_913 = tpu.memref_slice %arg9[%dma_start3A_909, %dma_start3A_911, %dma_start3A_912] : memref<2x64x128xi32, #tpu.memory_space<vmem>> -> memref<1x64x128xi32, #tpu.memory_space<vmem>>
    %dma_start3A_914 = tpu.memref_squeeze %dma_start3A_913 : memref<1x64x128xi32, #tpu.memory_space<vmem>> -> memref<64x128xi32, #tpu.memory_space<vmem>>
    %dma_start3A_915 = arith.constant 0 : i32
    %dma_start3A_916 = tpu.memref_slice %arg7[%dma_start3A_908, %dma_start3A_915] : memref<8x64xi32, #tpu.memory_space<vmem>> -> memref<1x64xi32, #tpu.memory_space<vmem>>
    %dma_start3A_917 = tpu.memref_squeeze %dma_start3A_916 : memref<1x64xi32, #tpu.memory_space<vmem>> -> memref<64xi32, #tpu.memory_space<vmem>>
    %dma_start3A_918 = arith.constant 0 : i32
    %dma_start3A_919 = arith.constant 0 : i32
    %dma_start3A_920 = tpu.memref_slice %arg3[%dma_start3A_918, %dma_start3A_919] : memref<65536x128xi32, #tpu.memory_space<hbm>> -> memref<65536x128xi32, #tpu.memory_space<hbm>>
    %dma_start3A_921 = tpu.memref_slice %arg10[%dma_start3A_910] : memref<2x!tpu.dma_semaphore, #tpu.memory_space<semaphore_mem>> -> memref<1x!tpu.dma_semaphore, #tpu.memory_space<semaphore_mem>>
    %dma_start3A_922 = tpu.memref_squeeze %dma_start3A_921 : memref<1x!tpu.dma_semaphore, #tpu.memory_space<semaphore_mem>> -> memref<!tpu.dma_semaphore, #tpu.memory_space<semaphore_mem>>
    tpu.enqueue_indirect_dma source(%dma_start3A_920 : memref<65536x128xi32, #tpu.memory_space<hbm>>) target(%dma_start3A_914 : memref<64x128xi32, #tpu.memory_space<vmem>>) offsets(%dma_start3A_917 : memref<64xi32, #tpu.memory_space<vmem>>) semaphore(%dma_start3A_922 : memref<!tpu.dma_semaphore, #tpu.memory_space<semaphore_mem>>)
    %dma_wait3A = arith.constant 0 : i32
    %dma_wait3A_923 = arith.constant 0 : i32
    %dma_wait3A_924 = arith.constant 0 : i32
    %dma_wait3A_925 = arith.constant 0 : i32
    %dma_wait3A_926 = arith.constant 0 : i32
    %dma_wait3A_927 = tpu.memref_slice %arg9[%dma_wait3A_923, %dma_wait3A_925, %dma_wait3A_926] : memref<2x64x128xi32, #tpu.memory_space<vmem>> -> memref<1x64x128xi32, #tpu.memory_space<vmem>>
    %dma_wait3A_928 = tpu.memref_squeeze %dma_wait3A_927 : memref<1x64x128xi32, #tpu.memory_space<vmem>> -> memref<64x128xi32, #tpu.memory_space<vmem>>
    %dma_wait3A_929 = arith.constant 0 : i32
    %dma_wait3A_930 = tpu.memref_slice %arg7[%dma_wait3A, %dma_wait3A_929] : memref<8x64xi32, #tpu.memory_space<vmem>> -> memref<1x64xi32, #tpu.memory_space<vmem>>
    %dma_wait3A_931 = tpu.memref_squeeze %dma_wait3A_930 : memref<1x64xi32, #tpu.memory_space<vmem>> -> memref<64xi32, #tpu.memory_space<vmem>>
    %dma_wait3A_932 = arith.constant 0 : i32
    %dma_wait3A_933 = arith.constant 0 : i32
    %dma_wait3A_934 = tpu.memref_slice %arg3[%dma_wait3A_932, %dma_wait3A_933] : memref<65536x128xi32, #tpu.memory_space<hbm>> -> memref<65536x128xi32, #tpu.memory_space<hbm>>
    %dma_wait3A_935 = tpu.memref_slice %arg10[%dma_wait3A_924] : memref<2x!tpu.dma_semaphore, #tpu.memory_space<semaphore_mem>> -> memref<1x!tpu.dma_semaphore, #tpu.memory_space<semaphore_mem>>
    %dma_wait3A_936 = tpu.memref_squeeze %dma_wait3A_935 : memref<1x!tpu.dma_semaphore, #tpu.memory_space<semaphore_mem>> -> memref<!tpu.dma_semaphore, #tpu.memory_space<semaphore_mem>>
    tpu.wait_indirect_dma semaphore(%dma_wait3A_936 : memref<!tpu.dma_semaphore, #tpu.memory_space<semaphore_mem>>) src(%dma_wait3A_934 : memref<65536x128xi32, #tpu.memory_space<hbm>>) dst(%dma_wait3A_928 : memref<64x128xi32, #tpu.memory_space<vmem>>)
    %add3A_937 = arith.constant 0 : i32
    %add3A_938 = arith.addi %mul3A_2, %add3A_937 : i32
    %run_scoped3A = arith.constant 0 : i32
    "tpu.region"() ({
      %run_scoped3A_1155 = tpu.sem_alloc : memref<!tpu.dma_semaphore, #tpu.memory_space<semaphore_mem>>
      %dma_start3A_1156 = arith.constant 0 : i32
      %dma_start3A_1157 = arith.constant 0 : i32
      %dma_start3A_1158 = tpu.memref_slice %arg9[%run_scoped3A, %dma_start3A_1156, %dma_start3A_1157] : memref<2x64x128xi32, #tpu.memory_space<vmem>> -> memref<1x64x128xi32, #tpu.memory_space<vmem>>
      %dma_start3A_1159 = tpu.memref_squeeze %dma_start3A_1158 : memref<1x64x128xi32, #tpu.memory_space<vmem>> -> memref<64x128xi32, #tpu.memory_space<vmem>>
      %dma_start3A_1160 = arith.constant 0 : i32
      %dma_start3A_1161 = tpu.memref_slice %arg4[%add3A_938, %dma_start3A_1160] : memref<16384x128xi32, #tpu.memory_space<hbm>> -> memref<64x128xi32, #tpu.memory_space<hbm>>
      %dma_start3A_1162 = arith.constant 0 : i32
      %dma_start3A_1163 = tpu.memref_slice %arg4[%add3A_938, %dma_start3A_1162] : memref<16384x128xi32, #tpu.memory_space<hbm>> -> memref<64x128xi32, #tpu.memory_space<hbm>>
      %dma_start3A_1164 = arith.constant 0 : i32
      %dma_start3A_1165 = arith.constant 0 : i32
      %dma_start3A_1166 = tpu.memref_slice %arg9[%run_scoped3A, %dma_start3A_1164, %dma_start3A_1165] : memref<2x64x128xi32, #tpu.memory_space<vmem>> -> memref<1x64x128xi32, #tpu.memory_space<vmem>>
      %dma_start3A_1167 = tpu.memref_squeeze %dma_start3A_1166 : memref<1x64x128xi32, #tpu.memory_space<vmem>> -> memref<64x128xi32, #tpu.memory_space<vmem>>
      tpu.enqueue_dma source(%dma_start3A_1167 : memref<64x128xi32, #tpu.memory_space<vmem>>) target(%dma_start3A_1163 : memref<64x128xi32, #tpu.memory_space<hbm>>) target_semaphore(%run_scoped3A_1155 : memref<!tpu.dma_semaphore, #tpu.memory_space<semaphore_mem>>)
      %dma_wait3A_1168 = arith.constant 0 : i32
      %dma_wait3A_1169 = arith.constant 0 : i32
      %dma_wait3A_1170 = tpu.memref_slice %arg9[%run_scoped3A, %dma_wait3A_1168, %dma_wait3A_1169] : memref<2x64x128xi32, #tpu.memory_space<vmem>> -> memref<1x64x128xi32, #tpu.memory_space<vmem>>
      %dma_wait3A_1171 = tpu.memref_squeeze %dma_wait3A_1170 : memref<1x64x128xi32, #tpu.memory_space<vmem>> -> memref<64x128xi32, #tpu.memory_space<vmem>>
      %dma_wait3A_1172 = arith.constant 0 : i32
      %dma_wait3A_1173 = tpu.memref_slice %arg4[%add3A_938, %dma_wait3A_1172] : memref<16384x128xi32, #tpu.memory_space<hbm>> -> memref<64x128xi32, #tpu.memory_space<hbm>>
      %dma_wait3A_1174 = arith.constant 0 : i32
      %dma_wait3A_1175 = tpu.memref_slice %arg4[%add3A_938, %dma_wait3A_1174] : memref<16384x128xi32, #tpu.memory_space<hbm>> -> memref<64x128xi32, #tpu.memory_space<hbm>>
      %dma_wait3A_1176 = arith.constant 0 : i32
      %dma_wait3A_1177 = arith.constant 0 : i32
      %dma_wait3A_1178 = tpu.memref_slice %arg9[%run_scoped3A, %dma_wait3A_1176, %dma_wait3A_1177] : memref<2x64x128xi32, #tpu.memory_space<vmem>> -> memref<1x64x128xi32, #tpu.memory_space<vmem>>
      %dma_wait3A_1179 = tpu.memref_squeeze %dma_wait3A_1178 : memref<1x64x128xi32, #tpu.memory_space<vmem>> -> memref<64x128xi32, #tpu.memory_space<vmem>>
      tpu.wait_dma2 semaphore(%run_scoped3A_1155 : memref<!tpu.dma_semaphore, #tpu.memory_space<semaphore_mem>>) src(%dma_wait3A_1179 : memref<64x128xi32, #tpu.memory_space<vmem>>) dst(%dma_wait3A_1175 : memref<64x128xi32, #tpu.memory_space<hbm>>)
      tpu.yield
    }) : () -> ()
    %dma_start3A_939 = arith.constant 2 : i32
    %dma_start3A_940 = arith.constant 0 : i32
    %dma_start3A_941 = arith.constant 0 : i32
    %dma_start3A_942 = arith.constant 0 : i32
    %dma_start3A_943 = arith.constant 0 : i32
    %dma_start3A_944 = tpu.memref_slice %arg9[%dma_start3A_940, %dma_start3A_942, %dma_start3A_943] : memref<2x64x128xi32, #tpu.memory_space<vmem>> -> memref<1x64x128xi32, #tpu.memory_space<vmem>>
    %dma_start3A_945 = tpu.memref_squeeze %dma_start3A_944 : memref<1x64x128xi32, #tpu.memory_space<vmem>> -> memref<64x128xi32, #tpu.memory_space<vmem>>
    %dma_start3A_946 = arith.constant 0 : i32
    %dma_start3A_947 = tpu.memref_slice %arg7[%dma_start3A_939, %dma_start3A_946] : memref<8x64xi32, #tpu.memory_space<vmem>> -> memref<1x64xi32, #tpu.memory_space<vmem>>
    %dma_start3A_948 = tpu.memref_squeeze %dma_start3A_947 : memref<1x64xi32, #tpu.memory_space<vmem>> -> memref<64xi32, #tpu.memory_space<vmem>>
    %dma_start3A_949 = arith.constant 0 : i32
    %dma_start3A_950 = arith.constant 0 : i32
    %dma_start3A_951 = tpu.memref_slice %arg3[%dma_start3A_949, %dma_start3A_950] : memref<65536x128xi32, #tpu.memory_space<hbm>> -> memref<65536x128xi32, #tpu.memory_space<hbm>>
    %dma_start3A_952 = tpu.memref_slice %arg10[%dma_start3A_941] : memref<2x!tpu.dma_semaphore, #tpu.memory_space<semaphore_mem>> -> memref<1x!tpu.dma_semaphore, #tpu.memory_space<semaphore_mem>>
    %dma_start3A_953 = tpu.memref_squeeze %dma_start3A_952 : memref<1x!tpu.dma_semaphore, #tpu.memory_space<semaphore_mem>> -> memref<!tpu.dma_semaphore, #tpu.memory_space<semaphore_mem>>
    tpu.enqueue_indirect_dma source(%dma_start3A_951 : memref<65536x128xi32, #tpu.memory_space<hbm>>) target(%dma_start3A_945 : memref<64x128xi32, #tpu.memory_space<vmem>>) offsets(%dma_start3A_948 : memref<64xi32, #tpu.memory_space<vmem>>) semaphore(%dma_start3A_953 : memref<!tpu.dma_semaphore, #tpu.memory_space<semaphore_mem>>)
    %dma_wait3A_954 = arith.constant 1 : i32
    %dma_wait3A_955 = arith.constant 1 : i32
    %dma_wait3A_956 = arith.constant 1 : i32
    %dma_wait3A_957 = arith.constant 0 : i32
    %dma_wait3A_958 = arith.constant 0 : i32
    %dma_wait3A_959 = tpu.memref_slice %arg9[%dma_wait3A_955, %dma_wait3A_957, %dma_wait3A_958] : memref<2x64x128xi32, #tpu.memory_space<vmem>> -> memref<1x64x128xi32, #tpu.memory_space<vmem>>
    %dma_wait3A_960 = tpu.memref_squeeze %dma_wait3A_959 : memref<1x64x128xi32, #tpu.memory_space<vmem>> -> memref<64x128xi32, #tpu.memory_space<vmem>>
    %dma_wait3A_961 = arith.constant 0 : i32
    %dma_wait3A_962 = tpu.memref_slice %arg7[%dma_wait3A_954, %dma_wait3A_961] : memref<8x64xi32, #tpu.memory_space<vmem>> -> memref<1x64xi32, #tpu.memory_space<vmem>>
    %dma_wait3A_963 = tpu.memref_squeeze %dma_wait3A_962 : memref<1x64xi32, #tpu.memory_space<vmem>> -> memref<64xi32, #tpu.memory_space<vmem>>
    %dma_wait3A_964 = arith.constant 0 : i32
    %dma_wait3A_965 = arith.constant 0 : i32
    %dma_wait3A_966 = tpu.memref_slice %arg3[%dma_wait3A_964, %dma_wait3A_965] : memref<65536x128xi32, #tpu.memory_space<hbm>> -> memref<65536x128xi32, #tpu.memory_space<hbm>>
    %dma_wait3A_967 = tpu.memref_slice %arg10[%dma_wait3A_956] : memref<2x!tpu.dma_semaphore, #tpu.memory_space<semaphore_mem>> -> memref<1x!tpu.dma_semaphore, #tpu.memory_space<semaphore_mem>>
    %dma_wait3A_968 = tpu.memref_squeeze %dma_wait3A_967 : memref<1x!tpu.dma_semaphore, #tpu.memory_space<semaphore_mem>> -> memref<!tpu.dma_semaphore, #tpu.memory_space<semaphore_mem>>
    tpu.wait_indirect_dma semaphore(%dma_wait3A_968 : memref<!tpu.dma_semaphore, #tpu.memory_space<semaphore_mem>>) src(%dma_wait3A_966 : memref<65536x128xi32, #tpu.memory_space<hbm>>) dst(%dma_wait3A_960 : memref<64x128xi32, #tpu.memory_space<vmem>>)
    %add3A_969 = arith.constant 64 : i32
    %add3A_970 = arith.addi %mul3A_2, %add3A_969 : i32
    %run_scoped3A_971 = arith.constant 1 : i32
    "tpu.region"() ({
      %run_scoped3A_1155 = tpu.sem_alloc : memref<!tpu.dma_semaphore, #tpu.memory_space<semaphore_mem>>
      %dma_start3A_1156 = arith.constant 0 : i32
      %dma_start3A_1157 = arith.constant 0 : i32
      %dma_start3A_1158 = tpu.memref_slice %arg9[%run_scoped3A_971, %dma_start3A_1156, %dma_start3A_1157] : memref<2x64x128xi32, #tpu.memory_space<vmem>> -> memref<1x64x128xi32, #tpu.memory_space<vmem>>
      %dma_start3A_1159 = tpu.memref_squeeze %dma_start3A_1158 : memref<1x64x128xi32, #tpu.memory_space<vmem>> -> memref<64x128xi32, #tpu.memory_space<vmem>>
      %dma_start3A_1160 = arith.constant 0 : i32
      %dma_start3A_1161 = tpu.memref_slice %arg4[%add3A_970, %dma_start3A_1160] : memref<16384x128xi32, #tpu.memory_space<hbm>> -> memref<64x128xi32, #tpu.memory_space<hbm>>
      %dma_start3A_1162 = arith.constant 0 : i32
      %dma_start3A_1163 = tpu.memref_slice %arg4[%add3A_970, %dma_start3A_1162] : memref<16384x128xi32, #tpu.memory_space<hbm>> -> memref<64x128xi32, #tpu.memory_space<hbm>>
      %dma_start3A_1164 = arith.constant 0 : i32
      %dma_start3A_1165 = arith.constant 0 : i32
      %dma_start3A_1166 = tpu.memref_slice %arg9[%run_scoped3A_971, %dma_start3A_1164, %dma_start3A_1165] : memref<2x64x128xi32, #tpu.memory_space<vmem>> -> memref<1x64x128xi32, #tpu.memory_space<vmem>>
      %dma_start3A_1167 = tpu.memref_squeeze %dma_start3A_1166 : memref<1x64x128xi32, #tpu.memory_space<vmem>> -> memref<64x128xi32, #tpu.memory_space<vmem>>
      tpu.enqueue_dma source(%dma_start3A_1167 : memref<64x128xi32, #tpu.memory_space<vmem>>) target(%dma_start3A_1163 : memref<64x128xi32, #tpu.memory_space<hbm>>) target_semaphore(%run_scoped3A_1155 : memref<!tpu.dma_semaphore, #tpu.memory_space<semaphore_mem>>)
      %dma_wait3A_1168 = arith.constant 0 : i32
      %dma_wait3A_1169 = arith.constant 0 : i32
      %dma_wait3A_1170 = tpu.memref_slice %arg9[%run_scoped3A_971, %dma_wait3A_1168, %dma_wait3A_1169] : memref<2x64x128xi32, #tpu.memory_space<vmem>> -> memref<1x64x128xi32, #tpu.memory_space<vmem>>
      %dma_wait3A_1171 = tpu.memref_squeeze %dma_wait3A_1170 : memref<1x64x128xi32, #tpu.memory_space<vmem>> -> memref<64x128xi32, #tpu.memory_space<vmem>>
      %dma_wait3A_1172 = arith.constant 0 : i32
      %dma_wait3A_1173 = tpu.memref_slice %arg4[%add3A_970, %dma_wait3A_1172] : memref<16384x128xi32, #tpu.memory_space<hbm>> -> memref<64x128xi32, #tpu.memory_space<hbm>>
      %dma_wait3A_1174 = arith.constant 0 : i32
      %dma_wait3A_1175 = tpu.memref_slice %arg4[%add3A_970, %dma_wait3A_1174] : memref<16384x128xi32, #tpu.memory_space<hbm>> -> memref<64x128xi32, #tpu.memory_space<hbm>>
      %dma_wait3A_1176 = arith.constant 0 : i32
      %dma_wait3A_1177 = arith.constant 0 : i32
      %dma_wait3A_1178 = tpu.memref_slice %arg9[%run_scoped3A_971, %dma_wait3A_1176, %dma_wait3A_1177] : memref<2x64x128xi32, #tpu.memory_space<vmem>> -> memref<1x64x128xi32, #tpu.memory_space<vmem>>
      %dma_wait3A_1179 = tpu.memref_squeeze %dma_wait3A_1178 : memref<1x64x128xi32, #tpu.memory_space<vmem>> -> memref<64x128xi32, #tpu.memory_space<vmem>>
      tpu.wait_dma2 semaphore(%run_scoped3A_1155 : memref<!tpu.dma_semaphore, #tpu.memory_space<semaphore_mem>>) src(%dma_wait3A_1179 : memref<64x128xi32, #tpu.memory_space<vmem>>) dst(%dma_wait3A_1175 : memref<64x128xi32, #tpu.memory_space<hbm>>)
      tpu.yield
    }) : () -> ()
    %dma_start3A_972 = arith.constant 3 : i32
    %dma_start3A_973 = arith.constant 1 : i32
    %dma_start3A_974 = arith.constant 1 : i32
    %dma_start3A_975 = arith.constant 0 : i32
    %dma_start3A_976 = arith.constant 0 : i32
    %dma_start3A_977 = tpu.memref_slice %arg9[%dma_start3A_973, %dma_start3A_975, %dma_start3A_976] : memref<2x64x128xi32, #tpu.memory_space<vmem>> -> memref<1x64x128xi32, #tpu.memory_space<vmem>>
    %dma_start3A_978 = tpu.memref_squeeze %dma_start3A_977 : memref<1x64x128xi32, #tpu.memory_space<vmem>> -> memref<64x128xi32, #tpu.memory_space<vmem>>
    %dma_start3A_979 = arith.constant 0 : i32
    %dma_start3A_980 = tpu.memref_slice %arg7[%dma_start3A_972, %dma_start3A_979] : memref<8x64xi32, #tpu.memory_space<vmem>> -> memref<1x64xi32, #tpu.memory_space<vmem>>
    %dma_start3A_981 = tpu.memref_squeeze %dma_start3A_980 : memref<1x64xi32, #tpu.memory_space<vmem>> -> memref<64xi32, #tpu.memory_space<vmem>>
    %dma_start3A_982 = arith.constant 0 : i32
    %dma_start3A_983 = arith.constant 0 : i32
    %dma_start3A_984 = tpu.memref_slice %arg3[%dma_start3A_982, %dma_start3A_983] : memref<65536x128xi32, #tpu.memory_space<hbm>> -> memref<65536x128xi32, #tpu.memory_space<hbm>>
    %dma_start3A_985 = tpu.memref_slice %arg10[%dma_start3A_974] : memref<2x!tpu.dma_semaphore, #tpu.memory_space<semaphore_mem>> -> memref<1x!tpu.dma_semaphore, #tpu.memory_space<semaphore_mem>>
    %dma_start3A_986 = tpu.memref_squeeze %dma_start3A_985 : memref<1x!tpu.dma_semaphore, #tpu.memory_space<semaphore_mem>> -> memref<!tpu.dma_semaphore, #tpu.memory_space<semaphore_mem>>
    tpu.enqueue_indirect_dma source(%dma_start3A_984 : memref<65536x128xi32, #tpu.memory_space<hbm>>) target(%dma_start3A_978 : memref<64x128xi32, #tpu.memory_space<vmem>>) offsets(%dma_start3A_981 : memref<64xi32, #tpu.memory_space<vmem>>) semaphore(%dma_start3A_986 : memref<!tpu.dma_semaphore, #tpu.memory_space<semaphore_mem>>)
    %dma_wait3A_987 = arith.constant 2 : i32
    %dma_wait3A_988 = arith.constant 0 : i32
    %dma_wait3A_989 = arith.constant 0 : i32
    %dma_wait3A_990 = arith.constant 0 : i32
    %dma_wait3A_991 = arith.constant 0 : i32
    %dma_wait3A_992 = tpu.memref_slice %arg9[%dma_wait3A_988, %dma_wait3A_990, %dma_wait3A_991] : memref<2x64x128xi32, #tpu.memory_space<vmem>> -> memref<1x64x128xi32, #tpu.memory_space<vmem>>
    %dma_wait3A_993 = tpu.memref_squeeze %dma_wait3A_992 : memref<1x64x128xi32, #tpu.memory_space<vmem>> -> memref<64x128xi32, #tpu.memory_space<vmem>>
    %dma_wait3A_994 = arith.constant 0 : i32
    %dma_wait3A_995 = tpu.memref_slice %arg7[%dma_wait3A_987, %dma_wait3A_994] : memref<8x64xi32, #tpu.memory_space<vmem>> -> memref<1x64xi32, #tpu.memory_space<vmem>>
    %dma_wait3A_996 = tpu.memref_squeeze %dma_wait3A_995 : memref<1x64xi32, #tpu.memory_space<vmem>> -> memref<64xi32, #tpu.memory_space<vmem>>
    %dma_wait3A_997 = arith.constant 0 : i32
    %dma_wait3A_998 = arith.constant 0 : i32
    %dma_wait3A_999 = tpu.memref_slice %arg3[%dma_wait3A_997, %dma_wait3A_998] : memref<65536x128xi32, #tpu.memory_space<hbm>> -> memref<65536x128xi32, #tpu.memory_space<hbm>>
    %dma_wait3A_1000 = tpu.memref_slice %arg10[%dma_wait3A_989] : memref<2x!tpu.dma_semaphore, #tpu.memory_space<semaphore_mem>> -> memref<1x!tpu.dma_semaphore, #tpu.memory_space<semaphore_mem>>
    %dma_wait3A_1001 = tpu.memref_squeeze %dma_wait3A_1000 : memref<1x!tpu.dma_semaphore, #tpu.memory_space<semaphore_mem>> -> memref<!tpu.dma_semaphore, #tpu.memory_space<semaphore_mem>>
    tpu.wait_indirect_dma semaphore(%dma_wait3A_1001 : memref<!tpu.dma_semaphore, #tpu.memory_space<semaphore_mem>>) src(%dma_wait3A_999 : memref<65536x128xi32, #tpu.memory_space<hbm>>) dst(%dma_wait3A_993 : memref<64x128xi32, #tpu.memory_space<vmem>>)
    %add3A_1002 = arith.constant 128 : i32
    %add3A_1003 = arith.addi %mul3A_2, %add3A_1002 : i32
    %run_scoped3A_1004 = arith.constant 0 : i32
    "tpu.region"() ({
      %run_scoped3A_1155 = tpu.sem_alloc : memref<!tpu.dma_semaphore, #tpu.memory_space<semaphore_mem>>
      %dma_start3A_1156 = arith.constant 0 : i32
      %dma_start3A_1157 = arith.constant 0 : i32
      %dma_start3A_1158 = tpu.memref_slice %arg9[%run_scoped3A_1004, %dma_start3A_1156, %dma_start3A_1157] : memref<2x64x128xi32, #tpu.memory_space<vmem>> -> memref<1x64x128xi32, #tpu.memory_space<vmem>>
      %dma_start3A_1159 = tpu.memref_squeeze %dma_start3A_1158 : memref<1x64x128xi32, #tpu.memory_space<vmem>> -> memref<64x128xi32, #tpu.memory_space<vmem>>
      %dma_start3A_1160 = arith.constant 0 : i32
      %dma_start3A_1161 = tpu.memref_slice %arg4[%add3A_1003, %dma_start3A_1160] : memref<16384x128xi32, #tpu.memory_space<hbm>> -> memref<64x128xi32, #tpu.memory_space<hbm>>
      %dma_start3A_1162 = arith.constant 0 : i32
      %dma_start3A_1163 = tpu.memref_slice %arg4[%add3A_1003, %dma_start3A_1162] : memref<16384x128xi32, #tpu.memory_space<hbm>> -> memref<64x128xi32, #tpu.memory_space<hbm>>
      %dma_start3A_1164 = arith.constant 0 : i32
      %dma_start3A_1165 = arith.constant 0 : i32
      %dma_start3A_1166 = tpu.memref_slice %arg9[%run_scoped3A_1004, %dma_start3A_1164, %dma_start3A_1165] : memref<2x64x128xi32, #tpu.memory_space<vmem>> -> memref<1x64x128xi32, #tpu.memory_space<vmem>>
      %dma_start3A_1167 = tpu.memref_squeeze %dma_start3A_1166 : memref<1x64x128xi32, #tpu.memory_space<vmem>> -> memref<64x128xi32, #tpu.memory_space<vmem>>
      tpu.enqueue_dma source(%dma_start3A_1167 : memref<64x128xi32, #tpu.memory_space<vmem>>) target(%dma_start3A_1163 : memref<64x128xi32, #tpu.memory_space<hbm>>) target_semaphore(%run_scoped3A_1155 : memref<!tpu.dma_semaphore, #tpu.memory_space<semaphore_mem>>)
      %dma_wait3A_1168 = arith.constant 0 : i32
      %dma_wait3A_1169 = arith.constant 0 : i32
      %dma_wait3A_1170 = tpu.memref_slice %arg9[%run_scoped3A_1004, %dma_wait3A_1168, %dma_wait3A_1169] : memref<2x64x128xi32, #tpu.memory_space<vmem>> -> memref<1x64x128xi32, #tpu.memory_space<vmem>>
      %dma_wait3A_1171 = tpu.memref_squeeze %dma_wait3A_1170 : memref<1x64x128xi32, #tpu.memory_space<vmem>> -> memref<64x128xi32, #tpu.memory_space<vmem>>
      %dma_wait3A_1172 = arith.constant 0 : i32
      %dma_wait3A_1173 = tpu.memref_slice %arg4[%add3A_1003, %dma_wait3A_1172] : memref<16384x128xi32, #tpu.memory_space<hbm>> -> memref<64x128xi32, #tpu.memory_space<hbm>>
      %dma_wait3A_1174 = arith.constant 0 : i32
      %dma_wait3A_1175 = tpu.memref_slice %arg4[%add3A_1003, %dma_wait3A_1174] : memref<16384x128xi32, #tpu.memory_space<hbm>> -> memref<64x128xi32, #tpu.memory_space<hbm>>
      %dma_wait3A_1176 = arith.constant 0 : i32
      %dma_wait3A_1177 = arith.constant 0 : i32
      %dma_wait3A_1178 = tpu.memref_slice %arg9[%run_scoped3A_1004, %dma_wait3A_1176, %dma_wait3A_1177] : memref<2x64x128xi32, #tpu.memory_space<vmem>> -> memref<1x64x128xi32, #tpu.memory_space<vmem>>
      %dma_wait3A_1179 = tpu.memref_squeeze %dma_wait3A_1178 : memref<1x64x128xi32, #tpu.memory_space<vmem>> -> memref<64x128xi32, #tpu.memory_space<vmem>>
      tpu.wait_dma2 semaphore(%run_scoped3A_1155 : memref<!tpu.dma_semaphore, #tpu.memory_space<semaphore_mem>>) src(%dma_wait3A_1179 : memref<64x128xi32, #tpu.memory_space<vmem>>) dst(%dma_wait3A_1175 : memref<64x128xi32, #tpu.memory_space<hbm>>)
      tpu.yield
    }) : () -> ()
    %dma_start3A_1005 = arith.constant 4 : i32
    %dma_start3A_1006 = arith.constant 0 : i32
    %dma_start3A_1007 = arith.constant 0 : i32
    %dma_start3A_1008 = arith.constant 0 : i32
    %dma_start3A_1009 = arith.constant 0 : i32
    %dma_start3A_1010 = tpu.memref_slice %arg9[%dma_start3A_1006, %dma_start3A_1008, %dma_start3A_1009] : memref<2x64x128xi32, #tpu.memory_space<vmem>> -> memref<1x64x128xi32, #tpu.memory_space<vmem>>
    %dma_start3A_1011 = tpu.memref_squeeze %dma_start3A_1010 : memref<1x64x128xi32, #tpu.memory_space<vmem>> -> memref<64x128xi32, #tpu.memory_space<vmem>>
    %dma_start3A_1012 = arith.constant 0 : i32
    %dma_start3A_1013 = tpu.memref_slice %arg7[%dma_start3A_1005, %dma_start3A_1012] : memref<8x64xi32, #tpu.memory_space<vmem>> -> memref<1x64xi32, #tpu.memory_space<vmem>>
    %dma_start3A_1014 = tpu.memref_squeeze %dma_start3A_1013 : memref<1x64xi32, #tpu.memory_space<vmem>> -> memref<64xi32, #tpu.memory_space<vmem>>
    %dma_start3A_1015 = arith.constant 0 : i32
    %dma_start3A_1016 = arith.constant 0 : i32
    %dma_start3A_1017 = tpu.memref_slice %arg3[%dma_start3A_1015, %dma_start3A_1016] : memref<65536x128xi32, #tpu.memory_space<hbm>> -> memref<65536x128xi32, #tpu.memory_space<hbm>>
    %dma_start3A_1018 = tpu.memref_slice %arg10[%dma_start3A_1007] : memref<2x!tpu.dma_semaphore, #tpu.memory_space<semaphore_mem>> -> memref<1x!tpu.dma_semaphore, #tpu.memory_space<semaphore_mem>>
    %dma_start3A_1019 = tpu.memref_squeeze %dma_start3A_1018 : memref<1x!tpu.dma_semaphore, #tpu.memory_space<semaphore_mem>> -> memref<!tpu.dma_semaphore, #tpu.memory_space<semaphore_mem>>
    tpu.enqueue_indirect_dma source(%dma_start3A_1017 : memref<65536x128xi32, #tpu.memory_space<hbm>>) target(%dma_start3A_1011 : memref<64x128xi32, #tpu.memory_space<vmem>>) offsets(%dma_start3A_1014 : memref<64xi32, #tpu.memory_space<vmem>>) semaphore(%dma_start3A_1019 : memref<!tpu.dma_semaphore, #tpu.memory_space<semaphore_mem>>)
    %dma_wait3A_1020 = arith.constant 3 : i32
    %dma_wait3A_1021 = arith.constant 1 : i32
    %dma_wait3A_1022 = arith.constant 1 : i32
    %dma_wait3A_1023 = arith.constant 0 : i32
    %dma_wait3A_1024 = arith.constant 0 : i32
    %dma_wait3A_1025 = tpu.memref_slice %arg9[%dma_wait3A_1021, %dma_wait3A_1023, %dma_wait3A_1024] : memref<2x64x128xi32, #tpu.memory_space<vmem>> -> memref<1x64x128xi32, #tpu.memory_space<vmem>>
    %dma_wait3A_1026 = tpu.memref_squeeze %dma_wait3A_1025 : memref<1x64x128xi32, #tpu.memory_space<vmem>> -> memref<64x128xi32, #tpu.memory_space<vmem>>
    %dma_wait3A_1027 = arith.constant 0 : i32
    %dma_wait3A_1028 = tpu.memref_slice %arg7[%dma_wait3A_1020, %dma_wait3A_1027] : memref<8x64xi32, #tpu.memory_space<vmem>> -> memref<1x64xi32, #tpu.memory_space<vmem>>
    %dma_wait3A_1029 = tpu.memref_squeeze %dma_wait3A_1028 : memref<1x64xi32, #tpu.memory_space<vmem>> -> memref<64xi32, #tpu.memory_space<vmem>>
    %dma_wait3A_1030 = arith.constant 0 : i32
    %dma_wait3A_1031 = arith.constant 0 : i32
    %dma_wait3A_1032 = tpu.memref_slice %arg3[%dma_wait3A_1030, %dma_wait3A_1031] : memref<65536x128xi32, #tpu.memory_space<hbm>> -> memref<65536x128xi32, #tpu.memory_space<hbm>>
    %dma_wait3A_1033 = tpu.memref_slice %arg10[%dma_wait3A_1022] : memref<2x!tpu.dma_semaphore, #tpu.memory_space<semaphore_mem>> -> memref<1x!tpu.dma_semaphore, #tpu.memory_space<semaphore_mem>>
    %dma_wait3A_1034 = tpu.memref_squeeze %dma_wait3A_1033 : memref<1x!tpu.dma_semaphore, #tpu.memory_space<semaphore_mem>> -> memref<!tpu.dma_semaphore, #tpu.memory_space<semaphore_mem>>
    tpu.wait_indirect_dma semaphore(%dma_wait3A_1034 : memref<!tpu.dma_semaphore, #tpu.memory_space<semaphore_mem>>) src(%dma_wait3A_1032 : memref<65536x128xi32, #tpu.memory_space<hbm>>) dst(%dma_wait3A_1026 : memref<64x128xi32, #tpu.memory_space<vmem>>)
    %add3A_1035 = arith.constant 192 : i32
    %add3A_1036 = arith.addi %mul3A_2, %add3A_1035 : i32
    %run_scoped3A_1037 = arith.constant 1 : i32
    "tpu.region"() ({
      %run_scoped3A_1155 = tpu.sem_alloc : memref<!tpu.dma_semaphore, #tpu.memory_space<semaphore_mem>>
      %dma_start3A_1156 = arith.constant 0 : i32
      %dma_start3A_1157 = arith.constant 0 : i32
      %dma_start3A_1158 = tpu.memref_slice %arg9[%run_scoped3A_1037, %dma_start3A_1156, %dma_start3A_1157] : memref<2x64x128xi32, #tpu.memory_space<vmem>> -> memref<1x64x128xi32, #tpu.memory_space<vmem>>
      %dma_start3A_1159 = tpu.memref_squeeze %dma_start3A_1158 : memref<1x64x128xi32, #tpu.memory_space<vmem>> -> memref<64x128xi32, #tpu.memory_space<vmem>>
      %dma_start3A_1160 = arith.constant 0 : i32
      %dma_start3A_1161 = tpu.memref_slice %arg4[%add3A_1036, %dma_start3A_1160] : memref<16384x128xi32, #tpu.memory_space<hbm>> -> memref<64x128xi32, #tpu.memory_space<hbm>>
      %dma_start3A_1162 = arith.constant 0 : i32
      %dma_start3A_1163 = tpu.memref_slice %arg4[%add3A_1036, %dma_start3A_1162] : memref<16384x128xi32, #tpu.memory_space<hbm>> -> memref<64x128xi32, #tpu.memory_space<hbm>>
      %dma_start3A_1164 = arith.constant 0 : i32
      %dma_start3A_1165 = arith.constant 0 : i32
      %dma_start3A_1166 = tpu.memref_slice %arg9[%run_scoped3A_1037, %dma_start3A_1164, %dma_start3A_1165] : memref<2x64x128xi32, #tpu.memory_space<vmem>> -> memref<1x64x128xi32, #tpu.memory_space<vmem>>
      %dma_start3A_1167 = tpu.memref_squeeze %dma_start3A_1166 : memref<1x64x128xi32, #tpu.memory_space<vmem>> -> memref<64x128xi32, #tpu.memory_space<vmem>>
      tpu.enqueue_dma source(%dma_start3A_1167 : memref<64x128xi32, #tpu.memory_space<vmem>>) target(%dma_start3A_1163 : memref<64x128xi32, #tpu.memory_space<hbm>>) target_semaphore(%run_scoped3A_1155 : memref<!tpu.dma_semaphore, #tpu.memory_space<semaphore_mem>>)
      %dma_wait3A_1168 = arith.constant 0 : i32
      %dma_wait3A_1169 = arith.constant 0 : i32
      %dma_wait3A_1170 = tpu.memref_slice %arg9[%run_scoped3A_1037, %dma_wait3A_1168, %dma_wait3A_1169] : memref<2x64x128xi32, #tpu.memory_space<vmem>> -> memref<1x64x128xi32, #tpu.memory_space<vmem>>
      %dma_wait3A_1171 = tpu.memref_squeeze %dma_wait3A_1170 : memref<1x64x128xi32, #tpu.memory_space<vmem>> -> memref<64x128xi32, #tpu.memory_space<vmem>>
      %dma_wait3A_1172 = arith.constant 0 : i32
      %dma_wait3A_1173 = tpu.memref_slice %arg4[%add3A_1036, %dma_wait3A_1172] : memref<16384x128xi32, #tpu.memory_space<hbm>> -> memref<64x128xi32, #tpu.memory_space<hbm>>
      %dma_wait3A_1174 = arith.constant 0 : i32
      %dma_wait3A_1175 = tpu.memref_slice %arg4[%add3A_1036, %dma_wait3A_1174] : memref<16384x128xi32, #tpu.memory_space<hbm>> -> memref<64x128xi32, #tpu.memory_space<hbm>>
      %dma_wait3A_1176 = arith.constant 0 : i32
      %dma_wait3A_1177 = arith.constant 0 : i32
      %dma_wait3A_1178 = tpu.memref_slice %arg9[%run_scoped3A_1037, %dma_wait3A_1176, %dma_wait3A_1177] : memref<2x64x128xi32, #tpu.memory_space<vmem>> -> memref<1x64x128xi32, #tpu.memory_space<vmem>>
      %dma_wait3A_1179 = tpu.memref_squeeze %dma_wait3A_1178 : memref<1x64x128xi32, #tpu.memory_space<vmem>> -> memref<64x128xi32, #tpu.memory_space<vmem>>
      tpu.wait_dma2 semaphore(%run_scoped3A_1155 : memref<!tpu.dma_semaphore, #tpu.memory_space<semaphore_mem>>) src(%dma_wait3A_1179 : memref<64x128xi32, #tpu.memory_space<vmem>>) dst(%dma_wait3A_1175 : memref<64x128xi32, #tpu.memory_space<hbm>>)
      tpu.yield
    }) : () -> ()
    %dma_start3A_1038 = arith.constant 5 : i32
    %dma_start3A_1039 = arith.constant 1 : i32
    %dma_start3A_1040 = arith.constant 1 : i32
    %dma_start3A_1041 = arith.constant 0 : i32
    %dma_start3A_1042 = arith.constant 0 : i32
    %dma_start3A_1043 = tpu.memref_slice %arg9[%dma_start3A_1039, %dma_start3A_1041, %dma_start3A_1042] : memref<2x64x128xi32, #tpu.memory_space<vmem>> -> memref<1x64x128xi32, #tpu.memory_space<vmem>>
    %dma_start3A_1044 = tpu.memref_squeeze %dma_start3A_1043 : memref<1x64x128xi32, #tpu.memory_space<vmem>> -> memref<64x128xi32, #tpu.memory_space<vmem>>
    %dma_start3A_1045 = arith.constant 0 : i32
    %dma_start3A_1046 = tpu.memref_slice %arg7[%dma_start3A_1038, %dma_start3A_1045] : memref<8x64xi32, #tpu.memory_space<vmem>> -> memref<1x64xi32, #tpu.memory_space<vmem>>
    %dma_start3A_1047 = tpu.memref_squeeze %dma_start3A_1046 : memref<1x64xi32, #tpu.memory_space<vmem>> -> memref<64xi32, #tpu.memory_space<vmem>>
    %dma_start3A_1048 = arith.constant 0 : i32
    %dma_start3A_1049 = arith.constant 0 : i32
    %dma_start3A_1050 = tpu.memref_slice %arg3[%dma_start3A_1048, %dma_start3A_1049] : memref<65536x128xi32, #tpu.memory_space<hbm>> -> memref<65536x128xi32, #tpu.memory_space<hbm>>
    %dma_start3A_1051 = tpu.memref_slice %arg10[%dma_start3A_1040] : memref<2x!tpu.dma_semaphore, #tpu.memory_space<semaphore_mem>> -> memref<1x!tpu.dma_semaphore, #tpu.memory_space<semaphore_mem>>
    %dma_start3A_1052 = tpu.memref_squeeze %dma_start3A_1051 : memref<1x!tpu.dma_semaphore, #tpu.memory_space<semaphore_mem>> -> memref<!tpu.dma_semaphore, #tpu.memory_space<semaphore_mem>>
    tpu.enqueue_indirect_dma source(%dma_start3A_1050 : memref<65536x128xi32, #tpu.memory_space<hbm>>) target(%dma_start3A_1044 : memref<64x128xi32, #tpu.memory_space<vmem>>) offsets(%dma_start3A_1047 : memref<64xi32, #tpu.memory_space<vmem>>) semaphore(%dma_start3A_1052 : memref<!tpu.dma_semaphore, #tpu.memory_space<semaphore_mem>>)
    %dma_wait3A_1053 = arith.constant 4 : i32
    %dma_wait3A_1054 = arith.constant 0 : i32
    %dma_wait3A_1055 = arith.constant 0 : i32
    %dma_wait3A_1056 = arith.constant 0 : i32
    %dma_wait3A_1057 = arith.constant 0 : i32
    %dma_wait3A_1058 = tpu.memref_slice %arg9[%dma_wait3A_1054, %dma_wait3A_1056, %dma_wait3A_1057] : memref<2x64x128xi32, #tpu.memory_space<vmem>> -> memref<1x64x128xi32, #tpu.memory_space<vmem>>
    %dma_wait3A_1059 = tpu.memref_squeeze %dma_wait3A_1058 : memref<1x64x128xi32, #tpu.memory_space<vmem>> -> memref<64x128xi32, #tpu.memory_space<vmem>>
    %dma_wait3A_1060 = arith.constant 0 : i32
    %dma_wait3A_1061 = tpu.memref_slice %arg7[%dma_wait3A_1053, %dma_wait3A_1060] : memref<8x64xi32, #tpu.memory_space<vmem>> -> memref<1x64xi32, #tpu.memory_space<vmem>>
    %dma_wait3A_1062 = tpu.memref_squeeze %dma_wait3A_1061 : memref<1x64xi32, #tpu.memory_space<vmem>> -> memref<64xi32, #tpu.memory_space<vmem>>
    %dma_wait3A_1063 = arith.constant 0 : i32
    %dma_wait3A_1064 = arith.constant 0 : i32
    %dma_wait3A_1065 = tpu.memref_slice %arg3[%dma_wait3A_1063, %dma_wait3A_1064] : memref<65536x128xi32, #tpu.memory_space<hbm>> -> memref<65536x128xi32, #tpu.memory_space<hbm>>
    %dma_wait3A_1066 = tpu.memref_slice %arg10[%dma_wait3A_1055] : memref<2x!tpu.dma_semaphore, #tpu.memory_space<semaphore_mem>> -> memref<1x!tpu.dma_semaphore, #tpu.memory_space<semaphore_mem>>
    %dma_wait3A_1067 = tpu.memref_squeeze %dma_wait3A_1066 : memref<1x!tpu.dma_semaphore, #tpu.memory_space<semaphore_mem>> -> memref<!tpu.dma_semaphore, #tpu.memory_space<semaphore_mem>>
    tpu.wait_indirect_dma semaphore(%dma_wait3A_1067 : memref<!tpu.dma_semaphore, #tpu.memory_space<semaphore_mem>>) src(%dma_wait3A_1065 : memref<65536x128xi32, #tpu.memory_space<hbm>>) dst(%dma_wait3A_1059 : memref<64x128xi32, #tpu.memory_space<vmem>>)
    %add3A_1068 = arith.constant 256 : i32
    %add3A_1069 = arith.addi %mul3A_2, %add3A_1068 : i32
    %run_scoped3A_1070 = arith.constant 0 : i32
    "tpu.region"() ({
      %run_scoped3A_1155 = tpu.sem_alloc : memref<!tpu.dma_semaphore, #tpu.memory_space<semaphore_mem>>
      %dma_start3A_1156 = arith.constant 0 : i32
      %dma_start3A_1157 = arith.constant 0 : i32
      %dma_start3A_1158 = tpu.memref_slice %arg9[%run_scoped3A_1070, %dma_start3A_1156, %dma_start3A_1157] : memref<2x64x128xi32, #tpu.memory_space<vmem>> -> memref<1x64x128xi32, #tpu.memory_space<vmem>>
      %dma_start3A_1159 = tpu.memref_squeeze %dma_start3A_1158 : memref<1x64x128xi32, #tpu.memory_space<vmem>> -> memref<64x128xi32, #tpu.memory_space<vmem>>
      %dma_start3A_1160 = arith.constant 0 : i32
      %dma_start3A_1161 = tpu.memref_slice %arg4[%add3A_1069, %dma_start3A_1160] : memref<16384x128xi32, #tpu.memory_space<hbm>> -> memref<64x128xi32, #tpu.memory_space<hbm>>
      %dma_start3A_1162 = arith.constant 0 : i32
      %dma_start3A_1163 = tpu.memref_slice %arg4[%add3A_1069, %dma_start3A_1162] : memref<16384x128xi32, #tpu.memory_space<hbm>> -> memref<64x128xi32, #tpu.memory_space<hbm>>
      %dma_start3A_1164 = arith.constant 0 : i32
      %dma_start3A_1165 = arith.constant 0 : i32
      %dma_start3A_1166 = tpu.memref_slice %arg9[%run_scoped3A_1070, %dma_start3A_1164, %dma_start3A_1165] : memref<2x64x128xi32, #tpu.memory_space<vmem>> -> memref<1x64x128xi32, #tpu.memory_space<vmem>>
      %dma_start3A_1167 = tpu.memref_squeeze %dma_start3A_1166 : memref<1x64x128xi32, #tpu.memory_space<vmem>> -> memref<64x128xi32, #tpu.memory_space<vmem>>
      tpu.enqueue_dma source(%dma_start3A_1167 : memref<64x128xi32, #tpu.memory_space<vmem>>) target(%dma_start3A_1163 : memref<64x128xi32, #tpu.memory_space<hbm>>) target_semaphore(%run_scoped3A_1155 : memref<!tpu.dma_semaphore, #tpu.memory_space<semaphore_mem>>)
      %dma_wait3A_1168 = arith.constant 0 : i32
      %dma_wait3A_1169 = arith.constant 0 : i32
      %dma_wait3A_1170 = tpu.memref_slice %arg9[%run_scoped3A_1070, %dma_wait3A_1168, %dma_wait3A_1169] : memref<2x64x128xi32, #tpu.memory_space<vmem>> -> memref<1x64x128xi32, #tpu.memory_space<vmem>>
      %dma_wait3A_1171 = tpu.memref_squeeze %dma_wait3A_1170 : memref<1x64x128xi32, #tpu.memory_space<vmem>> -> memref<64x128xi32, #tpu.memory_space<vmem>>
      %dma_wait3A_1172 = arith.constant 0 : i32
      %dma_wait3A_1173 = tpu.memref_slice %arg4[%add3A_1069, %dma_wait3A_1172] : memref<16384x128xi32, #tpu.memory_space<hbm>> -> memref<64x128xi32, #tpu.memory_space<hbm>>
      %dma_wait3A_1174 = arith.constant 0 : i32
      %dma_wait3A_1175 = tpu.memref_slice %arg4[%add3A_1069, %dma_wait3A_1174] : memref<16384x128xi32, #tpu.memory_space<hbm>> -> memref<64x128xi32, #tpu.memory_space<hbm>>
      %dma_wait3A_1176 = arith.constant 0 : i32
      %dma_wait3A_1177 = arith.constant 0 : i32
      %dma_wait3A_1178 = tpu.memref_slice %arg9[%run_scoped3A_1070, %dma_wait3A_1176, %dma_wait3A_1177] : memref<2x64x128xi32, #tpu.memory_space<vmem>> -> memref<1x64x128xi32, #tpu.memory_space<vmem>>
      %dma_wait3A_1179 = tpu.memref_squeeze %dma_wait3A_1178 : memref<1x64x128xi32, #tpu.memory_space<vmem>> -> memref<64x128xi32, #tpu.memory_space<vmem>>
      tpu.wait_dma2 semaphore(%run_scoped3A_1155 : memref<!tpu.dma_semaphore, #tpu.memory_space<semaphore_mem>>) src(%dma_wait3A_1179 : memref<64x128xi32, #tpu.memory_space<vmem>>) dst(%dma_wait3A_1175 : memref<64x128xi32, #tpu.memory_space<hbm>>)
      tpu.yield
    }) : () -> ()
    %dma_start3A_1071 = arith.constant 6 : i32
    %dma_start3A_1072 = arith.constant 0 : i32
    %dma_start3A_1073 = arith.constant 0 : i32
    %dma_start3A_1074 = arith.constant 0 : i32
    %dma_start3A_1075 = arith.constant 0 : i32
    %dma_start3A_1076 = tpu.memref_slice %arg9[%dma_start3A_1072, %dma_start3A_1074, %dma_start3A_1075] : memref<2x64x128xi32, #tpu.memory_space<vmem>> -> memref<1x64x128xi32, #tpu.memory_space<vmem>>
    %dma_start3A_1077 = tpu.memref_squeeze %dma_start3A_1076 : memref<1x64x128xi32, #tpu.memory_space<vmem>> -> memref<64x128xi32, #tpu.memory_space<vmem>>
    %dma_start3A_1078 = arith.constant 0 : i32
    %dma_start3A_1079 = tpu.memref_slice %arg7[%dma_start3A_1071, %dma_start3A_1078] : memref<8x64xi32, #tpu.memory_space<vmem>> -> memref<1x64xi32, #tpu.memory_space<vmem>>
    %dma_start3A_1080 = tpu.memref_squeeze %dma_start3A_1079 : memref<1x64xi32, #tpu.memory_space<vmem>> -> memref<64xi32, #tpu.memory_space<vmem>>
    %dma_start3A_1081 = arith.constant 0 : i32
    %dma_start3A_1082 = arith.constant 0 : i32
    %dma_start3A_1083 = tpu.memref_slice %arg3[%dma_start3A_1081, %dma_start3A_1082] : memref<65536x128xi32, #tpu.memory_space<hbm>> -> memref<65536x128xi32, #tpu.memory_space<hbm>>
    %dma_start3A_1084 = tpu.memref_slice %arg10[%dma_start3A_1073] : memref<2x!tpu.dma_semaphore, #tpu.memory_space<semaphore_mem>> -> memref<1x!tpu.dma_semaphore, #tpu.memory_space<semaphore_mem>>
    %dma_start3A_1085 = tpu.memref_squeeze %dma_start3A_1084 : memref<1x!tpu.dma_semaphore, #tpu.memory_space<semaphore_mem>> -> memref<!tpu.dma_semaphore, #tpu.memory_space<semaphore_mem>>
    tpu.enqueue_indirect_dma source(%dma_start3A_1083 : memref<65536x128xi32, #tpu.memory_space<hbm>>) target(%dma_start3A_1077 : memref<64x128xi32, #tpu.memory_space<vmem>>) offsets(%dma_start3A_1080 : memref<64xi32, #tpu.memory_space<vmem>>) semaphore(%dma_start3A_1085 : memref<!tpu.dma_semaphore, #tpu.memory_space<semaphore_mem>>)
    %dma_wait3A_1086 = arith.constant 5 : i32
    %dma_wait3A_1087 = arith.constant 1 : i32
    %dma_wait3A_1088 = arith.constant 1 : i32
    %dma_wait3A_1089 = arith.constant 0 : i32
    %dma_wait3A_1090 = arith.constant 0 : i32
    %dma_wait3A_1091 = tpu.memref_slice %arg9[%dma_wait3A_1087, %dma_wait3A_1089, %dma_wait3A_1090] : memref<2x64x128xi32, #tpu.memory_space<vmem>> -> memref<1x64x128xi32, #tpu.memory_space<vmem>>
    %dma_wait3A_1092 = tpu.memref_squeeze %dma_wait3A_1091 : memref<1x64x128xi32, #tpu.memory_space<vmem>> -> memref<64x128xi32, #tpu.memory_space<vmem>>
    %dma_wait3A_1093 = arith.constant 0 : i32
    %dma_wait3A_1094 = tpu.memref_slice %arg7[%dma_wait3A_1086, %dma_wait3A_1093] : memref<8x64xi32, #tpu.memory_space<vmem>> -> memref<1x64xi32, #tpu.memory_space<vmem>>
    %dma_wait3A_1095 = tpu.memref_squeeze %dma_wait3A_1094 : memref<1x64xi32, #tpu.memory_space<vmem>> -> memref<64xi32, #tpu.memory_space<vmem>>
    %dma_wait3A_1096 = arith.constant 0 : i32
    %dma_wait3A_1097 = arith.constant 0 : i32
    %dma_wait3A_1098 = tpu.memref_slice %arg3[%dma_wait3A_1096, %dma_wait3A_1097] : memref<65536x128xi32, #tpu.memory_space<hbm>> -> memref<65536x128xi32, #tpu.memory_space<hbm>>
    %dma_wait3A_1099 = tpu.memref_slice %arg10[%dma_wait3A_1088] : memref<2x!tpu.dma_semaphore, #tpu.memory_space<semaphore_mem>> -> memref<1x!tpu.dma_semaphore, #tpu.memory_space<semaphore_mem>>
    %dma_wait3A_1100 = tpu.memref_squeeze %dma_wait3A_1099 : memref<1x!tpu.dma_semaphore, #tpu.memory_space<semaphore_mem>> -> memref<!tpu.dma_semaphore, #tpu.memory_space<semaphore_mem>>
    tpu.wait_indirect_dma semaphore(%dma_wait3A_1100 : memref<!tpu.dma_semaphore, #tpu.memory_space<semaphore_mem>>) src(%dma_wait3A_1098 : memref<65536x128xi32, #tpu.memory_space<hbm>>) dst(%dma_wait3A_1092 : memref<64x128xi32, #tpu.memory_space<vmem>>)
    %add3A_1101 = arith.constant 320 : i32
    %add3A_1102 = arith.addi %mul3A_2, %add3A_1101 : i32
    %run_scoped3A_1103 = arith.constant 1 : i32
    "tpu.region"() ({
      %run_scoped3A_1155 = tpu.sem_alloc : memref<!tpu.dma_semaphore, #tpu.memory_space<semaphore_mem>>
      %dma_start3A_1156 = arith.constant 0 : i32
      %dma_start3A_1157 = arith.constant 0 : i32
      %dma_start3A_1158 = tpu.memref_slice %arg9[%run_scoped3A_1103, %dma_start3A_1156, %dma_start3A_1157] : memref<2x64x128xi32, #tpu.memory_space<vmem>> -> memref<1x64x128xi32, #tpu.memory_space<vmem>>
      %dma_start3A_1159 = tpu.memref_squeeze %dma_start3A_1158 : memref<1x64x128xi32, #tpu.memory_space<vmem>> -> memref<64x128xi32, #tpu.memory_space<vmem>>
      %dma_start3A_1160 = arith.constant 0 : i32
      %dma_start3A_1161 = tpu.memref_slice %arg4[%add3A_1102, %dma_start3A_1160] : memref<16384x128xi32, #tpu.memory_space<hbm>> -> memref<64x128xi32, #tpu.memory_space<hbm>>
      %dma_start3A_1162 = arith.constant 0 : i32
      %dma_start3A_1163 = tpu.memref_slice %arg4[%add3A_1102, %dma_start3A_1162] : memref<16384x128xi32, #tpu.memory_space<hbm>> -> memref<64x128xi32, #tpu.memory_space<hbm>>
      %dma_start3A_1164 = arith.constant 0 : i32
      %dma_start3A_1165 = arith.constant 0 : i32
      %dma_start3A_1166 = tpu.memref_slice %arg9[%run_scoped3A_1103, %dma_start3A_1164, %dma_start3A_1165] : memref<2x64x128xi32, #tpu.memory_space<vmem>> -> memref<1x64x128xi32, #tpu.memory_space<vmem>>
      %dma_start3A_1167 = tpu.memref_squeeze %dma_start3A_1166 : memref<1x64x128xi32, #tpu.memory_space<vmem>> -> memref<64x128xi32, #tpu.memory_space<vmem>>
      tpu.enqueue_dma source(%dma_start3A_1167 : memref<64x128xi32, #tpu.memory_space<vmem>>) target(%dma_start3A_1163 : memref<64x128xi32, #tpu.memory_space<hbm>>) target_semaphore(%run_scoped3A_1155 : memref<!tpu.dma_semaphore, #tpu.memory_space<semaphore_mem>>)
      %dma_wait3A_1168 = arith.constant 0 : i32
      %dma_wait3A_1169 = arith.constant 0 : i32
      %dma_wait3A_1170 = tpu.memref_slice %arg9[%run_scoped3A_1103, %dma_wait3A_1168, %dma_wait3A_1169] : memref<2x64x128xi32, #tpu.memory_space<vmem>> -> memref<1x64x128xi32, #tpu.memory_space<vmem>>
      %dma_wait3A_1171 = tpu.memref_squeeze %dma_wait3A_1170 : memref<1x64x128xi32, #tpu.memory_space<vmem>> -> memref<64x128xi32, #tpu.memory_space<vmem>>
      %dma_wait3A_1172 = arith.constant 0 : i32
      %dma_wait3A_1173 = tpu.memref_slice %arg4[%add3A_1102, %dma_wait3A_1172] : memref<16384x128xi32, #tpu.memory_space<hbm>> -> memref<64x128xi32, #tpu.memory_space<hbm>>
      %dma_wait3A_1174 = arith.constant 0 : i32
      %dma_wait3A_1175 = tpu.memref_slice %arg4[%add3A_1102, %dma_wait3A_1174] : memref<16384x128xi32, #tpu.memory_space<hbm>> -> memref<64x128xi32, #tpu.memory_space<hbm>>
      %dma_wait3A_1176 = arith.constant 0 : i32
      %dma_wait3A_1177 = arith.constant 0 : i32
      %dma_wait3A_1178 = tpu.memref_slice %arg9[%run_scoped3A_1103, %dma_wait3A_1176, %dma_wait3A_1177] : memref<2x64x128xi32, #tpu.memory_space<vmem>> -> memref<1x64x128xi32, #tpu.memory_space<vmem>>
      %dma_wait3A_1179 = tpu.memref_squeeze %dma_wait3A_1178 : memref<1x64x128xi32, #tpu.memory_space<vmem>> -> memref<64x128xi32, #tpu.memory_space<vmem>>
      tpu.wait_dma2 semaphore(%run_scoped3A_1155 : memref<!tpu.dma_semaphore, #tpu.memory_space<semaphore_mem>>) src(%dma_wait3A_1179 : memref<64x128xi32, #tpu.memory_space<vmem>>) dst(%dma_wait3A_1175 : memref<64x128xi32, #tpu.memory_space<hbm>>)
      tpu.yield
    }) : () -> ()
    %dma_start3A_1104 = arith.constant 7 : i32
    %dma_start3A_1105 = arith.constant 1 : i32
    %dma_start3A_1106 = arith.constant 1 : i32
    %dma_start3A_1107 = arith.constant 0 : i32
    %dma_start3A_1108 = arith.constant 0 : i32
    %dma_start3A_1109 = tpu.memref_slice %arg9[%dma_start3A_1105, %dma_start3A_1107, %dma_start3A_1108] : memref<2x64x128xi32, #tpu.memory_space<vmem>> -> memref<1x64x128xi32, #tpu.memory_space<vmem>>
    %dma_start3A_1110 = tpu.memref_squeeze %dma_start3A_1109 : memref<1x64x128xi32, #tpu.memory_space<vmem>> -> memref<64x128xi32, #tpu.memory_space<vmem>>
    %dma_start3A_1111 = arith.constant 0 : i32
    %dma_start3A_1112 = tpu.memref_slice %arg7[%dma_start3A_1104, %dma_start3A_1111] : memref<8x64xi32, #tpu.memory_space<vmem>> -> memref<1x64xi32, #tpu.memory_space<vmem>>
    %dma_start3A_1113 = tpu.memref_squeeze %dma_start3A_1112 : memref<1x64xi32, #tpu.memory_space<vmem>> -> memref<64xi32, #tpu.memory_space<vmem>>
    %dma_start3A_1114 = arith.constant 0 : i32
    %dma_start3A_1115 = arith.constant 0 : i32
    %dma_start3A_1116 = tpu.memref_slice %arg3[%dma_start3A_1114, %dma_start3A_1115] : memref<65536x128xi32, #tpu.memory_space<hbm>> -> memref<65536x128xi32, #tpu.memory_space<hbm>>
    %dma_start3A_1117 = tpu.memref_slice %arg10[%dma_start3A_1106] : memref<2x!tpu.dma_semaphore, #tpu.memory_space<semaphore_mem>> -> memref<1x!tpu.dma_semaphore, #tpu.memory_space<semaphore_mem>>
    %dma_start3A_1118 = tpu.memref_squeeze %dma_start3A_1117 : memref<1x!tpu.dma_semaphore, #tpu.memory_space<semaphore_mem>> -> memref<!tpu.dma_semaphore, #tpu.memory_space<semaphore_mem>>
    tpu.enqueue_indirect_dma source(%dma_start3A_1116 : memref<65536x128xi32, #tpu.memory_space<hbm>>) target(%dma_start3A_1110 : memref<64x128xi32, #tpu.memory_space<vmem>>) offsets(%dma_start3A_1113 : memref<64xi32, #tpu.memory_space<vmem>>) semaphore(%dma_start3A_1118 : memref<!tpu.dma_semaphore, #tpu.memory_space<semaphore_mem>>)
    %dma_wait3A_1119 = arith.constant 6 : i32
    %dma_wait3A_1120 = arith.constant 0 : i32
    %dma_wait3A_1121 = arith.constant 0 : i32
    %dma_wait3A_1122 = arith.constant 0 : i32
    %dma_wait3A_1123 = arith.constant 0 : i32
    %dma_wait3A_1124 = tpu.memref_slice %arg9[%dma_wait3A_1120, %dma_wait3A_1122, %dma_wait3A_1123] : memref<2x64x128xi32, #tpu.memory_space<vmem>> -> memref<1x64x128xi32, #tpu.memory_space<vmem>>
    %dma_wait3A_1125 = tpu.memref_squeeze %dma_wait3A_1124 : memref<1x64x128xi32, #tpu.memory_space<vmem>> -> memref<64x128xi32, #tpu.memory_space<vmem>>
    %dma_wait3A_1126 = arith.constant 0 : i32
    %dma_wait3A_1127 = tpu.memref_slice %arg7[%dma_wait3A_1119, %dma_wait3A_1126] : memref<8x64xi32, #tpu.memory_space<vmem>> -> memref<1x64xi32, #tpu.memory_space<vmem>>
    %dma_wait3A_1128 = tpu.memref_squeeze %dma_wait3A_1127 : memref<1x64xi32, #tpu.memory_space<vmem>> -> memref<64xi32, #tpu.memory_space<vmem>>
    %dma_wait3A_1129 = arith.constant 0 : i32
    %dma_wait3A_1130 = arith.constant 0 : i32
    %dma_wait3A_1131 = tpu.memref_slice %arg3[%dma_wait3A_1129, %dma_wait3A_1130] : memref<65536x128xi32, #tpu.memory_space<hbm>> -> memref<65536x128xi32, #tpu.memory_space<hbm>>
    %dma_wait3A_1132 = tpu.memref_slice %arg10[%dma_wait3A_1121] : memref<2x!tpu.dma_semaphore, #tpu.memory_space<semaphore_mem>> -> memref<1x!tpu.dma_semaphore, #tpu.memory_space<semaphore_mem>>
    %dma_wait3A_1133 = tpu.memref_squeeze %dma_wait3A_1132 : memref<1x!tpu.dma_semaphore, #tpu.memory_space<semaphore_mem>> -> memref<!tpu.dma_semaphore, #tpu.memory_space<semaphore_mem>>
    tpu.wait_indirect_dma semaphore(%dma_wait3A_1133 : memref<!tpu.dma_semaphore, #tpu.memory_space<semaphore_mem>>) src(%dma_wait3A_1131 : memref<65536x128xi32, #tpu.memory_space<hbm>>) dst(%dma_wait3A_1125 : memref<64x128xi32, #tpu.memory_space<vmem>>)
    %add3A_1134 = arith.constant 384 : i32
    %add3A_1135 = arith.addi %mul3A_2, %add3A_1134 : i32
    %run_scoped3A_1136 = arith.constant 0 : i32
    "tpu.region"() ({
      %run_scoped3A_1155 = tpu.sem_alloc : memref<!tpu.dma_semaphore, #tpu.memory_space<semaphore_mem>>
      %dma_start3A_1156 = arith.constant 0 : i32
      %dma_start3A_1157 = arith.constant 0 : i32
      %dma_start3A_1158 = tpu.memref_slice %arg9[%run_scoped3A_1136, %dma_start3A_1156, %dma_start3A_1157] : memref<2x64x128xi32, #tpu.memory_space<vmem>> -> memref<1x64x128xi32, #tpu.memory_space<vmem>>
      %dma_start3A_1159 = tpu.memref_squeeze %dma_start3A_1158 : memref<1x64x128xi32, #tpu.memory_space<vmem>> -> memref<64x128xi32, #tpu.memory_space<vmem>>
      %dma_start3A_1160 = arith.constant 0 : i32
      %dma_start3A_1161 = tpu.memref_slice %arg4[%add3A_1135, %dma_start3A_1160] : memref<16384x128xi32, #tpu.memory_space<hbm>> -> memref<64x128xi32, #tpu.memory_space<hbm>>
      %dma_start3A_1162 = arith.constant 0 : i32
      %dma_start3A_1163 = tpu.memref_slice %arg4[%add3A_1135, %dma_start3A_1162] : memref<16384x128xi32, #tpu.memory_space<hbm>> -> memref<64x128xi32, #tpu.memory_space<hbm>>
      %dma_start3A_1164 = arith.constant 0 : i32
      %dma_start3A_1165 = arith.constant 0 : i32
      %dma_start3A_1166 = tpu.memref_slice %arg9[%run_scoped3A_1136, %dma_start3A_1164, %dma_start3A_1165] : memref<2x64x128xi32, #tpu.memory_space<vmem>> -> memref<1x64x128xi32, #tpu.memory_space<vmem>>
      %dma_start3A_1167 = tpu.memref_squeeze %dma_start3A_1166 : memref<1x64x128xi32, #tpu.memory_space<vmem>> -> memref<64x128xi32, #tpu.memory_space<vmem>>
      tpu.enqueue_dma source(%dma_start3A_1167 : memref<64x128xi32, #tpu.memory_space<vmem>>) target(%dma_start3A_1163 : memref<64x128xi32, #tpu.memory_space<hbm>>) target_semaphore(%run_scoped3A_1155 : memref<!tpu.dma_semaphore, #tpu.memory_space<semaphore_mem>>)
      %dma_wait3A_1168 = arith.constant 0 : i32
      %dma_wait3A_1169 = arith.constant 0 : i32
      %dma_wait3A_1170 = tpu.memref_slice %arg9[%run_scoped3A_1136, %dma_wait3A_1168, %dma_wait3A_1169] : memref<2x64x128xi32, #tpu.memory_space<vmem>> -> memref<1x64x128xi32, #tpu.memory_space<vmem>>
      %dma_wait3A_1171 = tpu.memref_squeeze %dma_wait3A_1170 : memref<1x64x128xi32, #tpu.memory_space<vmem>> -> memref<64x128xi32, #tpu.memory_space<vmem>>
      %dma_wait3A_1172 = arith.constant 0 : i32
      %dma_wait3A_1173 = tpu.memref_slice %arg4[%add3A_1135, %dma_wait3A_1172] : memref<16384x128xi32, #tpu.memory_space<hbm>> -> memref<64x128xi32, #tpu.memory_space<hbm>>
      %dma_wait3A_1174 = arith.constant 0 : i32
      %dma_wait3A_1175 = tpu.memref_slice %arg4[%add3A_1135, %dma_wait3A_1174] : memref<16384x128xi32, #tpu.memory_space<hbm>> -> memref<64x128xi32, #tpu.memory_space<hbm>>
      %dma_wait3A_1176 = arith.constant 0 : i32
      %dma_wait3A_1177 = arith.constant 0 : i32
      %dma_wait3A_1178 = tpu.memref_slice %arg9[%run_scoped3A_1136, %dma_wait3A_1176, %dma_wait3A_1177] : memref<2x64x128xi32, #tpu.memory_space<vmem>> -> memref<1x64x128xi32, #tpu.memory_space<vmem>>
      %dma_wait3A_1179 = tpu.memref_squeeze %dma_wait3A_1178 : memref<1x64x128xi32, #tpu.memory_space<vmem>> -> memref<64x128xi32, #tpu.memory_space<vmem>>
      tpu.wait_dma2 semaphore(%run_scoped3A_1155 : memref<!tpu.dma_semaphore, #tpu.memory_space<semaphore_mem>>) src(%dma_wait3A_1179 : memref<64x128xi32, #tpu.memory_space<vmem>>) dst(%dma_wait3A_1175 : memref<64x128xi32, #tpu.memory_space<hbm>>)
      tpu.yield
    }) : () -> ()
    %dma_wait3A_1137 = arith.constant 7 : i32
    %dma_wait3A_1138 = arith.constant 1 : i32
    %dma_wait3A_1139 = arith.constant 1 : i32
    %dma_wait3A_1140 = arith.constant 0 : i32
    %dma_wait3A_1141 = arith.constant 0 : i32
    %dma_wait3A_1142 = tpu.memref_slice %arg9[%dma_wait3A_1138, %dma_wait3A_1140, %dma_wait3A_1141] : memref<2x64x128xi32, #tpu.memory_space<vmem>> -> memref<1x64x128xi32, #tpu.memory_space<vmem>>
    %dma_wait3A_1143 = tpu.memref_squeeze %dma_wait3A_1142 : memref<1x64x128xi32, #tpu.memory_space<vmem>> -> memref<64x128xi32, #tpu.memory_space<vmem>>
    %dma_wait3A_1144 = arith.constant 0 : i32
    %dma_wait3A_1145 = tpu.memref_slice %arg7[%dma_wait3A_1137, %dma_wait3A_1144] : memref<8x64xi32, #tpu.memory_space<vmem>> -> memref<1x64xi32, #tpu.memory_space<vmem>>
    %dma_wait3A_1146 = tpu.memref_squeeze %dma_wait3A_1145 : memref<1x64xi32, #tpu.memory_space<vmem>> -> memref<64xi32, #tpu.memory_space<vmem>>
    %dma_wait3A_1147 = arith.constant 0 : i32
    %dma_wait3A_1148 = arith.constant 0 : i32
    %dma_wait3A_1149 = tpu.memref_slice %arg3[%dma_wait3A_1147, %dma_wait3A_1148] : memref<65536x128xi32, #tpu.memory_space<hbm>> -> memref<65536x128xi32, #tpu.memory_space<hbm>>
    %dma_wait3A_1150 = tpu.memref_slice %arg10[%dma_wait3A_1139] : memref<2x!tpu.dma_semaphore, #tpu.memory_space<semaphore_mem>> -> memref<1x!tpu.dma_semaphore, #tpu.memory_space<semaphore_mem>>
    %dma_wait3A_1151 = tpu.memref_squeeze %dma_wait3A_1150 : memref<1x!tpu.dma_semaphore, #tpu.memory_space<semaphore_mem>> -> memref<!tpu.dma_semaphore, #tpu.memory_space<semaphore_mem>>
    tpu.wait_indirect_dma semaphore(%dma_wait3A_1151 : memref<!tpu.dma_semaphore, #tpu.memory_space<semaphore_mem>>) src(%dma_wait3A_1149 : memref<65536x128xi32, #tpu.memory_space<hbm>>) dst(%dma_wait3A_1143 : memref<64x128xi32, #tpu.memory_space<vmem>>)
    %add3A_1152 = arith.constant 448 : i32
    %add3A_1153 = arith.addi %mul3A_2, %add3A_1152 : i32
    %run_scoped3A_1154 = arith.constant 1 : i32
    "tpu.region"() ({
      %run_scoped3A_1155 = tpu.sem_alloc : memref<!tpu.dma_semaphore, #tpu.memory_space<semaphore_mem>>
      %dma_start3A_1156 = arith.constant 0 : i32
      %dma_start3A_1157 = arith.constant 0 : i32
      %dma_start3A_1158 = tpu.memref_slice %arg9[%run_scoped3A_1154, %dma_start3A_1156, %dma_start3A_1157] : memref<2x64x128xi32, #tpu.memory_space<vmem>> -> memref<1x64x128xi32, #tpu.memory_space<vmem>>
      %dma_start3A_1159 = tpu.memref_squeeze %dma_start3A_1158 : memref<1x64x128xi32, #tpu.memory_space<vmem>> -> memref<64x128xi32, #tpu.memory_space<vmem>>
      %dma_start3A_1160 = arith.constant 0 : i32
      %dma_start3A_1161 = tpu.memref_slice %arg4[%add3A_1153, %dma_start3A_1160] : memref<16384x128xi32, #tpu.memory_space<hbm>> -> memref<64x128xi32, #tpu.memory_space<hbm>>
      %dma_start3A_1162 = arith.constant 0 : i32
      %dma_start3A_1163 = tpu.memref_slice %arg4[%add3A_1153, %dma_start3A_1162] : memref<16384x128xi32, #tpu.memory_space<hbm>> -> memref<64x128xi32, #tpu.memory_space<hbm>>
      %dma_start3A_1164 = arith.constant 0 : i32
      %dma_start3A_1165 = arith.constant 0 : i32
      %dma_start3A_1166 = tpu.memref_slice %arg9[%run_scoped3A_1154, %dma_start3A_1164, %dma_start3A_1165] : memref<2x64x128xi32, #tpu.memory_space<vmem>> -> memref<1x64x128xi32, #tpu.memory_space<vmem>>
      %dma_start3A_1167 = tpu.memref_squeeze %dma_start3A_1166 : memref<1x64x128xi32, #tpu.memory_space<vmem>> -> memref<64x128xi32, #tpu.memory_space<vmem>>
      tpu.enqueue_dma source(%dma_start3A_1167 : memref<64x128xi32, #tpu.memory_space<vmem>>) target(%dma_start3A_1163 : memref<64x128xi32, #tpu.memory_space<hbm>>) target_semaphore(%run_scoped3A_1155 : memref<!tpu.dma_semaphore, #tpu.memory_space<semaphore_mem>>)
      %dma_wait3A_1168 = arith.constant 0 : i32
      %dma_wait3A_1169 = arith.constant 0 : i32
      %dma_wait3A_1170 = tpu.memref_slice %arg9[%run_scoped3A_1154, %dma_wait3A_1168, %dma_wait3A_1169] : memref<2x64x128xi32, #tpu.memory_space<vmem>> -> memref<1x64x128xi32, #tpu.memory_space<vmem>>
      %dma_wait3A_1171 = tpu.memref_squeeze %dma_wait3A_1170 : memref<1x64x128xi32, #tpu.memory_space<vmem>> -> memref<64x128xi32, #tpu.memory_space<vmem>>
      %dma_wait3A_1172 = arith.constant 0 : i32
      %dma_wait3A_1173 = tpu.memref_slice %arg4[%add3A_1153, %dma_wait3A_1172] : memref<16384x128xi32, #tpu.memory_space<hbm>> -> memref<64x128xi32, #tpu.memory_space<hbm>>
      %dma_wait3A_1174 = arith.constant 0 : i32
      %dma_wait3A_1175 = tpu.memref_slice %arg4[%add3A_1153, %dma_wait3A_1174] : memref<16384x128xi32, #tpu.memory_space<hbm>> -> memref<64x128xi32, #tpu.memory_space<hbm>>
      %dma_wait3A_1176 = arith.constant 0 : i32
      %dma_wait3A_1177 = arith.constant 0 : i32
      %dma_wait3A_1178 = tpu.memref_slice %arg9[%run_scoped3A_1154, %dma_wait3A_1176, %dma_wait3A_1177] : memref<2x64x128xi32, #tpu.memory_space<vmem>> -> memref<1x64x128xi32, #tpu.memory_space<vmem>>
      %dma_wait3A_1179 = tpu.memref_squeeze %dma_wait3A_1178 : memref<1x64x128xi32, #tpu.memory_space<vmem>> -> memref<64x128xi32, #tpu.memory_space<vmem>>
      tpu.wait_dma2 semaphore(%run_scoped3A_1155 : memref<!tpu.dma_semaphore, #tpu.memory_space<semaphore_mem>>) src(%dma_wait3A_1179 : memref<64x128xi32, #tpu.memory_space<vmem>>) dst(%dma_wait3A_1175 : memref<64x128xi32, #tpu.memory_space<hbm>>)
      tpu.yield
    }) : () -> ()
    return
  }
}

#map = affine_map<(d0, d1) -> (0)>
#map1 = affine_map<(d0, d1) -> (0, 0)>
module attributes {stable_mosaic.version = 14 : i64} {
  func.func @_sc_gather_body(%arg0: i32, %arg1: i32, %arg2: memref<16384xi32, #tpu.memory_space<hbm>>, %arg3: memref<65536x128xi32, #tpu.memory_space<hbm>>, %arg4: memref<16384x128xi32, #tpu.memory_space<hbm>>, %arg5: memref<1x16384xf32, #tpu.memory_space<hbm>>, %arg6: memref<512xi32, #tpu.memory_space<vmem>>, %arg7: memref<8x64xi32, #tpu.memory_space<vmem>>, %arg8: memref<1x512xf32, #tpu.memory_space<vmem>>, %arg9: memref<2x64x128xi32, #tpu.memory_space<vmem>>, %arg10: memref<2x!tpu.dma_semaphore, #tpu.memory_space<semaphore_mem>>) attributes {dimension_semantics = [#tpu.dimension_semantics<core_parallel>, #tpu.dimension_semantics<subcore_parallel>], iteration_bounds = array<i64: 2, 16>, scalar_prefetch = 0 : i64, scratch_operands = 5 : i64, tpu.core_type = #tpu.core_type<sc_vector_subcore>, window_params = [{transform_indices = #map}, {transform_indices = #map1}, {transform_indices = #map1}, {transform_indices = #map1}]} {
    %mul3A = arith.constant 2 : i32
    %mul3A_0 = arith.muli %arg1, %mul3A : i32
    %add3A = arith.addi %mul3A_0, %arg0 : i32
    %mul3A_1 = arith.constant 512 : i32
    %mul3A_2 = arith.muli %add3A, %mul3A_1 : i32
    "tpu.region"() ({
      %run_scoped3A_1155 = tpu.sem_alloc : memref<!tpu.dma_semaphore, #tpu.memory_space<semaphore_mem>>
      %dma_start3A_1156 = tpu.memref_slice %arg2[%mul3A_2] : memref<16384xi32, #tpu.memory_space<hbm>> -> memref<512xi32, #tpu.memory_space<hbm>>
      %dma_start3A_1157 = tpu.memref_slice %arg2[%mul3A_2] : memref<16384xi32, #tpu.memory_space<hbm>> -> memref<512xi32, #tpu.memory_space<hbm>>
      tpu.enqueue_dma source(%dma_start3A_1157 : memref<512xi32, #tpu.memory_space<hbm>>) target(%arg6 : memref<512xi32, #tpu.memory_space<vmem>>) target_semaphore(%run_scoped3A_1155 : memref<!tpu.dma_semaphore, #tpu.memory_space<semaphore_mem>>)
      %dma_wait3A_1158 = tpu.memref_slice %arg2[%mul3A_2] : memref<16384xi32, #tpu.memory_space<hbm>> -> memref<512xi32, #tpu.memory_space<hbm>>
      %dma_wait3A_1159 = tpu.memref_slice %arg2[%mul3A_2] : memref<16384xi32, #tpu.memory_space<hbm>> -> memref<512xi32, #tpu.memory_space<hbm>>
      tpu.wait_dma2 semaphore(%run_scoped3A_1155 : memref<!tpu.dma_semaphore, #tpu.memory_space<semaphore_mem>>) src(%dma_wait3A_1159 : memref<512xi32, #tpu.memory_space<hbm>>) dst(%arg6 : memref<512xi32, #tpu.memory_space<vmem>>)
      tpu.yield
    }) : () -> ()
    %get3A = arith.constant 0 : index
    %get3A_3 = tpu.vector_load %arg6[%get3A] {strides = array<i32>} : memref<512xi32, #tpu.memory_space<vmem>>, vector<16xi32>,
    %get3A_4 = vector.shape_cast %get3A_3 : vector<16xi32> to vector<16xi32>
    %mul3A_5 = arith.constant -1640531535 : i32
    %mul3A_6 = vector.broadcast %mul3A_5 : i32 to vector<16xi32>
    %mul3A_7 = arith.muli %get3A_4, %mul3A_6 : vector<16xi32>
    %shift_right_logical3A = arith.constant 14 : i32
    %shift_right_logical3A_8 = vector.broadcast %shift_right_logical3A : i32 to vector<16xi32>
    %shift_right_logical3A_9 = arith.shrui %mul3A_7, %shift_right_logical3A_8 : vector<16xi32>
    %and3A = arith.constant 65535 : i32
    %and3A_10 = vector.broadcast %and3A : i32 to vector<16xi32>
    %and3A_11 = arith.andi %shift_right_logical3A_9, %and3A_10 : vector<16xi32>
    %swap3A = arith.constant 0 : i32
    %swap3A_12 = arith.index_cast %swap3A : i32 to index
    %swap3A_13 = arith.constant 0 : index
    %swap3A_14 = tpu.vector_load %arg7[%swap3A_12, %swap3A_13] {strides = array<i32>} : memref<8x64xi32, #tpu.memory_space<vmem>>, vector<1x16xi32>,
    %swap3A_15 = vector.shape_cast %swap3A_14 : vector<1x16xi32> to vector<16xi32>
    %swap3A_16 = vector.shape_cast %and3A_11 : vector<16xi32> to vector<1x16xi32>
    tpu.vector_store %arg7[%swap3A_12, %swap3A_13], %swap3A_16 {strides = array<i32>} : memref<8x64xi32, #tpu.memory_space<vmem>>, vector<1x16xi32>,
    %shift_right_logical3A_17 = arith.constant 16 : i32
    %shift_right_logical3A_18 = vector.broadcast %shift_right_logical3A_17 : i32 to vector<16xi32>
    %shift_right_logical3A_19 = arith.shrui %shift_right_logical3A_9, %shift_right_logical3A_18 : vector<16xi32>
    %convert_element_type3A = arith.uitofp %shift_right_logical3A_19 : vector<16xi32> to vector<16xf32>
    %swap3A_20 = arith.constant 0 : i32
    %swap3A_21 = arith.index_cast %swap3A_20 : i32 to index
    %swap3A_22 = arith.constant 0 : index
    %swap3A_23 = tpu.vector_load %arg8[%swap3A_21, %swap3A_22] {strides = array<i32>} : memref<1x512xf32, #tpu.memory_space<vmem>>, vector<1x16xf32>,
    %swap3A_24 = vector.shape_cast %swap3A_23 : vector<1x16xf32> to vector<16xf32>
    %swap3A_25 = vector.shape_cast %convert_element_type3A : vector<16xf32> to vector<1x16xf32>
    tpu.vector_store %arg8[%swap3A_21, %swap3A_22], %swap3A_25 {strides = array<i32>} : memref<1x512xf32, #tpu.memory_space<vmem>>, vector<1x16xf32>,
    %get3A_26 = arith.constant 16 : index
    %get3A_27 = tpu.vector_load %arg6[%get3A_26] {strides = array<i32>} : memref<512xi32, #tpu.memory_space<vmem>>, vector<16xi32>,
    %get3A_28 = vector.shape_cast %get3A_27 : vector<16xi32> to vector<16xi32>
    %mul3A_29 = arith.constant -1640531535 : i32
    %mul3A_30 = vector.broadcast %mul3A_29 : i32 to vector<16xi32>
    %mul3A_31 = arith.muli %get3A_28, %mul3A_30 : vector<16xi32>
    %shift_right_logical3A_32 = arith.constant 14 : i32
    %shift_right_logical3A_33 = vector.broadcast %shift_right_logical3A_32 : i32 to vector<16xi32>
    %shift_right_logical3A_34 = arith.shrui %mul3A_31, %shift_right_logical3A_33 : vector<16xi32>
    %and3A_35 = arith.constant 65535 : i32
    %and3A_36 = vector.broadcast %and3A_35 : i32 to vector<16xi32>
    %and3A_37 = arith.andi %shift_right_logical3A_34, %and3A_36 : vector<16xi32>
    %swap3A_38 = arith.constant 0 : i32
    %swap3A_39 = arith.index_cast %swap3A_38 : i32 to index
    %swap3A_40 = arith.constant 16 : index
    %swap3A_41 = tpu.vector_load %arg7[%swap3A_39, %swap3A_40] {strides = array<i32>} : memref<8x64xi32, #tpu.memory_space<vmem>>, vector<1x16xi32>,
    %swap3A_42 = vector.shape_cast %swap3A_41 : vector<1x16xi32> to vector<16xi32>
    %swap3A_43 = vector.shape_cast %and3A_37 : vector<16xi32> to vector<1x16xi32>
    tpu.vector_store %arg7[%swap3A_39, %swap3A_40], %swap3A_43 {strides = array<i32>} : memref<8x64xi32, #tpu.memory_space<vmem>>, vector<1x16xi32>,
    %shift_right_logical3A_44 = arith.constant 16 : i32
    %shift_right_logical3A_45 = vector.broadcast %shift_right_logical3A_44 : i32 to vector<16xi32>
    %shift_right_logical3A_46 = arith.shrui %shift_right_logical3A_34, %shift_right_logical3A_45 : vector<16xi32>
    %convert_element_type3A_47 = arith.uitofp %shift_right_logical3A_46 : vector<16xi32> to vector<16xf32>
    %swap3A_48 = arith.constant 0 : i32
    %swap3A_49 = arith.index_cast %swap3A_48 : i32 to index
    %swap3A_50 = arith.constant 16 : index
    %swap3A_51 = tpu.vector_load %arg8[%swap3A_49, %swap3A_50] {strides = array<i32>} : memref<1x512xf32, #tpu.memory_space<vmem>>, vector<1x16xf32>,
    %swap3A_52 = vector.shape_cast %swap3A_51 : vector<1x16xf32> to vector<16xf32>
    %swap3A_53 = vector.shape_cast %convert_element_type3A_47 : vector<16xf32> to vector<1x16xf32>
    tpu.vector_store %arg8[%swap3A_49, %swap3A_50], %swap3A_53 {strides = array<i32>} : memref<1x512xf32, #tpu.memory_space<vmem>>, vector<1x16xf32>,
    %get3A_54 = arith.constant 32 : index
    %get3A_55 = tpu.vector_load %arg6[%get3A_54] {strides = array<i32>} : memref<512xi32, #tpu.memory_space<vmem>>, vector<16xi32>,
    %get3A_56 = vector.shape_cast %get3A_55 : vector<16xi32> to vector<16xi32>
    %mul3A_57 = arith.constant -1640531535 : i32
    %mul3A_58 = vector.broadcast %mul3A_57 : i32 to vector<16xi32>
    %mul3A_59 = arith.muli %get3A_56, %mul3A_58 : vector<16xi32>
    %shift_right_logical3A_60 = arith.constant 14 : i32
    %shift_right_logical3A_61 = vector.broadcast %shift_right_logical3A_60 : i32 to vector<16xi32>
    %shift_right_logical3A_62 = arith.shrui %mul3A_59, %shift_right_logical3A_61 : vector<16xi32>
    %and3A_63 = arith.constant 65535 : i32
    %and3A_64 = vector.broadcast %and3A_63 : i32 to vector<16xi32>
    %and3A_65 = arith.andi %shift_right_logical3A_62, %and3A_64 : vector<16xi32>
    %swap3A_66 = arith.constant 0 : i32
    %swap3A_67 = arith.index_cast %swap3A_66 : i32 to index
    %swap3A_68 = arith.constant 32 : index
    %swap3A_69 = tpu.vector_load %arg7[%swap3A_67, %swap3A_68] {strides = array<i32>} : memref<8x64xi32, #tpu.memory_space<vmem>>, vector<1x16xi32>,
    %swap3A_70 = vector.shape_cast %swap3A_69 : vector<1x16xi32> to vector<16xi32>
    %swap3A_71 = vector.shape_cast %and3A_65 : vector<16xi32> to vector<1x16xi32>
    tpu.vector_store %arg7[%swap3A_67, %swap3A_68], %swap3A_71 {strides = array<i32>} : memref<8x64xi32, #tpu.memory_space<vmem>>, vector<1x16xi32>,
    %shift_right_logical3A_72 = arith.constant 16 : i32
    %shift_right_logical3A_73 = vector.broadcast %shift_right_logical3A_72 : i32 to vector<16xi32>
    %shift_right_logical3A_74 = arith.shrui %shift_right_logical3A_62, %shift_right_logical3A_73 : vector<16xi32>
    %convert_element_type3A_75 = arith.uitofp %shift_right_logical3A_74 : vector<16xi32> to vector<16xf32>
    %swap3A_76 = arith.constant 0 : i32
    %swap3A_77 = arith.index_cast %swap3A_76 : i32 to index
    %swap3A_78 = arith.constant 32 : index
    %swap3A_79 = tpu.vector_load %arg8[%swap3A_77, %swap3A_78] {strides = array<i32>} : memref<1x512xf32, #tpu.memory_space<vmem>>, vector<1x16xf32>,
    %swap3A_80 = vector.shape_cast %swap3A_79 : vector<1x16xf32> to vector<16xf32>
    %swap3A_81 = vector.shape_cast %convert_element_type3A_75 : vector<16xf32> to vector<1x16xf32>
    tpu.vector_store %arg8[%swap3A_77, %swap3A_78], %swap3A_81 {strides = array<i32>} : memref<1x512xf32, #tpu.memory_space<vmem>>, vector<1x16xf32>,
    %get3A_82 = arith.constant 48 : index
    %get3A_83 = tpu.vector_load %arg6[%get3A_82] {strides = array<i32>} : memref<512xi32, #tpu.memory_space<vmem>>, vector<16xi32>,
    %get3A_84 = vector.shape_cast %get3A_83 : vector<16xi32> to vector<16xi32>
    %mul3A_85 = arith.constant -1640531535 : i32
    %mul3A_86 = vector.broadcast %mul3A_85 : i32 to vector<16xi32>
    %mul3A_87 = arith.muli %get3A_84, %mul3A_86 : vector<16xi32>
    %shift_right_logical3A_88 = arith.constant 14 : i32
    %shift_right_logical3A_89 = vector.broadcast %shift_right_logical3A_88 : i32 to vector<16xi32>
    %shift_right_logical3A_90 = arith.shrui %mul3A_87, %shift_right_logical3A_89 : vector<16xi32>
    %and3A_91 = arith.constant 65535 : i32
    %and3A_92 = vector.broadcast %and3A_91 : i32 to vector<16xi32>
    %and3A_93 = arith.andi %shift_right_logical3A_90, %and3A_92 : vector<16xi32>
    %swap3A_94 = arith.constant 0 : i32
    %swap3A_95 = arith.index_cast %swap3A_94 : i32 to index
    %swap3A_96 = arith.constant 48 : index
    %swap3A_97 = tpu.vector_load %arg7[%swap3A_95, %swap3A_96] {strides = array<i32>} : memref<8x64xi32, #tpu.memory_space<vmem>>, vector<1x16xi32>,
    %swap3A_98 = vector.shape_cast %swap3A_97 : vector<1x16xi32> to vector<16xi32>
    %swap3A_99 = vector.shape_cast %and3A_93 : vector<16xi32> to vector<1x16xi32>
    tpu.vector_store %arg7[%swap3A_95, %swap3A_96], %swap3A_99 {strides = array<i32>} : memref<8x64xi32, #tpu.memory_space<vmem>>, vector<1x16xi32>,
    %shift_right_logical3A_100 = arith.constant 16 : i32
    %shift_right_logical3A_101 = vector.broadcast %shift_right_logical3A_100 : i32 to vector<16xi32>
    %shift_right_logical3A_102 = arith.shrui %shift_right_logical3A_90, %shift_right_logical3A_101 : vector<16xi32>
    %convert_element_type3A_103 = arith.uitofp %shift_right_logical3A_102 : vector<16xi32> to vector<16xf32>
    %swap3A_104 = arith.constant 0 : i32
    %swap3A_105 = arith.index_cast %swap3A_104 : i32 to index
    %swap3A_106 = arith.constant 48 : index
    %swap3A_107 = tpu.vector_load %arg8[%swap3A_105, %swap3A_106] {strides = array<i32>} : memref<1x512xf32, #tpu.memory_space<vmem>>, vector<1x16xf32>,
    %swap3A_108 = vector.shape_cast %swap3A_107 : vector<1x16xf32> to vector<16xf32>
    %swap3A_109 = vector.shape_cast %convert_element_type3A_103 : vector<16xf32> to vector<1x16xf32>
    tpu.vector_store %arg8[%swap3A_105, %swap3A_106], %swap3A_109 {strides = array<i32>} : memref<1x512xf32, #tpu.memory_space<vmem>>, vector<1x16xf32>,
    %get3A_110 = arith.constant 64 : index
    %get3A_111 = tpu.vector_load %arg6[%get3A_110] {strides = array<i32>} : memref<512xi32, #tpu.memory_space<vmem>>, vector<16xi32>,
    %get3A_112 = vector.shape_cast %get3A_111 : vector<16xi32> to vector<16xi32>
    %mul3A_113 = arith.constant -1640531535 : i32
    %mul3A_114 = vector.broadcast %mul3A_113 : i32 to vector<16xi32>
    %mul3A_115 = arith.muli %get3A_112, %mul3A_114 : vector<16xi32>
    %shift_right_logical3A_116 = arith.constant 14 : i32
    %shift_right_logical3A_117 = vector.broadcast %shift_right_logical3A_116 : i32 to vector<16xi32>
    %shift_right_logical3A_118 = arith.shrui %mul3A_115, %shift_right_logical3A_117 : vector<16xi32>
    %and3A_119 = arith.constant 65535 : i32
    %and3A_120 = vector.broadcast %and3A_119 : i32 to vector<16xi32>
    %and3A_121 = arith.andi %shift_right_logical3A_118, %and3A_120 : vector<16xi32>
    %swap3A_122 = arith.constant 1 : i32
    %swap3A_123 = arith.index_cast %swap3A_122 : i32 to index
    %swap3A_124 = arith.constant 0 : index
    %swap3A_125 = tpu.vector_load %arg7[%swap3A_123, %swap3A_124] {strides = array<i32>} : memref<8x64xi32, #tpu.memory_space<vmem>>, vector<1x16xi32>,
    %swap3A_126 = vector.shape_cast %swap3A_125 : vector<1x16xi32> to vector<16xi32>
    %swap3A_127 = vector.shape_cast %and3A_121 : vector<16xi32> to vector<1x16xi32>
    tpu.vector_store %arg7[%swap3A_123, %swap3A_124], %swap3A_127 {strides = array<i32>} : memref<8x64xi32, #tpu.memory_space<vmem>>, vector<1x16xi32>,
    %shift_right_logical3A_128 = arith.constant 16 : i32
    %shift_right_logical3A_129 = vector.broadcast %shift_right_logical3A_128 : i32 to vector<16xi32>
    %shift_right_logical3A_130 = arith.shrui %shift_right_logical3A_118, %shift_right_logical3A_129 : vector<16xi32>
    %convert_element_type3A_131 = arith.uitofp %shift_right_logical3A_130 : vector<16xi32> to vector<16xf32>
    %swap3A_132 = arith.constant 0 : i32
    %swap3A_133 = arith.index_cast %swap3A_132 : i32 to index
    %swap3A_134 = arith.constant 64 : index
    %swap3A_135 = tpu.vector_load %arg8[%swap3A_133, %swap3A_134] {strides = array<i32>} : memref<1x512xf32, #tpu.memory_space<vmem>>, vector<1x16xf32>,
    %swap3A_136 = vector.shape_cast %swap3A_135 : vector<1x16xf32> to vector<16xf32>
    %swap3A_137 = vector.shape_cast %convert_element_type3A_131 : vector<16xf32> to vector<1x16xf32>
    tpu.vector_store %arg8[%swap3A_133, %swap3A_134], %swap3A_137 {strides = array<i32>} : memref<1x512xf32, #tpu.memory_space<vmem>>, vector<1x16xf32>,
    %get3A_138 = arith.constant 80 : index
    %get3A_139 = tpu.vector_load %arg6[%get3A_138] {strides = array<i32>} : memref<512xi32, #tpu.memory_space<vmem>>, vector<16xi32>,
    %get3A_140 = vector.shape_cast %get3A_139 : vector<16xi32> to vector<16xi32>
    %mul3A_141 = arith.constant -1640531535 : i32
    %mul3A_142 = vector.broadcast %mul3A_141 : i32 to vector<16xi32>
    %mul3A_143 = arith.muli %get3A_140, %mul3A_142 : vector<16xi32>
    %shift_right_logical3A_144 = arith.constant 14 : i32
    %shift_right_logical3A_145 = vector.broadcast %shift_right_logical3A_144 : i32 to vector<16xi32>
    %shift_right_logical3A_146 = arith.shrui %mul3A_143, %shift_right_logical3A_145 : vector<16xi32>
    %and3A_147 = arith.constant 65535 : i32
    %and3A_148 = vector.broadcast %and3A_147 : i32 to vector<16xi32>
    %and3A_149 = arith.andi %shift_right_logical3A_146, %and3A_148 : vector<16xi32>
    %swap3A_150 = arith.constant 1 : i32
    %swap3A_151 = arith.index_cast %swap3A_150 : i32 to index
    %swap3A_152 = arith.constant 16 : index
    %swap3A_153 = tpu.vector_load %arg7[%swap3A_151, %swap3A_152] {strides = array<i32>} : memref<8x64xi32, #tpu.memory_space<vmem>>, vector<1x16xi32>,
    %swap3A_154 = vector.shape_cast %swap3A_153 : vector<1x16xi32> to vector<16xi32>
    %swap3A_155 = vector.shape_cast %and3A_149 : vector<16xi32> to vector<1x16xi32>
    tpu.vector_store %arg7[%swap3A_151, %swap3A_152], %swap3A_155 {strides = array<i32>} : memref<8x64xi32, #tpu.memory_space<vmem>>, vector<1x16xi32>,
    %shift_right_logical3A_156 = arith.constant 16 : i32
    %shift_right_logical3A_157 = vector.broadcast %shift_right_logical3A_156 : i32 to vector<16xi32>
    %shift_right_logical3A_158 = arith.shrui %shift_right_logical3A_146, %shift_right_logical3A_157 : vector<16xi32>
    %convert_element_type3A_159 = arith.uitofp %shift_right_logical3A_158 : vector<16xi32> to vector<16xf32>
    %swap3A_160 = arith.constant 0 : i32
    %swap3A_161 = arith.index_cast %swap3A_160 : i32 to index
    %swap3A_162 = arith.constant 80 : index
    %swap3A_163 = tpu.vector_load %arg8[%swap3A_161, %swap3A_162] {strides = array<i32>} : memref<1x512xf32, #tpu.memory_space<vmem>>, vector<1x16xf32>,
    %swap3A_164 = vector.shape_cast %swap3A_163 : vector<1x16xf32> to vector<16xf32>
    %swap3A_165 = vector.shape_cast %convert_element_type3A_159 : vector<16xf32> to vector<1x16xf32>
    tpu.vector_store %arg8[%swap3A_161, %swap3A_162], %swap3A_165 {strides = array<i32>} : memref<1x512xf32, #tpu.memory_space<vmem>>, vector<1x16xf32>,
    %get3A_166 = arith.constant 96 : index
    %get3A_167 = tpu.vector_load %arg6[%get3A_166] {strides = array<i32>} : memref<512xi32, #tpu.memory_space<vmem>>, vector<16xi32>,
    %get3A_168 = vector.shape_cast %get3A_167 : vector<16xi32> to vector<16xi32>
    %mul3A_169 = arith.constant -1640531535 : i32
    %mul3A_170 = vector.broadcast %mul3A_169 : i32 to vector<16xi32>
    %mul3A_171 = arith.muli %get3A_168, %mul3A_170 : vector<16xi32>
    %shift_right_logical3A_172 = arith.constant 14 : i32
    %shift_right_logical3A_173 = vector.broadcast %shift_right_logical3A_172 : i32 to vector<16xi32>
    %shift_right_logical3A_174 = arith.shrui %mul3A_171, %shift_right_logical3A_173 : vector<16xi32>
    %and3A_175 = arith.constant 65535 : i32
    %and3A_176 = vector.broadcast %and3A_175 : i32 to vector<16xi32>
    %and3A_177 = arith.andi %shift_right_logical3A_174, %and3A_176 : vector<16xi32>
    %swap3A_178 = arith.constant 1 : i32
    %swap3A_179 = arith.index_cast %swap3A_178 : i32 to index
    %swap3A_180 = arith.constant 32 : index
    %swap3A_181 = tpu.vector_load %arg7[%swap3A_179, %swap3A_180] {strides = array<i32>} : memref<8x64xi32, #tpu.memory_space<vmem>>, vector<1x16xi32>,
    %swap3A_182 = vector.shape_cast %swap3A_181 : vector<1x16xi32> to vector<16xi32>
    %swap3A_183 = vector.shape_cast %and3A_177 : vector<16xi32> to vector<1x16xi32>
    tpu.vector_store %arg7[%swap3A_179, %swap3A_180], %swap3A_183 {strides = array<i32>} : memref<8x64xi32, #tpu.memory_space<vmem>>, vector<1x16xi32>,
    %shift_right_logical3A_184 = arith.constant 16 : i32
    %shift_right_logical3A_185 = vector.broadcast %shift_right_logical3A_184 : i32 to vector<16xi32>
    %shift_right_logical3A_186 = arith.shrui %shift_right_logical3A_174, %shift_right_logical3A_185 : vector<16xi32>
    %convert_element_type3A_187 = arith.uitofp %shift_right_logical3A_186 : vector<16xi32> to vector<16xf32>
    %swap3A_188 = arith.constant 0 : i32
    %swap3A_189 = arith.index_cast %swap3A_188 : i32 to index
    %swap3A_190 = arith.constant 96 : index
    %swap3A_191 = tpu.vector_load %arg8[%swap3A_189, %swap3A_190] {strides = array<i32>} : memref<1x512xf32, #tpu.memory_space<vmem>>, vector<1x16xf32>,
    %swap3A_192 = vector.shape_cast %swap3A_191 : vector<1x16xf32> to vector<16xf32>
    %swap3A_193 = vector.shape_cast %convert_element_type3A_187 : vector<16xf32> to vector<1x16xf32>
    tpu.vector_store %arg8[%swap3A_189, %swap3A_190], %swap3A_193 {strides = array<i32>} : memref<1x512xf32, #tpu.memory_space<vmem>>, vector<1x16xf32>,
    %get3A_194 = arith.constant 112 : index
    %get3A_195 = tpu.vector_load %arg6[%get3A_194] {strides = array<i32>} : memref<512xi32, #tpu.memory_space<vmem>>, vector<16xi32>,
    %get3A_196 = vector.shape_cast %get3A_195 : vector<16xi32> to vector<16xi32>
    %mul3A_197 = arith.constant -1640531535 : i32
    %mul3A_198 = vector.broadcast %mul3A_197 : i32 to vector<16xi32>
    %mul3A_199 = arith.muli %get3A_196, %mul3A_198 : vector<16xi32>
    %shift_right_logical3A_200 = arith.constant 14 : i32
    %shift_right_logical3A_201 = vector.broadcast %shift_right_logical3A_200 : i32 to vector<16xi32>
    %shift_right_logical3A_202 = arith.shrui %mul3A_199, %shift_right_logical3A_201 : vector<16xi32>
    %and3A_203 = arith.constant 65535 : i32
    %and3A_204 = vector.broadcast %and3A_203 : i32 to vector<16xi32>
    %and3A_205 = arith.andi %shift_right_logical3A_202, %and3A_204 : vector<16xi32>
    %swap3A_206 = arith.constant 1 : i32
    %swap3A_207 = arith.index_cast %swap3A_206 : i32 to index
    %swap3A_208 = arith.constant 48 : index
    %swap3A_209 = tpu.vector_load %arg7[%swap3A_207, %swap3A_208] {strides = array<i32>} : memref<8x64xi32, #tpu.memory_space<vmem>>, vector<1x16xi32>,
    %swap3A_210 = vector.shape_cast %swap3A_209 : vector<1x16xi32> to vector<16xi32>
    %swap3A_211 = vector.shape_cast %and3A_205 : vector<16xi32> to vector<1x16xi32>
    tpu.vector_store %arg7[%swap3A_207, %swap3A_208], %swap3A_211 {strides = array<i32>} : memref<8x64xi32, #tpu.memory_space<vmem>>, vector<1x16xi32>,
    %shift_right_logical3A_212 = arith.constant 16 : i32
    %shift_right_logical3A_213 = vector.broadcast %shift_right_logical3A_212 : i32 to vector<16xi32>
    %shift_right_logical3A_214 = arith.shrui %shift_right_logical3A_202, %shift_right_logical3A_213 : vector<16xi32>
    %convert_element_type3A_215 = arith.uitofp %shift_right_logical3A_214 : vector<16xi32> to vector<16xf32>
    %swap3A_216 = arith.constant 0 : i32
    %swap3A_217 = arith.index_cast %swap3A_216 : i32 to index
    %swap3A_218 = arith.constant 112 : index
    %swap3A_219 = tpu.vector_load %arg8[%swap3A_217, %swap3A_218] {strides = array<i32>} : memref<1x512xf32, #tpu.memory_space<vmem>>, vector<1x16xf32>,
    %swap3A_220 = vector.shape_cast %swap3A_219 : vector<1x16xf32> to vector<16xf32>
    %swap3A_221 = vector.shape_cast %convert_element_type3A_215 : vector<16xf32> to vector<1x16xf32>
    tpu.vector_store %arg8[%swap3A_217, %swap3A_218], %swap3A_221 {strides = array<i32>} : memref<1x512xf32, #tpu.memory_space<vmem>>, vector<1x16xf32>,
    %get3A_222 = arith.constant 128 : index
    %get3A_223 = tpu.vector_load %arg6[%get3A_222] {strides = array<i32>} : memref<512xi32, #tpu.memory_space<vmem>>, vector<16xi32>,
    %get3A_224 = vector.shape_cast %get3A_223 : vector<16xi32> to vector<16xi32>
    %mul3A_225 = arith.constant -1640531535 : i32
    %mul3A_226 = vector.broadcast %mul3A_225 : i32 to vector<16xi32>
    %mul3A_227 = arith.muli %get3A_224, %mul3A_226 : vector<16xi32>
    %shift_right_logical3A_228 = arith.constant 14 : i32
    %shift_right_logical3A_229 = vector.broadcast %shift_right_logical3A_228 : i32 to vector<16xi32>
    %shift_right_logical3A_230 = arith.shrui %mul3A_227, %shift_right_logical3A_229 : vector<16xi32>
    %and3A_231 = arith.constant 65535 : i32
    %and3A_232 = vector.broadcast %and3A_231 : i32 to vector<16xi32>
    %and3A_233 = arith.andi %shift_right_logical3A_230, %and3A_232 : vector<16xi32>
    %swap3A_234 = arith.constant 2 : i32
    %swap3A_235 = arith.index_cast %swap3A_234 : i32 to index
    %swap3A_236 = arith.constant 0 : index
    %swap3A_237 = tpu.vector_load %arg7[%swap3A_235, %swap3A_236] {strides = array<i32>} : memref<8x64xi32, #tpu.memory_space<vmem>>, vector<1x16xi32>,
    %swap3A_238 = vector.shape_cast %swap3A_237 : vector<1x16xi32> to vector<16xi32>
    %swap3A_239 = vector.shape_cast %and3A_233 : vector<16xi32> to vector<1x16xi32>
    tpu.vector_store %arg7[%swap3A_235, %swap3A_236], %swap3A_239 {strides = array<i32>} : memref<8x64xi32, #tpu.memory_space<vmem>>, vector<1x16xi32>,
    %shift_right_logical3A_240 = arith.constant 16 : i32
    %shift_right_logical3A_241 = vector.broadcast %shift_right_logical3A_240 : i32 to vector<16xi32>
    %shift_right_logical3A_242 = arith.shrui %shift_right_logical3A_230, %shift_right_logical3A_241 : vector<16xi32>
    %convert_element_type3A_243 = arith.uitofp %shift_right_logical3A_242 : vector<16xi32> to vector<16xf32>
    %swap3A_244 = arith.constant 0 : i32
    %swap3A_245 = arith.index_cast %swap3A_244 : i32 to index
    %swap3A_246 = arith.constant 128 : index
    %swap3A_247 = tpu.vector_load %arg8[%swap3A_245, %swap3A_246] {strides = array<i32>} : memref<1x512xf32, #tpu.memory_space<vmem>>, vector<1x16xf32>,
    %swap3A_248 = vector.shape_cast %swap3A_247 : vector<1x16xf32> to vector<16xf32>
    %swap3A_249 = vector.shape_cast %convert_element_type3A_243 : vector<16xf32> to vector<1x16xf32>
    tpu.vector_store %arg8[%swap3A_245, %swap3A_246], %swap3A_249 {strides = array<i32>} : memref<1x512xf32, #tpu.memory_space<vmem>>, vector<1x16xf32>,
    %get3A_250 = arith.constant 144 : index
    %get3A_251 = tpu.vector_load %arg6[%get3A_250] {strides = array<i32>} : memref<512xi32, #tpu.memory_space<vmem>>, vector<16xi32>,
    %get3A_252 = vector.shape_cast %get3A_251 : vector<16xi32> to vector<16xi32>
    %mul3A_253 = arith.constant -1640531535 : i32
    %mul3A_254 = vector.broadcast %mul3A_253 : i32 to vector<16xi32>
    %mul3A_255 = arith.muli %get3A_252, %mul3A_254 : vector<16xi32>
    %shift_right_logical3A_256 = arith.constant 14 : i32
    %shift_right_logical3A_257 = vector.broadcast %shift_right_logical3A_256 : i32 to vector<16xi32>
    %shift_right_logical3A_258 = arith.shrui %mul3A_255, %shift_right_logical3A_257 : vector<16xi32>
    %and3A_259 = arith.constant 65535 : i32
    %and3A_260 = vector.broadcast %and3A_259 : i32 to vector<16xi32>
    %and3A_261 = arith.andi %shift_right_logical3A_258, %and3A_260 : vector<16xi32>
    %swap3A_262 = arith.constant 2 : i32
    %swap3A_263 = arith.index_cast %swap3A_262 : i32 to index
    %swap3A_264 = arith.constant 16 : index
    %swap3A_265 = tpu.vector_load %arg7[%swap3A_263, %swap3A_264] {strides = array<i32>} : memref<8x64xi32, #tpu.memory_space<vmem>>, vector<1x16xi32>,
    %swap3A_266 = vector.shape_cast %swap3A_265 : vector<1x16xi32> to vector<16xi32>
    %swap3A_267 = vector.shape_cast %and3A_261 : vector<16xi32> to vector<1x16xi32>
    tpu.vector_store %arg7[%swap3A_263, %swap3A_264], %swap3A_267 {strides = array<i32>} : memref<8x64xi32, #tpu.memory_space<vmem>>, vector<1x16xi32>,
    %shift_right_logical3A_268 = arith.constant 16 : i32
    %shift_right_logical3A_269 = vector.broadcast %shift_right_logical3A_268 : i32 to vector<16xi32>
    %shift_right_logical3A_270 = arith.shrui %shift_right_logical3A_258, %shift_right_logical3A_269 : vector<16xi32>
    %convert_element_type3A_271 = arith.uitofp %shift_right_logical3A_270 : vector<16xi32> to vector<16xf32>
    %swap3A_272 = arith.constant 0 : i32
    %swap3A_273 = arith.index_cast %swap3A_272 : i32 to index
    %swap3A_274 = arith.constant 144 : index
    %swap3A_275 = tpu.vector_load %arg8[%swap3A_273, %swap3A_274] {strides = array<i32>} : memref<1x512xf32, #tpu.memory_space<vmem>>, vector<1x16xf32>,
    %swap3A_276 = vector.shape_cast %swap3A_275 : vector<1x16xf32> to vector<16xf32>
    %swap3A_277 = vector.shape_cast %convert_element_type3A_271 : vector<16xf32> to vector<1x16xf32>
    tpu.vector_store %arg8[%swap3A_273, %swap3A_274], %swap3A_277 {strides = array<i32>} : memref<1x512xf32, #tpu.memory_space<vmem>>, vector<1x16xf32>,
    %get3A_278 = arith.constant 160 : index
    %get3A_279 = tpu.vector_load %arg6[%get3A_278] {strides = array<i32>} : memref<512xi32, #tpu.memory_space<vmem>>, vector<16xi32>,
    %get3A_280 = vector.shape_cast %get3A_279 : vector<16xi32> to vector<16xi32>
    %mul3A_281 = arith.constant -1640531535 : i32
    %mul3A_282 = vector.broadcast %mul3A_281 : i32 to vector<16xi32>
    %mul3A_283 = arith.muli %get3A_280, %mul3A_282 : vector<16xi32>
    %shift_right_logical3A_284 = arith.constant 14 : i32
    %shift_right_logical3A_285 = vector.broadcast %shift_right_logical3A_284 : i32 to vector<16xi32>
    %shift_right_logical3A_286 = arith.shrui %mul3A_283, %shift_right_logical3A_285 : vector<16xi32>
    %and3A_287 = arith.constant 65535 : i32
    %and3A_288 = vector.broadcast %and3A_287 : i32 to vector<16xi32>
    %and3A_289 = arith.andi %shift_right_logical3A_286, %and3A_288 : vector<16xi32>
    %swap3A_290 = arith.constant 2 : i32
    %swap3A_291 = arith.index_cast %swap3A_290 : i32 to index
    %swap3A_292 = arith.constant 32 : index
    %swap3A_293 = tpu.vector_load %arg7[%swap3A_291, %swap3A_292] {strides = array<i32>} : memref<8x64xi32, #tpu.memory_space<vmem>>, vector<1x16xi32>,
    %swap3A_294 = vector.shape_cast %swap3A_293 : vector<1x16xi32> to vector<16xi32>
    %swap3A_295 = vector.shape_cast %and3A_289 : vector<16xi32> to vector<1x16xi32>
    tpu.vector_store %arg7[%swap3A_291, %swap3A_292], %swap3A_295 {strides = array<i32>} : memref<8x64xi32, #tpu.memory_space<vmem>>, vector<1x16xi32>,
    %shift_right_logical3A_296 = arith.constant 16 : i32
    %shift_right_logical3A_297 = vector.broadcast %shift_right_logical3A_296 : i32 to vector<16xi32>
    %shift_right_logical3A_298 = arith.shrui %shift_right_logical3A_286, %shift_right_logical3A_297 : vector<16xi32>
    %convert_element_type3A_299 = arith.uitofp %shift_right_logical3A_298 : vector<16xi32> to vector<16xf32>
    %swap3A_300 = arith.constant 0 : i32
    %swap3A_301 = arith.index_cast %swap3A_300 : i32 to index
    %swap3A_302 = arith.constant 160 : index
    %swap3A_303 = tpu.vector_load %arg8[%swap3A_301, %swap3A_302] {strides = array<i32>} : memref<1x512xf32, #tpu.memory_space<vmem>>, vector<1x16xf32>,
    %swap3A_304 = vector.shape_cast %swap3A_303 : vector<1x16xf32> to vector<16xf32>
    %swap3A_305 = vector.shape_cast %convert_element_type3A_299 : vector<16xf32> to vector<1x16xf32>
    tpu.vector_store %arg8[%swap3A_301, %swap3A_302], %swap3A_305 {strides = array<i32>} : memref<1x512xf32, #tpu.memory_space<vmem>>, vector<1x16xf32>,
    %get3A_306 = arith.constant 176 : index
    %get3A_307 = tpu.vector_load %arg6[%get3A_306] {strides = array<i32>} : memref<512xi32, #tpu.memory_space<vmem>>, vector<16xi32>,
    %get3A_308 = vector.shape_cast %get3A_307 : vector<16xi32> to vector<16xi32>
    %mul3A_309 = arith.constant -1640531535 : i32
    %mul3A_310 = vector.broadcast %mul3A_309 : i32 to vector<16xi32>
    %mul3A_311 = arith.muli %get3A_308, %mul3A_310 : vector<16xi32>
    %shift_right_logical3A_312 = arith.constant 14 : i32
    %shift_right_logical3A_313 = vector.broadcast %shift_right_logical3A_312 : i32 to vector<16xi32>
    %shift_right_logical3A_314 = arith.shrui %mul3A_311, %shift_right_logical3A_313 : vector<16xi32>
    %and3A_315 = arith.constant 65535 : i32
    %and3A_316 = vector.broadcast %and3A_315 : i32 to vector<16xi32>
    %and3A_317 = arith.andi %shift_right_logical3A_314, %and3A_316 : vector<16xi32>
    %swap3A_318 = arith.constant 2 : i32
    %swap3A_319 = arith.index_cast %swap3A_318 : i32 to index
    %swap3A_320 = arith.constant 48 : index
    %swap3A_321 = tpu.vector_load %arg7[%swap3A_319, %swap3A_320] {strides = array<i32>} : memref<8x64xi32, #tpu.memory_space<vmem>>, vector<1x16xi32>,
    %swap3A_322 = vector.shape_cast %swap3A_321 : vector<1x16xi32> to vector<16xi32>
    %swap3A_323 = vector.shape_cast %and3A_317 : vector<16xi32> to vector<1x16xi32>
    tpu.vector_store %arg7[%swap3A_319, %swap3A_320], %swap3A_323 {strides = array<i32>} : memref<8x64xi32, #tpu.memory_space<vmem>>, vector<1x16xi32>,
    %shift_right_logical3A_324 = arith.constant 16 : i32
    %shift_right_logical3A_325 = vector.broadcast %shift_right_logical3A_324 : i32 to vector<16xi32>
    %shift_right_logical3A_326 = arith.shrui %shift_right_logical3A_314, %shift_right_logical3A_325 : vector<16xi32>
    %convert_element_type3A_327 = arith.uitofp %shift_right_logical3A_326 : vector<16xi32> to vector<16xf32>
    %swap3A_328 = arith.constant 0 : i32
    %swap3A_329 = arith.index_cast %swap3A_328 : i32 to index
    %swap3A_330 = arith.constant 176 : index
    %swap3A_331 = tpu.vector_load %arg8[%swap3A_329, %swap3A_330] {strides = array<i32>} : memref<1x512xf32, #tpu.memory_space<vmem>>, vector<1x16xf32>,
    %swap3A_332 = vector.shape_cast %swap3A_331 : vector<1x16xf32> to vector<16xf32>
    %swap3A_333 = vector.shape_cast %convert_element_type3A_327 : vector<16xf32> to vector<1x16xf32>
    tpu.vector_store %arg8[%swap3A_329, %swap3A_330], %swap3A_333 {strides = array<i32>} : memref<1x512xf32, #tpu.memory_space<vmem>>, vector<1x16xf32>,
    %get3A_334 = arith.constant 192 : index
    %get3A_335 = tpu.vector_load %arg6[%get3A_334] {strides = array<i32>} : memref<512xi32, #tpu.memory_space<vmem>>, vector<16xi32>,
    %get3A_336 = vector.shape_cast %get3A_335 : vector<16xi32> to vector<16xi32>
    %mul3A_337 = arith.constant -1640531535 : i32
    %mul3A_338 = vector.broadcast %mul3A_337 : i32 to vector<16xi32>
    %mul3A_339 = arith.muli %get3A_336, %mul3A_338 : vector<16xi32>
    %shift_right_logical3A_340 = arith.constant 14 : i32
    %shift_right_logical3A_341 = vector.broadcast %shift_right_logical3A_340 : i32 to vector<16xi32>
    %shift_right_logical3A_342 = arith.shrui %mul3A_339, %shift_right_logical3A_341 : vector<16xi32>
    %and3A_343 = arith.constant 65535 : i32
    %and3A_344 = vector.broadcast %and3A_343 : i32 to vector<16xi32>
    %and3A_345 = arith.andi %shift_right_logical3A_342, %and3A_344 : vector<16xi32>
    %swap3A_346 = arith.constant 3 : i32
    %swap3A_347 = arith.index_cast %swap3A_346 : i32 to index
    %swap3A_348 = arith.constant 0 : index
    %swap3A_349 = tpu.vector_load %arg7[%swap3A_347, %swap3A_348] {strides = array<i32>} : memref<8x64xi32, #tpu.memory_space<vmem>>, vector<1x16xi32>,
    %swap3A_350 = vector.shape_cast %swap3A_349 : vector<1x16xi32> to vector<16xi32>
    %swap3A_351 = vector.shape_cast %and3A_345 : vector<16xi32> to vector<1x16xi32>
    tpu.vector_store %arg7[%swap3A_347, %swap3A_348], %swap3A_351 {strides = array<i32>} : memref<8x64xi32, #tpu.memory_space<vmem>>, vector<1x16xi32>,
    %shift_right_logical3A_352 = arith.constant 16 : i32
    %shift_right_logical3A_353 = vector.broadcast %shift_right_logical3A_352 : i32 to vector<16xi32>
    %shift_right_logical3A_354 = arith.shrui %shift_right_logical3A_342, %shift_right_logical3A_353 : vector<16xi32>
    %convert_element_type3A_355 = arith.uitofp %shift_right_logical3A_354 : vector<16xi32> to vector<16xf32>
    %swap3A_356 = arith.constant 0 : i32
    %swap3A_357 = arith.index_cast %swap3A_356 : i32 to index
    %swap3A_358 = arith.constant 192 : index
    %swap3A_359 = tpu.vector_load %arg8[%swap3A_357, %swap3A_358] {strides = array<i32>} : memref<1x512xf32, #tpu.memory_space<vmem>>, vector<1x16xf32>,
    %swap3A_360 = vector.shape_cast %swap3A_359 : vector<1x16xf32> to vector<16xf32>
    %swap3A_361 = vector.shape_cast %convert_element_type3A_355 : vector<16xf32> to vector<1x16xf32>
    tpu.vector_store %arg8[%swap3A_357, %swap3A_358], %swap3A_361 {strides = array<i32>} : memref<1x512xf32, #tpu.memory_space<vmem>>, vector<1x16xf32>,
    %get3A_362 = arith.constant 208 : index
    %get3A_363 = tpu.vector_load %arg6[%get3A_362] {strides = array<i32>} : memref<512xi32, #tpu.memory_space<vmem>>, vector<16xi32>,
    %get3A_364 = vector.shape_cast %get3A_363 : vector<16xi32> to vector<16xi32>
    %mul3A_365 = arith.constant -1640531535 : i32
    %mul3A_366 = vector.broadcast %mul3A_365 : i32 to vector<16xi32>
    %mul3A_367 = arith.muli %get3A_364, %mul3A_366 : vector<16xi32>
    %shift_right_logical3A_368 = arith.constant 14 : i32
    %shift_right_logical3A_369 = vector.broadcast %shift_right_logical3A_368 : i32 to vector<16xi32>
    %shift_right_logical3A_370 = arith.shrui %mul3A_367, %shift_right_logical3A_369 : vector<16xi32>
    %and3A_371 = arith.constant 65535 : i32
    %and3A_372 = vector.broadcast %and3A_371 : i32 to vector<16xi32>
    %and3A_373 = arith.andi %shift_right_logical3A_370, %and3A_372 : vector<16xi32>
    %swap3A_374 = arith.constant 3 : i32
    %swap3A_375 = arith.index_cast %swap3A_374 : i32 to index
    %swap3A_376 = arith.constant 16 : index
    %swap3A_377 = tpu.vector_load %arg7[%swap3A_375, %swap3A_376] {strides = array<i32>} : memref<8x64xi32, #tpu.memory_space<vmem>>, vector<1x16xi32>,
    %swap3A_378 = vector.shape_cast %swap3A_377 : vector<1x16xi32> to vector<16xi32>
    %swap3A_379 = vector.shape_cast %and3A_373 : vector<16xi32> to vector<1x16xi32>
    tpu.vector_store %arg7[%swap3A_375, %swap3A_376], %swap3A_379 {strides = array<i32>} : memref<8x64xi32, #tpu.memory_space<vmem>>, vector<1x16xi32>,
    %shift_right_logical3A_380 = arith.constant 16 : i32
    %shift_right_logical3A_381 = vector.broadcast %shift_right_logical3A_380 : i32 to vector<16xi32>
    %shift_right_logical3A_382 = arith.shrui %shift_right_logical3A_370, %shift_right_logical3A_381 : vector<16xi32>
    %convert_element_type3A_383 = arith.uitofp %shift_right_logical3A_382 : vector<16xi32> to vector<16xf32>
    %swap3A_384 = arith.constant 0 : i32
    %swap3A_385 = arith.index_cast %swap3A_384 : i32 to index
    %swap3A_386 = arith.constant 208 : index
    %swap3A_387 = tpu.vector_load %arg8[%swap3A_385, %swap3A_386] {strides = array<i32>} : memref<1x512xf32, #tpu.memory_space<vmem>>, vector<1x16xf32>,
    %swap3A_388 = vector.shape_cast %swap3A_387 : vector<1x16xf32> to vector<16xf32>
    %swap3A_389 = vector.shape_cast %convert_element_type3A_383 : vector<16xf32> to vector<1x16xf32>
    tpu.vector_store %arg8[%swap3A_385, %swap3A_386], %swap3A_389 {strides = array<i32>} : memref<1x512xf32, #tpu.memory_space<vmem>>, vector<1x16xf32>,
    %get3A_390 = arith.constant 224 : index
    %get3A_391 = tpu.vector_load %arg6[%get3A_390] {strides = array<i32>} : memref<512xi32, #tpu.memory_space<vmem>>, vector<16xi32>,
    %get3A_392 = vector.shape_cast %get3A_391 : vector<16xi32> to vector<16xi32>
    %mul3A_393 = arith.constant -1640531535 : i32
    %mul3A_394 = vector.broadcast %mul3A_393 : i32 to vector<16xi32>
    %mul3A_395 = arith.muli %get3A_392, %mul3A_394 : vector<16xi32>
    %shift_right_logical3A_396 = arith.constant 14 : i32
    %shift_right_logical3A_397 = vector.broadcast %shift_right_logical3A_396 : i32 to vector<16xi32>
    %shift_right_logical3A_398 = arith.shrui %mul3A_395, %shift_right_logical3A_397 : vector<16xi32>
    %and3A_399 = arith.constant 65535 : i32
    %and3A_400 = vector.broadcast %and3A_399 : i32 to vector<16xi32>
    %and3A_401 = arith.andi %shift_right_logical3A_398, %and3A_400 : vector<16xi32>
    %swap3A_402 = arith.constant 3 : i32
    %swap3A_403 = arith.index_cast %swap3A_402 : i32 to index
    %swap3A_404 = arith.constant 32 : index
    %swap3A_405 = tpu.vector_load %arg7[%swap3A_403, %swap3A_404] {strides = array<i32>} : memref<8x64xi32, #tpu.memory_space<vmem>>, vector<1x16xi32>,
    %swap3A_406 = vector.shape_cast %swap3A_405 : vector<1x16xi32> to vector<16xi32>
    %swap3A_407 = vector.shape_cast %and3A_401 : vector<16xi32> to vector<1x16xi32>
    tpu.vector_store %arg7[%swap3A_403, %swap3A_404], %swap3A_407 {strides = array<i32>} : memref<8x64xi32, #tpu.memory_space<vmem>>, vector<1x16xi32>,
    %shift_right_logical3A_408 = arith.constant 16 : i32
    %shift_right_logical3A_409 = vector.broadcast %shift_right_logical3A_408 : i32 to vector<16xi32>
    %shift_right_logical3A_410 = arith.shrui %shift_right_logical3A_398, %shift_right_logical3A_409 : vector<16xi32>
    %convert_element_type3A_411 = arith.uitofp %shift_right_logical3A_410 : vector<16xi32> to vector<16xf32>
    %swap3A_412 = arith.constant 0 : i32
    %swap3A_413 = arith.index_cast %swap3A_412 : i32 to index
    %swap3A_414 = arith.constant 224 : index
    %swap3A_415 = tpu.vector_load %arg8[%swap3A_413, %swap3A_414] {strides = array<i32>} : memref<1x512xf32, #tpu.memory_space<vmem>>, vector<1x16xf32>,
    %swap3A_416 = vector.shape_cast %swap3A_415 : vector<1x16xf32> to vector<16xf32>
    %swap3A_417 = vector.shape_cast %convert_element_type3A_411 : vector<16xf32> to vector<1x16xf32>
    tpu.vector_store %arg8[%swap3A_413, %swap3A_414], %swap3A_417 {strides = array<i32>} : memref<1x512xf32, #tpu.memory_space<vmem>>, vector<1x16xf32>,
    %get3A_418 = arith.constant 240 : index
    %get3A_419 = tpu.vector_load %arg6[%get3A_418] {strides = array<i32>} : memref<512xi32, #tpu.memory_space<vmem>>, vector<16xi32>,
    %get3A_420 = vector.shape_cast %get3A_419 : vector<16xi32> to vector<16xi32>
    %mul3A_421 = arith.constant -1640531535 : i32
    %mul3A_422 = vector.broadcast %mul3A_421 : i32 to vector<16xi32>
    %mul3A_423 = arith.muli %get3A_420, %mul3A_422 : vector<16xi32>
    %shift_right_logical3A_424 = arith.constant 14 : i32
    %shift_right_logical3A_425 = vector.broadcast %shift_right_logical3A_424 : i32 to vector<16xi32>
    %shift_right_logical3A_426 = arith.shrui %mul3A_423, %shift_right_logical3A_425 : vector<16xi32>
    %and3A_427 = arith.constant 65535 : i32
    %and3A_428 = vector.broadcast %and3A_427 : i32 to vector<16xi32>
    %and3A_429 = arith.andi %shift_right_logical3A_426, %and3A_428 : vector<16xi32>
    %swap3A_430 = arith.constant 3 : i32
    %swap3A_431 = arith.index_cast %swap3A_430 : i32 to index
    %swap3A_432 = arith.constant 48 : index
    %swap3A_433 = tpu.vector_load %arg7[%swap3A_431, %swap3A_432] {strides = array<i32>} : memref<8x64xi32, #tpu.memory_space<vmem>>, vector<1x16xi32>,
    %swap3A_434 = vector.shape_cast %swap3A_433 : vector<1x16xi32> to vector<16xi32>
    %swap3A_435 = vector.shape_cast %and3A_429 : vector<16xi32> to vector<1x16xi32>
    tpu.vector_store %arg7[%swap3A_431, %swap3A_432], %swap3A_435 {strides = array<i32>} : memref<8x64xi32, #tpu.memory_space<vmem>>, vector<1x16xi32>,
    %shift_right_logical3A_436 = arith.constant 16 : i32
    %shift_right_logical3A_437 = vector.broadcast %shift_right_logical3A_436 : i32 to vector<16xi32>
    %shift_right_logical3A_438 = arith.shrui %shift_right_logical3A_426, %shift_right_logical3A_437 : vector<16xi32>
    %convert_element_type3A_439 = arith.uitofp %shift_right_logical3A_438 : vector<16xi32> to vector<16xf32>
    %swap3A_440 = arith.constant 0 : i32
    %swap3A_441 = arith.index_cast %swap3A_440 : i32 to index
    %swap3A_442 = arith.constant 240 : index
    %swap3A_443 = tpu.vector_load %arg8[%swap3A_441, %swap3A_442] {strides = array<i32>} : memref<1x512xf32, #tpu.memory_space<vmem>>, vector<1x16xf32>,
    %swap3A_444 = vector.shape_cast %swap3A_443 : vector<1x16xf32> to vector<16xf32>
    %swap3A_445 = vector.shape_cast %convert_element_type3A_439 : vector<16xf32> to vector<1x16xf32>
    tpu.vector_store %arg8[%swap3A_441, %swap3A_442], %swap3A_445 {strides = array<i32>} : memref<1x512xf32, #tpu.memory_space<vmem>>, vector<1x16xf32>,
    %get3A_446 = arith.constant 256 : index
    %get3A_447 = tpu.vector_load %arg6[%get3A_446] {strides = array<i32>} : memref<512xi32, #tpu.memory_space<vmem>>, vector<16xi32>,
    %get3A_448 = vector.shape_cast %get3A_447 : vector<16xi32> to vector<16xi32>
    %mul3A_449 = arith.constant -1640531535 : i32
    %mul3A_450 = vector.broadcast %mul3A_449 : i32 to vector<16xi32>
    %mul3A_451 = arith.muli %get3A_448, %mul3A_450 : vector<16xi32>
    %shift_right_logical3A_452 = arith.constant 14 : i32
    %shift_right_logical3A_453 = vector.broadcast %shift_right_logical3A_452 : i32 to vector<16xi32>
    %shift_right_logical3A_454 = arith.shrui %mul3A_451, %shift_right_logical3A_453 : vector<16xi32>
    %and3A_455 = arith.constant 65535 : i32
    %and3A_456 = vector.broadcast %and3A_455 : i32 to vector<16xi32>
    %and3A_457 = arith.andi %shift_right_logical3A_454, %and3A_456 : vector<16xi32>
    %swap3A_458 = arith.constant 4 : i32
    %swap3A_459 = arith.index_cast %swap3A_458 : i32 to index
    %swap3A_460 = arith.constant 0 : index
    %swap3A_461 = tpu.vector_load %arg7[%swap3A_459, %swap3A_460] {strides = array<i32>} : memref<8x64xi32, #tpu.memory_space<vmem>>, vector<1x16xi32>,
    %swap3A_462 = vector.shape_cast %swap3A_461 : vector<1x16xi32> to vector<16xi32>
    %swap3A_463 = vector.shape_cast %and3A_457 : vector<16xi32> to vector<1x16xi32>
    tpu.vector_store %arg7[%swap3A_459, %swap3A_460], %swap3A_463 {strides = array<i32>} : memref<8x64xi32, #tpu.memory_space<vmem>>, vector<1x16xi32>,
    %shift_right_logical3A_464 = arith.constant 16 : i32
    %shift_right_logical3A_465 = vector.broadcast %shift_right_logical3A_464 : i32 to vector<16xi32>
    %shift_right_logical3A_466 = arith.shrui %shift_right_logical3A_454, %shift_right_logical3A_465 : vector<16xi32>
    %convert_element_type3A_467 = arith.uitofp %shift_right_logical3A_466 : vector<16xi32> to vector<16xf32>
    %swap3A_468 = arith.constant 0 : i32
    %swap3A_469 = arith.index_cast %swap3A_468 : i32 to index
    %swap3A_470 = arith.constant 256 : index
    %swap3A_471 = tpu.vector_load %arg8[%swap3A_469, %swap3A_470] {strides = array<i32>} : memref<1x512xf32, #tpu.memory_space<vmem>>, vector<1x16xf32>,
    %swap3A_472 = vector.shape_cast %swap3A_471 : vector<1x16xf32> to vector<16xf32>
    %swap3A_473 = vector.shape_cast %convert_element_type3A_467 : vector<16xf32> to vector<1x16xf32>
    tpu.vector_store %arg8[%swap3A_469, %swap3A_470], %swap3A_473 {strides = array<i32>} : memref<1x512xf32, #tpu.memory_space<vmem>>, vector<1x16xf32>,
    %get3A_474 = arith.constant 272 : index
    %get3A_475 = tpu.vector_load %arg6[%get3A_474] {strides = array<i32>} : memref<512xi32, #tpu.memory_space<vmem>>, vector<16xi32>,
    %get3A_476 = vector.shape_cast %get3A_475 : vector<16xi32> to vector<16xi32>
    %mul3A_477 = arith.constant -1640531535 : i32
    %mul3A_478 = vector.broadcast %mul3A_477 : i32 to vector<16xi32>
    %mul3A_479 = arith.muli %get3A_476, %mul3A_478 : vector<16xi32>
    %shift_right_logical3A_480 = arith.constant 14 : i32
    %shift_right_logical3A_481 = vector.broadcast %shift_right_logical3A_480 : i32 to vector<16xi32>
    %shift_right_logical3A_482 = arith.shrui %mul3A_479, %shift_right_logical3A_481 : vector<16xi32>
    %and3A_483 = arith.constant 65535 : i32
    %and3A_484 = vector.broadcast %and3A_483 : i32 to vector<16xi32>
    %and3A_485 = arith.andi %shift_right_logical3A_482, %and3A_484 : vector<16xi32>
    %swap3A_486 = arith.constant 4 : i32
    %swap3A_487 = arith.index_cast %swap3A_486 : i32 to index
    %swap3A_488 = arith.constant 16 : index
    %swap3A_489 = tpu.vector_load %arg7[%swap3A_487, %swap3A_488] {strides = array<i32>} : memref<8x64xi32, #tpu.memory_space<vmem>>, vector<1x16xi32>,
    %swap3A_490 = vector.shape_cast %swap3A_489 : vector<1x16xi32> to vector<16xi32>
    %swap3A_491 = vector.shape_cast %and3A_485 : vector<16xi32> to vector<1x16xi32>
    tpu.vector_store %arg7[%swap3A_487, %swap3A_488], %swap3A_491 {strides = array<i32>} : memref<8x64xi32, #tpu.memory_space<vmem>>, vector<1x16xi32>,
    %shift_right_logical3A_492 = arith.constant 16 : i32
    %shift_right_logical3A_493 = vector.broadcast %shift_right_logical3A_492 : i32 to vector<16xi32>
    %shift_right_logical3A_494 = arith.shrui %shift_right_logical3A_482, %shift_right_logical3A_493 : vector<16xi32>
    %convert_element_type3A_495 = arith.uitofp %shift_right_logical3A_494 : vector<16xi32> to vector<16xf32>
    %swap3A_496 = arith.constant 0 : i32
    %swap3A_497 = arith.index_cast %swap3A_496 : i32 to index
    %swap3A_498 = arith.constant 272 : index
    %swap3A_499 = tpu.vector_load %arg8[%swap3A_497, %swap3A_498] {strides = array<i32>} : memref<1x512xf32, #tpu.memory_space<vmem>>, vector<1x16xf32>,
    %swap3A_500 = vector.shape_cast %swap3A_499 : vector<1x16xf32> to vector<16xf32>
    %swap3A_501 = vector.shape_cast %convert_element_type3A_495 : vector<16xf32> to vector<1x16xf32>
    tpu.vector_store %arg8[%swap3A_497, %swap3A_498], %swap3A_501 {strides = array<i32>} : memref<1x512xf32, #tpu.memory_space<vmem>>, vector<1x16xf32>,
    %get3A_502 = arith.constant 288 : index
    %get3A_503 = tpu.vector_load %arg6[%get3A_502] {strides = array<i32>} : memref<512xi32, #tpu.memory_space<vmem>>, vector<16xi32>,
    %get3A_504 = vector.shape_cast %get3A_503 : vector<16xi32> to vector<16xi32>
    %mul3A_505 = arith.constant -1640531535 : i32
    %mul3A_506 = vector.broadcast %mul3A_505 : i32 to vector<16xi32>
    %mul3A_507 = arith.muli %get3A_504, %mul3A_506 : vector<16xi32>
    %shift_right_logical3A_508 = arith.constant 14 : i32
    %shift_right_logical3A_509 = vector.broadcast %shift_right_logical3A_508 : i32 to vector<16xi32>
    %shift_right_logical3A_510 = arith.shrui %mul3A_507, %shift_right_logical3A_509 : vector<16xi32>
    %and3A_511 = arith.constant 65535 : i32
    %and3A_512 = vector.broadcast %and3A_511 : i32 to vector<16xi32>
    %and3A_513 = arith.andi %shift_right_logical3A_510, %and3A_512 : vector<16xi32>
    %swap3A_514 = arith.constant 4 : i32
    %swap3A_515 = arith.index_cast %swap3A_514 : i32 to index
    %swap3A_516 = arith.constant 32 : index
    %swap3A_517 = tpu.vector_load %arg7[%swap3A_515, %swap3A_516] {strides = array<i32>} : memref<8x64xi32, #tpu.memory_space<vmem>>, vector<1x16xi32>,
    %swap3A_518 = vector.shape_cast %swap3A_517 : vector<1x16xi32> to vector<16xi32>
    %swap3A_519 = vector.shape_cast %and3A_513 : vector<16xi32> to vector<1x16xi32>
    tpu.vector_store %arg7[%swap3A_515, %swap3A_516], %swap3A_519 {strides = array<i32>} : memref<8x64xi32, #tpu.memory_space<vmem>>, vector<1x16xi32>,
    %shift_right_logical3A_520 = arith.constant 16 : i32
    %shift_right_logical3A_521 = vector.broadcast %shift_right_logical3A_520 : i32 to vector<16xi32>
    %shift_right_logical3A_522 = arith.shrui %shift_right_logical3A_510, %shift_right_logical3A_521 : vector<16xi32>
    %convert_element_type3A_523 = arith.uitofp %shift_right_logical3A_522 : vector<16xi32> to vector<16xf32>
    %swap3A_524 = arith.constant 0 : i32
    %swap3A_525 = arith.index_cast %swap3A_524 : i32 to index
    %swap3A_526 = arith.constant 288 : index
    %swap3A_527 = tpu.vector_load %arg8[%swap3A_525, %swap3A_526] {strides = array<i32>} : memref<1x512xf32, #tpu.memory_space<vmem>>, vector<1x16xf32>,
    %swap3A_528 = vector.shape_cast %swap3A_527 : vector<1x16xf32> to vector<16xf32>
    %swap3A_529 = vector.shape_cast %convert_element_type3A_523 : vector<16xf32> to vector<1x16xf32>
    tpu.vector_store %arg8[%swap3A_525, %swap3A_526], %swap3A_529 {strides = array<i32>} : memref<1x512xf32, #tpu.memory_space<vmem>>, vector<1x16xf32>,
    %get3A_530 = arith.constant 304 : index
    %get3A_531 = tpu.vector_load %arg6[%get3A_530] {strides = array<i32>} : memref<512xi32, #tpu.memory_space<vmem>>, vector<16xi32>,
    %get3A_532 = vector.shape_cast %get3A_531 : vector<16xi32> to vector<16xi32>
    %mul3A_533 = arith.constant -1640531535 : i32
    %mul3A_534 = vector.broadcast %mul3A_533 : i32 to vector<16xi32>
    %mul3A_535 = arith.muli %get3A_532, %mul3A_534 : vector<16xi32>
    %shift_right_logical3A_536 = arith.constant 14 : i32
    %shift_right_logical3A_537 = vector.broadcast %shift_right_logical3A_536 : i32 to vector<16xi32>
    %shift_right_logical3A_538 = arith.shrui %mul3A_535, %shift_right_logical3A_537 : vector<16xi32>
    %and3A_539 = arith.constant 65535 : i32
    %and3A_540 = vector.broadcast %and3A_539 : i32 to vector<16xi32>
    %and3A_541 = arith.andi %shift_right_logical3A_538, %and3A_540 : vector<16xi32>
    %swap3A_542 = arith.constant 4 : i32
    %swap3A_543 = arith.index_cast %swap3A_542 : i32 to index
    %swap3A_544 = arith.constant 48 : index
    %swap3A_545 = tpu.vector_load %arg7[%swap3A_543, %swap3A_544] {strides = array<i32>} : memref<8x64xi32, #tpu.memory_space<vmem>>, vector<1x16xi32>,
    %swap3A_546 = vector.shape_cast %swap3A_545 : vector<1x16xi32> to vector<16xi32>
    %swap3A_547 = vector.shape_cast %and3A_541 : vector<16xi32> to vector<1x16xi32>
    tpu.vector_store %arg7[%swap3A_543, %swap3A_544], %swap3A_547 {strides = array<i32>} : memref<8x64xi32, #tpu.memory_space<vmem>>, vector<1x16xi32>,
    %shift_right_logical3A_548 = arith.constant 16 : i32
    %shift_right_logical3A_549 = vector.broadcast %shift_right_logical3A_548 : i32 to vector<16xi32>
    %shift_right_logical3A_550 = arith.shrui %shift_right_logical3A_538, %shift_right_logical3A_549 : vector<16xi32>
    %convert_element_type3A_551 = arith.uitofp %shift_right_logical3A_550 : vector<16xi32> to vector<16xf32>
    %swap3A_552 = arith.constant 0 : i32
    %swap3A_553 = arith.index_cast %swap3A_552 : i32 to index
    %swap3A_554 = arith.constant 304 : index
    %swap3A_555 = tpu.vector_load %arg8[%swap3A_553, %swap3A_554] {strides = array<i32>} : memref<1x512xf32, #tpu.memory_space<vmem>>, vector<1x16xf32>,
    %swap3A_556 = vector.shape_cast %swap3A_555 : vector<1x16xf32> to vector<16xf32>
    %swap3A_557 = vector.shape_cast %convert_element_type3A_551 : vector<16xf32> to vector<1x16xf32>
    tpu.vector_store %arg8[%swap3A_553, %swap3A_554], %swap3A_557 {strides = array<i32>} : memref<1x512xf32, #tpu.memory_space<vmem>>, vector<1x16xf32>,
    %get3A_558 = arith.constant 320 : index
    %get3A_559 = tpu.vector_load %arg6[%get3A_558] {strides = array<i32>} : memref<512xi32, #tpu.memory_space<vmem>>, vector<16xi32>,
    %get3A_560 = vector.shape_cast %get3A_559 : vector<16xi32> to vector<16xi32>
    %mul3A_561 = arith.constant -1640531535 : i32
    %mul3A_562 = vector.broadcast %mul3A_561 : i32 to vector<16xi32>
    %mul3A_563 = arith.muli %get3A_560, %mul3A_562 : vector<16xi32>
    %shift_right_logical3A_564 = arith.constant 14 : i32
    %shift_right_logical3A_565 = vector.broadcast %shift_right_logical3A_564 : i32 to vector<16xi32>
    %shift_right_logical3A_566 = arith.shrui %mul3A_563, %shift_right_logical3A_565 : vector<16xi32>
    %and3A_567 = arith.constant 65535 : i32
    %and3A_568 = vector.broadcast %and3A_567 : i32 to vector<16xi32>
    %and3A_569 = arith.andi %shift_right_logical3A_566, %and3A_568 : vector<16xi32>
    %swap3A_570 = arith.constant 5 : i32
    %swap3A_571 = arith.index_cast %swap3A_570 : i32 to index
    %swap3A_572 = arith.constant 0 : index
    %swap3A_573 = tpu.vector_load %arg7[%swap3A_571, %swap3A_572] {strides = array<i32>} : memref<8x64xi32, #tpu.memory_space<vmem>>, vector<1x16xi32>,
    %swap3A_574 = vector.shape_cast %swap3A_573 : vector<1x16xi32> to vector<16xi32>
    %swap3A_575 = vector.shape_cast %and3A_569 : vector<16xi32> to vector<1x16xi32>
    tpu.vector_store %arg7[%swap3A_571, %swap3A_572], %swap3A_575 {strides = array<i32>} : memref<8x64xi32, #tpu.memory_space<vmem>>, vector<1x16xi32>,
    %shift_right_logical3A_576 = arith.constant 16 : i32
    %shift_right_logical3A_577 = vector.broadcast %shift_right_logical3A_576 : i32 to vector<16xi32>
    %shift_right_logical3A_578 = arith.shrui %shift_right_logical3A_566, %shift_right_logical3A_577 : vector<16xi32>
    %convert_element_type3A_579 = arith.uitofp %shift_right_logical3A_578 : vector<16xi32> to vector<16xf32>
    %swap3A_580 = arith.constant 0 : i32
    %swap3A_581 = arith.index_cast %swap3A_580 : i32 to index
    %swap3A_582 = arith.constant 320 : index
    %swap3A_583 = tpu.vector_load %arg8[%swap3A_581, %swap3A_582] {strides = array<i32>} : memref<1x512xf32, #tpu.memory_space<vmem>>, vector<1x16xf32>,
    %swap3A_584 = vector.shape_cast %swap3A_583 : vector<1x16xf32> to vector<16xf32>
    %swap3A_585 = vector.shape_cast %convert_element_type3A_579 : vector<16xf32> to vector<1x16xf32>
    tpu.vector_store %arg8[%swap3A_581, %swap3A_582], %swap3A_585 {strides = array<i32>} : memref<1x512xf32, #tpu.memory_space<vmem>>, vector<1x16xf32>,
    %get3A_586 = arith.constant 336 : index
    %get3A_587 = tpu.vector_load %arg6[%get3A_586] {strides = array<i32>} : memref<512xi32, #tpu.memory_space<vmem>>, vector<16xi32>,
    %get3A_588 = vector.shape_cast %get3A_587 : vector<16xi32> to vector<16xi32>
    %mul3A_589 = arith.constant -1640531535 : i32
    %mul3A_590 = vector.broadcast %mul3A_589 : i32 to vector<16xi32>
    %mul3A_591 = arith.muli %get3A_588, %mul3A_590 : vector<16xi32>
    %shift_right_logical3A_592 = arith.constant 14 : i32
    %shift_right_logical3A_593 = vector.broadcast %shift_right_logical3A_592 : i32 to vector<16xi32>
    %shift_right_logical3A_594 = arith.shrui %mul3A_591, %shift_right_logical3A_593 : vector<16xi32>
    %and3A_595 = arith.constant 65535 : i32
    %and3A_596 = vector.broadcast %and3A_595 : i32 to vector<16xi32>
    %and3A_597 = arith.andi %shift_right_logical3A_594, %and3A_596 : vector<16xi32>
    %swap3A_598 = arith.constant 5 : i32
    %swap3A_599 = arith.index_cast %swap3A_598 : i32 to index
    %swap3A_600 = arith.constant 16 : index
    %swap3A_601 = tpu.vector_load %arg7[%swap3A_599, %swap3A_600] {strides = array<i32>} : memref<8x64xi32, #tpu.memory_space<vmem>>, vector<1x16xi32>,
    %swap3A_602 = vector.shape_cast %swap3A_601 : vector<1x16xi32> to vector<16xi32>
    %swap3A_603 = vector.shape_cast %and3A_597 : vector<16xi32> to vector<1x16xi32>
    tpu.vector_store %arg7[%swap3A_599, %swap3A_600], %swap3A_603 {strides = array<i32>} : memref<8x64xi32, #tpu.memory_space<vmem>>, vector<1x16xi32>,
    %shift_right_logical3A_604 = arith.constant 16 : i32
    %shift_right_logical3A_605 = vector.broadcast %shift_right_logical3A_604 : i32 to vector<16xi32>
    %shift_right_logical3A_606 = arith.shrui %shift_right_logical3A_594, %shift_right_logical3A_605 : vector<16xi32>
    %convert_element_type3A_607 = arith.uitofp %shift_right_logical3A_606 : vector<16xi32> to vector<16xf32>
    %swap3A_608 = arith.constant 0 : i32
    %swap3A_609 = arith.index_cast %swap3A_608 : i32 to index
    %swap3A_610 = arith.constant 336 : index
    %swap3A_611 = tpu.vector_load %arg8[%swap3A_609, %swap3A_610] {strides = array<i32>} : memref<1x512xf32, #tpu.memory_space<vmem>>, vector<1x16xf32>,
    %swap3A_612 = vector.shape_cast %swap3A_611 : vector<1x16xf32> to vector<16xf32>
    %swap3A_613 = vector.shape_cast %convert_element_type3A_607 : vector<16xf32> to vector<1x16xf32>
    tpu.vector_store %arg8[%swap3A_609, %swap3A_610], %swap3A_613 {strides = array<i32>} : memref<1x512xf32, #tpu.memory_space<vmem>>, vector<1x16xf32>,
    %get3A_614 = arith.constant 352 : index
    %get3A_615 = tpu.vector_load %arg6[%get3A_614] {strides = array<i32>} : memref<512xi32, #tpu.memory_space<vmem>>, vector<16xi32>,
    %get3A_616 = vector.shape_cast %get3A_615 : vector<16xi32> to vector<16xi32>
    %mul3A_617 = arith.constant -1640531535 : i32
    %mul3A_618 = vector.broadcast %mul3A_617 : i32 to vector<16xi32>
    %mul3A_619 = arith.muli %get3A_616, %mul3A_618 : vector<16xi32>
    %shift_right_logical3A_620 = arith.constant 14 : i32
    %shift_right_logical3A_621 = vector.broadcast %shift_right_logical3A_620 : i32 to vector<16xi32>
    %shift_right_logical3A_622 = arith.shrui %mul3A_619, %shift_right_logical3A_621 : vector<16xi32>
    %and3A_623 = arith.constant 65535 : i32
    %and3A_624 = vector.broadcast %and3A_623 : i32 to vector<16xi32>
    %and3A_625 = arith.andi %shift_right_logical3A_622, %and3A_624 : vector<16xi32>
    %swap3A_626 = arith.constant 5 : i32
    %swap3A_627 = arith.index_cast %swap3A_626 : i32 to index
    %swap3A_628 = arith.constant 32 : index
    %swap3A_629 = tpu.vector_load %arg7[%swap3A_627, %swap3A_628] {strides = array<i32>} : memref<8x64xi32, #tpu.memory_space<vmem>>, vector<1x16xi32>,
    %swap3A_630 = vector.shape_cast %swap3A_629 : vector<1x16xi32> to vector<16xi32>
    %swap3A_631 = vector.shape_cast %and3A_625 : vector<16xi32> to vector<1x16xi32>
    tpu.vector_store %arg7[%swap3A_627, %swap3A_628], %swap3A_631 {strides = array<i32>} : memref<8x64xi32, #tpu.memory_space<vmem>>, vector<1x16xi32>,
    %shift_right_logical3A_632 = arith.constant 16 : i32
    %shift_right_logical3A_633 = vector.broadcast %shift_right_logical3A_632 : i32 to vector<16xi32>
    %shift_right_logical3A_634 = arith.shrui %shift_right_logical3A_622, %shift_right_logical3A_633 : vector<16xi32>
    %convert_element_type3A_635 = arith.uitofp %shift_right_logical3A_634 : vector<16xi32> to vector<16xf32>
    %swap3A_636 = arith.constant 0 : i32
    %swap3A_637 = arith.index_cast %swap3A_636 : i32 to index
    %swap3A_638 = arith.constant 352 : index
    %swap3A_639 = tpu.vector_load %arg8[%swap3A_637, %swap3A_638] {strides = array<i32>} : memref<1x512xf32, #tpu.memory_space<vmem>>, vector<1x16xf32>,
    %swap3A_640 = vector.shape_cast %swap3A_639 : vector<1x16xf32> to vector<16xf32>
    %swap3A_641 = vector.shape_cast %convert_element_type3A_635 : vector<16xf32> to vector<1x16xf32>
    tpu.vector_store %arg8[%swap3A_637, %swap3A_638], %swap3A_641 {strides = array<i32>} : memref<1x512xf32, #tpu.memory_space<vmem>>, vector<1x16xf32>,
    %get3A_642 = arith.constant 368 : index
    %get3A_643 = tpu.vector_load %arg6[%get3A_642] {strides = array<i32>} : memref<512xi32, #tpu.memory_space<vmem>>, vector<16xi32>,
    %get3A_644 = vector.shape_cast %get3A_643 : vector<16xi32> to vector<16xi32>
    %mul3A_645 = arith.constant -1640531535 : i32
    %mul3A_646 = vector.broadcast %mul3A_645 : i32 to vector<16xi32>
    %mul3A_647 = arith.muli %get3A_644, %mul3A_646 : vector<16xi32>
    %shift_right_logical3A_648 = arith.constant 14 : i32
    %shift_right_logical3A_649 = vector.broadcast %shift_right_logical3A_648 : i32 to vector<16xi32>
    %shift_right_logical3A_650 = arith.shrui %mul3A_647, %shift_right_logical3A_649 : vector<16xi32>
    %and3A_651 = arith.constant 65535 : i32
    %and3A_652 = vector.broadcast %and3A_651 : i32 to vector<16xi32>
    %and3A_653 = arith.andi %shift_right_logical3A_650, %and3A_652 : vector<16xi32>
    %swap3A_654 = arith.constant 5 : i32
    %swap3A_655 = arith.index_cast %swap3A_654 : i32 to index
    %swap3A_656 = arith.constant 48 : index
    %swap3A_657 = tpu.vector_load %arg7[%swap3A_655, %swap3A_656] {strides = array<i32>} : memref<8x64xi32, #tpu.memory_space<vmem>>, vector<1x16xi32>,
    %swap3A_658 = vector.shape_cast %swap3A_657 : vector<1x16xi32> to vector<16xi32>
    %swap3A_659 = vector.shape_cast %and3A_653 : vector<16xi32> to vector<1x16xi32>
    tpu.vector_store %arg7[%swap3A_655, %swap3A_656], %swap3A_659 {strides = array<i32>} : memref<8x64xi32, #tpu.memory_space<vmem>>, vector<1x16xi32>,
    %shift_right_logical3A_660 = arith.constant 16 : i32
    %shift_right_logical3A_661 = vector.broadcast %shift_right_logical3A_660 : i32 to vector<16xi32>
    %shift_right_logical3A_662 = arith.shrui %shift_right_logical3A_650, %shift_right_logical3A_661 : vector<16xi32>
    %convert_element_type3A_663 = arith.uitofp %shift_right_logical3A_662 : vector<16xi32> to vector<16xf32>
    %swap3A_664 = arith.constant 0 : i32
    %swap3A_665 = arith.index_cast %swap3A_664 : i32 to index
    %swap3A_666 = arith.constant 368 : index
    %swap3A_667 = tpu.vector_load %arg8[%swap3A_665, %swap3A_666] {strides = array<i32>} : memref<1x512xf32, #tpu.memory_space<vmem>>, vector<1x16xf32>,
    %swap3A_668 = vector.shape_cast %swap3A_667 : vector<1x16xf32> to vector<16xf32>
    %swap3A_669 = vector.shape_cast %convert_element_type3A_663 : vector<16xf32> to vector<1x16xf32>
    tpu.vector_store %arg8[%swap3A_665, %swap3A_666], %swap3A_669 {strides = array<i32>} : memref<1x512xf32, #tpu.memory_space<vmem>>, vector<1x16xf32>,
    %get3A_670 = arith.constant 384 : index
    %get3A_671 = tpu.vector_load %arg6[%get3A_670] {strides = array<i32>} : memref<512xi32, #tpu.memory_space<vmem>>, vector<16xi32>,
    %get3A_672 = vector.shape_cast %get3A_671 : vector<16xi32> to vector<16xi32>
    %mul3A_673 = arith.constant -1640531535 : i32
    %mul3A_674 = vector.broadcast %mul3A_673 : i32 to vector<16xi32>
    %mul3A_675 = arith.muli %get3A_672, %mul3A_674 : vector<16xi32>
    %shift_right_logical3A_676 = arith.constant 14 : i32
    %shift_right_logical3A_677 = vector.broadcast %shift_right_logical3A_676 : i32 to vector<16xi32>
    %shift_right_logical3A_678 = arith.shrui %mul3A_675, %shift_right_logical3A_677 : vector<16xi32>
    %and3A_679 = arith.constant 65535 : i32
    %and3A_680 = vector.broadcast %and3A_679 : i32 to vector<16xi32>
    %and3A_681 = arith.andi %shift_right_logical3A_678, %and3A_680 : vector<16xi32>
    %swap3A_682 = arith.constant 6 : i32
    %swap3A_683 = arith.index_cast %swap3A_682 : i32 to index
    %swap3A_684 = arith.constant 0 : index
    %swap3A_685 = tpu.vector_load %arg7[%swap3A_683, %swap3A_684] {strides = array<i32>} : memref<8x64xi32, #tpu.memory_space<vmem>>, vector<1x16xi32>,
    %swap3A_686 = vector.shape_cast %swap3A_685 : vector<1x16xi32> to vector<16xi32>
    %swap3A_687 = vector.shape_cast %and3A_681 : vector<16xi32> to vector<1x16xi32>
    tpu.vector_store %arg7[%swap3A_683, %swap3A_684], %swap3A_687 {strides = array<i32>} : memref<8x64xi32, #tpu.memory_space<vmem>>, vector<1x16xi32>,
    %shift_right_logical3A_688 = arith.constant 16 : i32
    %shift_right_logical3A_689 = vector.broadcast %shift_right_logical3A_688 : i32 to vector<16xi32>
    %shift_right_logical3A_690 = arith.shrui %shift_right_logical3A_678, %shift_right_logical3A_689 : vector<16xi32>
    %convert_element_type3A_691 = arith.uitofp %shift_right_logical3A_690 : vector<16xi32> to vector<16xf32>
    %swap3A_692 = arith.constant 0 : i32
    %swap3A_693 = arith.index_cast %swap3A_692 : i32 to index
    %swap3A_694 = arith.constant 384 : index
    %swap3A_695 = tpu.vector_load %arg8[%swap3A_693, %swap3A_694] {strides = array<i32>} : memref<1x512xf32, #tpu.memory_space<vmem>>, vector<1x16xf32>,
    %swap3A_696 = vector.shape_cast %swap3A_695 : vector<1x16xf32> to vector<16xf32>
    %swap3A_697 = vector.shape_cast %convert_element_type3A_691 : vector<16xf32> to vector<1x16xf32>
    tpu.vector_store %arg8[%swap3A_693, %swap3A_694], %swap3A_697 {strides = array<i32>} : memref<1x512xf32, #tpu.memory_space<vmem>>, vector<1x16xf32>,
    %get3A_698 = arith.constant 400 : index
    %get3A_699 = tpu.vector_load %arg6[%get3A_698] {strides = array<i32>} : memref<512xi32, #tpu.memory_space<vmem>>, vector<16xi32>,
    %get3A_700 = vector.shape_cast %get3A_699 : vector<16xi32> to vector<16xi32>
    %mul3A_701 = arith.constant -1640531535 : i32
    %mul3A_702 = vector.broadcast %mul3A_701 : i32 to vector<16xi32>
    %mul3A_703 = arith.muli %get3A_700, %mul3A_702 : vector<16xi32>
    %shift_right_logical3A_704 = arith.constant 14 : i32
    %shift_right_logical3A_705 = vector.broadcast %shift_right_logical3A_704 : i32 to vector<16xi32>
    %shift_right_logical3A_706 = arith.shrui %mul3A_703, %shift_right_logical3A_705 : vector<16xi32>
    %and3A_707 = arith.constant 65535 : i32
    %and3A_708 = vector.broadcast %and3A_707 : i32 to vector<16xi32>
    %and3A_709 = arith.andi %shift_right_logical3A_706, %and3A_708 : vector<16xi32>
    %swap3A_710 = arith.constant 6 : i32
    %swap3A_711 = arith.index_cast %swap3A_710 : i32 to index
    %swap3A_712 = arith.constant 16 : index
    %swap3A_713 = tpu.vector_load %arg7[%swap3A_711, %swap3A_712] {strides = array<i32>} : memref<8x64xi32, #tpu.memory_space<vmem>>, vector<1x16xi32>,
    %swap3A_714 = vector.shape_cast %swap3A_713 : vector<1x16xi32> to vector<16xi32>
    %swap3A_715 = vector.shape_cast %and3A_709 : vector<16xi32> to vector<1x16xi32>
    tpu.vector_store %arg7[%swap3A_711, %swap3A_712], %swap3A_715 {strides = array<i32>} : memref<8x64xi32, #tpu.memory_space<vmem>>, vector<1x16xi32>,
    %shift_right_logical3A_716 = arith.constant 16 : i32
    %shift_right_logical3A_717 = vector.broadcast %shift_right_logical3A_716 : i32 to vector<16xi32>
    %shift_right_logical3A_718 = arith.shrui %shift_right_logical3A_706, %shift_right_logical3A_717 : vector<16xi32>
    %convert_element_type3A_719 = arith.uitofp %shift_right_logical3A_718 : vector<16xi32> to vector<16xf32>
    %swap3A_720 = arith.constant 0 : i32
    %swap3A_721 = arith.index_cast %swap3A_720 : i32 to index
    %swap3A_722 = arith.constant 400 : index
    %swap3A_723 = tpu.vector_load %arg8[%swap3A_721, %swap3A_722] {strides = array<i32>} : memref<1x512xf32, #tpu.memory_space<vmem>>, vector<1x16xf32>,
    %swap3A_724 = vector.shape_cast %swap3A_723 : vector<1x16xf32> to vector<16xf32>
    %swap3A_725 = vector.shape_cast %convert_element_type3A_719 : vector<16xf32> to vector<1x16xf32>
    tpu.vector_store %arg8[%swap3A_721, %swap3A_722], %swap3A_725 {strides = array<i32>} : memref<1x512xf32, #tpu.memory_space<vmem>>, vector<1x16xf32>,
    %get3A_726 = arith.constant 416 : index
    %get3A_727 = tpu.vector_load %arg6[%get3A_726] {strides = array<i32>} : memref<512xi32, #tpu.memory_space<vmem>>, vector<16xi32>,
    %get3A_728 = vector.shape_cast %get3A_727 : vector<16xi32> to vector<16xi32>
    %mul3A_729 = arith.constant -1640531535 : i32
    %mul3A_730 = vector.broadcast %mul3A_729 : i32 to vector<16xi32>
    %mul3A_731 = arith.muli %get3A_728, %mul3A_730 : vector<16xi32>
    %shift_right_logical3A_732 = arith.constant 14 : i32
    %shift_right_logical3A_733 = vector.broadcast %shift_right_logical3A_732 : i32 to vector<16xi32>
    %shift_right_logical3A_734 = arith.shrui %mul3A_731, %shift_right_logical3A_733 : vector<16xi32>
    %and3A_735 = arith.constant 65535 : i32
    %and3A_736 = vector.broadcast %and3A_735 : i32 to vector<16xi32>
    %and3A_737 = arith.andi %shift_right_logical3A_734, %and3A_736 : vector<16xi32>
    %swap3A_738 = arith.constant 6 : i32
    %swap3A_739 = arith.index_cast %swap3A_738 : i32 to index
    %swap3A_740 = arith.constant 32 : index
    %swap3A_741 = tpu.vector_load %arg7[%swap3A_739, %swap3A_740] {strides = array<i32>} : memref<8x64xi32, #tpu.memory_space<vmem>>, vector<1x16xi32>,
    %swap3A_742 = vector.shape_cast %swap3A_741 : vector<1x16xi32> to vector<16xi32>
    %swap3A_743 = vector.shape_cast %and3A_737 : vector<16xi32> to vector<1x16xi32>
    tpu.vector_store %arg7[%swap3A_739, %swap3A_740], %swap3A_743 {strides = array<i32>} : memref<8x64xi32, #tpu.memory_space<vmem>>, vector<1x16xi32>,
    %shift_right_logical3A_744 = arith.constant 16 : i32
    %shift_right_logical3A_745 = vector.broadcast %shift_right_logical3A_744 : i32 to vector<16xi32>
    %shift_right_logical3A_746 = arith.shrui %shift_right_logical3A_734, %shift_right_logical3A_745 : vector<16xi32>
    %convert_element_type3A_747 = arith.uitofp %shift_right_logical3A_746 : vector<16xi32> to vector<16xf32>
    %swap3A_748 = arith.constant 0 : i32
    %swap3A_749 = arith.index_cast %swap3A_748 : i32 to index
    %swap3A_750 = arith.constant 416 : index
    %swap3A_751 = tpu.vector_load %arg8[%swap3A_749, %swap3A_750] {strides = array<i32>} : memref<1x512xf32, #tpu.memory_space<vmem>>, vector<1x16xf32>,
    %swap3A_752 = vector.shape_cast %swap3A_751 : vector<1x16xf32> to vector<16xf32>
    %swap3A_753 = vector.shape_cast %convert_element_type3A_747 : vector<16xf32> to vector<1x16xf32>
    tpu.vector_store %arg8[%swap3A_749, %swap3A_750], %swap3A_753 {strides = array<i32>} : memref<1x512xf32, #tpu.memory_space<vmem>>, vector<1x16xf32>,
    %get3A_754 = arith.constant 432 : index
    %get3A_755 = tpu.vector_load %arg6[%get3A_754] {strides = array<i32>} : memref<512xi32, #tpu.memory_space<vmem>>, vector<16xi32>,
    %get3A_756 = vector.shape_cast %get3A_755 : vector<16xi32> to vector<16xi32>
    %mul3A_757 = arith.constant -1640531535 : i32
    %mul3A_758 = vector.broadcast %mul3A_757 : i32 to vector<16xi32>
    %mul3A_759 = arith.muli %get3A_756, %mul3A_758 : vector<16xi32>
    %shift_right_logical3A_760 = arith.constant 14 : i32
    %shift_right_logical3A_761 = vector.broadcast %shift_right_logical3A_760 : i32 to vector<16xi32>
    %shift_right_logical3A_762 = arith.shrui %mul3A_759, %shift_right_logical3A_761 : vector<16xi32>
    %and3A_763 = arith.constant 65535 : i32
    %and3A_764 = vector.broadcast %and3A_763 : i32 to vector<16xi32>
    %and3A_765 = arith.andi %shift_right_logical3A_762, %and3A_764 : vector<16xi32>
    %swap3A_766 = arith.constant 6 : i32
    %swap3A_767 = arith.index_cast %swap3A_766 : i32 to index
    %swap3A_768 = arith.constant 48 : index
    %swap3A_769 = tpu.vector_load %arg7[%swap3A_767, %swap3A_768] {strides = array<i32>} : memref<8x64xi32, #tpu.memory_space<vmem>>, vector<1x16xi32>,
    %swap3A_770 = vector.shape_cast %swap3A_769 : vector<1x16xi32> to vector<16xi32>
    %swap3A_771 = vector.shape_cast %and3A_765 : vector<16xi32> to vector<1x16xi32>
    tpu.vector_store %arg7[%swap3A_767, %swap3A_768], %swap3A_771 {strides = array<i32>} : memref<8x64xi32, #tpu.memory_space<vmem>>, vector<1x16xi32>,
    %shift_right_logical3A_772 = arith.constant 16 : i32
    %shift_right_logical3A_773 = vector.broadcast %shift_right_logical3A_772 : i32 to vector<16xi32>
    %shift_right_logical3A_774 = arith.shrui %shift_right_logical3A_762, %shift_right_logical3A_773 : vector<16xi32>
    %convert_element_type3A_775 = arith.uitofp %shift_right_logical3A_774 : vector<16xi32> to vector<16xf32>
    %swap3A_776 = arith.constant 0 : i32
    %swap3A_777 = arith.index_cast %swap3A_776 : i32 to index
    %swap3A_778 = arith.constant 432 : index
    %swap3A_779 = tpu.vector_load %arg8[%swap3A_777, %swap3A_778] {strides = array<i32>} : memref<1x512xf32, #tpu.memory_space<vmem>>, vector<1x16xf32>,
    %swap3A_780 = vector.shape_cast %swap3A_779 : vector<1x16xf32> to vector<16xf32>
    %swap3A_781 = vector.shape_cast %convert_element_type3A_775 : vector<16xf32> to vector<1x16xf32>
    tpu.vector_store %arg8[%swap3A_777, %swap3A_778], %swap3A_781 {strides = array<i32>} : memref<1x512xf32, #tpu.memory_space<vmem>>, vector<1x16xf32>,
    %get3A_782 = arith.constant 448 : index
    %get3A_783 = tpu.vector_load %arg6[%get3A_782] {strides = array<i32>} : memref<512xi32, #tpu.memory_space<vmem>>, vector<16xi32>,
    %get3A_784 = vector.shape_cast %get3A_783 : vector<16xi32> to vector<16xi32>
    %mul3A_785 = arith.constant -1640531535 : i32
    %mul3A_786 = vector.broadcast %mul3A_785 : i32 to vector<16xi32>
    %mul3A_787 = arith.muli %get3A_784, %mul3A_786 : vector<16xi32>
    %shift_right_logical3A_788 = arith.constant 14 : i32
    %shift_right_logical3A_789 = vector.broadcast %shift_right_logical3A_788 : i32 to vector<16xi32>
    %shift_right_logical3A_790 = arith.shrui %mul3A_787, %shift_right_logical3A_789 : vector<16xi32>
    %and3A_791 = arith.constant 65535 : i32
    %and3A_792 = vector.broadcast %and3A_791 : i32 to vector<16xi32>
    %and3A_793 = arith.andi %shift_right_logical3A_790, %and3A_792 : vector<16xi32>
    %swap3A_794 = arith.constant 7 : i32
    %swap3A_795 = arith.index_cast %swap3A_794 : i32 to index
    %swap3A_796 = arith.constant 0 : index
    %swap3A_797 = tpu.vector_load %arg7[%swap3A_795, %swap3A_796] {strides = array<i32>} : memref<8x64xi32, #tpu.memory_space<vmem>>, vector<1x16xi32>,
    %swap3A_798 = vector.shape_cast %swap3A_797 : vector<1x16xi32> to vector<16xi32>
    %swap3A_799 = vector.shape_cast %and3A_793 : vector<16xi32> to vector<1x16xi32>
    tpu.vector_store %arg7[%swap3A_795, %swap3A_796], %swap3A_799 {strides = array<i32>} : memref<8x64xi32, #tpu.memory_space<vmem>>, vector<1x16xi32>,
    %shift_right_logical3A_800 = arith.constant 16 : i32
    %shift_right_logical3A_801 = vector.broadcast %shift_right_logical3A_800 : i32 to vector<16xi32>
    %shift_right_logical3A_802 = arith.shrui %shift_right_logical3A_790, %shift_right_logical3A_801 : vector<16xi32>
    %convert_element_type3A_803 = arith.uitofp %shift_right_logical3A_802 : vector<16xi32> to vector<16xf32>
    %swap3A_804 = arith.constant 0 : i32
    %swap3A_805 = arith.index_cast %swap3A_804 : i32 to index
    %swap3A_806 = arith.constant 448 : index
    %swap3A_807 = tpu.vector_load %arg8[%swap3A_805, %swap3A_806] {strides = array<i32>} : memref<1x512xf32, #tpu.memory_space<vmem>>, vector<1x16xf32>,
    %swap3A_808 = vector.shape_cast %swap3A_807 : vector<1x16xf32> to vector<16xf32>
    %swap3A_809 = vector.shape_cast %convert_element_type3A_803 : vector<16xf32> to vector<1x16xf32>
    tpu.vector_store %arg8[%swap3A_805, %swap3A_806], %swap3A_809 {strides = array<i32>} : memref<1x512xf32, #tpu.memory_space<vmem>>, vector<1x16xf32>,
    %get3A_810 = arith.constant 464 : index
    %get3A_811 = tpu.vector_load %arg6[%get3A_810] {strides = array<i32>} : memref<512xi32, #tpu.memory_space<vmem>>, vector<16xi32>,
    %get3A_812 = vector.shape_cast %get3A_811 : vector<16xi32> to vector<16xi32>
    %mul3A_813 = arith.constant -1640531535 : i32
    %mul3A_814 = vector.broadcast %mul3A_813 : i32 to vector<16xi32>
    %mul3A_815 = arith.muli %get3A_812, %mul3A_814 : vector<16xi32>
    %shift_right_logical3A_816 = arith.constant 14 : i32
    %shift_right_logical3A_817 = vector.broadcast %shift_right_logical3A_816 : i32 to vector<16xi32>
    %shift_right_logical3A_818 = arith.shrui %mul3A_815, %shift_right_logical3A_817 : vector<16xi32>
    %and3A_819 = arith.constant 65535 : i32
    %and3A_820 = vector.broadcast %and3A_819 : i32 to vector<16xi32>
    %and3A_821 = arith.andi %shift_right_logical3A_818, %and3A_820 : vector<16xi32>
    %swap3A_822 = arith.constant 7 : i32
    %swap3A_823 = arith.index_cast %swap3A_822 : i32 to index
    %swap3A_824 = arith.constant 16 : index
    %swap3A_825 = tpu.vector_load %arg7[%swap3A_823, %swap3A_824] {strides = array<i32>} : memref<8x64xi32, #tpu.memory_space<vmem>>, vector<1x16xi32>,
    %swap3A_826 = vector.shape_cast %swap3A_825 : vector<1x16xi32> to vector<16xi32>
    %swap3A_827 = vector.shape_cast %and3A_821 : vector<16xi32> to vector<1x16xi32>
    tpu.vector_store %arg7[%swap3A_823, %swap3A_824], %swap3A_827 {strides = array<i32>} : memref<8x64xi32, #tpu.memory_space<vmem>>, vector<1x16xi32>,
    %shift_right_logical3A_828 = arith.constant 16 : i32
    %shift_right_logical3A_829 = vector.broadcast %shift_right_logical3A_828 : i32 to vector<16xi32>
    %shift_right_logical3A_830 = arith.shrui %shift_right_logical3A_818, %shift_right_logical3A_829 : vector<16xi32>
    %convert_element_type3A_831 = arith.uitofp %shift_right_logical3A_830 : vector<16xi32> to vector<16xf32>
    %swap3A_832 = arith.constant 0 : i32
    %swap3A_833 = arith.index_cast %swap3A_832 : i32 to index
    %swap3A_834 = arith.constant 464 : index
    %swap3A_835 = tpu.vector_load %arg8[%swap3A_833, %swap3A_834] {strides = array<i32>} : memref<1x512xf32, #tpu.memory_space<vmem>>, vector<1x16xf32>,
    %swap3A_836 = vector.shape_cast %swap3A_835 : vector<1x16xf32> to vector<16xf32>
    %swap3A_837 = vector.shape_cast %convert_element_type3A_831 : vector<16xf32> to vector<1x16xf32>
    tpu.vector_store %arg8[%swap3A_833, %swap3A_834], %swap3A_837 {strides = array<i32>} : memref<1x512xf32, #tpu.memory_space<vmem>>, vector<1x16xf32>,
    %get3A_838 = arith.constant 480 : index
    %get3A_839 = tpu.vector_load %arg6[%get3A_838] {strides = array<i32>} : memref<512xi32, #tpu.memory_space<vmem>>, vector<16xi32>,
    %get3A_840 = vector.shape_cast %get3A_839 : vector<16xi32> to vector<16xi32>
    %mul3A_841 = arith.constant -1640531535 : i32
    %mul3A_842 = vector.broadcast %mul3A_841 : i32 to vector<16xi32>
    %mul3A_843 = arith.muli %get3A_840, %mul3A_842 : vector<16xi32>
    %shift_right_logical3A_844 = arith.constant 14 : i32
    %shift_right_logical3A_845 = vector.broadcast %shift_right_logical3A_844 : i32 to vector<16xi32>
    %shift_right_logical3A_846 = arith.shrui %mul3A_843, %shift_right_logical3A_845 : vector<16xi32>
    %and3A_847 = arith.constant 65535 : i32
    %and3A_848 = vector.broadcast %and3A_847 : i32 to vector<16xi32>
    %and3A_849 = arith.andi %shift_right_logical3A_846, %and3A_848 : vector<16xi32>
    %swap3A_850 = arith.constant 7 : i32
    %swap3A_851 = arith.index_cast %swap3A_850 : i32 to index
    %swap3A_852 = arith.constant 32 : index
    %swap3A_853 = tpu.vector_load %arg7[%swap3A_851, %swap3A_852] {strides = array<i32>} : memref<8x64xi32, #tpu.memory_space<vmem>>, vector<1x16xi32>,
    %swap3A_854 = vector.shape_cast %swap3A_853 : vector<1x16xi32> to vector<16xi32>
    %swap3A_855 = vector.shape_cast %and3A_849 : vector<16xi32> to vector<1x16xi32>
    tpu.vector_store %arg7[%swap3A_851, %swap3A_852], %swap3A_855 {strides = array<i32>} : memref<8x64xi32, #tpu.memory_space<vmem>>, vector<1x16xi32>,
    %shift_right_logical3A_856 = arith.constant 16 : i32
    %shift_right_logical3A_857 = vector.broadcast %shift_right_logical3A_856 : i32 to vector<16xi32>
    %shift_right_logical3A_858 = arith.shrui %shift_right_logical3A_846, %shift_right_logical3A_857 : vector<16xi32>
    %convert_element_type3A_859 = arith.uitofp %shift_right_logical3A_858 : vector<16xi32> to vector<16xf32>
    %swap3A_860 = arith.constant 0 : i32
    %swap3A_861 = arith.index_cast %swap3A_860 : i32 to index
    %swap3A_862 = arith.constant 480 : index
    %swap3A_863 = tpu.vector_load %arg8[%swap3A_861, %swap3A_862] {strides = array<i32>} : memref<1x512xf32, #tpu.memory_space<vmem>>, vector<1x16xf32>,
    %swap3A_864 = vector.shape_cast %swap3A_863 : vector<1x16xf32> to vector<16xf32>
    %swap3A_865 = vector.shape_cast %convert_element_type3A_859 : vector<16xf32> to vector<1x16xf32>
    tpu.vector_store %arg8[%swap3A_861, %swap3A_862], %swap3A_865 {strides = array<i32>} : memref<1x512xf32, #tpu.memory_space<vmem>>, vector<1x16xf32>,
    %get3A_866 = arith.constant 496 : index
    %get3A_867 = tpu.vector_load %arg6[%get3A_866] {strides = array<i32>} : memref<512xi32, #tpu.memory_space<vmem>>, vector<16xi32>,
    %get3A_868 = vector.shape_cast %get3A_867 : vector<16xi32> to vector<16xi32>
    %mul3A_869 = arith.constant -1640531535 : i32
    %mul3A_870 = vector.broadcast %mul3A_869 : i32 to vector<16xi32>
    %mul3A_871 = arith.muli %get3A_868, %mul3A_870 : vector<16xi32>
    %shift_right_logical3A_872 = arith.constant 14 : i32
    %shift_right_logical3A_873 = vector.broadcast %shift_right_logical3A_872 : i32 to vector<16xi32>
    %shift_right_logical3A_874 = arith.shrui %mul3A_871, %shift_right_logical3A_873 : vector<16xi32>
    %and3A_875 = arith.constant 65535 : i32
    %and3A_876 = vector.broadcast %and3A_875 : i32 to vector<16xi32>
    %and3A_877 = arith.andi %shift_right_logical3A_874, %and3A_876 : vector<16xi32>
    %swap3A_878 = arith.constant 7 : i32
    %swap3A_879 = arith.index_cast %swap3A_878 : i32 to index
    %swap3A_880 = arith.constant 48 : index
    %swap3A_881 = tpu.vector_load %arg7[%swap3A_879, %swap3A_880] {strides = array<i32>} : memref<8x64xi32, #tpu.memory_space<vmem>>, vector<1x16xi32>,
    %swap3A_882 = vector.shape_cast %swap3A_881 : vector<1x16xi32> to vector<16xi32>
    %swap3A_883 = vector.shape_cast %and3A_877 : vector<16xi32> to vector<1x16xi32>
    tpu.vector_store %arg7[%swap3A_879, %swap3A_880], %swap3A_883 {strides = array<i32>} : memref<8x64xi32, #tpu.memory_space<vmem>>, vector<1x16xi32>,
    %shift_right_logical3A_884 = arith.constant 16 : i32
    %shift_right_logical3A_885 = vector.broadcast %shift_right_logical3A_884 : i32 to vector<16xi32>
    %shift_right_logical3A_886 = arith.shrui %shift_right_logical3A_874, %shift_right_logical3A_885 : vector<16xi32>
    %convert_element_type3A_887 = arith.uitofp %shift_right_logical3A_886 : vector<16xi32> to vector<16xf32>
    %swap3A_888 = arith.constant 0 : i32
    %swap3A_889 = arith.index_cast %swap3A_888 : i32 to index
    %swap3A_890 = arith.constant 496 : index
    %swap3A_891 = tpu.vector_load %arg8[%swap3A_889, %swap3A_890] {strides = array<i32>} : memref<1x512xf32, #tpu.memory_space<vmem>>, vector<1x16xf32>,
    %swap3A_892 = vector.shape_cast %swap3A_891 : vector<1x16xf32> to vector<16xf32>
    %swap3A_893 = vector.shape_cast %convert_element_type3A_887 : vector<16xf32> to vector<1x16xf32>
    tpu.vector_store %arg8[%swap3A_889, %swap3A_890], %swap3A_893 {strides = array<i32>} : memref<1x512xf32, #tpu.memory_space<vmem>>, vector<1x16xf32>,
    "tpu.region"() ({
      %run_scoped3A_1155 = tpu.sem_alloc : memref<!tpu.dma_semaphore, #tpu.memory_space<semaphore_mem>>
      %dma_start3A_1156 = arith.constant 0 : i32
      %dma_start3A_1157 = tpu.memref_slice %arg5[%dma_start3A_1156, %mul3A_2] : memref<1x16384xf32, #tpu.memory_space<hbm>> -> memref<1x512xf32, #tpu.memory_space<hbm>>
      %dma_start3A_1158 = arith.constant 0 : i32
      %dma_start3A_1159 = tpu.memref_slice %arg5[%dma_start3A_1158, %mul3A_2] : memref<1x16384xf32, #tpu.memory_space<hbm>> -> memref<1x512xf32, #tpu.memory_space<hbm>>
      tpu.enqueue_dma source(%arg8 : memref<1x512xf32, #tpu.memory_space<vmem>>) target(%dma_start3A_1159 : memref<1x512xf32, #tpu.memory_space<hbm>>) target_semaphore(%run_scoped3A_1155 : memref<!tpu.dma_semaphore, #tpu.memory_space<semaphore_mem>>)
      %dma_wait3A_1160 = arith.constant 0 : i32
      %dma_wait3A_1161 = tpu.memref_slice %arg5[%dma_wait3A_1160, %mul3A_2] : memref<1x16384xf32, #tpu.memory_space<hbm>> -> memref<1x512xf32, #tpu.memory_space<hbm>>
      %dma_wait3A_1162 = arith.constant 0 : i32
      %dma_wait3A_1163 = tpu.memref_slice %arg5[%dma_wait3A_1162, %mul3A_2] : memref<1x16384xf32, #tpu.memory_space<hbm>> -> memref<1x512xf32, #tpu.memory_space<hbm>>
      tpu.wait_dma2 semaphore(%run_scoped3A_1155 : memref<!tpu.dma_semaphore, #tpu.memory_space<semaphore_mem>>) src(%arg8 : memref<1x512xf32, #tpu.memory_space<vmem>>) dst(%dma_wait3A_1163 : memref<1x512xf32, #tpu.memory_space<hbm>>)
      tpu.yield
    }) : () -> ()
    %dma_start3A = arith.constant 0 : i32
    %dma_start3A_894 = arith.constant 0 : i32
    %dma_start3A_895 = arith.constant 0 : i32
    %dma_start3A_896 = arith.constant 0 : i32
    %dma_start3A_897 = arith.constant 0 : i32
    %dma_start3A_898 = tpu.memref_slice %arg9[%dma_start3A_894, %dma_start3A_896, %dma_start3A_897] : memref<2x64x128xi32, #tpu.memory_space<vmem>> -> memref<1x64x128xi32, #tpu.memory_space<vmem>>
    %dma_start3A_899 = tpu.memref_squeeze %dma_start3A_898 : memref<1x64x128xi32, #tpu.memory_space<vmem>> -> memref<64x128xi32, #tpu.memory_space<vmem>>
    %dma_start3A_900 = arith.constant 0 : i32
    %dma_start3A_901 = tpu.memref_slice %arg7[%dma_start3A, %dma_start3A_900] : memref<8x64xi32, #tpu.memory_space<vmem>> -> memref<1x64xi32, #tpu.memory_space<vmem>>
    %dma_start3A_902 = tpu.memref_squeeze %dma_start3A_901 : memref<1x64xi32, #tpu.memory_space<vmem>> -> memref<64xi32, #tpu.memory_space<vmem>>
    %dma_start3A_903 = arith.constant 0 : i32
    %dma_start3A_904 = arith.constant 0 : i32
    %dma_start3A_905 = tpu.memref_slice %arg3[%dma_start3A_903, %dma_start3A_904] : memref<65536x128xi32, #tpu.memory_space<hbm>> -> memref<65536x128xi32, #tpu.memory_space<hbm>>
    %dma_start3A_906 = tpu.memref_slice %arg10[%dma_start3A_895] : memref<2x!tpu.dma_semaphore, #tpu.memory_space<semaphore_mem>> -> memref<1x!tpu.dma_semaphore, #tpu.memory_space<semaphore_mem>>
    %dma_start3A_907 = tpu.memref_squeeze %dma_start3A_906 : memref<1x!tpu.dma_semaphore, #tpu.memory_space<semaphore_mem>> -> memref<!tpu.dma_semaphore, #tpu.memory_space<semaphore_mem>>
    tpu.enqueue_indirect_dma source(%dma_start3A_905 : memref<65536x128xi32, #tpu.memory_space<hbm>>) target(%dma_start3A_899 : memref<64x128xi32, #tpu.memory_space<vmem>>) offsets(%dma_start3A_902 : memref<64xi32, #tpu.memory_space<vmem>>) semaphore(%dma_start3A_907 : memref<!tpu.dma_semaphore, #tpu.memory_space<semaphore_mem>>)
    %dma_start3A_908 = arith.constant 1 : i32
    %dma_start3A_909 = arith.constant 1 : i32
    %dma_start3A_910 = arith.constant 1 : i32
    %dma_start3A_911 = arith.constant 0 : i32
    %dma_start3A_912 = arith.constant 0 : i32
    %dma_start3A_913 = tpu.memref_slice %arg9[%dma_start3A_909, %dma_start3A_911, %dma_start3A_912] : memref<2x64x128xi32, #tpu.memory_space<vmem>> -> memref<1x64x128xi32, #tpu.memory_space<vmem>>
    %dma_start3A_914 = tpu.memref_squeeze %dma_start3A_913 : memref<1x64x128xi32, #tpu.memory_space<vmem>> -> memref<64x128xi32, #tpu.memory_space<vmem>>
    %dma_start3A_915 = arith.constant 0 : i32
    %dma_start3A_916 = tpu.memref_slice %arg7[%dma_start3A_908, %dma_start3A_915] : memref<8x64xi32, #tpu.memory_space<vmem>> -> memref<1x64xi32, #tpu.memory_space<vmem>>
    %dma_start3A_917 = tpu.memref_squeeze %dma_start3A_916 : memref<1x64xi32, #tpu.memory_space<vmem>> -> memref<64xi32, #tpu.memory_space<vmem>>
    %dma_start3A_918 = arith.constant 0 : i32
    %dma_start3A_919 = arith.constant 0 : i32
    %dma_start3A_920 = tpu.memref_slice %arg3[%dma_start3A_918, %dma_start3A_919] : memref<65536x128xi32, #tpu.memory_space<hbm>> -> memref<65536x128xi32, #tpu.memory_space<hbm>>
    %dma_start3A_921 = tpu.memref_slice %arg10[%dma_start3A_910] : memref<2x!tpu.dma_semaphore, #tpu.memory_space<semaphore_mem>> -> memref<1x!tpu.dma_semaphore, #tpu.memory_space<semaphore_mem>>
    %dma_start3A_922 = tpu.memref_squeeze %dma_start3A_921 : memref<1x!tpu.dma_semaphore, #tpu.memory_space<semaphore_mem>> -> memref<!tpu.dma_semaphore, #tpu.memory_space<semaphore_mem>>
    tpu.enqueue_indirect_dma source(%dma_start3A_920 : memref<65536x128xi32, #tpu.memory_space<hbm>>) target(%dma_start3A_914 : memref<64x128xi32, #tpu.memory_space<vmem>>) offsets(%dma_start3A_917 : memref<64xi32, #tpu.memory_space<vmem>>) semaphore(%dma_start3A_922 : memref<!tpu.dma_semaphore, #tpu.memory_space<semaphore_mem>>)
    %dma_wait3A = arith.constant 0 : i32
    %dma_wait3A_923 = arith.constant 0 : i32
    %dma_wait3A_924 = arith.constant 0 : i32
    %dma_wait3A_925 = arith.constant 0 : i32
    %dma_wait3A_926 = arith.constant 0 : i32
    %dma_wait3A_927 = tpu.memref_slice %arg9[%dma_wait3A_923, %dma_wait3A_925, %dma_wait3A_926] : memref<2x64x128xi32, #tpu.memory_space<vmem>> -> memref<1x64x128xi32, #tpu.memory_space<vmem>>
    %dma_wait3A_928 = tpu.memref_squeeze %dma_wait3A_927 : memref<1x64x128xi32, #tpu.memory_space<vmem>> -> memref<64x128xi32, #tpu.memory_space<vmem>>
    %dma_wait3A_929 = arith.constant 0 : i32
    %dma_wait3A_930 = tpu.memref_slice %arg7[%dma_wait3A, %dma_wait3A_929] : memref<8x64xi32, #tpu.memory_space<vmem>> -> memref<1x64xi32, #tpu.memory_space<vmem>>
    %dma_wait3A_931 = tpu.memref_squeeze %dma_wait3A_930 : memref<1x64xi32, #tpu.memory_space<vmem>> -> memref<64xi32, #tpu.memory_space<vmem>>
    %dma_wait3A_932 = arith.constant 0 : i32
    %dma_wait3A_933 = arith.constant 0 : i32
    %dma_wait3A_934 = tpu.memref_slice %arg3[%dma_wait3A_932, %dma_wait3A_933] : memref<65536x128xi32, #tpu.memory_space<hbm>> -> memref<65536x128xi32, #tpu.memory_space<hbm>>
    %dma_wait3A_935 = tpu.memref_slice %arg10[%dma_wait3A_924] : memref<2x!tpu.dma_semaphore, #tpu.memory_space<semaphore_mem>> -> memref<1x!tpu.dma_semaphore, #tpu.memory_space<semaphore_mem>>
    %dma_wait3A_936 = tpu.memref_squeeze %dma_wait3A_935 : memref<1x!tpu.dma_semaphore, #tpu.memory_space<semaphore_mem>> -> memref<!tpu.dma_semaphore, #tpu.memory_space<semaphore_mem>>
    tpu.wait_indirect_dma semaphore(%dma_wait3A_936 : memref<!tpu.dma_semaphore, #tpu.memory_space<semaphore_mem>>) src(%dma_wait3A_934 : memref<65536x128xi32, #tpu.memory_space<hbm>>) dst(%dma_wait3A_928 : memref<64x128xi32, #tpu.memory_space<vmem>>)
    %add3A_937 = arith.constant 0 : i32
    %add3A_938 = arith.addi %mul3A_2, %add3A_937 : i32
    %run_scoped3A = arith.constant 0 : i32
    "tpu.region"() ({
      %run_scoped3A_1155 = tpu.sem_alloc : memref<!tpu.dma_semaphore, #tpu.memory_space<semaphore_mem>>
      %dma_start3A_1156 = arith.constant 0 : i32
      %dma_start3A_1157 = arith.constant 0 : i32
      %dma_start3A_1158 = tpu.memref_slice %arg9[%run_scoped3A, %dma_start3A_1156, %dma_start3A_1157] : memref<2x64x128xi32, #tpu.memory_space<vmem>> -> memref<1x64x128xi32, #tpu.memory_space<vmem>>
      %dma_start3A_1159 = tpu.memref_squeeze %dma_start3A_1158 : memref<1x64x128xi32, #tpu.memory_space<vmem>> -> memref<64x128xi32, #tpu.memory_space<vmem>>
      %dma_start3A_1160 = arith.constant 0 : i32
      %dma_start3A_1161 = tpu.memref_slice %arg4[%add3A_938, %dma_start3A_1160] : memref<16384x128xi32, #tpu.memory_space<hbm>> -> memref<64x128xi32, #tpu.memory_space<hbm>>
      %dma_start3A_1162 = arith.constant 0 : i32
      %dma_start3A_1163 = tpu.memref_slice %arg4[%add3A_938, %dma_start3A_1162] : memref<16384x128xi32, #tpu.memory_space<hbm>> -> memref<64x128xi32, #tpu.memory_space<hbm>>
      %dma_start3A_1164 = arith.constant 0 : i32
      %dma_start3A_1165 = arith.constant 0 : i32
      %dma_start3A_1166 = tpu.memref_slice %arg9[%run_scoped3A, %dma_start3A_1164, %dma_start3A_1165] : memref<2x64x128xi32, #tpu.memory_space<vmem>> -> memref<1x64x128xi32, #tpu.memory_space<vmem>>
      %dma_start3A_1167 = tpu.memref_squeeze %dma_start3A_1166 : memref<1x64x128xi32, #tpu.memory_space<vmem>> -> memref<64x128xi32, #tpu.memory_space<vmem>>
      tpu.enqueue_dma source(%dma_start3A_1167 : memref<64x128xi32, #tpu.memory_space<vmem>>) target(%dma_start3A_1163 : memref<64x128xi32, #tpu.memory_space<hbm>>) target_semaphore(%run_scoped3A_1155 : memref<!tpu.dma_semaphore, #tpu.memory_space<semaphore_mem>>)
      %dma_wait3A_1168 = arith.constant 0 : i32
      %dma_wait3A_1169 = arith.constant 0 : i32
      %dma_wait3A_1170 = tpu.memref_slice %arg9[%run_scoped3A, %dma_wait3A_1168, %dma_wait3A_1169] : memref<2x64x128xi32, #tpu.memory_space<vmem>> -> memref<1x64x128xi32, #tpu.memory_space<vmem>>
      %dma_wait3A_1171 = tpu.memref_squeeze %dma_wait3A_1170 : memref<1x64x128xi32, #tpu.memory_space<vmem>> -> memref<64x128xi32, #tpu.memory_space<vmem>>
      %dma_wait3A_1172 = arith.constant 0 : i32
      %dma_wait3A_1173 = tpu.memref_slice %arg4[%add3A_938, %dma_wait3A_1172] : memref<16384x128xi32, #tpu.memory_space<hbm>> -> memref<64x128xi32, #tpu.memory_space<hbm>>
      %dma_wait3A_1174 = arith.constant 0 : i32
      %dma_wait3A_1175 = tpu.memref_slice %arg4[%add3A_938, %dma_wait3A_1174] : memref<16384x128xi32, #tpu.memory_space<hbm>> -> memref<64x128xi32, #tpu.memory_space<hbm>>
      %dma_wait3A_1176 = arith.constant 0 : i32
      %dma_wait3A_1177 = arith.constant 0 : i32
      %dma_wait3A_1178 = tpu.memref_slice %arg9[%run_scoped3A, %dma_wait3A_1176, %dma_wait3A_1177] : memref<2x64x128xi32, #tpu.memory_space<vmem>> -> memref<1x64x128xi32, #tpu.memory_space<vmem>>
      %dma_wait3A_1179 = tpu.memref_squeeze %dma_wait3A_1178 : memref<1x64x128xi32, #tpu.memory_space<vmem>> -> memref<64x128xi32, #tpu.memory_space<vmem>>
      tpu.wait_dma2 semaphore(%run_scoped3A_1155 : memref<!tpu.dma_semaphore, #tpu.memory_space<semaphore_mem>>) src(%dma_wait3A_1179 : memref<64x128xi32, #tpu.memory_space<vmem>>) dst(%dma_wait3A_1175 : memref<64x128xi32, #tpu.memory_space<hbm>>)
      tpu.yield
    }) : () -> ()
    %dma_start3A_939 = arith.constant 2 : i32
    %dma_start3A_940 = arith.constant 0 : i32
    %dma_start3A_941 = arith.constant 0 : i32
    %dma_start3A_942 = arith.constant 0 : i32
    %dma_start3A_943 = arith.constant 0 : i32
    %dma_start3A_944 = tpu.memref_slice %arg9[%dma_start3A_940, %dma_start3A_942, %dma_start3A_943] : memref<2x64x128xi32, #tpu.memory_space<vmem>> -> memref<1x64x128xi32, #tpu.memory_space<vmem>>
    %dma_start3A_945 = tpu.memref_squeeze %dma_start3A_944 : memref<1x64x128xi32, #tpu.memory_space<vmem>> -> memref<64x128xi32, #tpu.memory_space<vmem>>
    %dma_start3A_946 = arith.constant 0 : i32
    %dma_start3A_947 = tpu.memref_slice %arg7[%dma_start3A_939, %dma_start3A_946] : memref<8x64xi32, #tpu.memory_space<vmem>> -> memref<1x64xi32, #tpu.memory_space<vmem>>
    %dma_start3A_948 = tpu.memref_squeeze %dma_start3A_947 : memref<1x64xi32, #tpu.memory_space<vmem>> -> memref<64xi32, #tpu.memory_space<vmem>>
    %dma_start3A_949 = arith.constant 0 : i32
    %dma_start3A_950 = arith.constant 0 : i32
    %dma_start3A_951 = tpu.memref_slice %arg3[%dma_start3A_949, %dma_start3A_950] : memref<65536x128xi32, #tpu.memory_space<hbm>> -> memref<65536x128xi32, #tpu.memory_space<hbm>>
    %dma_start3A_952 = tpu.memref_slice %arg10[%dma_start3A_941] : memref<2x!tpu.dma_semaphore, #tpu.memory_space<semaphore_mem>> -> memref<1x!tpu.dma_semaphore, #tpu.memory_space<semaphore_mem>>
    %dma_start3A_953 = tpu.memref_squeeze %dma_start3A_952 : memref<1x!tpu.dma_semaphore, #tpu.memory_space<semaphore_mem>> -> memref<!tpu.dma_semaphore, #tpu.memory_space<semaphore_mem>>
    tpu.enqueue_indirect_dma source(%dma_start3A_951 : memref<65536x128xi32, #tpu.memory_space<hbm>>) target(%dma_start3A_945 : memref<64x128xi32, #tpu.memory_space<vmem>>) offsets(%dma_start3A_948 : memref<64xi32, #tpu.memory_space<vmem>>) semaphore(%dma_start3A_953 : memref<!tpu.dma_semaphore, #tpu.memory_space<semaphore_mem>>)
    %dma_wait3A_954 = arith.constant 1 : i32
    %dma_wait3A_955 = arith.constant 1 : i32
    %dma_wait3A_956 = arith.constant 1 : i32
    %dma_wait3A_957 = arith.constant 0 : i32
    %dma_wait3A_958 = arith.constant 0 : i32
    %dma_wait3A_959 = tpu.memref_slice %arg9[%dma_wait3A_955, %dma_wait3A_957, %dma_wait3A_958] : memref<2x64x128xi32, #tpu.memory_space<vmem>> -> memref<1x64x128xi32, #tpu.memory_space<vmem>>
    %dma_wait3A_960 = tpu.memref_squeeze %dma_wait3A_959 : memref<1x64x128xi32, #tpu.memory_space<vmem>> -> memref<64x128xi32, #tpu.memory_space<vmem>>
    %dma_wait3A_961 = arith.constant 0 : i32
    %dma_wait3A_962 = tpu.memref_slice %arg7[%dma_wait3A_954, %dma_wait3A_961] : memref<8x64xi32, #tpu.memory_space<vmem>> -> memref<1x64xi32, #tpu.memory_space<vmem>>
    %dma_wait3A_963 = tpu.memref_squeeze %dma_wait3A_962 : memref<1x64xi32, #tpu.memory_space<vmem>> -> memref<64xi32, #tpu.memory_space<vmem>>
    %dma_wait3A_964 = arith.constant 0 : i32
    %dma_wait3A_965 = arith.constant 0 : i32
    %dma_wait3A_966 = tpu.memref_slice %arg3[%dma_wait3A_964, %dma_wait3A_965] : memref<65536x128xi32, #tpu.memory_space<hbm>> -> memref<65536x128xi32, #tpu.memory_space<hbm>>
    %dma_wait3A_967 = tpu.memref_slice %arg10[%dma_wait3A_956] : memref<2x!tpu.dma_semaphore, #tpu.memory_space<semaphore_mem>> -> memref<1x!tpu.dma_semaphore, #tpu.memory_space<semaphore_mem>>
    %dma_wait3A_968 = tpu.memref_squeeze %dma_wait3A_967 : memref<1x!tpu.dma_semaphore, #tpu.memory_space<semaphore_mem>> -> memref<!tpu.dma_semaphore, #tpu.memory_space<semaphore_mem>>
    tpu.wait_indirect_dma semaphore(%dma_wait3A_968 : memref<!tpu.dma_semaphore, #tpu.memory_space<semaphore_mem>>) src(%dma_wait3A_966 : memref<65536x128xi32, #tpu.memory_space<hbm>>) dst(%dma_wait3A_960 : memref<64x128xi32, #tpu.memory_space<vmem>>)
    %add3A_969 = arith.constant 64 : i32
    %add3A_970 = arith.addi %mul3A_2, %add3A_969 : i32
    %run_scoped3A_971 = arith.constant 1 : i32
    "tpu.region"() ({
      %run_scoped3A_1155 = tpu.sem_alloc : memref<!tpu.dma_semaphore, #tpu.memory_space<semaphore_mem>>
      %dma_start3A_1156 = arith.constant 0 : i32
      %dma_start3A_1157 = arith.constant 0 : i32
      %dma_start3A_1158 = tpu.memref_slice %arg9[%run_scoped3A_971, %dma_start3A_1156, %dma_start3A_1157] : memref<2x64x128xi32, #tpu.memory_space<vmem>> -> memref<1x64x128xi32, #tpu.memory_space<vmem>>
      %dma_start3A_1159 = tpu.memref_squeeze %dma_start3A_1158 : memref<1x64x128xi32, #tpu.memory_space<vmem>> -> memref<64x128xi32, #tpu.memory_space<vmem>>
      %dma_start3A_1160 = arith.constant 0 : i32
      %dma_start3A_1161 = tpu.memref_slice %arg4[%add3A_970, %dma_start3A_1160] : memref<16384x128xi32, #tpu.memory_space<hbm>> -> memref<64x128xi32, #tpu.memory_space<hbm>>
      %dma_start3A_1162 = arith.constant 0 : i32
      %dma_start3A_1163 = tpu.memref_slice %arg4[%add3A_970, %dma_start3A_1162] : memref<16384x128xi32, #tpu.memory_space<hbm>> -> memref<64x128xi32, #tpu.memory_space<hbm>>
      %dma_start3A_1164 = arith.constant 0 : i32
      %dma_start3A_1165 = arith.constant 0 : i32
      %dma_start3A_1166 = tpu.memref_slice %arg9[%run_scoped3A_971, %dma_start3A_1164, %dma_start3A_1165] : memref<2x64x128xi32, #tpu.memory_space<vmem>> -> memref<1x64x128xi32, #tpu.memory_space<vmem>>
      %dma_start3A_1167 = tpu.memref_squeeze %dma_start3A_1166 : memref<1x64x128xi32, #tpu.memory_space<vmem>> -> memref<64x128xi32, #tpu.memory_space<vmem>>
      tpu.enqueue_dma source(%dma_start3A_1167 : memref<64x128xi32, #tpu.memory_space<vmem>>) target(%dma_start3A_1163 : memref<64x128xi32, #tpu.memory_space<hbm>>) target_semaphore(%run_scoped3A_1155 : memref<!tpu.dma_semaphore, #tpu.memory_space<semaphore_mem>>)
      %dma_wait3A_1168 = arith.constant 0 : i32
      %dma_wait3A_1169 = arith.constant 0 : i32
      %dma_wait3A_1170 = tpu.memref_slice %arg9[%run_scoped3A_971, %dma_wait3A_1168, %dma_wait3A_1169] : memref<2x64x128xi32, #tpu.memory_space<vmem>> -> memref<1x64x128xi32, #tpu.memory_space<vmem>>
      %dma_wait3A_1171 = tpu.memref_squeeze %dma_wait3A_1170 : memref<1x64x128xi32, #tpu.memory_space<vmem>> -> memref<64x128xi32, #tpu.memory_space<vmem>>
      %dma_wait3A_1172 = arith.constant 0 : i32
      %dma_wait3A_1173 = tpu.memref_slice %arg4[%add3A_970, %dma_wait3A_1172] : memref<16384x128xi32, #tpu.memory_space<hbm>> -> memref<64x128xi32, #tpu.memory_space<hbm>>
      %dma_wait3A_1174 = arith.constant 0 : i32
      %dma_wait3A_1175 = tpu.memref_slice %arg4[%add3A_970, %dma_wait3A_1174] : memref<16384x128xi32, #tpu.memory_space<hbm>> -> memref<64x128xi32, #tpu.memory_space<hbm>>
      %dma_wait3A_1176 = arith.constant 0 : i32
      %dma_wait3A_1177 = arith.constant 0 : i32
      %dma_wait3A_1178 = tpu.memref_slice %arg9[%run_scoped3A_971, %dma_wait3A_1176, %dma_wait3A_1177] : memref<2x64x128xi32, #tpu.memory_space<vmem>> -> memref<1x64x128xi32, #tpu.memory_space<vmem>>
      %dma_wait3A_1179 = tpu.memref_squeeze %dma_wait3A_1178 : memref<1x64x128xi32, #tpu.memory_space<vmem>> -> memref<64x128xi32, #tpu.memory_space<vmem>>
      tpu.wait_dma2 semaphore(%run_scoped3A_1155 : memref<!tpu.dma_semaphore, #tpu.memory_space<semaphore_mem>>) src(%dma_wait3A_1179 : memref<64x128xi32, #tpu.memory_space<vmem>>) dst(%dma_wait3A_1175 : memref<64x128xi32, #tpu.memory_space<hbm>>)
      tpu.yield
    }) : () -> ()
    %dma_start3A_972 = arith.constant 3 : i32
    %dma_start3A_973 = arith.constant 1 : i32
    %dma_start3A_974 = arith.constant 1 : i32
    %dma_start3A_975 = arith.constant 0 : i32
    %dma_start3A_976 = arith.constant 0 : i32
    %dma_start3A_977 = tpu.memref_slice %arg9[%dma_start3A_973, %dma_start3A_975, %dma_start3A_976] : memref<2x64x128xi32, #tpu.memory_space<vmem>> -> memref<1x64x128xi32, #tpu.memory_space<vmem>>
    %dma_start3A_978 = tpu.memref_squeeze %dma_start3A_977 : memref<1x64x128xi32, #tpu.memory_space<vmem>> -> memref<64x128xi32, #tpu.memory_space<vmem>>
    %dma_start3A_979 = arith.constant 0 : i32
    %dma_start3A_980 = tpu.memref_slice %arg7[%dma_start3A_972, %dma_start3A_979] : memref<8x64xi32, #tpu.memory_space<vmem>> -> memref<1x64xi32, #tpu.memory_space<vmem>>
    %dma_start3A_981 = tpu.memref_squeeze %dma_start3A_980 : memref<1x64xi32, #tpu.memory_space<vmem>> -> memref<64xi32, #tpu.memory_space<vmem>>
    %dma_start3A_982 = arith.constant 0 : i32
    %dma_start3A_983 = arith.constant 0 : i32
    %dma_start3A_984 = tpu.memref_slice %arg3[%dma_start3A_982, %dma_start3A_983] : memref<65536x128xi32, #tpu.memory_space<hbm>> -> memref<65536x128xi32, #tpu.memory_space<hbm>>
    %dma_start3A_985 = tpu.memref_slice %arg10[%dma_start3A_974] : memref<2x!tpu.dma_semaphore, #tpu.memory_space<semaphore_mem>> -> memref<1x!tpu.dma_semaphore, #tpu.memory_space<semaphore_mem>>
    %dma_start3A_986 = tpu.memref_squeeze %dma_start3A_985 : memref<1x!tpu.dma_semaphore, #tpu.memory_space<semaphore_mem>> -> memref<!tpu.dma_semaphore, #tpu.memory_space<semaphore_mem>>
    tpu.enqueue_indirect_dma source(%dma_start3A_984 : memref<65536x128xi32, #tpu.memory_space<hbm>>) target(%dma_start3A_978 : memref<64x128xi32, #tpu.memory_space<vmem>>) offsets(%dma_start3A_981 : memref<64xi32, #tpu.memory_space<vmem>>) semaphore(%dma_start3A_986 : memref<!tpu.dma_semaphore, #tpu.memory_space<semaphore_mem>>)
    %dma_wait3A_987 = arith.constant 2 : i32
    %dma_wait3A_988 = arith.constant 0 : i32
    %dma_wait3A_989 = arith.constant 0 : i32
    %dma_wait3A_990 = arith.constant 0 : i32
    %dma_wait3A_991 = arith.constant 0 : i32
    %dma_wait3A_992 = tpu.memref_slice %arg9[%dma_wait3A_988, %dma_wait3A_990, %dma_wait3A_991] : memref<2x64x128xi32, #tpu.memory_space<vmem>> -> memref<1x64x128xi32, #tpu.memory_space<vmem>>
    %dma_wait3A_993 = tpu.memref_squeeze %dma_wait3A_992 : memref<1x64x128xi32, #tpu.memory_space<vmem>> -> memref<64x128xi32, #tpu.memory_space<vmem>>
    %dma_wait3A_994 = arith.constant 0 : i32
    %dma_wait3A_995 = tpu.memref_slice %arg7[%dma_wait3A_987, %dma_wait3A_994] : memref<8x64xi32, #tpu.memory_space<vmem>> -> memref<1x64xi32, #tpu.memory_space<vmem>>
    %dma_wait3A_996 = tpu.memref_squeeze %dma_wait3A_995 : memref<1x64xi32, #tpu.memory_space<vmem>> -> memref<64xi32, #tpu.memory_space<vmem>>
    %dma_wait3A_997 = arith.constant 0 : i32
    %dma_wait3A_998 = arith.constant 0 : i32
    %dma_wait3A_999 = tpu.memref_slice %arg3[%dma_wait3A_997, %dma_wait3A_998] : memref<65536x128xi32, #tpu.memory_space<hbm>> -> memref<65536x128xi32, #tpu.memory_space<hbm>>
    %dma_wait3A_1000 = tpu.memref_slice %arg10[%dma_wait3A_989] : memref<2x!tpu.dma_semaphore, #tpu.memory_space<semaphore_mem>> -> memref<1x!tpu.dma_semaphore, #tpu.memory_space<semaphore_mem>>
    %dma_wait3A_1001 = tpu.memref_squeeze %dma_wait3A_1000 : memref<1x!tpu.dma_semaphore, #tpu.memory_space<semaphore_mem>> -> memref<!tpu.dma_semaphore, #tpu.memory_space<semaphore_mem>>
    tpu.wait_indirect_dma semaphore(%dma_wait3A_1001 : memref<!tpu.dma_semaphore, #tpu.memory_space<semaphore_mem>>) src(%dma_wait3A_999 : memref<65536x128xi32, #tpu.memory_space<hbm>>) dst(%dma_wait3A_993 : memref<64x128xi32, #tpu.memory_space<vmem>>)
    %add3A_1002 = arith.constant 128 : i32
    %add3A_1003 = arith.addi %mul3A_2, %add3A_1002 : i32
    %run_scoped3A_1004 = arith.constant 0 : i32
    "tpu.region"() ({
      %run_scoped3A_1155 = tpu.sem_alloc : memref<!tpu.dma_semaphore, #tpu.memory_space<semaphore_mem>>
      %dma_start3A_1156 = arith.constant 0 : i32
      %dma_start3A_1157 = arith.constant 0 : i32
      %dma_start3A_1158 = tpu.memref_slice %arg9[%run_scoped3A_1004, %dma_start3A_1156, %dma_start3A_1157] : memref<2x64x128xi32, #tpu.memory_space<vmem>> -> memref<1x64x128xi32, #tpu.memory_space<vmem>>
      %dma_start3A_1159 = tpu.memref_squeeze %dma_start3A_1158 : memref<1x64x128xi32, #tpu.memory_space<vmem>> -> memref<64x128xi32, #tpu.memory_space<vmem>>
      %dma_start3A_1160 = arith.constant 0 : i32
      %dma_start3A_1161 = tpu.memref_slice %arg4[%add3A_1003, %dma_start3A_1160] : memref<16384x128xi32, #tpu.memory_space<hbm>> -> memref<64x128xi32, #tpu.memory_space<hbm>>
      %dma_start3A_1162 = arith.constant 0 : i32
      %dma_start3A_1163 = tpu.memref_slice %arg4[%add3A_1003, %dma_start3A_1162] : memref<16384x128xi32, #tpu.memory_space<hbm>> -> memref<64x128xi32, #tpu.memory_space<hbm>>
      %dma_start3A_1164 = arith.constant 0 : i32
      %dma_start3A_1165 = arith.constant 0 : i32
      %dma_start3A_1166 = tpu.memref_slice %arg9[%run_scoped3A_1004, %dma_start3A_1164, %dma_start3A_1165] : memref<2x64x128xi32, #tpu.memory_space<vmem>> -> memref<1x64x128xi32, #tpu.memory_space<vmem>>
      %dma_start3A_1167 = tpu.memref_squeeze %dma_start3A_1166 : memref<1x64x128xi32, #tpu.memory_space<vmem>> -> memref<64x128xi32, #tpu.memory_space<vmem>>
      tpu.enqueue_dma source(%dma_start3A_1167 : memref<64x128xi32, #tpu.memory_space<vmem>>) target(%dma_start3A_1163 : memref<64x128xi32, #tpu.memory_space<hbm>>) target_semaphore(%run_scoped3A_1155 : memref<!tpu.dma_semaphore, #tpu.memory_space<semaphore_mem>>)
      %dma_wait3A_1168 = arith.constant 0 : i32
      %dma_wait3A_1169 = arith.constant 0 : i32
      %dma_wait3A_1170 = tpu.memref_slice %arg9[%run_scoped3A_1004, %dma_wait3A_1168, %dma_wait3A_1169] : memref<2x64x128xi32, #tpu.memory_space<vmem>> -> memref<1x64x128xi32, #tpu.memory_space<vmem>>
      %dma_wait3A_1171 = tpu.memref_squeeze %dma_wait3A_1170 : memref<1x64x128xi32, #tpu.memory_space<vmem>> -> memref<64x128xi32, #tpu.memory_space<vmem>>
      %dma_wait3A_1172 = arith.constant 0 : i32
      %dma_wait3A_1173 = tpu.memref_slice %arg4[%add3A_1003, %dma_wait3A_1172] : memref<16384x128xi32, #tpu.memory_space<hbm>> -> memref<64x128xi32, #tpu.memory_space<hbm>>
      %dma_wait3A_1174 = arith.constant 0 : i32
      %dma_wait3A_1175 = tpu.memref_slice %arg4[%add3A_1003, %dma_wait3A_1174] : memref<16384x128xi32, #tpu.memory_space<hbm>> -> memref<64x128xi32, #tpu.memory_space<hbm>>
      %dma_wait3A_1176 = arith.constant 0 : i32
      %dma_wait3A_1177 = arith.constant 0 : i32
      %dma_wait3A_1178 = tpu.memref_slice %arg9[%run_scoped3A_1004, %dma_wait3A_1176, %dma_wait3A_1177] : memref<2x64x128xi32, #tpu.memory_space<vmem>> -> memref<1x64x128xi32, #tpu.memory_space<vmem>>
      %dma_wait3A_1179 = tpu.memref_squeeze %dma_wait3A_1178 : memref<1x64x128xi32, #tpu.memory_space<vmem>> -> memref<64x128xi32, #tpu.memory_space<vmem>>
      tpu.wait_dma2 semaphore(%run_scoped3A_1155 : memref<!tpu.dma_semaphore, #tpu.memory_space<semaphore_mem>>) src(%dma_wait3A_1179 : memref<64x128xi32, #tpu.memory_space<vmem>>) dst(%dma_wait3A_1175 : memref<64x128xi32, #tpu.memory_space<hbm>>)
      tpu.yield
    }) : () -> ()
    %dma_start3A_1005 = arith.constant 4 : i32
    %dma_start3A_1006 = arith.constant 0 : i32
    %dma_start3A_1007 = arith.constant 0 : i32
    %dma_start3A_1008 = arith.constant 0 : i32
    %dma_start3A_1009 = arith.constant 0 : i32
    %dma_start3A_1010 = tpu.memref_slice %arg9[%dma_start3A_1006, %dma_start3A_1008, %dma_start3A_1009] : memref<2x64x128xi32, #tpu.memory_space<vmem>> -> memref<1x64x128xi32, #tpu.memory_space<vmem>>
    %dma_start3A_1011 = tpu.memref_squeeze %dma_start3A_1010 : memref<1x64x128xi32, #tpu.memory_space<vmem>> -> memref<64x128xi32, #tpu.memory_space<vmem>>
    %dma_start3A_1012 = arith.constant 0 : i32
    %dma_start3A_1013 = tpu.memref_slice %arg7[%dma_start3A_1005, %dma_start3A_1012] : memref<8x64xi32, #tpu.memory_space<vmem>> -> memref<1x64xi32, #tpu.memory_space<vmem>>
    %dma_start3A_1014 = tpu.memref_squeeze %dma_start3A_1013 : memref<1x64xi32, #tpu.memory_space<vmem>> -> memref<64xi32, #tpu.memory_space<vmem>>
    %dma_start3A_1015 = arith.constant 0 : i32
    %dma_start3A_1016 = arith.constant 0 : i32
    %dma_start3A_1017 = tpu.memref_slice %arg3[%dma_start3A_1015, %dma_start3A_1016] : memref<65536x128xi32, #tpu.memory_space<hbm>> -> memref<65536x128xi32, #tpu.memory_space<hbm>>
    %dma_start3A_1018 = tpu.memref_slice %arg10[%dma_start3A_1007] : memref<2x!tpu.dma_semaphore, #tpu.memory_space<semaphore_mem>> -> memref<1x!tpu.dma_semaphore, #tpu.memory_space<semaphore_mem>>
    %dma_start3A_1019 = tpu.memref_squeeze %dma_start3A_1018 : memref<1x!tpu.dma_semaphore, #tpu.memory_space<semaphore_mem>> -> memref<!tpu.dma_semaphore, #tpu.memory_space<semaphore_mem>>
    tpu.enqueue_indirect_dma source(%dma_start3A_1017 : memref<65536x128xi32, #tpu.memory_space<hbm>>) target(%dma_start3A_1011 : memref<64x128xi32, #tpu.memory_space<vmem>>) offsets(%dma_start3A_1014 : memref<64xi32, #tpu.memory_space<vmem>>) semaphore(%dma_start3A_1019 : memref<!tpu.dma_semaphore, #tpu.memory_space<semaphore_mem>>)
    %dma_wait3A_1020 = arith.constant 3 : i32
    %dma_wait3A_1021 = arith.constant 1 : i32
    %dma_wait3A_1022 = arith.constant 1 : i32
    %dma_wait3A_1023 = arith.constant 0 : i32
    %dma_wait3A_1024 = arith.constant 0 : i32
    %dma_wait3A_1025 = tpu.memref_slice %arg9[%dma_wait3A_1021, %dma_wait3A_1023, %dma_wait3A_1024] : memref<2x64x128xi32, #tpu.memory_space<vmem>> -> memref<1x64x128xi32, #tpu.memory_space<vmem>>
    %dma_wait3A_1026 = tpu.memref_squeeze %dma_wait3A_1025 : memref<1x64x128xi32, #tpu.memory_space<vmem>> -> memref<64x128xi32, #tpu.memory_space<vmem>>
    %dma_wait3A_1027 = arith.constant 0 : i32
    %dma_wait3A_1028 = tpu.memref_slice %arg7[%dma_wait3A_1020, %dma_wait3A_1027] : memref<8x64xi32, #tpu.memory_space<vmem>> -> memref<1x64xi32, #tpu.memory_space<vmem>>
    %dma_wait3A_1029 = tpu.memref_squeeze %dma_wait3A_1028 : memref<1x64xi32, #tpu.memory_space<vmem>> -> memref<64xi32, #tpu.memory_space<vmem>>
    %dma_wait3A_1030 = arith.constant 0 : i32
    %dma_wait3A_1031 = arith.constant 0 : i32
    %dma_wait3A_1032 = tpu.memref_slice %arg3[%dma_wait3A_1030, %dma_wait3A_1031] : memref<65536x128xi32, #tpu.memory_space<hbm>> -> memref<65536x128xi32, #tpu.memory_space<hbm>>
    %dma_wait3A_1033 = tpu.memref_slice %arg10[%dma_wait3A_1022] : memref<2x!tpu.dma_semaphore, #tpu.memory_space<semaphore_mem>> -> memref<1x!tpu.dma_semaphore, #tpu.memory_space<semaphore_mem>>
    %dma_wait3A_1034 = tpu.memref_squeeze %dma_wait3A_1033 : memref<1x!tpu.dma_semaphore, #tpu.memory_space<semaphore_mem>> -> memref<!tpu.dma_semaphore, #tpu.memory_space<semaphore_mem>>
    tpu.wait_indirect_dma semaphore(%dma_wait3A_1034 : memref<!tpu.dma_semaphore, #tpu.memory_space<semaphore_mem>>) src(%dma_wait3A_1032 : memref<65536x128xi32, #tpu.memory_space<hbm>>) dst(%dma_wait3A_1026 : memref<64x128xi32, #tpu.memory_space<vmem>>)
    %add3A_1035 = arith.constant 192 : i32
    %add3A_1036 = arith.addi %mul3A_2, %add3A_1035 : i32
    %run_scoped3A_1037 = arith.constant 1 : i32
    "tpu.region"() ({
      %run_scoped3A_1155 = tpu.sem_alloc : memref<!tpu.dma_semaphore, #tpu.memory_space<semaphore_mem>>
      %dma_start3A_1156 = arith.constant 0 : i32
      %dma_start3A_1157 = arith.constant 0 : i32
      %dma_start3A_1158 = tpu.memref_slice %arg9[%run_scoped3A_1037, %dma_start3A_1156, %dma_start3A_1157] : memref<2x64x128xi32, #tpu.memory_space<vmem>> -> memref<1x64x128xi32, #tpu.memory_space<vmem>>
      %dma_start3A_1159 = tpu.memref_squeeze %dma_start3A_1158 : memref<1x64x128xi32, #tpu.memory_space<vmem>> -> memref<64x128xi32, #tpu.memory_space<vmem>>
      %dma_start3A_1160 = arith.constant 0 : i32
      %dma_start3A_1161 = tpu.memref_slice %arg4[%add3A_1036, %dma_start3A_1160] : memref<16384x128xi32, #tpu.memory_space<hbm>> -> memref<64x128xi32, #tpu.memory_space<hbm>>
      %dma_start3A_1162 = arith.constant 0 : i32
      %dma_start3A_1163 = tpu.memref_slice %arg4[%add3A_1036, %dma_start3A_1162] : memref<16384x128xi32, #tpu.memory_space<hbm>> -> memref<64x128xi32, #tpu.memory_space<hbm>>
      %dma_start3A_1164 = arith.constant 0 : i32
      %dma_start3A_1165 = arith.constant 0 : i32
      %dma_start3A_1166 = tpu.memref_slice %arg9[%run_scoped3A_1037, %dma_start3A_1164, %dma_start3A_1165] : memref<2x64x128xi32, #tpu.memory_space<vmem>> -> memref<1x64x128xi32, #tpu.memory_space<vmem>>
      %dma_start3A_1167 = tpu.memref_squeeze %dma_start3A_1166 : memref<1x64x128xi32, #tpu.memory_space<vmem>> -> memref<64x128xi32, #tpu.memory_space<vmem>>
      tpu.enqueue_dma source(%dma_start3A_1167 : memref<64x128xi32, #tpu.memory_space<vmem>>) target(%dma_start3A_1163 : memref<64x128xi32, #tpu.memory_space<hbm>>) target_semaphore(%run_scoped3A_1155 : memref<!tpu.dma_semaphore, #tpu.memory_space<semaphore_mem>>)
      %dma_wait3A_1168 = arith.constant 0 : i32
      %dma_wait3A_1169 = arith.constant 0 : i32
      %dma_wait3A_1170 = tpu.memref_slice %arg9[%run_scoped3A_1037, %dma_wait3A_1168, %dma_wait3A_1169] : memref<2x64x128xi32, #tpu.memory_space<vmem>> -> memref<1x64x128xi32, #tpu.memory_space<vmem>>
      %dma_wait3A_1171 = tpu.memref_squeeze %dma_wait3A_1170 : memref<1x64x128xi32, #tpu.memory_space<vmem>> -> memref<64x128xi32, #tpu.memory_space<vmem>>
      %dma_wait3A_1172 = arith.constant 0 : i32
      %dma_wait3A_1173 = tpu.memref_slice %arg4[%add3A_1036, %dma_wait3A_1172] : memref<16384x128xi32, #tpu.memory_space<hbm>> -> memref<64x128xi32, #tpu.memory_space<hbm>>
      %dma_wait3A_1174 = arith.constant 0 : i32
      %dma_wait3A_1175 = tpu.memref_slice %arg4[%add3A_1036, %dma_wait3A_1174] : memref<16384x128xi32, #tpu.memory_space<hbm>> -> memref<64x128xi32, #tpu.memory_space<hbm>>
      %dma_wait3A_1176 = arith.constant 0 : i32
      %dma_wait3A_1177 = arith.constant 0 : i32
      %dma_wait3A_1178 = tpu.memref_slice %arg9[%run_scoped3A_1037, %dma_wait3A_1176, %dma_wait3A_1177] : memref<2x64x128xi32, #tpu.memory_space<vmem>> -> memref<1x64x128xi32, #tpu.memory_space<vmem>>
      %dma_wait3A_1179 = tpu.memref_squeeze %dma_wait3A_1178 : memref<1x64x128xi32, #tpu.memory_space<vmem>> -> memref<64x128xi32, #tpu.memory_space<vmem>>
      tpu.wait_dma2 semaphore(%run_scoped3A_1155 : memref<!tpu.dma_semaphore, #tpu.memory_space<semaphore_mem>>) src(%dma_wait3A_1179 : memref<64x128xi32, #tpu.memory_space<vmem>>) dst(%dma_wait3A_1175 : memref<64x128xi32, #tpu.memory_space<hbm>>)
      tpu.yield
    }) : () -> ()
    %dma_start3A_1038 = arith.constant 5 : i32
    %dma_start3A_1039 = arith.constant 1 : i32
    %dma_start3A_1040 = arith.constant 1 : i32
    %dma_start3A_1041 = arith.constant 0 : i32
    %dma_start3A_1042 = arith.constant 0 : i32
    %dma_start3A_1043 = tpu.memref_slice %arg9[%dma_start3A_1039, %dma_start3A_1041, %dma_start3A_1042] : memref<2x64x128xi32, #tpu.memory_space<vmem>> -> memref<1x64x128xi32, #tpu.memory_space<vmem>>
    %dma_start3A_1044 = tpu.memref_squeeze %dma_start3A_1043 : memref<1x64x128xi32, #tpu.memory_space<vmem>> -> memref<64x128xi32, #tpu.memory_space<vmem>>
    %dma_start3A_1045 = arith.constant 0 : i32
    %dma_start3A_1046 = tpu.memref_slice %arg7[%dma_start3A_1038, %dma_start3A_1045] : memref<8x64xi32, #tpu.memory_space<vmem>> -> memref<1x64xi32, #tpu.memory_space<vmem>>
    %dma_start3A_1047 = tpu.memref_squeeze %dma_start3A_1046 : memref<1x64xi32, #tpu.memory_space<vmem>> -> memref<64xi32, #tpu.memory_space<vmem>>
    %dma_start3A_1048 = arith.constant 0 : i32
    %dma_start3A_1049 = arith.constant 0 : i32
    %dma_start3A_1050 = tpu.memref_slice %arg3[%dma_start3A_1048, %dma_start3A_1049] : memref<65536x128xi32, #tpu.memory_space<hbm>> -> memref<65536x128xi32, #tpu.memory_space<hbm>>
    %dma_start3A_1051 = tpu.memref_slice %arg10[%dma_start3A_1040] : memref<2x!tpu.dma_semaphore, #tpu.memory_space<semaphore_mem>> -> memref<1x!tpu.dma_semaphore, #tpu.memory_space<semaphore_mem>>
    %dma_start3A_1052 = tpu.memref_squeeze %dma_start3A_1051 : memref<1x!tpu.dma_semaphore, #tpu.memory_space<semaphore_mem>> -> memref<!tpu.dma_semaphore, #tpu.memory_space<semaphore_mem>>
    tpu.enqueue_indirect_dma source(%dma_start3A_1050 : memref<65536x128xi32, #tpu.memory_space<hbm>>) target(%dma_start3A_1044 : memref<64x128xi32, #tpu.memory_space<vmem>>) offsets(%dma_start3A_1047 : memref<64xi32, #tpu.memory_space<vmem>>) semaphore(%dma_start3A_1052 : memref<!tpu.dma_semaphore, #tpu.memory_space<semaphore_mem>>)
    %dma_wait3A_1053 = arith.constant 4 : i32
    %dma_wait3A_1054 = arith.constant 0 : i32
    %dma_wait3A_1055 = arith.constant 0 : i32
    %dma_wait3A_1056 = arith.constant 0 : i32
    %dma_wait3A_1057 = arith.constant 0 : i32
    %dma_wait3A_1058 = tpu.memref_slice %arg9[%dma_wait3A_1054, %dma_wait3A_1056, %dma_wait3A_1057] : memref<2x64x128xi32, #tpu.memory_space<vmem>> -> memref<1x64x128xi32, #tpu.memory_space<vmem>>
    %dma_wait3A_1059 = tpu.memref_squeeze %dma_wait3A_1058 : memref<1x64x128xi32, #tpu.memory_space<vmem>> -> memref<64x128xi32, #tpu.memory_space<vmem>>
    %dma_wait3A_1060 = arith.constant 0 : i32
    %dma_wait3A_1061 = tpu.memref_slice %arg7[%dma_wait3A_1053, %dma_wait3A_1060] : memref<8x64xi32, #tpu.memory_space<vmem>> -> memref<1x64xi32, #tpu.memory_space<vmem>>
    %dma_wait3A_1062 = tpu.memref_squeeze %dma_wait3A_1061 : memref<1x64xi32, #tpu.memory_space<vmem>> -> memref<64xi32, #tpu.memory_space<vmem>>
    %dma_wait3A_1063 = arith.constant 0 : i32
    %dma_wait3A_1064 = arith.constant 0 : i32
    %dma_wait3A_1065 = tpu.memref_slice %arg3[%dma_wait3A_1063, %dma_wait3A_1064] : memref<65536x128xi32, #tpu.memory_space<hbm>> -> memref<65536x128xi32, #tpu.memory_space<hbm>>
    %dma_wait3A_1066 = tpu.memref_slice %arg10[%dma_wait3A_1055] : memref<2x!tpu.dma_semaphore, #tpu.memory_space<semaphore_mem>> -> memref<1x!tpu.dma_semaphore, #tpu.memory_space<semaphore_mem>>
    %dma_wait3A_1067 = tpu.memref_squeeze %dma_wait3A_1066 : memref<1x!tpu.dma_semaphore, #tpu.memory_space<semaphore_mem>> -> memref<!tpu.dma_semaphore, #tpu.memory_space<semaphore_mem>>
    tpu.wait_indirect_dma semaphore(%dma_wait3A_1067 : memref<!tpu.dma_semaphore, #tpu.memory_space<semaphore_mem>>) src(%dma_wait3A_1065 : memref<65536x128xi32, #tpu.memory_space<hbm>>) dst(%dma_wait3A_1059 : memref<64x128xi32, #tpu.memory_space<vmem>>)
    %add3A_1068 = arith.constant 256 : i32
    %add3A_1069 = arith.addi %mul3A_2, %add3A_1068 : i32
    %run_scoped3A_1070 = arith.constant 0 : i32
    "tpu.region"() ({
      %run_scoped3A_1155 = tpu.sem_alloc : memref<!tpu.dma_semaphore, #tpu.memory_space<semaphore_mem>>
      %dma_start3A_1156 = arith.constant 0 : i32
      %dma_start3A_1157 = arith.constant 0 : i32
      %dma_start3A_1158 = tpu.memref_slice %arg9[%run_scoped3A_1070, %dma_start3A_1156, %dma_start3A_1157] : memref<2x64x128xi32, #tpu.memory_space<vmem>> -> memref<1x64x128xi32, #tpu.memory_space<vmem>>
      %dma_start3A_1159 = tpu.memref_squeeze %dma_start3A_1158 : memref<1x64x128xi32, #tpu.memory_space<vmem>> -> memref<64x128xi32, #tpu.memory_space<vmem>>
      %dma_start3A_1160 = arith.constant 0 : i32
      %dma_start3A_1161 = tpu.memref_slice %arg4[%add3A_1069, %dma_start3A_1160] : memref<16384x128xi32, #tpu.memory_space<hbm>> -> memref<64x128xi32, #tpu.memory_space<hbm>>
      %dma_start3A_1162 = arith.constant 0 : i32
      %dma_start3A_1163 = tpu.memref_slice %arg4[%add3A_1069, %dma_start3A_1162] : memref<16384x128xi32, #tpu.memory_space<hbm>> -> memref<64x128xi32, #tpu.memory_space<hbm>>
      %dma_start3A_1164 = arith.constant 0 : i32
      %dma_start3A_1165 = arith.constant 0 : i32
      %dma_start3A_1166 = tpu.memref_slice %arg9[%run_scoped3A_1070, %dma_start3A_1164, %dma_start3A_1165] : memref<2x64x128xi32, #tpu.memory_space<vmem>> -> memref<1x64x128xi32, #tpu.memory_space<vmem>>
      %dma_start3A_1167 = tpu.memref_squeeze %dma_start3A_1166 : memref<1x64x128xi32, #tpu.memory_space<vmem>> -> memref<64x128xi32, #tpu.memory_space<vmem>>
      tpu.enqueue_dma source(%dma_start3A_1167 : memref<64x128xi32, #tpu.memory_space<vmem>>) target(%dma_start3A_1163 : memref<64x128xi32, #tpu.memory_space<hbm>>) target_semaphore(%run_scoped3A_1155 : memref<!tpu.dma_semaphore, #tpu.memory_space<semaphore_mem>>)
      %dma_wait3A_1168 = arith.constant 0 : i32
      %dma_wait3A_1169 = arith.constant 0 : i32
      %dma_wait3A_1170 = tpu.memref_slice %arg9[%run_scoped3A_1070, %dma_wait3A_1168, %dma_wait3A_1169] : memref<2x64x128xi32, #tpu.memory_space<vmem>> -> memref<1x64x128xi32, #tpu.memory_space<vmem>>
      %dma_wait3A_1171 = tpu.memref_squeeze %dma_wait3A_1170 : memref<1x64x128xi32, #tpu.memory_space<vmem>> -> memref<64x128xi32, #tpu.memory_space<vmem>>
      %dma_wait3A_1172 = arith.constant 0 : i32
      %dma_wait3A_1173 = tpu.memref_slice %arg4[%add3A_1069, %dma_wait3A_1172] : memref<16384x128xi32, #tpu.memory_space<hbm>> -> memref<64x128xi32, #tpu.memory_space<hbm>>
      %dma_wait3A_1174 = arith.constant 0 : i32
      %dma_wait3A_1175 = tpu.memref_slice %arg4[%add3A_1069, %dma_wait3A_1174] : memref<16384x128xi32, #tpu.memory_space<hbm>> -> memref<64x128xi32, #tpu.memory_space<hbm>>
      %dma_wait3A_1176 = arith.constant 0 : i32
      %dma_wait3A_1177 = arith.constant 0 : i32
      %dma_wait3A_1178 = tpu.memref_slice %arg9[%run_scoped3A_1070, %dma_wait3A_1176, %dma_wait3A_1177] : memref<2x64x128xi32, #tpu.memory_space<vmem>> -> memref<1x64x128xi32, #tpu.memory_space<vmem>>
      %dma_wait3A_1179 = tpu.memref_squeeze %dma_wait3A_1178 : memref<1x64x128xi32, #tpu.memory_space<vmem>> -> memref<64x128xi32, #tpu.memory_space<vmem>>
      tpu.wait_dma2 semaphore(%run_scoped3A_1155 : memref<!tpu.dma_semaphore, #tpu.memory_space<semaphore_mem>>) src(%dma_wait3A_1179 : memref<64x128xi32, #tpu.memory_space<vmem>>) dst(%dma_wait3A_1175 : memref<64x128xi32, #tpu.memory_space<hbm>>)
      tpu.yield
    }) : () -> ()
    %dma_start3A_1071 = arith.constant 6 : i32
    %dma_start3A_1072 = arith.constant 0 : i32
    %dma_start3A_1073 = arith.constant 0 : i32
    %dma_start3A_1074 = arith.constant 0 : i32
    %dma_start3A_1075 = arith.constant 0 : i32
    %dma_start3A_1076 = tpu.memref_slice %arg9[%dma_start3A_1072, %dma_start3A_1074, %dma_start3A_1075] : memref<2x64x128xi32, #tpu.memory_space<vmem>> -> memref<1x64x128xi32, #tpu.memory_space<vmem>>
    %dma_start3A_1077 = tpu.memref_squeeze %dma_start3A_1076 : memref<1x64x128xi32, #tpu.memory_space<vmem>> -> memref<64x128xi32, #tpu.memory_space<vmem>>
    %dma_start3A_1078 = arith.constant 0 : i32
    %dma_start3A_1079 = tpu.memref_slice %arg7[%dma_start3A_1071, %dma_start3A_1078] : memref<8x64xi32, #tpu.memory_space<vmem>> -> memref<1x64xi32, #tpu.memory_space<vmem>>
    %dma_start3A_1080 = tpu.memref_squeeze %dma_start3A_1079 : memref<1x64xi32, #tpu.memory_space<vmem>> -> memref<64xi32, #tpu.memory_space<vmem>>
    %dma_start3A_1081 = arith.constant 0 : i32
    %dma_start3A_1082 = arith.constant 0 : i32
    %dma_start3A_1083 = tpu.memref_slice %arg3[%dma_start3A_1081, %dma_start3A_1082] : memref<65536x128xi32, #tpu.memory_space<hbm>> -> memref<65536x128xi32, #tpu.memory_space<hbm>>
    %dma_start3A_1084 = tpu.memref_slice %arg10[%dma_start3A_1073] : memref<2x!tpu.dma_semaphore, #tpu.memory_space<semaphore_mem>> -> memref<1x!tpu.dma_semaphore, #tpu.memory_space<semaphore_mem>>
    %dma_start3A_1085 = tpu.memref_squeeze %dma_start3A_1084 : memref<1x!tpu.dma_semaphore, #tpu.memory_space<semaphore_mem>> -> memref<!tpu.dma_semaphore, #tpu.memory_space<semaphore_mem>>
    tpu.enqueue_indirect_dma source(%dma_start3A_1083 : memref<65536x128xi32, #tpu.memory_space<hbm>>) target(%dma_start3A_1077 : memref<64x128xi32, #tpu.memory_space<vmem>>) offsets(%dma_start3A_1080 : memref<64xi32, #tpu.memory_space<vmem>>) semaphore(%dma_start3A_1085 : memref<!tpu.dma_semaphore, #tpu.memory_space<semaphore_mem>>)
    %dma_wait3A_1086 = arith.constant 5 : i32
    %dma_wait3A_1087 = arith.constant 1 : i32
    %dma_wait3A_1088 = arith.constant 1 : i32
    %dma_wait3A_1089 = arith.constant 0 : i32
    %dma_wait3A_1090 = arith.constant 0 : i32
    %dma_wait3A_1091 = tpu.memref_slice %arg9[%dma_wait3A_1087, %dma_wait3A_1089, %dma_wait3A_1090] : memref<2x64x128xi32, #tpu.memory_space<vmem>> -> memref<1x64x128xi32, #tpu.memory_space<vmem>>
    %dma_wait3A_1092 = tpu.memref_squeeze %dma_wait3A_1091 : memref<1x64x128xi32, #tpu.memory_space<vmem>> -> memref<64x128xi32, #tpu.memory_space<vmem>>
    %dma_wait3A_1093 = arith.constant 0 : i32
    %dma_wait3A_1094 = tpu.memref_slice %arg7[%dma_wait3A_1086, %dma_wait3A_1093] : memref<8x64xi32, #tpu.memory_space<vmem>> -> memref<1x64xi32, #tpu.memory_space<vmem>>
    %dma_wait3A_1095 = tpu.memref_squeeze %dma_wait3A_1094 : memref<1x64xi32, #tpu.memory_space<vmem>> -> memref<64xi32, #tpu.memory_space<vmem>>
    %dma_wait3A_1096 = arith.constant 0 : i32
    %dma_wait3A_1097 = arith.constant 0 : i32
    %dma_wait3A_1098 = tpu.memref_slice %arg3[%dma_wait3A_1096, %dma_wait3A_1097] : memref<65536x128xi32, #tpu.memory_space<hbm>> -> memref<65536x128xi32, #tpu.memory_space<hbm>>
    %dma_wait3A_1099 = tpu.memref_slice %arg10[%dma_wait3A_1088] : memref<2x!tpu.dma_semaphore, #tpu.memory_space<semaphore_mem>> -> memref<1x!tpu.dma_semaphore, #tpu.memory_space<semaphore_mem>>
    %dma_wait3A_1100 = tpu.memref_squeeze %dma_wait3A_1099 : memref<1x!tpu.dma_semaphore, #tpu.memory_space<semaphore_mem>> -> memref<!tpu.dma_semaphore, #tpu.memory_space<semaphore_mem>>
    tpu.wait_indirect_dma semaphore(%dma_wait3A_1100 : memref<!tpu.dma_semaphore, #tpu.memory_space<semaphore_mem>>) src(%dma_wait3A_1098 : memref<65536x128xi32, #tpu.memory_space<hbm>>) dst(%dma_wait3A_1092 : memref<64x128xi32, #tpu.memory_space<vmem>>)
    %add3A_1101 = arith.constant 320 : i32
    %add3A_1102 = arith.addi %mul3A_2, %add3A_1101 : i32
    %run_scoped3A_1103 = arith.constant 1 : i32
    "tpu.region"() ({
      %run_scoped3A_1155 = tpu.sem_alloc : memref<!tpu.dma_semaphore, #tpu.memory_space<semaphore_mem>>
      %dma_start3A_1156 = arith.constant 0 : i32
      %dma_start3A_1157 = arith.constant 0 : i32
      %dma_start3A_1158 = tpu.memref_slice %arg9[%run_scoped3A_1103, %dma_start3A_1156, %dma_start3A_1157] : memref<2x64x128xi32, #tpu.memory_space<vmem>> -> memref<1x64x128xi32, #tpu.memory_space<vmem>>
      %dma_start3A_1159 = tpu.memref_squeeze %dma_start3A_1158 : memref<1x64x128xi32, #tpu.memory_space<vmem>> -> memref<64x128xi32, #tpu.memory_space<vmem>>
      %dma_start3A_1160 = arith.constant 0 : i32
      %dma_start3A_1161 = tpu.memref_slice %arg4[%add3A_1102, %dma_start3A_1160] : memref<16384x128xi32, #tpu.memory_space<hbm>> -> memref<64x128xi32, #tpu.memory_space<hbm>>
      %dma_start3A_1162 = arith.constant 0 : i32
      %dma_start3A_1163 = tpu.memref_slice %arg4[%add3A_1102, %dma_start3A_1162] : memref<16384x128xi32, #tpu.memory_space<hbm>> -> memref<64x128xi32, #tpu.memory_space<hbm>>
      %dma_start3A_1164 = arith.constant 0 : i32
      %dma_start3A_1165 = arith.constant 0 : i32
      %dma_start3A_1166 = tpu.memref_slice %arg9[%run_scoped3A_1103, %dma_start3A_1164, %dma_start3A_1165] : memref<2x64x128xi32, #tpu.memory_space<vmem>> -> memref<1x64x128xi32, #tpu.memory_space<vmem>>
      %dma_start3A_1167 = tpu.memref_squeeze %dma_start3A_1166 : memref<1x64x128xi32, #tpu.memory_space<vmem>> -> memref<64x128xi32, #tpu.memory_space<vmem>>
      tpu.enqueue_dma source(%dma_start3A_1167 : memref<64x128xi32, #tpu.memory_space<vmem>>) target(%dma_start3A_1163 : memref<64x128xi32, #tpu.memory_space<hbm>>) target_semaphore(%run_scoped3A_1155 : memref<!tpu.dma_semaphore, #tpu.memory_space<semaphore_mem>>)
      %dma_wait3A_1168 = arith.constant 0 : i32
      %dma_wait3A_1169 = arith.constant 0 : i32
      %dma_wait3A_1170 = tpu.memref_slice %arg9[%run_scoped3A_1103, %dma_wait3A_1168, %dma_wait3A_1169] : memref<2x64x128xi32, #tpu.memory_space<vmem>> -> memref<1x64x128xi32, #tpu.memory_space<vmem>>
      %dma_wait3A_1171 = tpu.memref_squeeze %dma_wait3A_1170 : memref<1x64x128xi32, #tpu.memory_space<vmem>> -> memref<64x128xi32, #tpu.memory_space<vmem>>
      %dma_wait3A_1172 = arith.constant 0 : i32
      %dma_wait3A_1173 = tpu.memref_slice %arg4[%add3A_1102, %dma_wait3A_1172] : memref<16384x128xi32, #tpu.memory_space<hbm>> -> memref<64x128xi32, #tpu.memory_space<hbm>>
      %dma_wait3A_1174 = arith.constant 0 : i32
      %dma_wait3A_1175 = tpu.memref_slice %arg4[%add3A_1102, %dma_wait3A_1174] : memref<16384x128xi32, #tpu.memory_space<hbm>> -> memref<64x128xi32, #tpu.memory_space<hbm>>
      %dma_wait3A_1176 = arith.constant 0 : i32
      %dma_wait3A_1177 = arith.constant 0 : i32
      %dma_wait3A_1178 = tpu.memref_slice %arg9[%run_scoped3A_1103, %dma_wait3A_1176, %dma_wait3A_1177] : memref<2x64x128xi32, #tpu.memory_space<vmem>> -> memref<1x64x128xi32, #tpu.memory_space<vmem>>
      %dma_wait3A_1179 = tpu.memref_squeeze %dma_wait3A_1178 : memref<1x64x128xi32, #tpu.memory_space<vmem>> -> memref<64x128xi32, #tpu.memory_space<vmem>>
      tpu.wait_dma2 semaphore(%run_scoped3A_1155 : memref<!tpu.dma_semaphore, #tpu.memory_space<semaphore_mem>>) src(%dma_wait3A_1179 : memref<64x128xi32, #tpu.memory_space<vmem>>) dst(%dma_wait3A_1175 : memref<64x128xi32, #tpu.memory_space<hbm>>)
      tpu.yield
    }) : () -> ()
    %dma_start3A_1104 = arith.constant 7 : i32
    %dma_start3A_1105 = arith.constant 1 : i32
    %dma_start3A_1106 = arith.constant 1 : i32
    %dma_start3A_1107 = arith.constant 0 : i32
    %dma_start3A_1108 = arith.constant 0 : i32
    %dma_start3A_1109 = tpu.memref_slice %arg9[%dma_start3A_1105, %dma_start3A_1107, %dma_start3A_1108] : memref<2x64x128xi32, #tpu.memory_space<vmem>> -> memref<1x64x128xi32, #tpu.memory_space<vmem>>
    %dma_start3A_1110 = tpu.memref_squeeze %dma_start3A_1109 : memref<1x64x128xi32, #tpu.memory_space<vmem>> -> memref<64x128xi32, #tpu.memory_space<vmem>>
    %dma_start3A_1111 = arith.constant 0 : i32
    %dma_start3A_1112 = tpu.memref_slice %arg7[%dma_start3A_1104, %dma_start3A_1111] : memref<8x64xi32, #tpu.memory_space<vmem>> -> memref<1x64xi32, #tpu.memory_space<vmem>>
    %dma_start3A_1113 = tpu.memref_squeeze %dma_start3A_1112 : memref<1x64xi32, #tpu.memory_space<vmem>> -> memref<64xi32, #tpu.memory_space<vmem>>
    %dma_start3A_1114 = arith.constant 0 : i32
    %dma_start3A_1115 = arith.constant 0 : i32
    %dma_start3A_1116 = tpu.memref_slice %arg3[%dma_start3A_1114, %dma_start3A_1115] : memref<65536x128xi32, #tpu.memory_space<hbm>> -> memref<65536x128xi32, #tpu.memory_space<hbm>>
    %dma_start3A_1117 = tpu.memref_slice %arg10[%dma_start3A_1106] : memref<2x!tpu.dma_semaphore, #tpu.memory_space<semaphore_mem>> -> memref<1x!tpu.dma_semaphore, #tpu.memory_space<semaphore_mem>>
    %dma_start3A_1118 = tpu.memref_squeeze %dma_start3A_1117 : memref<1x!tpu.dma_semaphore, #tpu.memory_space<semaphore_mem>> -> memref<!tpu.dma_semaphore, #tpu.memory_space<semaphore_mem>>
    tpu.enqueue_indirect_dma source(%dma_start3A_1116 : memref<65536x128xi32, #tpu.memory_space<hbm>>) target(%dma_start3A_1110 : memref<64x128xi32, #tpu.memory_space<vmem>>) offsets(%dma_start3A_1113 : memref<64xi32, #tpu.memory_space<vmem>>) semaphore(%dma_start3A_1118 : memref<!tpu.dma_semaphore, #tpu.memory_space<semaphore_mem>>)
    %dma_wait3A_1119 = arith.constant 6 : i32
    %dma_wait3A_1120 = arith.constant 0 : i32
    %dma_wait3A_1121 = arith.constant 0 : i32
    %dma_wait3A_1122 = arith.constant 0 : i32
    %dma_wait3A_1123 = arith.constant 0 : i32
    %dma_wait3A_1124 = tpu.memref_slice %arg9[%dma_wait3A_1120, %dma_wait3A_1122, %dma_wait3A_1123] : memref<2x64x128xi32, #tpu.memory_space<vmem>> -> memref<1x64x128xi32, #tpu.memory_space<vmem>>
    %dma_wait3A_1125 = tpu.memref_squeeze %dma_wait3A_1124 : memref<1x64x128xi32, #tpu.memory_space<vmem>> -> memref<64x128xi32, #tpu.memory_space<vmem>>
    %dma_wait3A_1126 = arith.constant 0 : i32
    %dma_wait3A_1127 = tpu.memref_slice %arg7[%dma_wait3A_1119, %dma_wait3A_1126] : memref<8x64xi32, #tpu.memory_space<vmem>> -> memref<1x64xi32, #tpu.memory_space<vmem>>
    %dma_wait3A_1128 = tpu.memref_squeeze %dma_wait3A_1127 : memref<1x64xi32, #tpu.memory_space<vmem>> -> memref<64xi32, #tpu.memory_space<vmem>>
    %dma_wait3A_1129 = arith.constant 0 : i32
    %dma_wait3A_1130 = arith.constant 0 : i32
    %dma_wait3A_1131 = tpu.memref_slice %arg3[%dma_wait3A_1129, %dma_wait3A_1130] : memref<65536x128xi32, #tpu.memory_space<hbm>> -> memref<65536x128xi32, #tpu.memory_space<hbm>>
    %dma_wait3A_1132 = tpu.memref_slice %arg10[%dma_wait3A_1121] : memref<2x!tpu.dma_semaphore, #tpu.memory_space<semaphore_mem>> -> memref<1x!tpu.dma_semaphore, #tpu.memory_space<semaphore_mem>>
    %dma_wait3A_1133 = tpu.memref_squeeze %dma_wait3A_1132 : memref<1x!tpu.dma_semaphore, #tpu.memory_space<semaphore_mem>> -> memref<!tpu.dma_semaphore, #tpu.memory_space<semaphore_mem>>
    tpu.wait_indirect_dma semaphore(%dma_wait3A_1133 : memref<!tpu.dma_semaphore, #tpu.memory_space<semaphore_mem>>) src(%dma_wait3A_1131 : memref<65536x128xi32, #tpu.memory_space<hbm>>) dst(%dma_wait3A_1125 : memref<64x128xi32, #tpu.memory_space<vmem>>)
    %add3A_1134 = arith.constant 384 : i32
    %add3A_1135 = arith.addi %mul3A_2, %add3A_1134 : i32
    %run_scoped3A_1136 = arith.constant 0 : i32
    "tpu.region"() ({
      %run_scoped3A_1155 = tpu.sem_alloc : memref<!tpu.dma_semaphore, #tpu.memory_space<semaphore_mem>>
      %dma_start3A_1156 = arith.constant 0 : i32
      %dma_start3A_1157 = arith.constant 0 : i32
      %dma_start3A_1158 = tpu.memref_slice %arg9[%run_scoped3A_1136, %dma_start3A_1156, %dma_start3A_1157] : memref<2x64x128xi32, #tpu.memory_space<vmem>> -> memref<1x64x128xi32, #tpu.memory_space<vmem>>
      %dma_start3A_1159 = tpu.memref_squeeze %dma_start3A_1158 : memref<1x64x128xi32, #tpu.memory_space<vmem>> -> memref<64x128xi32, #tpu.memory_space<vmem>>
      %dma_start3A_1160 = arith.constant 0 : i32
      %dma_start3A_1161 = tpu.memref_slice %arg4[%add3A_1135, %dma_start3A_1160] : memref<16384x128xi32, #tpu.memory_space<hbm>> -> memref<64x128xi32, #tpu.memory_space<hbm>>
      %dma_start3A_1162 = arith.constant 0 : i32
      %dma_start3A_1163 = tpu.memref_slice %arg4[%add3A_1135, %dma_start3A_1162] : memref<16384x128xi32, #tpu.memory_space<hbm>> -> memref<64x128xi32, #tpu.memory_space<hbm>>
      %dma_start3A_1164 = arith.constant 0 : i32
      %dma_start3A_1165 = arith.constant 0 : i32
      %dma_start3A_1166 = tpu.memref_slice %arg9[%run_scoped3A_1136, %dma_start3A_1164, %dma_start3A_1165] : memref<2x64x128xi32, #tpu.memory_space<vmem>> -> memref<1x64x128xi32, #tpu.memory_space<vmem>>
      %dma_start3A_1167 = tpu.memref_squeeze %dma_start3A_1166 : memref<1x64x128xi32, #tpu.memory_space<vmem>> -> memref<64x128xi32, #tpu.memory_space<vmem>>
      tpu.enqueue_dma source(%dma_start3A_1167 : memref<64x128xi32, #tpu.memory_space<vmem>>) target(%dma_start3A_1163 : memref<64x128xi32, #tpu.memory_space<hbm>>) target_semaphore(%run_scoped3A_1155 : memref<!tpu.dma_semaphore, #tpu.memory_space<semaphore_mem>>)
      %dma_wait3A_1168 = arith.constant 0 : i32
      %dma_wait3A_1169 = arith.constant 0 : i32
      %dma_wait3A_1170 = tpu.memref_slice %arg9[%run_scoped3A_1136, %dma_wait3A_1168, %dma_wait3A_1169] : memref<2x64x128xi32, #tpu.memory_space<vmem>> -> memref<1x64x128xi32, #tpu.memory_space<vmem>>
      %dma_wait3A_1171 = tpu.memref_squeeze %dma_wait3A_1170 : memref<1x64x128xi32, #tpu.memory_space<vmem>> -> memref<64x128xi32, #tpu.memory_space<vmem>>
      %dma_wait3A_1172 = arith.constant 0 : i32
      %dma_wait3A_1173 = tpu.memref_slice %arg4[%add3A_1135, %dma_wait3A_1172] : memref<16384x128xi32, #tpu.memory_space<hbm>> -> memref<64x128xi32, #tpu.memory_space<hbm>>
      %dma_wait3A_1174 = arith.constant 0 : i32
      %dma_wait3A_1175 = tpu.memref_slice %arg4[%add3A_1135, %dma_wait3A_1174] : memref<16384x128xi32, #tpu.memory_space<hbm>> -> memref<64x128xi32, #tpu.memory_space<hbm>>
      %dma_wait3A_1176 = arith.constant 0 : i32
      %dma_wait3A_1177 = arith.constant 0 : i32
      %dma_wait3A_1178 = tpu.memref_slice %arg9[%run_scoped3A_1136, %dma_wait3A_1176, %dma_wait3A_1177] : memref<2x64x128xi32, #tpu.memory_space<vmem>> -> memref<1x64x128xi32, #tpu.memory_space<vmem>>
      %dma_wait3A_1179 = tpu.memref_squeeze %dma_wait3A_1178 : memref<1x64x128xi32, #tpu.memory_space<vmem>> -> memref<64x128xi32, #tpu.memory_space<vmem>>
      tpu.wait_dma2 semaphore(%run_scoped3A_1155 : memref<!tpu.dma_semaphore, #tpu.memory_space<semaphore_mem>>) src(%dma_wait3A_1179 : memref<64x128xi32, #tpu.memory_space<vmem>>) dst(%dma_wait3A_1175 : memref<64x128xi32, #tpu.memory_space<hbm>>)
      tpu.yield
    }) : () -> ()
    %dma_wait3A_1137 = arith.constant 7 : i32
    %dma_wait3A_1138 = arith.constant 1 : i32
    %dma_wait3A_1139 = arith.constant 1 : i32
    %dma_wait3A_1140 = arith.constant 0 : i32
    %dma_wait3A_1141 = arith.constant 0 : i32
    %dma_wait3A_1142 = tpu.memref_slice %arg9[%dma_wait3A_1138, %dma_wait3A_1140, %dma_wait3A_1141] : memref<2x64x128xi32, #tpu.memory_space<vmem>> -> memref<1x64x128xi32, #tpu.memory_space<vmem>>
    %dma_wait3A_1143 = tpu.memref_squeeze %dma_wait3A_1142 : memref<1x64x128xi32, #tpu.memory_space<vmem>> -> memref<64x128xi32, #tpu.memory_space<vmem>>
    %dma_wait3A_1144 = arith.constant 0 : i32
    %dma_wait3A_1145 = tpu.memref_slice %arg7[%dma_wait3A_1137, %dma_wait3A_1144] : memref<8x64xi32, #tpu.memory_space<vmem>> -> memref<1x64xi32, #tpu.memory_space<vmem>>
    %dma_wait3A_1146 = tpu.memref_squeeze %dma_wait3A_1145 : memref<1x64xi32, #tpu.memory_space<vmem>> -> memref<64xi32, #tpu.memory_space<vmem>>
    %dma_wait3A_1147 = arith.constant 0 : i32
    %dma_wait3A_1148 = arith.constant 0 : i32
    %dma_wait3A_1149 = tpu.memref_slice %arg3[%dma_wait3A_1147, %dma_wait3A_1148] : memref<65536x128xi32, #tpu.memory_space<hbm>> -> memref<65536x128xi32, #tpu.memory_space<hbm>>
    %dma_wait3A_1150 = tpu.memref_slice %arg10[%dma_wait3A_1139] : memref<2x!tpu.dma_semaphore, #tpu.memory_space<semaphore_mem>> -> memref<1x!tpu.dma_semaphore, #tpu.memory_space<semaphore_mem>>
    %dma_wait3A_1151 = tpu.memref_squeeze %dma_wait3A_1150 : memref<1x!tpu.dma_semaphore, #tpu.memory_space<semaphore_mem>> -> memref<!tpu.dma_semaphore, #tpu.memory_space<semaphore_mem>>
    tpu.wait_indirect_dma semaphore(%dma_wait3A_1151 : memref<!tpu.dma_semaphore, #tpu.memory_space<semaphore_mem>>) src(%dma_wait3A_1149 : memref<65536x128xi32, #tpu.memory_space<hbm>>) dst(%dma_wait3A_1143 : memref<64x128xi32, #tpu.memory_space<vmem>>)
    %add3A_1152 = arith.constant 448 : i32
    %add3A_1153 = arith.addi %mul3A_2, %add3A_1152 : i32
    %run_scoped3A_1154 = arith.constant 1 : i32
    "tpu.region"() ({
      %run_scoped3A_1155 = tpu.sem_alloc : memref<!tpu.dma_semaphore, #tpu.memory_space<semaphore_mem>>
      %dma_start3A_1156 = arith.constant 0 : i32
      %dma_start3A_1157 = arith.constant 0 : i32
      %dma_start3A_1158 = tpu.memref_slice %arg9[%run_scoped3A_1154, %dma_start3A_1156, %dma_start3A_1157] : memref<2x64x128xi32, #tpu.memory_space<vmem>> -> memref<1x64x128xi32, #tpu.memory_space<vmem>>
      %dma_start3A_1159 = tpu.memref_squeeze %dma_start3A_1158 : memref<1x64x128xi32, #tpu.memory_space<vmem>> -> memref<64x128xi32, #tpu.memory_space<vmem>>
      %dma_start3A_1160 = arith.constant 0 : i32
      %dma_start3A_1161 = tpu.memref_slice %arg4[%add3A_1153, %dma_start3A_1160] : memref<16384x128xi32, #tpu.memory_space<hbm>> -> memref<64x128xi32, #tpu.memory_space<hbm>>
      %dma_start3A_1162 = arith.constant 0 : i32
      %dma_start3A_1163 = tpu.memref_slice %arg4[%add3A_1153, %dma_start3A_1162] : memref<16384x128xi32, #tpu.memory_space<hbm>> -> memref<64x128xi32, #tpu.memory_space<hbm>>
      %dma_start3A_1164 = arith.constant 0 : i32
      %dma_start3A_1165 = arith.constant 0 : i32
      %dma_start3A_1166 = tpu.memref_slice %arg9[%run_scoped3A_1154, %dma_start3A_1164, %dma_start3A_1165] : memref<2x64x128xi32, #tpu.memory_space<vmem>> -> memref<1x64x128xi32, #tpu.memory_space<vmem>>
      %dma_start3A_1167 = tpu.memref_squeeze %dma_start3A_1166 : memref<1x64x128xi32, #tpu.memory_space<vmem>> -> memref<64x128xi32, #tpu.memory_space<vmem>>
      tpu.enqueue_dma source(%dma_start3A_1167 : memref<64x128xi32, #tpu.memory_space<vmem>>) target(%dma_start3A_1163 : memref<64x128xi32, #tpu.memory_space<hbm>>) target_semaphore(%run_scoped3A_1155 : memref<!tpu.dma_semaphore, #tpu.memory_space<semaphore_mem>>)
      %dma_wait3A_1168 = arith.constant 0 : i32
      %dma_wait3A_1169 = arith.constant 0 : i32
      %dma_wait3A_1170 = tpu.memref_slice %arg9[%run_scoped3A_1154, %dma_wait3A_1168, %dma_wait3A_1169] : memref<2x64x128xi32, #tpu.memory_space<vmem>> -> memref<1x64x128xi32, #tpu.memory_space<vmem>>
      %dma_wait3A_1171 = tpu.memref_squeeze %dma_wait3A_1170 : memref<1x64x128xi32, #tpu.memory_space<vmem>> -> memref<64x128xi32, #tpu.memory_space<vmem>>
      %dma_wait3A_1172 = arith.constant 0 : i32
      %dma_wait3A_1173 = tpu.memref_slice %arg4[%add3A_1153, %dma_wait3A_1172] : memref<16384x128xi32, #tpu.memory_space<hbm>> -> memref<64x128xi32, #tpu.memory_space<hbm>>
      %dma_wait3A_1174 = arith.constant 0 : i32
      %dma_wait3A_1175 = tpu.memref_slice %arg4[%add3A_1153, %dma_wait3A_1174] : memref<16384x128xi32, #tpu.memory_space<hbm>> -> memref<64x128xi32, #tpu.memory_space<hbm>>
      %dma_wait3A_1176 = arith.constant 0 : i32
      %dma_wait3A_1177 = arith.constant 0 : i32
      %dma_wait3A_1178 = tpu.memref_slice %arg9[%run_scoped3A_1154, %dma_wait3A_1176, %dma_wait3A_1177] : memref<2x64x128xi32, #tpu.memory_space<vmem>> -> memref<1x64x128xi32, #tpu.memory_space<vmem>>
      %dma_wait3A_1179 = tpu.memref_squeeze %dma_wait3A_1178 : memref<1x64x128xi32, #tpu.memory_space<vmem>> -> memref<64x128xi32, #tpu.memory_space<vmem>>
      tpu.wait_dma2 semaphore(%run_scoped3A_1155 : memref<!tpu.dma_semaphore, #tpu.memory_space<semaphore_mem>>) src(%dma_wait3A_1179 : memref<64x128xi32, #tpu.memory_space<vmem>>) dst(%dma_wait3A_1175 : memref<64x128xi32, #tpu.memory_space<hbm>>)
      tpu.yield
    }) : () -> ()
    return
  }
}

module attributes {stable_mosaic.version = 14 : i64} {
  func.func @_pack_body(%arg0: i32, %arg1: memref<64x8192xf32, #tpu.memory_space<vmem>>, %arg2: memref<64x8192xf32, #tpu.memory_space<vmem>>, %arg3: memref<64x8192xf32, #tpu.memory_space<vmem>>, %arg4: memref<64x8192xf32, #tpu.memory_space<vmem>>, %arg5: memref<8192x128xi32, #tpu.memory_space<vmem>>) attributes {dimension_semantics = [#tpu.dimension_semantics<arbitrary>], iteration_bounds = array<i64: 8>, scalar_prefetch = 0 : i64, scratch_operands = 0 : i64, tpu.core_type = #tpu.core_type<tc>, window_params = [{transform_indices = @transform_0, window_bounds = array<i64: 64, 8192>}, {transform_indices = @transform_1, window_bounds = array<i64: 64, 8192>}, {transform_indices = @transform_2, window_bounds = array<i64: 64, 8192>}, {transform_indices = @transform_3, window_bounds = array<i64: 64, 8192>}, {transform_indices = @transform_4, window_bounds = array<i64: 8192, 128>}]} {
    %iota3A = tpu.iota {dimensions = array<i32: 0>} : vector<64x64xi32>
    %iota3A_0 = tpu.iota {dimensions = array<i32: 1>} : vector<64x64xi32>
    %add3A = arith.constant 0 : i32
    %add3A_1 = vector.broadcast %add3A : i32 to vector<64x64xi32>
    %add3A_2 = arith.addi %iota3A, %add3A_1 : vector<64x64xi32>
    %eq3A = arith.cmpi eq, %add3A_2, %iota3A_0 : vector<64x64xi32>
    %convert_element_type3A = arith.extui %eq3A : vector<64x64xi1> to vector<64x64xi32>
    %convert_element_type3A_3 = arith.sitofp %convert_element_type3A : vector<64x64xi32> to vector<64x64xf32>
    %get3A = arith.constant 0 : index
    %get3A_4 = arith.constant 0 : index
    %get3A_5 = vector.load %arg1[%get3A, %get3A_4] : memref<64x8192xf32, #tpu.memory_space<vmem>>, vector<64x8192xf32>
    %dot_general3A = arith.constant dense<0.000000e+00> : vector<8192x64xf32>
    %dot_general3A_6 = tpu.matmul %get3A_5, %convert_element_type3A_3, %dot_general3A {dimension_numbers = #tpu.dot_dimension_numbers<[0], [0], [1], [1], [0, 1, 1, 1], [], []>, transpose_lhs_hint = false} : vector<64x8192xf32>, vector<64x64xf32>, vector<8192x64xf32> -> vector<8192x64xf32>
    %convert_element_type3A_7 = arith.truncf %dot_general3A_6 : vector<8192x64xf32> to vector<8192x64xbf16>
    %bitcast_convert_type3A = tpu.bitcast %convert_element_type3A_7 : vector<8192x64xbf16> -> vector<8192x64xi16>
    %convert_element_type3A_8 = arith.extui %bitcast_convert_type3A : vector<8192x64xi16> to vector<8192x64xi32>
    %shift_left3A = arith.constant 16 : i32
    %shift_left3A_9 = vector.broadcast %shift_left3A : i32 to vector<8192x64xi32>
    %shift_left3A_10 = arith.shli %convert_element_type3A_8, %shift_left3A_9 : vector<8192x64xi32>
    %iota3A_11 = tpu.iota {dimensions = array<i32: 0>} : vector<64x64xi32>
    %iota3A_12 = tpu.iota {dimensions = array<i32: 1>} : vector<64x64xi32>
    %add3A_13 = arith.constant 0 : i32
    %add3A_14 = vector.broadcast %add3A_13 : i32 to vector<64x64xi32>
    %add3A_15 = arith.addi %iota3A_11, %add3A_14 : vector<64x64xi32>
    %eq3A_16 = arith.cmpi eq, %add3A_15, %iota3A_12 : vector<64x64xi32>
    %convert_element_type3A_17 = arith.extui %eq3A_16 : vector<64x64xi1> to vector<64x64xi32>
    %convert_element_type3A_18 = arith.sitofp %convert_element_type3A_17 : vector<64x64xi32> to vector<64x64xf32>
    %get3A_19 = arith.constant 0 : index
    %get3A_20 = arith.constant 0 : index
    %get3A_21 = vector.load %arg2[%get3A_19, %get3A_20] : memref<64x8192xf32, #tpu.memory_space<vmem>>, vector<64x8192xf32>
    %dot_general3A_22 = arith.constant dense<0.000000e+00> : vector<8192x64xf32>
    %dot_general3A_23 = tpu.matmul %get3A_21, %convert_element_type3A_18, %dot_general3A_22 {dimension_numbers = #tpu.dot_dimension_numbers<[0], [0], [1], [1], [0, 1, 1, 1], [], []>, transpose_lhs_hint = false} : vector<64x8192xf32>, vector<64x64xf32>, vector<8192x64xf32> -> vector<8192x64xf32>
    %convert_element_type3A_24 = arith.truncf %dot_general3A_23 : vector<8192x64xf32> to vector<8192x64xbf16>
    %bitcast_convert_type3A_25 = tpu.bitcast %convert_element_type3A_24 : vector<8192x64xbf16> -> vector<8192x64xi16>
    %convert_element_type3A_26 = arith.extui %bitcast_convert_type3A_25 : vector<8192x64xi16> to vector<8192x64xi32>
    %or3A = arith.ori %shift_left3A_10, %convert_element_type3A_26 : vector<8192x64xi32>
    %iota3A_27 = tpu.iota {dimensions = array<i32: 0>} : vector<64x64xi32>
    %iota3A_28 = tpu.iota {dimensions = array<i32: 1>} : vector<64x64xi32>
    %add3A_29 = arith.constant 0 : i32
    %add3A_30 = vector.broadcast %add3A_29 : i32 to vector<64x64xi32>
    %add3A_31 = arith.addi %iota3A_27, %add3A_30 : vector<64x64xi32>
    %eq3A_32 = arith.cmpi eq, %add3A_31, %iota3A_28 : vector<64x64xi32>
    %convert_element_type3A_33 = arith.extui %eq3A_32 : vector<64x64xi1> to vector<64x64xi32>
    %convert_element_type3A_34 = arith.sitofp %convert_element_type3A_33 : vector<64x64xi32> to vector<64x64xf32>
    %get3A_35 = arith.constant 0 : index
    %get3A_36 = arith.constant 0 : index
    %get3A_37 = vector.load %arg3[%get3A_35, %get3A_36] : memref<64x8192xf32, #tpu.memory_space<vmem>>, vector<64x8192xf32>
    %dot_general3A_38 = arith.constant dense<0.000000e+00> : vector<8192x64xf32>
    %dot_general3A_39 = tpu.matmul %get3A_37, %convert_element_type3A_34, %dot_general3A_38 {dimension_numbers = #tpu.dot_dimension_numbers<[0], [0], [1], [1], [0, 1, 1, 1], [], []>, transpose_lhs_hint = false} : vector<64x8192xf32>, vector<64x64xf32>, vector<8192x64xf32> -> vector<8192x64xf32>
    %convert_element_type3A_40 = arith.truncf %dot_general3A_39 : vector<8192x64xf32> to vector<8192x64xbf16>
    %bitcast_convert_type3A_41 = tpu.bitcast %convert_element_type3A_40 : vector<8192x64xbf16> -> vector<8192x64xi16>
    %convert_element_type3A_42 = arith.extui %bitcast_convert_type3A_41 : vector<8192x64xi16> to vector<8192x64xi32>
    %shift_left3A_43 = arith.constant 16 : i32
    %shift_left3A_44 = vector.broadcast %shift_left3A_43 : i32 to vector<8192x64xi32>
    %shift_left3A_45 = arith.shli %convert_element_type3A_42, %shift_left3A_44 : vector<8192x64xi32>
    %iota3A_46 = tpu.iota {dimensions = array<i32: 0>} : vector<64x64xi32>
    %iota3A_47 = tpu.iota {dimensions = array<i32: 1>} : vector<64x64xi32>
    %add3A_48 = arith.constant 0 : i32
    %add3A_49 = vector.broadcast %add3A_48 : i32 to vector<64x64xi32>
    %add3A_50 = arith.addi %iota3A_46, %add3A_49 : vector<64x64xi32>
    %eq3A_51 = arith.cmpi eq, %add3A_50, %iota3A_47 : vector<64x64xi32>
    %convert_element_type3A_52 = arith.extui %eq3A_51 : vector<64x64xi1> to vector<64x64xi32>
    %convert_element_type3A_53 = arith.sitofp %convert_element_type3A_52 : vector<64x64xi32> to vector<64x64xf32>
    %get3A_54 = arith.constant 0 : index
    %get3A_55 = arith.constant 0 : index
    %get3A_56 = vector.load %arg4[%get3A_54, %get3A_55] : memref<64x8192xf32, #tpu.memory_space<vmem>>, vector<64x8192xf32>
    %dot_general3A_57 = arith.constant dense<0.000000e+00> : vector<8192x64xf32>
    %dot_general3A_58 = tpu.matmul %get3A_56, %convert_element_type3A_53, %dot_general3A_57 {dimension_numbers = #tpu.dot_dimension_numbers<[0], [0], [1], [1], [0, 1, 1, 1], [], []>, transpose_lhs_hint = false} : vector<64x8192xf32>, vector<64x64xf32>, vector<8192x64xf32> -> vector<8192x64xf32>
    %convert_element_type3A_59 = arith.truncf %dot_general3A_58 : vector<8192x64xf32> to vector<8192x64xbf16>
    %bitcast_convert_type3A_60 = tpu.bitcast %convert_element_type3A_59 : vector<8192x64xbf16> -> vector<8192x64xi16>
    %convert_element_type3A_61 = arith.extui %bitcast_convert_type3A_60 : vector<8192x64xi16> to vector<8192x64xi32>
    %or3A_62 = arith.ori %shift_left3A_45, %convert_element_type3A_61 : vector<8192x64xi32>
    %concatenate3A = tpu.concatenate %or3A, %or3A_62 in 1 : vector<8192x64xi32>, vector<8192x64xi32> -> vector<8192x128xi32>
    %swap3A = arith.constant 0 : index
    %swap3A_63 = arith.constant 0 : index
    %swap3A_64 = vector.load %arg5[%swap3A, %swap3A_63] : memref<8192x128xi32, #tpu.memory_space<vmem>>, vector<8192x128xi32>
    tpu.vector_store %arg5[%swap3A, %swap3A_63], %concatenate3A {strides = array<i32>} : memref<8192x128xi32, #tpu.memory_space<vmem>>, vector<8192x128xi32>,
    return
  }
  func.func @transform_0(%arg0: i32) -> (i32, i32) {
    %add3A = arith.constant 0 : i32
    %add3A_0 = arith.addi %arg0, %add3A : i32
    %c0_i32 = arith.constant 0 : i32
    %c0_i32_1 = arith.constant 0 : i32
    return %c0_i32, %add3A_0 : i32, i32
  }
  func.func @transform_1(%arg0: i32) -> (i32, i32) {
    %add3A = arith.constant 8 : i32
    %add3A_0 = arith.addi %arg0, %add3A : i32
    %c0_i32 = arith.constant 0 : i32
    %c0_i32_1 = arith.constant 0 : i32
    return %c0_i32, %add3A_0 : i32, i32
  }
  func.func @transform_2(%arg0: i32) -> (i32, i32) {
    %add3A = arith.constant 16 : i32
    %add3A_0 = arith.addi %arg0, %add3A : i32
    %c0_i32 = arith.constant 0 : i32
    %c0_i32_1 = arith.constant 0 : i32
    return %c0_i32, %add3A_0 : i32, i32
  }
  func.func @transform_3(%arg0: i32) -> (i32, i32) {
    %add3A = arith.constant 24 : i32
    %add3A_0 = arith.addi %arg0, %add3A : i32
    %c0_i32 = arith.constant 0 : i32
    %c0_i32_1 = arith.constant 0 : i32
    return %c0_i32, %add3A_0 : i32, i32
  }
  func.func @transform_4(%arg0: i32) -> (i32, i32) {
    %c0_i32 = arith.constant 0 : i32
    %c0_i32_0 = arith.constant 0 : i32
    return %arg0, %c0_i32 : i32, i32
  }
}

module attributes {stable_mosaic.version = 14 : i64} {
  func.func @_mlp_body(%arg0: i32, %arg1: memref<4096x128xi32, #tpu.memory_space<vmem>>, %arg2: memref<4096x128xi32, #tpu.memory_space<vmem>>, %arg3: memref<1x4096xf32, #tpu.memory_space<vmem>>, %arg4: memref<1x4096xf32, #tpu.memory_space<vmem>>, %arg5: memref<20x64xf32, #tpu.memory_space<vmem>>, %arg6: memref<1x20xf32, #tpu.memory_space<vmem>>, %arg7: memref<1x20xf32, #tpu.memory_space<vmem>>, %arg8: memref<1x1xf32, #tpu.memory_space<vmem>>, %arg9: memref<4096x1xf32, #tpu.memory_space<vmem>>) attributes {dimension_semantics = [#tpu.dimension_semantics<arbitrary>], iteration_bounds = array<i64: 4>, scalar_prefetch = 0 : i64, scratch_operands = 0 : i64, tpu.core_type = #tpu.core_type<tc>, window_params = [{transform_indices = @transform_0, window_bounds = array<i64: 4096, 128>}, {transform_indices = @transform_1, window_bounds = array<i64: 4096, 128>}, {transform_indices = @transform_2, window_bounds = array<i64: 1, 4096>}, {transform_indices = @transform_3, window_bounds = array<i64: 1, 4096>}, {pipeline_mode = #tpu.pipeline_mode<synchronous>, transform_indices = @transform_4, window_bounds = array<i64: 20, 64>}, {pipeline_mode = #tpu.pipeline_mode<synchronous>, transform_indices = @transform_5, window_bounds = array<i64: 1, 20>}, {pipeline_mode = #tpu.pipeline_mode<synchronous>, transform_indices = @transform_6, window_bounds = array<i64: 1, 20>}, {pipeline_mode = #tpu.pipeline_mode<synchronous>, transform_indices = @transform_7, window_bounds = array<i64: 1, 1>}, {transform_indices = @transform_8, window_bounds = array<i64: 4096, 1>}]} {
    %broadcast_in_dim3A = arith.constant 1.000000e+00 : f32
    %broadcast_in_dim3A_0 = vector.broadcast %broadcast_in_dim3A : f32 to vector<1x1xf32>
    %get3A = arith.constant 0 : index
    %get3A_1 = arith.constant 0 : index
    %get3A_2 = vector.load %arg3[%get3A, %get3A_1] : memref<1x4096xf32, #tpu.memory_space<vmem>>, vector<1x4096xf32>
    %dot_general3A = arith.constant dense<0.000000e+00> : vector<4096x1xf32>
    %dot_general3A_3 = tpu.matmul %get3A_2, %broadcast_in_dim3A_0, %dot_general3A {dimension_numbers = #tpu.dot_dimension_numbers<[0], [0], [1], [1], [0, 1, 1, 1], [], []>, transpose_lhs_hint = false} : vector<1x4096xf32>, vector<1x1xf32>, vector<4096x1xf32> -> vector<4096x1xf32>
    %get3A_4 = arith.constant 0 : index
    %get3A_5 = arith.constant 0 : index
    %get3A_6 = vector.load %arg4[%get3A_4, %get3A_5] : memref<1x4096xf32, #tpu.memory_space<vmem>>, vector<1x4096xf32>
    %dot_general3A_7 = arith.constant dense<0.000000e+00> : vector<4096x1xf32>
    %dot_general3A_8 = tpu.matmul %get3A_6, %broadcast_in_dim3A_0, %dot_general3A_7 {dimension_numbers = #tpu.dot_dimension_numbers<[0], [0], [1], [1], [0, 1, 1, 1], [], []>, transpose_lhs_hint = false} : vector<1x4096xf32>, vector<1x1xf32>, vector<4096x1xf32> -> vector<4096x1xf32>
    %get3A_9 = arith.constant 0 : index
    %get3A_10 = arith.constant 0 : index
    %get3A_11 = vector.load %arg1[%get3A_9, %get3A_10] : memref<4096x128xi32, #tpu.memory_space<vmem>>, vector<4096x128xi32>
    %bitcast_convert_type3A = tpu.bitcast %get3A_11 : vector<4096x128xi32> -> vector<4096x128xi32>
    %ge3A = arith.constant 1.500000e+00 : f32
    %ge3A_12 = vector.broadcast %ge3A : f32 to vector<4096x1xf32>
    %ge3A_13 = arith.cmpf oge, %dot_general3A_3, %ge3A_12 : vector<4096x1xf32>
    %slice3A = vector.extract_strided_slice %bitcast_convert_type3A {offsets = [0, 64], sizes = [4096, 64], strides = [1, 1]} : vector<4096x128xi32> to vector<4096x64xi32>
    %slice3A_14 = vector.extract_strided_slice %bitcast_convert_type3A {offsets = [0, 0], sizes = [4096, 64], strides = [1, 1]} : vector<4096x128xi32> to vector<4096x64xi32>
    %broadcast_in_dim3A_15 = vector.shape_cast %ge3A_13 : vector<4096x1xi1> to vector<4096x1xi1>
    %broadcast_in_dim3A_16 = vector.broadcast %broadcast_in_dim3A_15 : vector<4096x1xi1> to vector<4096x64xi1>
    %select_n3A = arith.select %broadcast_in_dim3A_16, %slice3A, %slice3A_14 : vector<4096x64xi1>, vector<4096x64xi32>
    %ge3A_17 = arith.constant 5.000000e-01 : f32
    %ge3A_18 = vector.broadcast %ge3A_17 : f32 to vector<4096x1xf32>
    %ge3A_19 = arith.cmpf oge, %dot_general3A_3, %ge3A_18 : vector<4096x1xf32>
    %lt3A = arith.constant 1.500000e+00 : f32
    %lt3A_20 = vector.broadcast %lt3A : f32 to vector<4096x1xf32>
    %lt3A_21 = arith.cmpf olt, %dot_general3A_3, %lt3A_20 : vector<4096x1xf32>
    %and3A = arith.andi %ge3A_19, %lt3A_21 : vector<4096x1xi1>
    %ge3A_22 = arith.constant 2.500000e+00 : f32
    %ge3A_23 = vector.broadcast %ge3A_22 : f32 to vector<4096x1xf32>
    %ge3A_24 = arith.cmpf oge, %dot_general3A_3, %ge3A_23 : vector<4096x1xf32>
    %or3A = arith.ori %and3A, %ge3A_24 : vector<4096x1xi1>
    %shift_left3A = arith.constant 16 : i32
    %shift_left3A_25 = vector.broadcast %shift_left3A : i32 to vector<4096x64xi32>
    %shift_left3A_26 = arith.shli %select_n3A, %shift_left3A_25 : vector<4096x64xi32>
    %and3A_27 = arith.constant -65536 : i32
    %and3A_28 = vector.broadcast %and3A_27 : i32 to vector<4096x64xi32>
    %and3A_29 = arith.andi %select_n3A, %and3A_28 : vector<4096x64xi32>
    %broadcast_in_dim3A_30 = vector.shape_cast %or3A : vector<4096x1xi1> to vector<4096x1xi1>
    %broadcast_in_dim3A_31 = vector.broadcast %broadcast_in_dim3A_30 : vector<4096x1xi1> to vector<4096x64xi1>
    %select_n3A_32 = arith.select %broadcast_in_dim3A_31, %shift_left3A_26, %and3A_29 : vector<4096x64xi1>, vector<4096x64xi32>
    %bitcast_convert_type3A_33 = tpu.bitcast %select_n3A_32 : vector<4096x64xi32> -> vector<4096x64xf32>
    %get3A_34 = arith.constant 0 : index
    %get3A_35 = arith.constant 0 : index
    %get3A_36 = vector.load %arg2[%get3A_34, %get3A_35] : memref<4096x128xi32, #tpu.memory_space<vmem>>, vector<4096x128xi32>
    %bitcast_convert_type3A_37 = tpu.bitcast %get3A_36 : vector<4096x128xi32> -> vector<4096x128xi32>
    %ge3A_38 = arith.constant 1.500000e+00 : f32
    %ge3A_39 = vector.broadcast %ge3A_38 : f32 to vector<4096x1xf32>
    %ge3A_40 = arith.cmpf oge, %dot_general3A_8, %ge3A_39 : vector<4096x1xf32>
    %slice3A_41 = vector.extract_strided_slice %bitcast_convert_type3A_37 {offsets = [0, 64], sizes = [4096, 64], strides = [1, 1]} : vector<4096x128xi32> to vector<4096x64xi32>
    %slice3A_42 = vector.extract_strided_slice %bitcast_convert_type3A_37 {offsets = [0, 0], sizes = [4096, 64], strides = [1, 1]} : vector<4096x128xi32> to vector<4096x64xi32>
    %broadcast_in_dim3A_43 = vector.shape_cast %ge3A_40 : vector<4096x1xi1> to vector<4096x1xi1>
    %broadcast_in_dim3A_44 = vector.broadcast %broadcast_in_dim3A_43 : vector<4096x1xi1> to vector<4096x64xi1>
    %select_n3A_45 = arith.select %broadcast_in_dim3A_44, %slice3A_41, %slice3A_42 : vector<4096x64xi1>, vector<4096x64xi32>
    %ge3A_46 = arith.constant 5.000000e-01 : f32
    %ge3A_47 = vector.broadcast %ge3A_46 : f32 to vector<4096x1xf32>
    %ge3A_48 = arith.cmpf oge, %dot_general3A_8, %ge3A_47 : vector<4096x1xf32>
    %lt3A_49 = arith.constant 1.500000e+00 : f32
    %lt3A_50 = vector.broadcast %lt3A_49 : f32 to vector<4096x1xf32>
    %lt3A_51 = arith.cmpf olt, %dot_general3A_8, %lt3A_50 : vector<4096x1xf32>
    %and3A_52 = arith.andi %ge3A_48, %lt3A_51 : vector<4096x1xi1>
    %ge3A_53 = arith.constant 2.500000e+00 : f32
    %ge3A_54 = vector.broadcast %ge3A_53 : f32 to vector<4096x1xf32>
    %ge3A_55 = arith.cmpf oge, %dot_general3A_8, %ge3A_54 : vector<4096x1xf32>
    %or3A_56 = arith.ori %and3A_52, %ge3A_55 : vector<4096x1xi1>
    %shift_left3A_57 = arith.constant 16 : i32
    %shift_left3A_58 = vector.broadcast %shift_left3A_57 : i32 to vector<4096x64xi32>
    %shift_left3A_59 = arith.shli %select_n3A_45, %shift_left3A_58 : vector<4096x64xi32>
    %and3A_60 = arith.constant -65536 : i32
    %and3A_61 = vector.broadcast %and3A_60 : i32 to vector<4096x64xi32>
    %and3A_62 = arith.andi %select_n3A_45, %and3A_61 : vector<4096x64xi32>
    %broadcast_in_dim3A_63 = vector.shape_cast %or3A_56 : vector<4096x1xi1> to vector<4096x1xi1>
    %broadcast_in_dim3A_64 = vector.broadcast %broadcast_in_dim3A_63 : vector<4096x1xi1> to vector<4096x64xi1>
    %select_n3A_65 = arith.select %broadcast_in_dim3A_64, %shift_left3A_59, %and3A_62 : vector<4096x64xi1>, vector<4096x64xi32>
    %bitcast_convert_type3A_66 = tpu.bitcast %select_n3A_65 : vector<4096x64xi32> -> vector<4096x64xf32>
    %mul3A = arith.mulf %bitcast_convert_type3A_33, %bitcast_convert_type3A_66 : vector<4096x64xf32>
    %get3A_67 = arith.constant 0 : index
    %get3A_68 = arith.constant 0 : index
    %get3A_69 = vector.load %arg5[%get3A_67, %get3A_68] : memref<20x64xf32, #tpu.memory_space<vmem>>, vector<20x64xf32>
    %dot_general3A_70 = arith.constant dense<0.000000e+00> : vector<4096x20xf32>
    %dot_general3A_71 = tpu.matmul %mul3A, %get3A_69, %dot_general3A_70 {dimension_numbers = #tpu.dot_dimension_numbers<[1], [1], [0], [0], [0, 0, 1, 0], [], []>, transpose_lhs_hint = false} : vector<4096x64xf32>, vector<20x64xf32>, vector<4096x20xf32> -> vector<4096x20xf32>
    %get3A_72 = arith.constant 0 : index
    %get3A_73 = arith.constant 0 : index
    %get3A_74 = vector.load %arg6[%get3A_72, %get3A_73] : memref<1x20xf32, #tpu.memory_space<vmem>>, vector<1x20xf32>
    %add3A = vector.broadcast %get3A_74 : vector<1x20xf32> to vector<4096x20xf32>
    %add3A_75 = arith.addf %dot_general3A_71, %add3A : vector<4096x20xf32>
    %max3A = arith.constant 0.000000e+00 : f32
    %max3A_76 = vector.broadcast %max3A : f32 to vector<4096x20xf32>
    %max3A_77 = arith.maximumf %add3A_75, %max3A_76 : vector<4096x20xf32>
    %get3A_78 = arith.constant 0 : index
    %get3A_79 = arith.constant 0 : index
    %get3A_80 = vector.load %arg7[%get3A_78, %get3A_79] : memref<1x20xf32, #tpu.memory_space<vmem>>, vector<1x20xf32>
    %mul3A_81 = vector.broadcast %get3A_80 : vector<1x20xf32> to vector<4096x20xf32>
    %mul3A_82 = arith.mulf %max3A_77, %mul3A_81 : vector<4096x20xf32>
    %reduce_sum3A = arith.constant dense<0.000000e+00> : vector<4096xf32>
    %reduce_sum3A_83 = vector.multi_reduction <add>, %mul3A_82, %reduce_sum3A [1] : vector<4096x20xf32> to vector<4096xf32>
    %broadcast_in_dim3A_84 = vector.shape_cast %reduce_sum3A_83 : vector<4096xf32> to vector<4096x1xf32>
    %get3A_85 = arith.constant 0 : index
    %get3A_86 = arith.constant 0 : index
    %get3A_87 = vector.load %arg8[%get3A_85, %get3A_86] : memref<1x1xf32, #tpu.memory_space<vmem>>, vector<1x1xf32>
    %get3A_88 = vector.extract %get3A_87[0, 0] : f32 from vector<1x1xf32>
    %add3A_89 = vector.broadcast %get3A_88 : f32 to vector<4096x1xf32>
    %add3A_90 = arith.addf %broadcast_in_dim3A_84, %add3A_89 : vector<4096x1xf32>
    %neg3A = arith.constant 0.000000e+00 : f32
    %neg3A_91 = vector.broadcast %neg3A : f32 to vector<4096x1xf32>
    %neg3A_92 = arith.subf %neg3A_91, %add3A_90 : vector<4096x1xf32>
    %exp3A = math.exp %neg3A_92 : vector<4096x1xf32>
    %add3A_93 = arith.constant 1.000000e+00 : f32
    %add3A_94 = vector.broadcast %add3A_93 : f32 to vector<4096x1xf32>
    %add3A_95 = arith.addf %add3A_94, %exp3A : vector<4096x1xf32>
    %div3A = arith.constant 1.000000e+00 : f32
    %div3A_96 = vector.broadcast %div3A : f32 to vector<4096x1xf32>
    %div3A_97 = arith.divf %div3A_96, %add3A_95 : vector<4096x1xf32>
    %swap3A = arith.constant 0 : index
    %swap3A_98 = arith.constant 0 : index
    %swap3A_99 = vector.load %arg9[%swap3A, %swap3A_98] : memref<4096x1xf32, #tpu.memory_space<vmem>>, vector<4096x1xf32>
    tpu.vector_store %arg9[%swap3A, %swap3A_98], %div3A_97 {strides = array<i32>} : memref<4096x1xf32, #tpu.memory_space<vmem>>, vector<4096x1xf32>,
    return
  }
  func.func @transform_0(%arg0: i32) -> (i32, i32) {
    %c0_i32 = arith.constant 0 : i32
    %c0_i32_0 = arith.constant 0 : i32
    return %arg0, %c0_i32 : i32, i32
  }
  func.func @transform_1(%arg0: i32) -> (i32, i32) {
    %c0_i32 = arith.constant 0 : i32
    %c0_i32_0 = arith.constant 0 : i32
    return %arg0, %c0_i32 : i32, i32
  }
  func.func @transform_2(%arg0: i32) -> (i32, i32) {
    %c0_i32 = arith.constant 0 : i32
    %c0_i32_0 = arith.constant 0 : i32
    return %c0_i32, %arg0 : i32, i32
  }
  func.func @transform_3(%arg0: i32) -> (i32, i32) {
    %c0_i32 = arith.constant 0 : i32
    %c0_i32_0 = arith.constant 0 : i32
    return %c0_i32, %arg0 : i32, i32
  }
  func.func @transform_4(%arg0: i32) -> (i32, i32) {
    %c0_i32 = arith.constant 0 : i32
    %c0_i32_0 = arith.constant 0 : i32
    %c0_i32_1 = arith.constant 0 : i32
    return %c0_i32, %c0_i32_0 : i32, i32
  }
  func.func @transform_5(%arg0: i32) -> (i32, i32) {
    %c0_i32 = arith.constant 0 : i32
    %c0_i32_0 = arith.constant 0 : i32
    %c0_i32_1 = arith.constant 0 : i32
    return %c0_i32, %c0_i32_0 : i32, i32
  }
  func.func @transform_6(%arg0: i32) -> (i32, i32) {
    %c0_i32 = arith.constant 0 : i32
    %c0_i32_0 = arith.constant 0 : i32
    %c0_i32_1 = arith.constant 0 : i32
    return %c0_i32, %c0_i32_0 : i32, i32
  }
  func.func @transform_7(%arg0: i32) -> (i32, i32) {
    %c0_i32 = arith.constant 0 : i32
    %c0_i32_0 = arith.constant 0 : i32
    %c0_i32_1 = arith.constant 0 : i32
    return %c0_i32, %c0_i32_0 : i32, i32
  }
  func.func @transform_8(%arg0: i32) -> (i32, i32) {
    %c0_i32 = arith.constant 0 : i32
    %c0_i32_0 = arith.constant 0 : i32
    return %arg0, %c0_i32 : i32, i32
  }
}

</mosaic_0001>

<sc_bundles>
// kernel: kernel.10.cloned.1.call-start
scs
__scs_entry_jumppad:
0x0: {  	(pc) =	sbr.rel $0x88, $3  }
0x1: {  	(tag) =	ssettag $0x0;
	lr =	simm.s32 $0x1  }
0x2: {  	[smem:$0x3F99] =	sst lr;
	_ =	strace $0xD0000000  }
0x3: {  	_ = 	snop  }
0x4: {  	_ = 	snop  }
0x5: {  	_ = 	snop  }
0x6: {  	_ = 	snop  }
0x7: {  	_ = 	snop  }
__scs_overlays_trampoline_lowered:
0x8: {  	[smem:$0x3FA8] =	sst s0  }
0x9: {  	[smem:$0x3FA9] =	sst s1  }
0xa: {  	[smem:$0x3FAA] =	sst s2  }
0xb: {  	[smem:$0x3FAB] =	sst s3  }
0xc: {  	[smem:$0x3FAC] =	sst s4  }
0xd: {  	[smem:$0x3FAD] =	sst s5  }
0xe: {  	[smem:$0x3FAE] =	sst s6  }
0xf: {  	[smem:$0x3FAF] =	sst s7  }
0x10: {  	[smem:$0x3FB0] =	sst s8  }
0x11: {  	[smem:$0x3FB1] =	sst s9;
	s0 =	simm.s32 @!p0 $0x0  }
0x12: {  	s1 =	sld [smem:$0x3F97];
	s0 =	simm.s32 @p0 $0x1  }
0x13: {  	[smem:$0x3FB2] =	sst s0;
	s0 =	simm.s32 @!p1 $0x0  }
0x14: {  	s2 =	sld [smem:$0x3F96];
	s0 =	simm.s32 @p1 $0x1  }
0x15: {  	[smem:$0x3FB3] =	sst s0;
	s0 =	simm.s32 @!p2 $0x0  }
0x16: {  	s3 =	sld [smem:$0x3FDB];
	s0 =	simm.s32 @p2 $0x1  }
0x17: {  	s4 =	simm.s32 $0x1BF5;
	[smem:$0x3FB5] =	sst s0  }
0x18: {  	s0 =	sld [smem:$0x3F98];
	_ =	swait.ge [sflag:s4], $0x0  }
0x19: {  	s7 =	sld [smem:$0x3F99]  }
0x1a: {  	s8 =	sadd.s32 $0xFFFFE003, lr  }
0x1b: {  	s9 =	sadd.s32 $0xFFFFFEF7, lr;
	s5 =	simm.s32 $0xFFFFFFFF;
	p2 =	slt.u32 s8, $0xFFFFF086  }
0x1c: {  	p1 =	slt.u32 s9, $0xF7A;
	s5 =	simm.s32 @!p2 $0x0  }
0x1d: {  	s5 =	simm.s32 @p1 $0x1;
	p0 =	seq.s32 s7, s2  }
0x1e: {  	s7 =	smul.u32 @!p0 $0xF7A, s2;
	p2 =	seq.s32 @!p0 s5, $0x0  }
0x1f: {  	s9 =	smul.u32 $0xF7A, s1;
	s8 =	simm.s32 @!p0 $0x1BF5;
	p2 =	por !p2, p0  }
0x20: {  	[sflag:s8] =	ssyncset.s32 @!p0 $0xFFFFF086;
	s6 =	sadd.s32 @!p0 s3, s7;
	s7 =	simm.s32 @!p0 $0x108  }
0x21: {  	s3 =	sadd.s32 s3, s9;
	s6 =	sadd.s32 @!p0 $0x88, s6;
	s7 =	simm.s32 @p2 $0x1082  }
0x22: {  	[simem:s7], [sflag:s8] =	dma.local @!p0 [hbm:s6], $0xF7A  }
0x23: {  	s9 =	sor.u32 $0xD0000000, s2;
	s6 =	simm.s32 $0x108;
	_ =	swait.ge @!p0 [sflag:s8], $0x0  }
0x24: {  	s3 =	sadd.s32 $0x88, s3;
	s6 =	simm.s32 @!p1 $0x1082;
	[sflag:s4] =	ssyncset.s32 $0xFFFFF086  }
0x25: {  	[simem:s6], [sflag:s4] =	dma.local [hbm:s3], $0xF7A  }
0x26: {  	[smem:$0x3F99] =	sst s1;
	(tag) =	ssettag s2;
	_ =	strace s9  }
0x27: {  	s1 =	sld [smem:$0x3FA9]  }
0x28: {  	s2 =	sld [smem:$0x3FAA]  }
0x29: {  	s4 =	sld [smem:$0x3FAC]  }
0x2a: {  	p0 =	seq.s32 s5, $0x0;
	s5 =	sld [smem:$0x3FAD]  }
0x2b: {  	s6 =	sld [smem:$0x3FAE]  }
0x2c: {  	s7 =	sld [smem:$0x3FAF]  }
0x2d: {  	s3 =	simm.s32 $0x108;
	s8 =	sld [smem:$0x3FB0]  }
0x2e: {  	s3 =	simm.s32 @!p0 $0x1082;
	s9 =	sld [smem:$0x3FB1]  }
0x2f: {  	lr =	sadd.s32 s0, s3;
	s0 =	sld [smem:$0x3FA8]  }
0x30: {  	s3 =	sld [smem:$0x3FAB]  }
0x31: {  	[smem:$0x3FB4] =	sst s10  }
0x32: {  	s10 =	sld [smem:$0x3FB2];
	_ =	sdelay $0x3  }
0x33: {  	p0 =	seq.s32 s10, $0x1;
	s10 =	sld [smem:$0x3FB4];
	_ =	sdelay $0x3  }
0x34: {  	[smem:$0x3FB4] =	sst s10  }
0x35: {  	s10 =	sld [smem:$0x3FB3];
	_ =	sdelay $0x3  }
0x36: {  	p1 =	seq.s32 s10, $0x1;
	s10 =	sld [smem:$0x3FB4];
	_ =	sdelay $0x3  }
0x37: {  	[smem:$0x3FB4] =	sst s10  }
0x38: {  	s10 =	sld [smem:$0x3FB5]  }
0x39: {  	_ = 	snop;
	(pc) =	sbr.ind lr, $3  }
0x3a: {  	_ = 	snop  }
0x3b: {  	_ = 	snop  }
0x3c: {  	p2 =	seq.s32 s10, $0x1;
	s10 =	sld [smem:$0x3FB4]  }
0x3d: {  	_ =	shalt  }
0x3e: {  	_ =	shalt  }
0x3f: {  	_ =	shalt  }
0x40: {  	_ =	shalt  }
0x41: {  	_ =	shalt  }
0x42: {  	_ =	shalt  }
0x43: {  	_ =	shalt  }
0x44: {  	_ =	shalt  }
0x45: {  	_ =	shalt  }
0x46: {  	_ =	shalt  }
0x47: {  	_ =	shalt  }
0x48: {  	_ =	shalt  }
0x49: {  	_ =	shalt  }
0x4a: {  	_ =	shalt  }
0x4b: {  	_ =	shalt  }
0x4c: {  	_ =	shalt  }
0x4d: {  	_ =	shalt  }
0x4e: {  	_ =	shalt  }
0x4f: {  	_ =	shalt  }
0x50: {  	_ =	shalt  }
0x51: {  	_ =	shalt  }
0x52: {  	_ =	shalt  }
0x53: {  	_ =	shalt  }
0x54: {  	_ =	shalt  }
0x55: {  	_ =	shalt  }
0x56: {  	_ =	shalt  }
0x57: {  	_ =	shalt  }
0x58: {  	_ =	shalt  }
0x59: {  	_ =	shalt  }
0x5a: {  	_ =	shalt  }
0x5b: {  	_ =	shalt  }
0x5c: {  	_ =	shalt  }
0x5d: {  	_ =	shalt  }
0x5e: {  	_ =	shalt  }
0x5f: {  	_ =	shalt  }
0x60: {  	_ =	shalt  }
0x61: {  	_ =	shalt  }
0x62: {  	_ =	shalt  }
0x63: {  	_ =	shalt  }
0x64: {  	_ =	shalt  }
0x65: {  	_ =	shalt  }
0x66: {  	_ =	shalt  }
0x67: {  	_ =	shalt  }
0x68: {  	_ =	shalt  }
0x69: {  	_ =	shalt  }
0x6a: {  	_ =	shalt  }
0x6b: {  	_ =	shalt  }
0x6c: {  	_ =	shalt  }
0x6d: {  	_ =	shalt  }
0x6e: {  	_ =	shalt  }
0x6f: {  	_ =	shalt  }
0x70: {  	_ =	shalt  }
0x71: {  	_ =	shalt  }
0x72: {  	_ =	shalt  }
0x73: {  	_ =	shalt  }
0x74: {  	_ =	shalt  }
0x75: {  	_ =	shalt  }
0x76: {  	_ =	shalt  }
0x77: {  	_ =	shalt  }
0x78: {  	_ =	shalt  }
0x79: {  	_ =	shalt  }
0x7a: {  	_ =	shalt  }
0x7b: {  	_ =	shalt  }
0x7c: {  	_ =	shalt  }
0x7d: {  	_ =	shalt  }
0x7e: {  	_ =	shalt  }
0x7f: {  	_ =	shalt  }
0x80: {  	_ =	shalt  }
0x81: {  	_ =	shalt  }
0x82: {  	_ =	shalt  }
0x83: {  	_ =	shalt  }
0x84: {  	_ =	shalt  }
0x85: {  	_ =	shalt  }
0x86: {  	_ =	shalt  }
0x87: {  	_ =	shalt  }
.Lfunc_end0:
.L_simem_size_0:
called_computation.1_lowered:
.L_overlay_start_0:
0x88: {  	s2 =	sld [smem:$0x3FD9]  }
0x89: {  	s3 =	sld [smem:$0x3FFE];
	_ =	sdelay $0x1  }
0x8a: {  	s1 =	srdreg.scid  }
0x8b: {  	s0 =	sand.u32 $0x1, s1  }
0x8c: {  	s17 =	sshll.u32 s0, $0xA;
	s2 =	sadd.s32 s3, s2  }
0x8d: {  	s2 =	sadd.s32 s2, s17  }
0x8e: {  	[smem:$0x3FC0] =	sst s2  }
0x8f: {  	_ = 	snop  }
0x90: {  	s2 =	sld [smem:$0x3FC8];
	(tm) =	ssettm $0x1  }
0x91: {  	s18 =	sld [smem:$0x3FFB];
	_ =	sdelay $0x3  }
0x92: {  	_ =	strace s18  }
0x93: {  	s3 =	sld [smem:$0x3FFC];
	_ =	sdelay $0x3  }
0x94: {  	_ =	strace s3  }
0x95: {  	s3 =	sld [smem:$0x3FFD];
	_ =	sdelay $0x3  }
0x96: {  	_ =	strace s3  }
0x97: {  	_ =	strace $0x8FFFFFFF  }
0x98: {  	s19 =	sld [smem:$0x3FDB];
	_ =	sdelay $0x1  }
0x99: {  	s4 =	simm.s32 $_scs_section_size  }
0x9a: {  	s5 =	simm.s32 $_size__tile_overlayer_lowered;
	s6 =	simm.s32 $_tile_overlayer_lowered  }
0x9b: {  	s22 =	simm.s32 $0x1BFF;
	s21 =	sshll.u32 s6, $0x1;
	s3 =	sadd.s32 s4, s19  }
0x9c: {  	s7 =	simm.s32 $0x0;
	s20 =	sshll.u32 s5, $0x1;
	s5 =	sadd.s32 s21, s3  }
0x9d: {  	[timem:s7], [sflag:s22] =	dma.local [hbm:s5], s20  }
0x9e: {  	_ =	swait.ge [sflag:s22], s20  }
0x9f: {  	s4 =	ssub.s32 $0x0, s20;
	[sflag:s22] =	ssyncset.done $0x0  }
0xa0: {  	[sflag:s22] =	ssyncadd.s32 s4;
	_ =	sdelay $0x1  }
0xa1: {  	s23 =	simm.s32 $0x1B8B  }
0xa2: {  	_ =	swait.ge [sflag:s23], $0x1  }
0xa3: {  	[sflag:s23] =	ssyncset.done $0x0  }
0xa4: {  	s25 =	simm.s32 $0x1B8E;
	s24 =	sld [smem:$0x3FFE];
	[sflag:s23] =	ssyncadd.s32 $0xFFFFFFFF  }
0xa5: {  	s26 =	simm.s32 $execute0_lowered;
	[smem:$0x3FD2] =	sst s25  }
0xa6: {  	s5 =	sshll.u32 s26, $0x1;
	_ =	strace $0x80000046;
	[dreg:$0x1] =	wrdreg $0xFFFFFFFF  }
0xa7: {  	s28 =	simm.s32 $_size_execute0_lowered;
	s3 =	sadd.s32 s3, s5;
	[dreg:$0x0] =	wrdreg $0x0  }
0xa8: {  	s5 =	sshll.u32 s28, $0x1;
	[dreg:$0x2] =	wrdreg s3  }
0xa9: {  	[dreg:$0x3] =	wrdreg s5  }
0xaa: {  	[dreg:$0x4] =	wrdreg $0xC0  }
0xab: {  	_ =	task [dreg:s7], $0x5FFFF  }
0xac: {  	[dreg:$0x1] =	wrdreg $0xFFFFFFFF  }
0xad: {  	[dreg:$0x0] =	wrdreg $0x60  }
0xae: {  	[dreg:$0x2] =	wrdreg s2  }
0xaf: {  	[dreg:$0x3] =	wrdreg s24  }
0xb0: {  	[dreg:$0x4] =	wrdreg $0xA  }
0xb1: {  	_ =	task.clear_ibuf [dreg:s7], $0x5FFFF;
	_ =	strace $0x90000046  }
0xb2: {  	s29 =	simm.s32 $0xA;
	_ =	strace $0x80000048  }
0xb3: {  	_ =	swait.ge [sflag:s29], $0x1  }
0xb4: {  	[sflag:s29] =	ssyncadd.s32 $0xFFFFFFFF  }
0xb5: {  	_ =	strace $0x90000048  }
0xb6: {  	_ =	sfence  }
0xb7: {  	s30 =	sld [smem:$0x0];
	_ =	sdelay $0x2  }
0xb8: {  	s31 =	sshll.u32 s1, $0xD;
	s1 =	sshrl.u32 s1, $0x2  }
0xb9: {  	s3 =	sand.u32 $0x4000, s31;
	s1 =	sadd.s32 s1, s30  }
0xba: {  	s0 =	sor.u32 s3, s0;
	s1 =	sshll.u32 s1, $0x11  }
0xbb: {  	s0 =	sor.u32 s1, s0  }
0xbc: {  	s0 =	sadd.s32 $0x8F2B, s0  }
0xbd: {  	[sflag:s0] =	ssyncadd.remote.s32 $0x1  }
0xbe: {  	_ =	sfence.sel $0xFFFF  }
0xbf: {  	[dreg:$0x0] =	wrdreg $0xFFFFFFFF;
	(pc) =	sbr.abs _section_cstart, $3  }
0xc0: {  	[dreg:$0x1] =	wrdreg $0xFFFFFFFF  }
0xc1: {  	_ =	task.clear_ibuf [dreg:s7], $0x2FFFF;
	_ =	strace $0x9FFFFFFF  }
0xc2: {  	(tm) =	ssettm $0x7FFFFFFF  }
0xc3: {  	_ =	shalt  }
tec
execute0_lowered:
.L_overlay_start_1:
0x0: {  	(tag) =	ssettag $0x1  }
0x1: {  	s6 =	rddreg [dreg:$0x0]  }
0x2: {  	s4 =	rddreg [dreg:$0x1]  }
0x3: {  	s0 =	rddreg [dreg:$0x2];
	s3 =	srdreg.scid  }
0x4: {  	s2 =	simm.s32 $0x0;
	s1 =	stileid.u32;
	s15 =	simm.s32 $0x3  }
0x5: {  	s16 =	simm.s32 $0x600;
	s17 =	simm.s32 $0x40;
	s18 =	simm.s32 $0x200  }
0x6: {  	s19 =	simm.s32 $0x800;
	s20 =	simm.s32 $0x280;
	s21 =	simm.s32 $0x2800  }
0x7: {  	s22 =	simm.s32 $0x1;
	s23 =	simm.s32 $0x300;
	s24 =	simm.s32 $0x2  }
0x8: {  	s25 =	simm.s32 $0x380;
	s26 =	simm.s32 $0x400;
	s28 =	simm.s32 $0x480  }
0x9: {  	s29 =	simm.s32 $0x500;
	s30 =	simm.s32 $0x580;
	s5 =	sand.u32 $0x1, s3  }
0xa: {  	[smem:$0x7FF] =	sst s2;
	s7 =	sshll.u32 s1, $0xA;
	s8 =	sshll.u32 s5, $0x9  }
0xb: {  	s3 =	sadd.s32 $0x1800, s4;
	_ =	strace $0x80000047;
	s7 =	sor.u32 s8, s7  }
0xc: {  	s5 =	ssub.s32 $0x2, s5;
	s8 =	sshll.u32 s7, $0x4;
	s7 =	sshrl.u32 s7, $0x3  }
0xd: {  	s31 =	sshrl.u32 s5, $0x1;
	s13 =	sadd.s32 s8, s4;
	s4 =	sadd.s32 s7, s4  }
0xe: {  	s14 =	ssub.s32 s5, s31;
	s4 =	sadd.s32 $0x101800, s4;
	s5 =	sadd.s32 $0x102400, s13  }
0xf: {  	s6 =	sadd.s32 s6, s7;
	s7 =	sadd.s32 $0x102800, s13;
	s8 =	sadd.s32 $0x102C00, s13  }
0x10: {  	s9 =	sadd.s32 $0x102000, s13;
	s10 =	sadd.s32 $0x103000, s13;
	s11 =	sadd.s32 $0x103400, s13  }
0x11: {  	s14 =	smax.u32 s14, $0x1;
	s12 =	sadd.s32 $0x103800, s13;
	s13 =	sadd.s32 $0x103C00, s13  }
.LBB2_1:
0x12: {  	[tilespmem:s2], [sflag:$0x3] =	stream.linear.gather [hbm4b:s6+s2], $0x200, $0x38;
	[tilespmem:$0x4800] =	vst v63  }
0x13: {  	_ =	swait.ge [sflag:s15], $0x200  }
0x14: {  	[sflag:s15] =	ssyncset.done $0x0  }
0x15: {  	[sflag:s15] =	ssyncadd.s32 $0xFFFFFE00  }
0x16: {  	v0 =	vld [tilespmem:$0x0]  }
0x17: {  	v1 =	vld [tilespmem:$0x10]  }
0x18: {  	v2 =	vld [tilespmem:$0x20]  }
0x19: {  	v3 =	vld [tilespmem:$0x30]  }
0x1a: {  	v5 =	vld [tilespmem:$0x40];
	_ =	sdelay $0x2  }
0x1b: {  	v0 =	vmul.u32 $0x85EBCA77, v0  }
0x1c: {  	v1 =	vmul.u32 $0x85EBCA77, v1;
	v2 =	vmul.u32 $0x85EBCA77, v2  }
0x1d: {  	v35 =	vld [tilespmem:$0x60];
	v3 =	vmul.u32 $0x85EBCA77, v3;
	v5 =	vmul.u32 $0x85EBCA77, v5;
	v4 =	vshrl.u32 v0, $0xE  }
0x1e: {  	v38 =	vld [tilespmem:$0x70];
	v0 =	vshrl.u32 v0, $0x1E;
	v30 =	vshrl.u32 v1, $0xE;
	v4 =	vand.u32 $0xFFFF, v4  }
0x1f: {  	v41 =	vld [tilespmem:$0x80];
	v1 =	vshrl.u32 v1, $0x1E;
	v0 =	vcvt.s32.f32 v0;
	v31 =	vand.u32 $0xFFFF, v30;
	[tilespmem:$0x200] =	vst v4  }
0x20: {  	v32 =	vld [tilespmem:$0x50];
	v33 =	vshrl.u32 v2, $0xE;
	v2 =	vshrl.u32 v2, $0x1E;
	v1 =	vcvt.s32.f32 v1;
	[tilespmem:$0x210] =	vst v31  }
0x21: {  	v36 =	vshrl.u32 v3, $0xE;
	v3 =	vshrl.u32 v3, $0x1E;
	v34 =	vcvt.s32.f32 v2;
	[tilespmem:$0x600] =	vst v0  }
0x22: {  	v39 =	vshrl.u32 v5, $0xE;
	v5 =	vshrl.u32 v5, $0x1E;
	v37 =	vcvt.s32.f32 v3;
	[tilespmem:$0x610] =	vst v1  }
0x23: {  	v40 =	vcvt.s32.f32 v5;
	v2 =	vmul.u32 $0x85EBCA77, v35;
	[tilespmem:$0x620] =	vst v34  }
0x24: {  	v44 =	vld [tilespmem:$0x90];
	v3 =	vmul.u32 $0x85EBCA77, v38;
	v5 =	vmul.u32 $0x85EBCA77, v41;
	[tilespmem:$0x630] =	vst v37  }
0x25: {  	v47 =	vld [tilespmem:$0xA0];
	v4 =	vmul.u32 $0x85EBCA77, v32;
	v0 =	vand.u32 $0xFFFF, v33;
	[tilespmem:$0x640] =	vst v40;
	v45 =	vshrl.u32 v2, $0xE  }
0x26: {  	v50 =	vld [tilespmem:$0xB0];
	v2 =	vshrl.u32 v2, $0x1E;
	v48 =	vshrl.u32 v3, $0xE;
	[tilespmem:$0x220] =	vst v0;
	v0 =	vand.u32 $0xFFFF, v36  }
0x27: {  	v53 =	vld [tilespmem:$0xC0];
	v3 =	vshrl.u32 v3, $0x1E;
	v46 =	vcvt.s32.f32 v2;
	[tilespmem:$0x230] =	vst v0;
	v0 =	vand.u32 $0xFFFF, v39  }
0x28: {  	v51 =	vshrl.u32 v5, $0xE;
	v5 =	vshrl.u32 v5, $0x1E;
	v49 =	vcvt.s32.f32 v3;
	[tilespmem:$0x280] =	vst v0  }
0x29: {  	v52 =	vcvt.s32.f32 v5;
	[tilespmem:$0x660] =	vst v46  }
0x2a: {  	v42 =	vshrl.u32 v4, $0xE;
	v4 =	vshrl.u32 v4, $0x1E;
	v2 =	vmul.u32 $0x85EBCA77, v47;
	[tilespmem:$0x670] =	vst v49  }
0x2b: {  	v56 =	vld [tilespmem:$0xD0];
	v3 =	vmul.u32 $0x85EBCA77, v50;
	v43 =	vcvt.s32.f32 v4;
	v0 =	vand.u32 $0xFFFF, v42;
	[tilespmem:$0x680] =	vst v52  }
0x2c: {  	v59 =	vld [tilespmem:$0xE0];
	v5 =	vmul.u32 $0x85EBCA77, v53;
	v4 =	vmul.u32 $0x85EBCA77, v44;
	v57 =	vshrl.u32 v2, $0xE;
	[tilespmem:$0x290] =	vst v0  }
0x2d: {  	v62 =	vld [tilespmem:$0xF0];
	v2 =	vshrl.u32 v2, $0x1E;
	v60 =	vshrl.u32 v3, $0xE;
	[tilespmem:$0x650] =	vst v43;
	v0 =	vand.u32 $0xFFFF, v45  }
0x2e: {  	v9 =	vld [tilespmem:$0x100];
	v3 =	vshrl.u32 v3, $0x1E;
	v58 =	vcvt.s32.f32 v2;
	[tilespmem:$0x2A0] =	vst v0;
	v0 =	vand.u32 $0xFFFF, v48  }
0x2f: {  	v63 =	vshrl.u32 v5, $0xE;
	v5 =	vshrl.u32 v5, $0x1E;
	v61 =	vcvt.s32.f32 v3;
	[tilespmem:$0x2B0] =	vst v0  }
0x30: {  	v8 =	vcvt.s32.f32 v5;
	[tilespmem:$0x6A0] =	vst v58  }
0x31: {  	v54 =	vshrl.u32 v4, $0xE;
	v4 =	vshrl.u32 v4, $0x1E;
	v2 =	vmul.u32 $0x85EBCA77, v59;
	[tilespmem:$0x6B0] =	vst v61  }
0x32: {  	v12 =	vld [tilespmem:$0x110];
	v3 =	vmul.u32 $0x85EBCA77, v62;
	v55 =	vcvt.s32.f32 v4;
	v0 =	vand.u32 $0xFFFF, v51;
	[tilespmem:$0x6C0] =	vst v8  }
0x33: {  	v15 =	vld [tilespmem:$0x120];
	v5 =	vmul.u32 $0x85EBCA77, v9;
	v4 =	vmul.u32 $0x85EBCA77, v56;
	v13 =	vshrl.u32 v2, $0xE;
	[tilespmem:$0x300] =	vst v0  }
0x34: {  	v18 =	vld [tilespmem:$0x130];
	v2 =	vshrl.u32 v2, $0x1E;
	v16 =	vshrl.u32 v3, $0xE;
	v0 =	vand.u32 $0xFFFF, v54;
	[tilespmem:$0x690] =	vst v55  }
0x35: {  	v21 =	vld [tilespmem:$0x140];
	v3 =	vshrl.u32 v3, $0x1E;
	v14 =	vcvt.s32.f32 v2;
	[tilespmem:$0x310] =	vst v0;
	v0 =	vand.u32 $0xFFFF, v57  }
0x36: {  	v19 =	vshrl.u32 v5, $0xE;
	v5 =	vshrl.u32 v5, $0x1E;
	v17 =	vcvt.s32.f32 v3;
	[tilespmem:$0x320] =	vst v0  }
0x37: {  	v20 =	vcvt.s32.f32 v5;
	[tilespmem:$0x6E0] =	vst v14  }
0x38: {  	v10 =	vshrl.u32 v4, $0xE;
	v4 =	vshrl.u32 v4, $0x1E;
	v2 =	vmul.u32 $0x85EBCA77, v15;
	[tilespmem:$0x6F0] =	vst v17  }
0x39: {  	v24 =	vld [tilespmem:$0x150];
	v3 =	vmul.u32 $0x85EBCA77, v18;
	v11 =	vcvt.s32.f32 v4;
	v0 =	vand.u32 $0xFFFF, v60;
	[tilespmem:$0x700] =	vst v20  }
0x3a: {  	v27 =	vld [tilespmem:$0x160];
	v5 =	vmul.u32 $0x85EBCA77, v21;
	v4 =	vmul.u32 $0x85EBCA77, v12;
	v25 =	vshrl.u32 v2, $0xE;
	[tilespmem:$0x330] =	vst v0  }
0x3b: {  	v30 =	vld [tilespmem:$0x170];
	v2 =	vshrl.u32 v2, $0x1E;
	v28 =	vshrl.u32 v3, $0xE;
	v0 =	vand.u32 $0xFFFF, v63;
	[tilespmem:$0x6D0] =	vst v11  }
0x3c: {  	v33 =	vld [tilespmem:$0x180];
	v3 =	vshrl.u32 v3, $0x1E;
	v26 =	vcvt.s32.f32 v2;
	[tilespmem:$0x380] =	vst v0;
	v0 =	vand.u32 $0xFFFF, v10  }
0x3d: {  	v31 =	vshrl.u32 v5, $0xE;
	v5 =	vshrl.u32 v5, $0x1E;
	v29 =	vcvt.s32.f32 v3;
	[tilespmem:$0x390] =	vst v0  }
0x3e: {  	v32 =	vcvt.s32.f32 v5;
	[tilespmem:$0x720] =	vst v26  }
0x3f: {  	v22 =	vshrl.u32 v4, $0xE;
	v4 =	vshrl.u32 v4, $0x1E;
	v2 =	vmul.u32 $0x85EBCA77, v27;
	[tilespmem:$0x730] =	vst v29  }
0x40: {  	v36 =	vld [tilespmem:$0x190];
	v3 =	vmul.u32 $0x85EBCA77, v30;
	v23 =	vcvt.s32.f32 v4;
	v0 =	vand.u32 $0xFFFF, v13;
	[tilespmem:$0x740] =	vst v32  }
0x41: {  	v39 =	vld [tilespmem:$0x1A0];
	v5 =	vmul.u32 $0x85EBCA77, v33;
	v4 =	vmul.u32 $0x85EBCA77, v24;
	v37 =	vshrl.u32 v2, $0xE;
	[tilespmem:$0x3A0] =	vst v0  }
0x42: {  	v42 =	vld [tilespmem:$0x1B0];
	v2 =	vshrl.u32 v2, $0x1E;
	v40 =	vshrl.u32 v3, $0xE;
	v0 =	vand.u32 $0xFFFF, v16;
	[tilespmem:$0x710] =	vst v23  }
0x43: {  	v45 =	vld [tilespmem:$0x1C0];
	v3 =	vshrl.u32 v3, $0x1E;
	v38 =	vcvt.s32.f32 v2;
	[tilespmem:$0x3B0] =	vst v0;
	v0 =	vand.u32 $0xFFFF, v19  }
0x44: {  	v43 =	vshrl.u32 v5, $0xE;
	v5 =	vshrl.u32 v5, $0x1E;
	v41 =	vcvt.s32.f32 v3;
	[tilespmem:$0x400] =	vst v0  }
0x45: {  	v44 =	vcvt.s32.f32 v5;
	[tilespmem:$0x760] =	vst v38  }
0x46: {  	v34 =	vshrl.u32 v4, $0xE;
	v4 =	vshrl.u32 v4, $0x1E;
	v2 =	vmul.u32 $0x85EBCA77, v39;
	[tilespmem:$0x770] =	vst v41  }
0x47: {  	v3 =	vmul.u32 $0x85EBCA77, v42;
	v35 =	vcvt.s32.f32 v4;
	v0 =	vand.u32 $0xFFFF, v22;
	[tilespmem:$0x780] =	vst v44  }
0x48: {  	v48 =	vld [tilespmem:$0x1D0];
	v5 =	vmul.u32 $0x85EBCA77, v45;
	v4 =	vmul.u32 $0x85EBCA77, v36;
	v49 =	vshrl.u32 v2, $0xE;
	[tilespmem:$0x410] =	vst v0  }
0x49: {  	v51 =	vld [tilespmem:$0x1E0];
	v2 =	vshrl.u32 v2, $0x1E;
	v52 =	vshrl.u32 v3, $0xE;
	v0 =	vand.u32 $0xFFFF, v25;
	[tilespmem:$0x750] =	vst v35  }
0x4a: {  	v54 =	vld [tilespmem:$0x1F0];
	v3 =	vshrl.u32 v3, $0x1E;
	v50 =	vcvt.s32.f32 v2;
	[tilespmem:$0x420] =	vst v0;
	v0 =	vand.u32 $0xFFFF, v28  }
0x4b: {  	v55 =	vshrl.u32 v5, $0xE;
	v5 =	vshrl.u32 v5, $0x1E;
	v53 =	vcvt.s32.f32 v3;
	[tilespmem:$0x430] =	vst v0  }
0x4c: {  	v56 =	vcvt.s32.f32 v5;
	[tilespmem:$0x7A0] =	vst v50  }
0x4d: {  	v46 =	vshrl.u32 v4, $0xE;
	v4 =	vshrl.u32 v4, $0x1E;
	[tilespmem:$0x7B0] =	vst v53  }
0x4e: {  	v2 =	vmul.u32 $0x85EBCA77, v51;
	v47 =	vcvt.s32.f32 v4;
	v0 =	vand.u32 $0xFFFF, v31;
	[tilespmem:$0x7C0] =	vst v56  }
0x4f: {  	v3 =	vmul.u32 $0x85EBCA77, v54;
	v4 =	vmul.u32 $0x85EBCA77, v48;
	[tilespmem:$0x480] =	vst v0  }
0x50: {  	v59 =	vshrl.u32 v2, $0xE;
	v2 =	vshrl.u32 v2, $0x1E;
	v0 =	vand.u32 $0xFFFF, v34;
	[tilespmem:$0x790] =	vst v47  }
0x51: {  	v62 =	vshrl.u32 v3, $0x1E;
	v60 =	vcvt.s32.f32 v2;
	[tilespmem:$0x490] =	vst v0;
	v0 =	vand.u32 $0xFFFF, v37  }
0x52: {  	v63 =	vcvt.s32.f32 v62;
	[tilespmem:$0x4A0] =	vst v0  }
0x53: {  	v57 =	vshrl.u32 v4, $0xE;
	v4 =	vshrl.u32 v4, $0x1E;
	[tilespmem:$0x7E0] =	vst v60  }
0x54: {  	v58 =	vcvt.s32.f32 v4;
	v0 =	vand.u32 $0xFFFF, v40;
	[tilespmem:$0x7F0] =	vst v63  }
0x55: {  	[tilespmem:$0x4B0] =	vst v0  }
0x56: {  	v0 =	vand.u32 $0xFFFF, v43;
	[tilespmem:$0x7D0] =	vst v58  }
0x57: {  	[tilespmem:$0x500] =	vst v0;
	v0 =	vand.u32 $0xFFFF, v46  }
0x58: {  	[tilespmem:$0x510] =	vst v0;
	v0 =	vand.u32 $0xFFFF, v49  }
0x59: {  	[tilespmem:$0x520] =	vst v0;
	v0 =	vand.u32 $0xFFFF, v52  }
0x5a: {  	[tilespmem:$0x530] =	vst v0;
	v0 =	vand.u32 $0xFFFF, v55  }
0x5b: {  	[tilespmem:$0x580] =	vst v0;
	v0 =	vand.u32 $0xFFFF, v57  }
0x5c: {  	v61 =	vshrl.u32 v3, $0xE;
	[tilespmem:$0x590] =	vst v0;
	v0 =	vand.u32 $0xFFFF, v59  }
0x5d: {  	[tilespmem:$0x5A0] =	vst v0;
	v0 =	vand.u32 $0xFFFF, v61  }
0x5e: {  	[tilespmem:$0x5B0] =	vst v0  }
0x5f: {  	[hbm4b:s4+s2] =	stream.linear.scatter [tilespmem:s16], [sflag:$0x3], $0x200, $0x38;
	[tilespmem:$0x4800] =	vst v63  }
0x60: {  	_ =	swait.ge [sflag:s15], $0x200  }
0x61: {  	[sflag:s15] =	ssyncset.done $0x0  }
0x62: {  	[sflag:s15] =	ssyncadd.s32 $0xFFFFFE00  }
0x63: {  	[tilespmem:s19], [sflag:$0x1] =	stream.indirect.gather [hbm4b:s3+s17], $0x80, s18, s17, $0xb8;
	[tilespmem:$0x4800] =	vst v63  }
0x64: {  	_ = 	snop  }
0x65: {  	[tilespmem:s21], [sflag:$0x2] =	stream.indirect.gather [hbm4b:s3+s17], $0x80, s20, s17, $0xb8;
	[tilespmem:$0x4800] =	vst v63  }
0x66: {  	_ =	swait.ge [sflag:s22], $0x2000  }
0x67: {  	[sflag:s22] =	ssyncset.done $0x0  }
0x68: {  	[sflag:s22] =	ssyncadd.s32 $0xFFFFE000  }
0x69: {  	[hbm4b:s9+s2] =	stream.linear.scatter [tilespmem:s19], [sflag:$0x3], $0x2000, $0x38;
	[tilespmem:$0x4800] =	vst v63  }
0x6a: {  	_ =	swait.ge [sflag:s15], $0x2000  }
0x6b: {  	[sflag:s15] =	ssyncset.done $0x0  }
0x6c: {  	[sflag:s15] =	ssyncadd.s32 $0xFFFFE000  }
0x6d: {  	[tilespmem:s19], [sflag:$0x1] =	stream.indirect.gather [hbm4b:s3+s17], $0x80, s23, s17, $0xb8;
	[tilespmem:$0x4800] =	vst v63  }
0x6e: {  	_ =	swait.ge [sflag:s24], $0x2000  }
0x6f: {  	[sflag:s24] =	ssyncset.done $0x0  }
0x70: {  	[sflag:s24] =	ssyncadd.s32 $0xFFFFE000  }
0x71: {  	[hbm4b:s5+s2] =	stream.linear.scatter [tilespmem:s21], [sflag:$0x3], $0x2000, $0x38;
	[tilespmem:$0x4800] =	vst v63  }
0x72: {  	_ =	swait.ge [sflag:s15], $0x2000  }
0x73: {  	[sflag:s15] =	ssyncset.done $0x0  }
0x74: {  	[sflag:s15] =	ssyncadd.s32 $0xFFFFE000  }
0x75: {  	[tilespmem:s21], [sflag:$0x2] =	stream.indirect.gather [hbm4b:s3+s17], $0x80, s25, s17, $0xb8;
	[tilespmem:$0x4800] =	vst v63  }
0x76: {  	_ =	swait.ge [sflag:s22], $0x2000  }
0x77: {  	[sflag:s22] =	ssyncset.done $0x0  }
0x78: {  	[sflag:s22] =	ssyncadd.s32 $0xFFFFE000  }
0x79: {  	[hbm4b:s7+s2] =	stream.linear.scatter [tilespmem:s19], [sflag:$0x3], $0x2000, $0x38;
	[tilespmem:$0x4800] =	vst v63  }
0x7a: {  	_ =	swait.ge [sflag:s15], $0x2000  }
0x7b: {  	[sflag:s15] =	ssyncset.done $0x0  }
0x7c: {  	[sflag:s15] =	ssyncadd.s32 $0xFFFFE000  }
0x7d: {  	[tilespmem:s19], [sflag:$0x1] =	stream.indirect.gather [hbm4b:s3+s17], $0x80, s26, s17, $0xb8;
	[tilespmem:$0x4800] =	vst v63  }
0x7e: {  	_ =	swait.ge [sflag:s24], $0x2000  }
0x7f: {  	[sflag:s24] =	ssyncset.done $0x0  }
0x80: {  	[sflag:s24] =	ssyncadd.s32 $0xFFFFE000  }
0x81: {  	[hbm4b:s8+s2] =	stream.linear.scatter [tilespmem:s21], [sflag:$0x3], $0x2000, $0x38;
	[tilespmem:$0x4800] =	vst v63  }
0x82: {  	_ =	swait.ge [sflag:s15], $0x2000  }
0x83: {  	[sflag:s15] =	ssyncset.done $0x0  }
0x84: {  	[sflag:s15] =	ssyncadd.s32 $0xFFFFE000  }
0x85: {  	[tilespmem:s21], [sflag:$0x2] =	stream.indirect.gather [hbm4b:s3+s17], $0x80, s28, s17, $0xb8;
	[tilespmem:$0x4800] =	vst v63  }
0x86: {  	_ =	swait.ge [sflag:s22], $0x2000  }
0x87: {  	[sflag:s22] =	ssyncset.done $0x0  }
0x88: {  	[sflag:s22] =	ssyncadd.s32 $0xFFFFE000  }
0x89: {  	[hbm4b:s10+s2] =	stream.linear.scatter [tilespmem:s19], [sflag:$0x3], $0x2000, $0x38;
	[tilespmem:$0x4800] =	vst v63  }
0x8a: {  	_ =	swait.ge [sflag:s15], $0x2000  }
0x8b: {  	[sflag:s15] =	ssyncset.done $0x0  }
0x8c: {  	[sflag:s15] =	ssyncadd.s32 $0xFFFFE000  }
0x8d: {  	[tilespmem:s19], [sflag:$0x1] =	stream.indirect.gather [hbm4b:s3+s17], $0x80, s29, s17, $0xb8;
	[tilespmem:$0x4800] =	vst v63  }
0x8e: {  	_ =	swait.ge [sflag:s24], $0x2000  }
0x8f: {  	[sflag:s24] =	ssyncset.done $0x0  }
0x90: {  	[sflag:s24] =	ssyncadd.s32 $0xFFFFE000  }
0x91: {  	[hbm4b:s11+s2] =	stream.linear.scatter [tilespmem:s21], [sflag:$0x3], $0x2000, $0x38;
	[tilespmem:$0x4800] =	vst v63  }
0x92: {  	_ =	swait.ge [sflag:s15], $0x2000  }
0x93: {  	[sflag:s15] =	ssyncset.done $0x0  }
0x94: {  	[sflag:s15] =	ssyncadd.s32 $0xFFFFE000  }
0x95: {  	[tilespmem:s21], [sflag:$0x2] =	stream.indirect.gather [hbm4b:s3+s17], $0x80, s30, s17, $0xb8;
	[tilespmem:$0x4800] =	vst v63  }
0x96: {  	_ =	swait.ge [sflag:s22], $0x2000  }
0x97: {  	[sflag:s22] =	ssyncset.done $0x0  }
0x98: {  	[sflag:s22] =	ssyncadd.s32 $0xFFFFE000  }
0x99: {  	[hbm4b:s12+s2] =	stream.linear.scatter [tilespmem:s19], [sflag:$0x3], $0x2000, $0x38;
	[tilespmem:$0x4800] =	vst v63  }
0x9a: {  	_ =	swait.ge [sflag:s15], $0x2000  }
0x9b: {  	[sflag:s15] =	ssyncset.done $0x0  }
0x9c: {  	[sflag:s15] =	ssyncadd.s32 $0xFFFFE000  }
0x9d: {  	_ =	swait.ge [sflag:s24], $0x2000  }
0x9e: {  	p0 =	sne.s32 s14, $0x1;
	[sflag:s24] =	ssyncset.done $0x0  }
.Ltmp0:
0x9f: {  	[sflag:s24] =	ssyncadd.s32 $0xFFFFE000;
	(pc) =	sbr.rel @p0 .LBB2_1-.Ltmp0, $4  }
0xa0: {  	[hbm4b:s13+s2] =	stream.linear.scatter [tilespmem:s21], [sflag:$0x3], $0x2000, $0x38;
	[tilespmem:$0x4800] =	vst v63  }
0xa1: {  	_ =	swait.ge [sflag:s15], $0x2000  }
0xa2: {  	[sflag:s15] =	ssyncset.done $0x0  }
0xa3: {  	s14 =	sadd.s32 $0xFFFFFFFF, s14;
	[sflag:s15] =	ssyncadd.s32 $0xFFFFE000  }
0xa4: {  	_ =	sfence.sel $0x180000  }
0xa5: {  	[bflag:$0x0] =	sbarrier.arrive $0xFFFF  }
0xa6: {  	p0 =	sne.s32 s1, $0x0;
	_ =	strace $0x90000047  }
0xa7: {  	s0 =	sadd.s32 @!p0 $0x100000, s0;
	[bflag:$0x2] =	sbarrier.arrive $0xFFFF  }
0xa8: {  	[sflag:s0] =	ssyncadd.tile.s32 @!p0 $0x1;
	_ =	shalt  }
.Lfunc_end2:
_tile_overlayer_lowered:
.L_overlay_start_2:
0xa9: {  	(tag) =	ssettag $0x2  }
0xaa: {  	s0 =	rddreg [dreg:$0x0];
	s2 =	stileid.u32  }
0xab: {  	s1 =	rddreg [dreg:$0x1];
	p0 =	sne.s32 s2, $0x0  }
0xac: {  	s3 =	rddreg [dreg:$0x2];
	[bflag:$0x3] =	sbarrier.arrive $0xFFFF;
	s2 =	simm.s32 @!p0 $0x1C03  }
0xad: {  	[timem:s3], [sflag:s2] =	dma.local @!p0 [hbm:s0], s1  }
0xae: {  	s0 =	simm.s32 @!p0 $0x3  }
0xaf: {  	_ =	swait.ge @!p0 [sflag:s0], s1  }
0xb0: {  	s1 =	ssub.s32 @!p0 $0x0, s1;
	[sflag:s0] =	ssyncset.done @!p0 $0x0  }
0xb1: {  	[sflag:s0] =	ssyncadd.s32 @!p0 s1  }
0xb2: {  	[bflag:$0x3] =	sbarrier.arrive $0xFFFF  }
0xb3: {  	_ =	shalt  }

// kernel: kernel.7.cloned.1.call-start
scs
__scs_entry_jumppad:
0x0: {  	(pc) =	sbr.rel $0x88, $3  }
0x1: {  	(tag) =	ssettag $0x0;
	lr =	simm.s32 $0x1  }
0x2: {  	[smem:$0x3F99] =	sst lr;
	_ =	strace $0xD0000000  }
0x3: {  	_ = 	snop  }
0x4: {  	_ = 	snop  }
0x5: {  	_ = 	snop  }
0x6: {  	_ = 	snop  }
0x7: {  	_ = 	snop  }
__scs_overlays_trampoline_lowered:
0x8: {  	[smem:$0x3FA8] =	sst s0  }
0x9: {  	[smem:$0x3FA9] =	sst s1  }
0xa: {  	[smem:$0x3FAA] =	sst s2  }
0xb: {  	[smem:$0x3FAB] =	sst s3  }
0xc: {  	[smem:$0x3FAC] =	sst s4  }
0xd: {  	[smem:$0x3FAD] =	sst s5  }
0xe: {  	[smem:$0x3FAE] =	sst s6  }
0xf: {  	[smem:$0x3FAF] =	sst s7  }
0x10: {  	[smem:$0x3FB0] =	sst s8  }
0x11: {  	[smem:$0x3FB1] =	sst s9;
	s0 =	simm.s32 @!p0 $0x0  }
0x12: {  	s1 =	sld [smem:$0x3F97];
	s0 =	simm.s32 @p0 $0x1  }
0x13: {  	[smem:$0x3FB2] =	sst s0;
	s0 =	simm.s32 @!p1 $0x0  }
0x14: {  	s2 =	sld [smem:$0x3F96];
	s0 =	simm.s32 @p1 $0x1  }
0x15: {  	[smem:$0x3FB3] =	sst s0;
	s0 =	simm.s32 @!p2 $0x0  }
0x16: {  	s3 =	sld [smem:$0x3FDB];
	s0 =	simm.s32 @p2 $0x1  }
0x17: {  	s4 =	simm.s32 $0x1BF5;
	[smem:$0x3FB5] =	sst s0  }
0x18: {  	s0 =	sld [smem:$0x3F98];
	_ =	swait.ge [sflag:s4], $0x0  }
0x19: {  	s7 =	sld [smem:$0x3F99]  }
0x1a: {  	s8 =	sadd.s32 $0xFFFFE003, lr  }
0x1b: {  	s9 =	sadd.s32 $0xFFFFFEF7, lr;
	s5 =	simm.s32 $0xFFFFFFFF;
	p2 =	slt.u32 s8, $0xFFFFF086  }
0x1c: {  	p1 =	slt.u32 s9, $0xF7A;
	s5 =	simm.s32 @!p2 $0x0  }
0x1d: {  	s5 =	simm.s32 @p1 $0x1;
	p0 =	seq.s32 s7, s2  }
0x1e: {  	s7 =	smul.u32 @!p0 $0xF7A, s2;
	p2 =	seq.s32 @!p0 s5, $0x0  }
0x1f: {  	s9 =	smul.u32 $0xF7A, s1;
	s8 =	simm.s32 @!p0 $0x1BF5;
	p2 =	por !p2, p0  }
0x20: {  	[sflag:s8] =	ssyncset.s32 @!p0 $0xFFFFF086;
	s6 =	sadd.s32 @!p0 s3, s7;
	s7 =	simm.s32 @!p0 $0x108  }
0x21: {  	s3 =	sadd.s32 s3, s9;
	s6 =	sadd.s32 @!p0 $0x88, s6;
	s7 =	simm.s32 @p2 $0x1082  }
0x22: {  	[simem:s7], [sflag:s8] =	dma.local @!p0 [hbm:s6], $0xF7A  }
0x23: {  	s9 =	sor.u32 $0xD0000000, s2;
	s6 =	simm.s32 $0x108;
	_ =	swait.ge @!p0 [sflag:s8], $0x0  }
0x24: {  	s3 =	sadd.s32 $0x88, s3;
	s6 =	simm.s32 @!p1 $0x1082;
	[sflag:s4] =	ssyncset.s32 $0xFFFFF086  }
0x25: {  	[simem:s6], [sflag:s4] =	dma.local [hbm:s3], $0xF7A  }
0x26: {  	[smem:$0x3F99] =	sst s1;
	(tag) =	ssettag s2;
	_ =	strace s9  }
0x27: {  	s1 =	sld [smem:$0x3FA9]  }
0x28: {  	s2 =	sld [smem:$0x3FAA]  }
0x29: {  	s4 =	sld [smem:$0x3FAC]  }
0x2a: {  	p0 =	seq.s32 s5, $0x0;
	s5 =	sld [smem:$0x3FAD]  }
0x2b: {  	s6 =	sld [smem:$0x3FAE]  }
0x2c: {  	s7 =	sld [smem:$0x3FAF]  }
0x2d: {  	s3 =	simm.s32 $0x108;
	s8 =	sld [smem:$0x3FB0]  }
0x2e: {  	s3 =	simm.s32 @!p0 $0x1082;
	s9 =	sld [smem:$0x3FB1]  }
0x2f: {  	lr =	sadd.s32 s0, s3;
	s0 =	sld [smem:$0x3FA8]  }
0x30: {  	s3 =	sld [smem:$0x3FAB]  }
0x31: {  	[smem:$0x3FB4] =	sst s10  }
0x32: {  	s10 =	sld [smem:$0x3FB2];
	_ =	sdelay $0x3  }
0x33: {  	p0 =	seq.s32 s10, $0x1;
	s10 =	sld [smem:$0x3FB4];
	_ =	sdelay $0x3  }
0x34: {  	[smem:$0x3FB4] =	sst s10  }
0x35: {  	s10 =	sld [smem:$0x3FB3];
	_ =	sdelay $0x3  }
0x36: {  	p1 =	seq.s32 s10, $0x1;
	s10 =	sld [smem:$0x3FB4];
	_ =	sdelay $0x3  }
0x37: {  	[smem:$0x3FB4] =	sst s10  }
0x38: {  	s10 =	sld [smem:$0x3FB5]  }
0x39: {  	_ = 	snop;
	(pc) =	sbr.ind lr, $3  }
0x3a: {  	_ = 	snop  }
0x3b: {  	_ = 	snop  }
0x3c: {  	p2 =	seq.s32 s10, $0x1;
	s10 =	sld [smem:$0x3FB4]  }
0x3d: {  	_ =	shalt  }
0x3e: {  	_ =	shalt  }
0x3f: {  	_ =	shalt  }
0x40: {  	_ =	shalt  }
0x41: {  	_ =	shalt  }
0x42: {  	_ =	shalt  }
0x43: {  	_ =	shalt  }
0x44: {  	_ =	shalt  }
0x45: {  	_ =	shalt  }
0x46: {  	_ =	shalt  }
0x47: {  	_ =	shalt  }
0x48: {  	_ =	shalt  }
0x49: {  	_ =	shalt  }
0x4a: {  	_ =	shalt  }
0x4b: {  	_ =	shalt  }
0x4c: {  	_ =	shalt  }
0x4d: {  	_ =	shalt  }
0x4e: {  	_ =	shalt  }
0x4f: {  	_ =	shalt  }
0x50: {  	_ =	shalt  }
0x51: {  	_ =	shalt  }
0x52: {  	_ =	shalt  }
0x53: {  	_ =	shalt  }
0x54: {  	_ =	shalt  }
0x55: {  	_ =	shalt  }
0x56: {  	_ =	shalt  }
0x57: {  	_ =	shalt  }
0x58: {  	_ =	shalt  }
0x59: {  	_ =	shalt  }
0x5a: {  	_ =	shalt  }
0x5b: {  	_ =	shalt  }
0x5c: {  	_ =	shalt  }
0x5d: {  	_ =	shalt  }
0x5e: {  	_ =	shalt  }
0x5f: {  	_ =	shalt  }
0x60: {  	_ =	shalt  }
0x61: {  	_ =	shalt  }
0x62: {  	_ =	shalt  }
0x63: {  	_ =	shalt  }
0x64: {  	_ =	shalt  }
0x65: {  	_ =	shalt  }
0x66: {  	_ =	shalt  }
0x67: {  	_ =	shalt  }
0x68: {  	_ =	shalt  }
0x69: {  	_ =	shalt  }
0x6a: {  	_ =	shalt  }
0x6b: {  	_ =	shalt  }
0x6c: {  	_ =	shalt  }
0x6d: {  	_ =	shalt  }
0x6e: {  	_ =	shalt  }
0x6f: {  	_ =	shalt  }
0x70: {  	_ =	shalt  }
0x71: {  	_ =	shalt  }
0x72: {  	_ =	shalt  }
0x73: {  	_ =	shalt  }
0x74: {  	_ =	shalt  }
0x75: {  	_ =	shalt  }
0x76: {  	_ =	shalt  }
0x77: {  	_ =	shalt  }
0x78: {  	_ =	shalt  }
0x79: {  	_ =	shalt  }
0x7a: {  	_ =	shalt  }
0x7b: {  	_ =	shalt  }
0x7c: {  	_ =	shalt  }
0x7d: {  	_ =	shalt  }
0x7e: {  	_ =	shalt  }
0x7f: {  	_ =	shalt  }
0x80: {  	_ =	shalt  }
0x81: {  	_ =	shalt  }
0x82: {  	_ =	shalt  }
0x83: {  	_ =	shalt  }
0x84: {  	_ =	shalt  }
0x85: {  	_ =	shalt  }
0x86: {  	_ =	shalt  }
0x87: {  	_ =	shalt  }
.Lfunc_end0:
.L_simem_size_0:
called_computation_lowered:
.L_overlay_start_0:
0x88: {  	s2 =	sld [smem:$0x3FD9]  }
0x89: {  	s3 =	sld [smem:$0x3FFE];
	_ =	sdelay $0x1  }
0x8a: {  	s1 =	srdreg.scid  }
0x8b: {  	s0 =	sand.u32 $0x1, s1  }
0x8c: {  	s17 =	sshll.u32 s0, $0xA;
	s2 =	sadd.s32 s3, s2  }
0x8d: {  	s2 =	sadd.s32 s2, s17  }
0x8e: {  	[smem:$0x3FC0] =	sst s2  }
0x8f: {  	_ = 	snop  }
0x90: {  	s4 =	sld [smem:$0x3FC9]  }
0x91: {  	s18 =	sld [smem:$0x3FD0];
	(tm) =	ssettm $0x1  }
0x92: {  	s19 =	sld [smem:$0x3FFB];
	_ =	sdelay $0x3  }
0x93: {  	_ =	strace s19  }
0x94: {  	s2 =	sld [smem:$0x3FFC];
	_ =	sdelay $0x3  }
0x95: {  	_ =	strace s2  }
0x96: {  	s2 =	sld [smem:$0x3FFD];
	_ =	sdelay $0x3  }
0x97: {  	_ =	strace s2  }
0x98: {  	_ =	strace $0x8FFFFFFF  }
0x99: {  	s20 =	sld [smem:$0x3FDB];
	_ =	sdelay $0x1  }
0x9a: {  	s5 =	simm.s32 $_scs_section_size  }
0x9b: {  	s6 =	simm.s32 $_size__tile_overlayer_lowered;
	s7 =	simm.s32 $_tile_overlayer_lowered  }
0x9c: {  	s8 =	simm.s32 $0x1BFF;
	s21 =	sshll.u32 s7, $0x1;
	s5 =	sadd.s32 s5, s20  }
0x9d: {  	s22 =	simm.s32 $0x0;
	s6 =	sshll.u32 s6, $0x1;
	s7 =	sadd.s32 s21, s5  }
0x9e: {  	[timem:s22], [sflag:s8] =	dma.local [hbm:s7], s6  }
0x9f: {  	_ =	swait.ge [sflag:s8], s6  }
0xa0: {  	s6 =	ssub.s32 $0x0, s6;
	[sflag:s8] =	ssyncset.done $0x0  }
0xa1: {  	[sflag:s8] =	ssyncadd.s32 s6;
	_ =	sdelay $0x1  }
0xa2: {  	s23 =	simm.s32 $0x1B8B  }
0xa3: {  	_ =	swait.ge [sflag:s23], $0x1  }
0xa4: {  	[sflag:s23] =	ssyncset.done $0x0  }
0xa5: {  	[sflag:s23] =	ssyncadd.s32 $0xFFFFFFFF  }
0xa6: {  	s6 =	sld [smem:$0x0]  }
0xa7: {  	s7 =	sand.u32 $0xFFFFFFFE, s1  }
0xa8: {  	p0 =	sne.s32 s1, s7  }
0xa9: {  	s7 =	sshll.u32 @p0 s7, $0xE  }
0xaa: {  	s7 =	sadd.s32 @p0 $0x11B8D, s7;
	s8 =	sshll.u32 @p0 s6, $0x11  }
0xab: {  	s7 =	sor.u32 @p0 s8, s7  }
0xac: {  	[sflag:s7] =	ssyncadd.remote.s32 @p0 $0x1;
	_ =	sdelay $0x1  }
0xad: {  	s7 =	simm.s32 @p0 $0x1B8D  }
0xae: {  	_ =	swait.eq @p0 [sflag:s7], $0x1  }
0xaf: {  	[sflag:s7] =	ssyncadd.s32 @p0 $0xFFFFFFFF  }
0xb0: {  	s8 =	sshll.u32 @!p0 s1, $0xE  }
0xb1: {  	s8 =	sor.u32 @!p0 $0x4000, s8;
	s7 =	simm.s32 @!p0 $0x1B8D  }
0xb2: {  	s6 =	sshll.u32 @!p0 s6, $0x11;
	s8 =	sadd.s32 @!p0 $0x11B8D, s8;
	_ =	swait.eq @!p0 [sflag:s7], $0x1  }
0xb3: {  	s6 =	sor.u32 @!p0 s6, s8;
	[sflag:s7] =	ssyncadd.s32 @!p0 $0xFFFFFFFF  }
0xb4: {  	s25 =	simm.s32 $0x1B8E;
	s24 =	sld [smem:$0x3FFE];
	[sflag:s6] =	ssyncadd.remote.s32 @!p0 $0x1  }
0xb5: {  	s26 =	simm.s32 $execute0_lowered;
	[smem:$0x3FD2] =	sst s25  }
0xb6: {  	s7 =	sshll.u32 s26, $0x1;
	_ =	strace $0x80000049;
	[dreg:$0x1] =	wrdreg $0xFFFFFFFF  }
0xb7: {  	s28 =	simm.s32 $_size_execute0_lowered;
	s5 =	sadd.s32 s5, s7;
	[dreg:$0x0] =	wrdreg $0x0  }
0xb8: {  	s7 =	sshll.u32 s28, $0x1;
	[dreg:$0x2] =	wrdreg s5  }
0xb9: {  	[dreg:$0x3] =	wrdreg s7  }
0xba: {  	[dreg:$0x4] =	wrdreg $0xC0  }
0xbb: {  	_ =	task [dreg:s22], $0x5FFFF  }
0xbc: {  	[dreg:$0x1] =	wrdreg $0xFFFFFFFF  }
0xbd: {  	[dreg:$0x0] =	wrdreg $0x60  }
0xbe: {  	[dreg:$0x2] =	wrdreg s4  }
0xbf: {  	[dreg:$0x3] =	wrdreg s24  }
0xc0: {  	[dreg:$0x4] =	wrdreg s18  }
0xc1: {  	[dreg:$0x5] =	wrdreg $0x9  }
0xc2: {  	_ =	task.clear_ibuf [dreg:s22], $0x6FFFF;
	_ =	strace $0x90000049  }
0xc3: {  	s29 =	simm.s32 $0x9;
	_ =	strace $0x8000004B  }
0xc4: {  	_ =	swait.ge [sflag:s29], $0x1  }
0xc5: {  	[sflag:s29] =	ssyncadd.s32 $0xFFFFFFFF  }
0xc6: {  	_ =	strace $0x9000004B  }
0xc7: {  	_ =	sfence  }
0xc8: {  	s30 =	sld [smem:$0x0];
	_ =	sdelay $0x2  }
0xc9: {  	s31 =	sshll.u32 s1, $0xD;
	s1 =	sshrl.u32 s1, $0x2  }
0xca: {  	s4 =	sand.u32 $0x4000, s31;
	s1 =	sadd.s32 s1, s30  }
0xcb: {  	s0 =	sor.u32 s4, s0;
	s1 =	sshll.u32 s1, $0x11  }
0xcc: {  	s0 =	sor.u32 s1, s0  }
0xcd: {  	s0 =	sadd.s32 $0x8F2B, s0  }
0xce: {  	[sflag:s0] =	ssyncadd.remote.s32 $0x1  }
0xcf: {  	_ =	sfence.sel $0xFFFF  }
0xd0: {  	[dreg:$0x0] =	wrdreg $0xFFFFFFFF;
	(pc) =	sbr.abs _section_cstart, $3  }
0xd1: {  	[dreg:$0x1] =	wrdreg $0xFFFFFFFF  }
0xd2: {  	_ =	task.clear_ibuf [dreg:s22], $0x2FFFF;
	_ =	strace $0x9FFFFFFF  }
0xd3: {  	(tm) =	ssettm $0x7FFFFFFF  }
tec
execute0_lowered:
.L_overlay_start_1:
0x0: {  	(tag) =	ssettag $0x1  }
0x1: {  	s4 =	rddreg [dreg:$0x0]  }
0x2: {  	s5 =	rddreg [dreg:$0x1]  }
0x3: {  	s6 =	rddreg [dreg:$0x2]  }
0x4: {  	s0 =	rddreg [dreg:$0x3]  }
0x5: {  	s3 =	srdreg.scid;
	s2 =	simm.s32 $0x0;
	s1 =	stileid.u32  }
0x6: {  	s15 =	simm.s32 $0x3;
	s16 =	simm.s32 $0x600;
	s17 =	simm.s32 $0x40  }
0x7: {  	s18 =	simm.s32 $0x200;
	s19 =	simm.s32 $0x800;
	s20 =	simm.s32 $0x280  }
0x8: {  	s21 =	simm.s32 $0x2800;
	s22 =	simm.s32 $0x1;
	s23 =	simm.s32 $0x300  }
0x9: {  	s24 =	simm.s32 $0x2;
	s25 =	simm.s32 $0x380;
	s28 =	simm.s32 $0x480  }
0xa: {  	s29 =	simm.s32 $0x500;
	s30 =	simm.s32 $0x580;
	s7 =	sand.u32 $0x1, s3  }
0xb: {  	[smem:$0x7FF] =	sst s2;
	s26 =	sshll.u32 s1, $0xA;
	s8 =	sshll.u32 s7, $0x9  }
0xc: {  	s3 =	sadd.s32 $0x142000, s5;
	s7 =	ssub.s32 $0x2, s7;
	s8 =	sor.u32 s8, s26  }
0xd: {  	_ =	strace $0x8000004A;
	s31 =	sshrl.u32 s7, $0x1;
	s9 =	sshll.u32 s8, $0x4  }
0xe: {  	s26 =	simm.s32 $0x400;
	s8 =	sshrl.u32 s8, $0x3;
	s13 =	sadd.s32 s9, s5  }
0xf: {  	s14 =	ssub.s32 s7, s31;
	s4 =	sadd.s32 s4, s8;
	s5 =	sadd.s32 $0x242400, s13  }
0x10: {  	s6 =	sadd.s32 s6, s8;
	s7 =	sadd.s32 $0x242800, s13;
	s8 =	sadd.s32 $0x242C00, s13  }
0x11: {  	s9 =	sadd.s32 $0x242000, s13;
	s10 =	sadd.s32 $0x243000, s13;
	s11 =	sadd.s32 $0x243400, s13  }
0x12: {  	s14 =	smax.u32 s14, $0x1;
	s12 =	sadd.s32 $0x243800, s13;
	s13 =	sadd.s32 $0x243C00, s13  }
.LBB2_1:
0x13: {  	[tilespmem:s2], [sflag:$0x3] =	stream.linear.gather [hbm4b:s4+s2], $0x200, $0x38;
	[tilespmem:$0x4800] =	vst v63  }
0x14: {  	_ =	swait.ge [sflag:s15], $0x200  }
0x15: {  	[sflag:s15] =	ssyncset.done $0x0  }
0x16: {  	[sflag:s15] =	ssyncadd.s32 $0xFFFFFE00  }
0x17: {  	v0 =	vld [tilespmem:$0x0]  }
0x18: {  	v1 =	vld [tilespmem:$0x10]  }
0x19: {  	v2 =	vld [tilespmem:$0x20]  }
0x1a: {  	v3 =	vld [tilespmem:$0x30]  }
0x1b: {  	v5 =	vld [tilespmem:$0x40];
	_ =	sdelay $0x2  }
0x1c: {  	v0 =	vmul.u32 $0x9E3779B1, v0  }
0x1d: {  	v1 =	vmul.u32 $0x9E3779B1, v1;
	v2 =	vmul.u32 $0x9E3779B1, v2  }
0x1e: {  	v35 =	vld [tilespmem:$0x60];
	v3 =	vmul.u32 $0x9E3779B1, v3;
	v5 =	vmul.u32 $0x9E3779B1, v5;
	v4 =	vshrl.u32 v0, $0xE  }
0x1f: {  	v38 =	vld [tilespmem:$0x70];
	v0 =	vshrl.u32 v0, $0x1E;
	v30 =	vshrl.u32 v1, $0xE;
	v4 =	vand.u32 $0xFFFF, v4  }
0x20: {  	v41 =	vld [tilespmem:$0x80];
	v1 =	vshrl.u32 v1, $0x1E;
	v0 =	vcvt.s32.f32 v0;
	v31 =	vand.u32 $0xFFFF, v30;
	[tilespmem:$0x200] =	vst v4  }
0x21: {  	v32 =	vld [tilespmem:$0x50];
	v33 =	vshrl.u32 v2, $0xE;
	v2 =	vshrl.u32 v2, $0x1E;
	v1 =	vcvt.s32.f32 v1;
	[tilespmem:$0x210] =	vst v31  }
0x22: {  	v36 =	vshrl.u32 v3, $0xE;
	v3 =	vshrl.u32 v3, $0x1E;
	v34 =	vcvt.s32.f32 v2;
	[tilespmem:$0x600] =	vst v0  }
0x23: {  	v39 =	vshrl.u32 v5, $0xE;
	v5 =	vshrl.u32 v5, $0x1E;
	v37 =	vcvt.s32.f32 v3;
	[tilespmem:$0x610] =	vst v1  }
0x24: {  	v40 =	vcvt.s32.f32 v5;
	v2 =	vmul.u32 $0x9E3779B1, v35;
	[tilespmem:$0x620] =	vst v34  }
0x25: {  	v44 =	vld [tilespmem:$0x90];
	v3 =	vmul.u32 $0x9E3779B1, v38;
	v5 =	vmul.u32 $0x9E3779B1, v41;
	[tilespmem:$0x630] =	vst v37  }
0x26: {  	v47 =	vld [tilespmem:$0xA0];
	v4 =	vmul.u32 $0x9E3779B1, v32;
	v0 =	vand.u32 $0xFFFF, v33;
	[tilespmem:$0x640] =	vst v40;
	v45 =	vshrl.u32 v2, $0xE  }
0x27: {  	v50 =	vld [tilespmem:$0xB0];
	v2 =	vshrl.u32 v2, $0x1E;
	v48 =	vshrl.u32 v3, $0xE;
	[tilespmem:$0x220] =	vst v0;
	v0 =	vand.u32 $0xFFFF, v36  }
0x28: {  	v53 =	vld [tilespmem:$0xC0];
	v3 =	vshrl.u32 v3, $0x1E;
	v46 =	vcvt.s32.f32 v2;
	[tilespmem:$0x230] =	vst v0;
	v0 =	vand.u32 $0xFFFF, v39  }
0x29: {  	v51 =	vshrl.u32 v5, $0xE;
	v5 =	vshrl.u32 v5, $0x1E;
	v49 =	vcvt.s32.f32 v3;
	[tilespmem:$0x280] =	vst v0  }
0x2a: {  	v52 =	vcvt.s32.f32 v5;
	[tilespmem:$0x660] =	vst v46  }
0x2b: {  	v42 =	vshrl.u32 v4, $0xE;
	v4 =	vshrl.u32 v4, $0x1E;
	v2 =	vmul.u32 $0x9E3779B1, v47;
	[tilespmem:$0x670] =	vst v49  }
0x2c: {  	v56 =	vld [tilespmem:$0xD0];
	v3 =	vmul.u32 $0x9E3779B1, v50;
	v43 =	vcvt.s32.f32 v4;
	v0 =	vand.u32 $0xFFFF, v42;
	[tilespmem:$0x680] =	vst v52  }
0x2d: {  	v59 =	vld [tilespmem:$0xE0];
	v5 =	vmul.u32 $0x9E3779B1, v53;
	v4 =	vmul.u32 $0x9E3779B1, v44;
	v57 =	vshrl.u32 v2, $0xE;
	[tilespmem:$0x290] =	vst v0  }
0x2e: {  	v62 =	vld [tilespmem:$0xF0];
	v2 =	vshrl.u32 v2, $0x1E;
	v60 =	vshrl.u32 v3, $0xE;
	[tilespmem:$0x650] =	vst v43;
	v0 =	vand.u32 $0xFFFF, v45  }
0x2f: {  	v9 =	vld [tilespmem:$0x100];
	v3 =	vshrl.u32 v3, $0x1E;
	v58 =	vcvt.s32.f32 v2;
	[tilespmem:$0x2A0] =	vst v0;
	v0 =	vand.u32 $0xFFFF, v48  }
0x30: {  	v63 =	vshrl.u32 v5, $0xE;
	v5 =	vshrl.u32 v5, $0x1E;
	v61 =	vcvt.s32.f32 v3;
	[tilespmem:$0x2B0] =	vst v0  }
0x31: {  	v8 =	vcvt.s32.f32 v5;
	[tilespmem:$0x6A0] =	vst v58  }
0x32: {  	v54 =	vshrl.u32 v4, $0xE;
	v4 =	vshrl.u32 v4, $0x1E;
	v2 =	vmul.u32 $0x9E3779B1, v59;
	[tilespmem:$0x6B0] =	vst v61  }
0x33: {  	v12 =	vld [tilespmem:$0x110];
	v3 =	vmul.u32 $0x9E3779B1, v62;
	v55 =	vcvt.s32.f32 v4;
	v0 =	vand.u32 $0xFFFF, v51;
	[tilespmem:$0x6C0] =	vst v8  }
0x34: {  	v15 =	vld [tilespmem:$0x120];
	v5 =	vmul.u32 $0x9E3779B1, v9;
	v4 =	vmul.u32 $0x9E3779B1, v56;
	v13 =	vshrl.u32 v2, $0xE;
	[tilespmem:$0x300] =	vst v0  }
0x35: {  	v18 =	vld [tilespmem:$0x130];
	v2 =	vshrl.u32 v2, $0x1E;
	v16 =	vshrl.u32 v3, $0xE;
	v0 =	vand.u32 $0xFFFF, v54;
	[tilespmem:$0x690] =	vst v55  }
0x36: {  	v21 =	vld [tilespmem:$0x140];
	v3 =	vshrl.u32 v3, $0x1E;
	v14 =	vcvt.s32.f32 v2;
	[tilespmem:$0x310] =	vst v0;
	v0 =	vand.u32 $0xFFFF, v57  }
0x37: {  	v19 =	vshrl.u32 v5, $0xE;
	v5 =	vshrl.u32 v5, $0x1E;
	v17 =	vcvt.s32.f32 v3;
	[tilespmem:$0x320] =	vst v0  }
0x38: {  	v20 =	vcvt.s32.f32 v5;
	[tilespmem:$0x6E0] =	vst v14  }
0x39: {  	v10 =	vshrl.u32 v4, $0xE;
	v4 =	vshrl.u32 v4, $0x1E;
	v2 =	vmul.u32 $0x9E3779B1, v15;
	[tilespmem:$0x6F0] =	vst v17  }
0x3a: {  	v24 =	vld [tilespmem:$0x150];
	v3 =	vmul.u32 $0x9E3779B1, v18;
	v11 =	vcvt.s32.f32 v4;
	v0 =	vand.u32 $0xFFFF, v60;
	[tilespmem:$0x700] =	vst v20  }
0x3b: {  	v27 =	vld [tilespmem:$0x160];
	v5 =	vmul.u32 $0x9E3779B1, v21;
	v4 =	vmul.u32 $0x9E3779B1, v12;
	v25 =	vshrl.u32 v2, $0xE;
	[tilespmem:$0x330] =	vst v0  }
0x3c: {  	v30 =	vld [tilespmem:$0x170];
	v2 =	vshrl.u32 v2, $0x1E;
	v28 =	vshrl.u32 v3, $0xE;
	v0 =	vand.u32 $0xFFFF, v63;
	[tilespmem:$0x6D0] =	vst v11  }
0x3d: {  	v33 =	vld [tilespmem:$0x180];
	v3 =	vshrl.u32 v3, $0x1E;
	v26 =	vcvt.s32.f32 v2;
	[tilespmem:$0x380] =	vst v0;
	v0 =	vand.u32 $0xFFFF, v10  }
0x3e: {  	v31 =	vshrl.u32 v5, $0xE;
	v5 =	vshrl.u32 v5, $0x1E;
	v29 =	vcvt.s32.f32 v3;
	[tilespmem:$0x390] =	vst v0  }
0x3f: {  	v32 =	vcvt.s32.f32 v5;
	[tilespmem:$0x720] =	vst v26  }
0x40: {  	v22 =	vshrl.u32 v4, $0xE;
	v4 =	vshrl.u32 v4, $0x1E;
	v2 =	vmul.u32 $0x9E3779B1, v27;
	[tilespmem:$0x730] =	vst v29  }
0x41: {  	v36 =	vld [tilespmem:$0x190];
	v3 =	vmul.u32 $0x9E3779B1, v30;
	v23 =	vcvt.s32.f32 v4;
	v0 =	vand.u32 $0xFFFF, v13;
	[tilespmem:$0x740] =	vst v32  }
0x42: {  	v39 =	vld [tilespmem:$0x1A0];
	v5 =	vmul.u32 $0x9E3779B1, v33;
	v4 =	vmul.u32 $0x9E3779B1, v24;
	v37 =	vshrl.u32 v2, $0xE;
	[tilespmem:$0x3A0] =	vst v0  }
0x43: {  	v42 =	vld [tilespmem:$0x1B0];
	v2 =	vshrl.u32 v2, $0x1E;
	v40 =	vshrl.u32 v3, $0xE;
	v0 =	vand.u32 $0xFFFF, v16;
	[tilespmem:$0x710] =	vst v23  }
0x44: {  	v45 =	vld [tilespmem:$0x1C0];
	v3 =	vshrl.u32 v3, $0x1E;
	v38 =	vcvt.s32.f32 v2;
	[tilespmem:$0x3B0] =	vst v0;
	v0 =	vand.u32 $0xFFFF, v19  }
0x45: {  	v43 =	vshrl.u32 v5, $0xE;
	v5 =	vshrl.u32 v5, $0x1E;
	v41 =	vcvt.s32.f32 v3;
	[tilespmem:$0x400] =	vst v0  }
0x46: {  	v44 =	vcvt.s32.f32 v5;
	[tilespmem:$0x760] =	vst v38  }
0x47: {  	v34 =	vshrl.u32 v4, $0xE;
	v4 =	vshrl.u32 v4, $0x1E;
	v2 =	vmul.u32 $0x9E3779B1, v39;
	[tilespmem:$0x770] =	vst v41  }
0x48: {  	v3 =	vmul.u32 $0x9E3779B1, v42;
	v35 =	vcvt.s32.f32 v4;
	v0 =	vand.u32 $0xFFFF, v22;
	[tilespmem:$0x780] =	vst v44  }
0x49: {  	v48 =	vld [tilespmem:$0x1D0];
	v5 =	vmul.u32 $0x9E3779B1, v45;
	v4 =	vmul.u32 $0x9E3779B1, v36;
	v49 =	vshrl.u32 v2, $0xE;
	[tilespmem:$0x410] =	vst v0  }
0x4a: {  	v51 =	vld [tilespmem:$0x1E0];
	v2 =	vshrl.u32 v2, $0x1E;
	v52 =	vshrl.u32 v3, $0xE;
	v0 =	vand.u32 $0xFFFF, v25;
	[tilespmem:$0x750] =	vst v35  }
0x4b: {  	v54 =	vld [tilespmem:$0x1F0];
	v3 =	vshrl.u32 v3, $0x1E;
	v50 =	vcvt.s32.f32 v2;
	[tilespmem:$0x420] =	vst v0;
	v0 =	vand.u32 $0xFFFF, v28  }
0x4c: {  	v55 =	vshrl.u32 v5, $0xE;
	v5 =	vshrl.u32 v5, $0x1E;
	v53 =	vcvt.s32.f32 v3;
	[tilespmem:$0x430] =	vst v0  }
0x4d: {  	v56 =	vcvt.s32.f32 v5;
	[tilespmem:$0x7A0] =	vst v50  }
0x4e: {  	v46 =	vshrl.u32 v4, $0xE;
	v4 =	vshrl.u32 v4, $0x1E;
	[tilespmem:$0x7B0] =	vst v53  }
0x4f: {  	v2 =	vmul.u32 $0x9E3779B1, v51;
	v47 =	vcvt.s32.f32 v4;
	v0 =	vand.u32 $0xFFFF, v31;
	[tilespmem:$0x7C0] =	vst v56  }
0x50: {  	v3 =	vmul.u32 $0x9E3779B1, v54;
	v4 =	vmul.u32 $0x9E3779B1, v48;
	[tilespmem:$0x480] =	vst v0  }
0x51: {  	v59 =	vshrl.u32 v2, $0xE;
	v2 =	vshrl.u32 v2, $0x1E;
	v0 =	vand.u32 $0xFFFF, v34;
	[tilespmem:$0x790] =	vst v47  }
0x52: {  	v62 =	vshrl.u32 v3, $0x1E;
	v60 =	vcvt.s32.f32 v2;
	[tilespmem:$0x490] =	vst v0;
	v0 =	vand.u32 $0xFFFF, v37  }
0x53: {  	v63 =	vcvt.s32.f32 v62;
	[tilespmem:$0x4A0] =	vst v0  }
0x54: {  	v57 =	vshrl.u32 v4, $0xE;
	v4 =	vshrl.u32 v4, $0x1E;
	[tilespmem:$0x7E0] =	vst v60  }
0x55: {  	v58 =	vcvt.s32.f32 v4;
	v0 =	vand.u32 $0xFFFF, v40;
	[tilespmem:$0x7F0] =	vst v63  }
0x56: {  	[tilespmem:$0x4B0] =	vst v0  }
0x57: {  	v0 =	vand.u32 $0xFFFF, v43;
	[tilespmem:$0x7D0] =	vst v58  }
0x58: {  	[tilespmem:$0x500] =	vst v0;
	v0 =	vand.u32 $0xFFFF, v46  }
0x59: {  	[tilespmem:$0x510] =	vst v0;
	v0 =	vand.u32 $0xFFFF, v49  }
0x5a: {  	[tilespmem:$0x520] =	vst v0;
	v0 =	vand.u32 $0xFFFF, v52  }
0x5b: {  	[tilespmem:$0x530] =	vst v0;
	v0 =	vand.u32 $0xFFFF, v55  }
0x5c: {  	[tilespmem:$0x580] =	vst v0;
	v0 =	vand.u32 $0xFFFF, v57  }
0x5d: {  	v61 =	vshrl.u32 v3, $0xE;
	[tilespmem:$0x590] =	vst v0;
	v0 =	vand.u32 $0xFFFF, v59  }
0x5e: {  	[tilespmem:$0x5A0] =	vst v0;
	v0 =	vand.u32 $0xFFFF, v61  }
0x5f: {  	[tilespmem:$0x5B0] =	vst v0  }
0x60: {  	[hbm4b:s6+s2] =	stream.linear.scatter [tilespmem:s16], [sflag:$0x3], $0x200, $0x38;
	[tilespmem:$0x4800] =	vst v63  }
0x61: {  	_ =	swait.ge [sflag:s15], $0x200  }
0x62: {  	[sflag:s15] =	ssyncset.done $0x0  }
0x63: {  	[sflag:s15] =	ssyncadd.s32 $0xFFFFFE00  }
0x64: {  	[tilespmem:s19], [sflag:$0x1] =	stream.indirect.gather [hbm4b:s3+s17], $0x80, s18, s17, $0xb8;
	[tilespmem:$0x4800] =	vst v63  }
0x65: {  	_ = 	snop  }
0x66: {  	[tilespmem:s21], [sflag:$0x2] =	stream.indirect.gather [hbm4b:s3+s17], $0x80, s20, s17, $0xb8;
	[tilespmem:$0x4800] =	vst v63  }
0x67: {  	_ =	swait.ge [sflag:s22], $0x2000  }
0x68: {  	[sflag:s22] =	ssyncset.done $0x0  }
0x69: {  	[sflag:s22] =	ssyncadd.s32 $0xFFFFE000  }
0x6a: {  	[hbm4b:s9+s2] =	stream.linear.scatter [tilespmem:s19], [sflag:$0x3], $0x2000, $0x38;
	[tilespmem:$0x4800] =	vst v63  }
0x6b: {  	_ =	swait.ge [sflag:s15], $0x2000  }
0x6c: {  	[sflag:s15] =	ssyncset.done $0x0  }
0x6d: {  	[sflag:s15] =	ssyncadd.s32 $0xFFFFE000  }
0x6e: {  	[tilespmem:s19], [sflag:$0x1] =	stream.indirect.gather [hbm4b:s3+s17], $0x80, s23, s17, $0xb8;
	[tilespmem:$0x4800] =	vst v63  }
0x6f: {  	_ =	swait.ge [sflag:s24], $0x2000  }
0x70: {  	[sflag:s24] =	ssyncset.done $0x0  }
0x71: {  	[sflag:s24] =	ssyncadd.s32 $0xFFFFE000  }
0x72: {  	[hbm4b:s5+s2] =	stream.linear.scatter [tilespmem:s21], [sflag:$0x3], $0x2000, $0x38;
	[tilespmem:$0x4800] =	vst v63  }
0x73: {  	_ =	swait.ge [sflag:s15], $0x2000  }
0x74: {  	[sflag:s15] =	ssyncset.done $0x0  }
0x75: {  	[sflag:s15] =	ssyncadd.s32 $0xFFFFE000  }
0x76: {  	[tilespmem:s21], [sflag:$0x2] =	stream.indirect.gather [hbm4b:s3+s17], $0x80, s25, s17, $0xb8;
	[tilespmem:$0x4800] =	vst v63  }
0x77: {  	_ =	swait.ge [sflag:s22], $0x2000  }
0x78: {  	[sflag:s22] =	ssyncset.done $0x0  }
0x79: {  	[sflag:s22] =	ssyncadd.s32 $0xFFFFE000  }
0x7a: {  	[hbm4b:s7+s2] =	stream.linear.scatter [tilespmem:s19], [sflag:$0x3], $0x2000, $0x38;
	[tilespmem:$0x4800] =	vst v63  }
0x7b: {  	_ =	swait.ge [sflag:s15], $0x2000  }
0x7c: {  	[sflag:s15] =	ssyncset.done $0x0  }
0x7d: {  	[sflag:s15] =	ssyncadd.s32 $0xFFFFE000  }
0x7e: {  	[tilespmem:s19], [sflag:$0x1] =	stream.indirect.gather [hbm4b:s3+s17], $0x80, s26, s17, $0xb8;
	[tilespmem:$0x4800] =	vst v63  }
0x7f: {  	_ =	swait.ge [sflag:s24], $0x2000  }
0x80: {  	[sflag:s24] =	ssyncset.done $0x0  }
0x81: {  	[sflag:s24] =	ssyncadd.s32 $0xFFFFE000  }
0x82: {  	[hbm4b:s8+s2] =	stream.linear.scatter [tilespmem:s21], [sflag:$0x3], $0x2000, $0x38;
	[tilespmem:$0x4800] =	vst v63  }
0x83: {  	_ =	swait.ge [sflag:s15], $0x2000  }
0x84: {  	[sflag:s15] =	ssyncset.done $0x0  }
0x85: {  	[sflag:s15] =	ssyncadd.s32 $0xFFFFE000  }
0x86: {  	[tilespmem:s21], [sflag:$0x2] =	stream.indirect.gather [hbm4b:s3+s17], $0x80, s28, s17, $0xb8;
	[tilespmem:$0x4800] =	vst v63  }
0x87: {  	_ =	swait.ge [sflag:s22], $0x2000  }
0x88: {  	[sflag:s22] =	ssyncset.done $0x0  }
0x89: {  	[sflag:s22] =	ssyncadd.s32 $0xFFFFE000  }
0x8a: {  	[hbm4b:s10+s2] =	stream.linear.scatter [tilespmem:s19], [sflag:$0x3], $0x2000, $0x38;
	[tilespmem:$0x4800] =	vst v63  }
0x8b: {  	_ =	swait.ge [sflag:s15], $0x2000  }
0x8c: {  	[sflag:s15] =	ssyncset.done $0x0  }
0x8d: {  	[sflag:s15] =	ssyncadd.s32 $0xFFFFE000  }
0x8e: {  	[tilespmem:s19], [sflag:$0x1] =	stream.indirect.gather [hbm4b:s3+s17], $0x80, s29, s17, $0xb8;
	[tilespmem:$0x4800] =	vst v63  }
0x8f: {  	_ =	swait.ge [sflag:s24], $0x2000  }
0x90: {  	[sflag:s24] =	ssyncset.done $0x0  }
0x91: {  	[sflag:s24] =	ssyncadd.s32 $0xFFFFE000  }
0x92: {  	[hbm4b:s11+s2] =	stream.linear.scatter [tilespmem:s21], [sflag:$0x3], $0x2000, $0x38;
	[tilespmem:$0x4800] =	vst v63  }
0x93: {  	_ =	swait.ge [sflag:s15], $0x2000  }
0x94: {  	[sflag:s15] =	ssyncset.done $0x0  }
0x95: {  	[sflag:s15] =	ssyncadd.s32 $0xFFFFE000  }
0x96: {  	[tilespmem:s21], [sflag:$0x2] =	stream.indirect.gather [hbm4b:s3+s17], $0x80, s30, s17, $0xb8;
	[tilespmem:$0x4800] =	vst v63  }
0x97: {  	_ =	swait.ge [sflag:s22], $0x2000  }
0x98: {  	[sflag:s22] =	ssyncset.done $0x0  }
0x99: {  	[sflag:s22] =	ssyncadd.s32 $0xFFFFE000  }
0x9a: {  	[hbm4b:s12+s2] =	stream.linear.scatter [tilespmem:s19], [sflag:$0x3], $0x2000, $0x38;
	[tilespmem:$0x4800] =	vst v63  }
0x9b: {  	_ =	swait.ge [sflag:s15], $0x2000  }
0x9c: {  	[sflag:s15] =	ssyncset.done $0x0  }
0x9d: {  	[sflag:s15] =	ssyncadd.s32 $0xFFFFE000  }
0x9e: {  	_ =	swait.ge [sflag:s24], $0x2000  }
0x9f: {  	p0 =	sne.s32 s14, $0x1;
	[sflag:s24] =	ssyncset.done $0x0  }
.Ltmp0:
0xa0: {  	[sflag:s24] =	ssyncadd.s32 $0xFFFFE000;
	(pc) =	sbr.rel @p0 .LBB2_1-.Ltmp0, $4  }
0xa1: {  	[hbm4b:s13+s2] =	stream.linear.scatter [tilespmem:s21], [sflag:$0x3], $0x2000, $0x38;
	[tilespmem:$0x4800] =	vst v63  }
0xa2: {  	_ =	swait.ge [sflag:s15], $0x2000  }
0xa3: {  	[sflag:s15] =	ssyncset.done $0x0  }
0xa4: {  	s14 =	sadd.s32 $0xFFFFFFFF, s14;
	[sflag:s15] =	ssyncadd.s32 $0xFFFFE000  }
0xa5: {  	_ =	sfence.sel $0x180000  }
0xa6: {  	[bflag:$0x0] =	sbarrier.arrive $0xFFFF  }
0xa7: {  	p0 =	sne.s32 s1, $0x0;
	_ =	strace $0x9000004A  }
0xa8: {  	s0 =	sadd.s32 @!p0 $0x100000, s0;
	[bflag:$0x2] =	sbarrier.arrive $0xFFFF  }
0xa9: {  	[sflag:s0] =	ssyncadd.tile.s32 @!p0 $0x1;
	_ =	shalt  }
.Lfunc_end2:
_tile_overlayer_lowered:
.L_overlay_start_2:
0xaa: {  	(tag) =	ssettag $0x2  }
0xab: {  	s0 =	rddreg [dreg:$0x0];
	s2 =	stileid.u32  }
0xac: {  	s1 =	rddreg [dreg:$0x1];
	p0 =	sne.s32 s2, $0x0  }
0xad: {  	s3 =	rddreg [dreg:$0x2];
	[bflag:$0x3] =	sbarrier.arrive $0xFFFF;
	s2 =	simm.s32 @!p0 $0x1C03  }
0xae: {  	[timem:s3], [sflag:s2] =	dma.local @!p0 [hbm:s0], s1  }
0xaf: {  	s0 =	simm.s32 @!p0 $0x3  }
0xb0: {  	_ =	swait.ge @!p0 [sflag:s0], s1  }
0xb1: {  	s1 =	ssub.s32 @!p0 $0x0, s1;
	[sflag:s0] =	ssyncset.done @!p0 $0x0  }
0xb2: {  	[sflag:s0] =	ssyncadd.s32 @!p0 s1  }
0xb3: {  	[bflag:$0x3] =	sbarrier.arrive $0xFFFF  }
0xb4: {  	_ =	shalt  }

</sc_bundles>
